<compile_context>
chip_gen: v7x
topology: tpu7x:2x2x1
jax: 0.10.2.dev20260603
libtpu: 0.0.44.dev20260713+nightly
codegen_flags: <defaults>
</compile_context>

<pallas_src>
import functools

import jax
import jax.numpy as jnp
from jax import lax
from jax.experimental import pallas as pl
from jax.experimental.pallas import tpu as pltpu
from jax.experimental.pallas import tpu_sc as plsc

_NW = 32
_CH = 96
_DUMP = 112


@functools.lru_cache(maxsize=None)
def _sc_mesh():
    return plsc.VectorSubcoreMesh(core_axis_name="c", subcore_axis_name="s")


def _pad_rows(m):
    q = _NW * _CH * 2
    return ((m + q - 1) // q) * q


def _sc_gather(table, idx3d):
    chunks = idx3d.shape[1]
    m = _NW * chunks * _CH
    d = table.shape[1]

    @functools.partial(
        pl.kernel,
        out_type=jax.ShapeDtypeStruct((m, d), jnp.float32),
        mesh=_sc_mesh(),
        scratch_types=[
            pltpu.VMEM((chunks, _CH), jnp.int32),
            pltpu.VMEM((_CH, d), jnp.float32),
            pltpu.VMEM((_CH, d), jnp.float32),
            pltpu.SemaphoreType.DMA,
            pltpu.SemaphoreType.DMA,
            pltpu.SemaphoreType.DMA,
            pltpu.SemaphoreType.DMA,
        ],
    )
    def k(tab_hbm, idx_hbm, out_hbm, idx_v, r0, r1, sg0, sg1, sw0, sw1):
        wid = lax.axis_index("s") * 2 + lax.axis_index("c")
        base = wid * (chunks * _CH)
        pltpu.sync_copy(idx_hbm.at[wid], idx_v)
        bufs = ((r0, sg0, sw0), (r1, sg1, sw1))

        def osl(j):
            return out_hbm.at[pl.ds(base + j * _CH, _CH)]

        pltpu.async_copy(tab_hbm.at[idx_v.at[0]], r0, sg0)
        pltpu.async_copy(tab_hbm.at[idx_v.at[1]], r1, sg1)

        @pl.loop(0, chunks, step=2)
        def _(j):
            for b in range(2):
                r, sg, sw = bufs[b]
                c = j + b
                pltpu.make_async_copy(tab_hbm.at[idx_v.at[0]], r, sg).wait()
                pltpu.async_copy(r, osl(c), sw)

                @pl.when(c + 2 < chunks)
                def _():
                    pltpu.make_async_copy(r, osl(c), sw).wait()
                    pltpu.async_copy(tab_hbm.at[idx_v.at[c + 2]], r, sg)

        for b in range(2):
            r, _, sw = bufs[b]
            pltpu.make_async_copy(r, osl(0), sw).wait()

    return k(table, idx3d)


def _sc_scatter_add(payload, idx2d, n_acc):
    m, pw = payload.shape
    chunks = m // (_NW * _CH)
    stripe = n_acc // 16
    zeros = jnp.zeros((n_acc, pw), jnp.float32)

    @functools.partial(
        pl.kernel,
        out_type=jax.ShapeDtypeStruct((2, n_acc, pw), jnp.float32),
        mesh=_sc_mesh(),
        scratch_types=[
            pltpu.VMEM((_CH,), jnp.int32),
            pltpu.VMEM((_CH, pw), jnp.float32),
            pltpu.VMEM_SHARED((n_acc, pw), jnp.float32),
            pltpu.SemaphoreType.DMA,
        ],
    )
    def k(pay_hbm, idx_hbm, zero_hbm, out_hbm, idx_v, pay_v, acc_sh, sem):
        cid = lax.axis_index("c")
        sid = lax.axis_index("s")
        wid = sid * 2 + cid
        row0 = pl.multiple_of(sid * stripe, 8)
        pltpu.sync_copy(zero_hbm.at[pl.ds(row0, stripe)],
                        acc_sh.at[pl.ds(row0, stripe)])
        plsc.subcore_barrier()

        @pl.loop(0, chunks)
        def _(j):
            ch = wid * chunks + j
            pltpu.sync_copy(idx_hbm.at[ch], idx_v)
            pltpu.sync_copy(pay_hbm.at[pl.ds(ch * _CH, _CH)], pay_v)
            pltpu.sync_copy(pay_v, acc_sh.at[idx_v], add=True)

        plsc.subcore_barrier()
        pltpu.sync_copy(acc_sh.at[pl.ds(row0, stripe)],
                        out_hbm.at[cid].at[pl.ds(row0, stripe)])

    return k(payload, idx2d, zeros)


def _silu(x):
    return x * jax.nn.sigmoid(x)


def _dot(a, b):
    return jnp.dot(a.astype(jnp.bfloat16), b.astype(jnp.bfloat16),
                   preferred_element_type=jnp.float32)


def _tc_pos_normalize(pos):
    n = pos.shape[0]

    def body(p_ref, o_ref):
        p = p_ref[...]
        c = jnp.mean(p, axis=0, keepdims=True)
        p = p - c
        r = jnp.sqrt(jnp.sum(p * p, axis=1, keepdims=True))
        m = jnp.max(r)
        p = p / m
        o_ref[...] = jnp.concatenate(
            [p, jnp.zeros((n, 125), jnp.float32)], axis=1)

    return pl.pallas_call(
        body,
        out_shape=jax.ShapeDtypeStruct((n, 128), jnp.float32),
    )(pos)


def _tc_face_payload(gverts, nf, bnf):
    nb = nf // bnf

    def body(g0_ref, g1_ref, g2_ref, o_ref):
        g0 = g0_ref[:, :16]
        v1 = g1_ref[:, :16] - g0
        v2 = g2_ref[:, :16] - g0
        a0, a1, a2 = v1[:, 0:1], v1[:, 1:2], v1[:, 2:3]
        b0, b1, b2 = v2[:, 0:1], v2[:, 1:2], v2[:, 2:3]
        cx = a1 * b2 - a2 * b1
        cy = a2 * b0 - a0 * b2
        cz = a0 * b1 - a1 * b0
        farea = jnp.sqrt(cx * cx + cy * cy + cz * cz) * 0.5
        pay = jnp.concatenate(
            [farea, jnp.ones((bnf, 1), jnp.float32),
             jnp.zeros((bnf, 126), jnp.float32)], axis=1)
        o_ref[...] = jnp.broadcast_to(pay[None], (3, bnf, 128))

    return pl.pallas_call(
        body,
        grid=(nb,),
        in_specs=[
            pl.BlockSpec((bnf, 128), lambda i: (i, 0)),
            pl.BlockSpec((bnf, 128), lambda i: (i + nb, 0)),
            pl.BlockSpec((bnf, 128), lambda i: (i + 2 * nb, 0)),
        ],
        out_specs=pl.BlockSpec((3, bnf, 128), lambda i: (0, i, 0)),
        out_shape=jax.ShapeDtypeStruct((3, nf, 128), jnp.float32),
    )(gverts, gverts, gverts)


def _tc_feat(parts, hks, postab, wf, bf, bn):
    n = hks.shape[0]
    width = wf.shape[1]
    nb = n // bn

    def body(p_ref, h_ref, c_ref, w_ref, b_ref, o_ref):
        p = p_ref[...]
        s = p[0, :, 0:1] + p[1, :, 0:1]
        c = p[0, :, 1:2] + p[1, :, 1:2]
        area = s / jnp.maximum(c, 1.0)
        w = w_ref[...]
        x = area * w[0:1, :] + _dot(h_ref[...], w[1:, :]) + b_ref[...]
        o_ref[...] = jnp.concatenate(
            [x, c_ref[:, :16],
             jnp.zeros((bn, 128 - width - 16), jnp.float32)], axis=1)

    return pl.pallas_call(
        body,
        grid=(nb,),
        in_specs=[
            pl.BlockSpec((2, bn, 128), lambda i: (0, i, 0)),
            pl.BlockSpec((bn, hks.shape[1]), lambda i: (i, 0)),
            pl.BlockSpec((bn, 128), lambda i: (i, 0)),
            pl.BlockSpec(wf.shape, lambda i: (0, 0)),
            pl.BlockSpec((1, width), lambda i: (0, 0)),
        ],
        out_specs=pl.BlockSpec((bn, 128), lambda i: (i, 0)),
        out_shape=jax.ShapeDtypeStruct((n, 128), jnp.float32),
    )(parts, hks, postab, wf, bf.reshape(1, -1))


def _tc_edge(gt, weight, p, inf, hid, wt, e, be, m_pay, first_layer,
             need_coord):
    nb = e // be
    w1 = p["edge1"]["W"]
    b1 = p["edge1"]["b"].reshape(1, -1)
    w2 = p["edge2"]["W"]
    b2 = p["edge2"]["b"].reshape(1, -1)
    wc1 = p["coord1"]["W"]
    bc1 = p["coord1"]["b"].reshape(1, -1)
    wc2 = p["coord2"]["W"]

    def body(tr_ref, tc_ref, w_ref, w1_ref, b1_ref, w2_ref,
             b2_ref, wc1_ref, bc1_ref, wc2_ref, o_ref):
        tr = tr_ref[...]
        tc = tc_ref[...]
        cd = tr[:, inf:inf + 16] - tc[:, inf:inf + 16]
        radial = jnp.sum(cd * cd, axis=1, keepdims=True)
        w1v = w1_ref[...]
        z = (_dot(tr[:, :inf], w1v[:inf]) + _dot(tc[:, :inf], w1v[inf:2 * inf])
             + radial * w1v[2 * inf:2 * inf + 1]
             + w_ref[...] * w1v[2 * inf + 1:2 * inf + 2] + b1_ref[...])
        ef = _silu(z)
        ef = _silu(_dot(ef, w2_ref[...]) + b2_ref[...])
        if not need_coord:
            o_ref[...] = ef
            return
        cm = _dot(_silu(_dot(ef, wc1_ref[...]) + bc1_ref[...]), wc2_ref[...])
        cvec = cd * cm
        if first_layer:
            lane = lax.broadcasted_iota(jnp.int32, (be, 16), 1)
            cvec = jnp.where(lane == 3, 1.0, cvec)
        o_ref[...] = jnp.concatenate(
            [ef, cvec, jnp.zeros((be, 128 - hid - 16), jnp.float32)],
            axis=1)

    full = lambda a: pl.BlockSpec(a.shape, lambda i: tuple(0 for _ in a.shape))
    return pl.pallas_call(
        body,
        grid=(nb,),
        in_specs=[
            pl.BlockSpec((be, wt), lambda i: (i, 0)),
            pl.BlockSpec((be, wt), lambda i: (i + nb, 0)),
            pl.BlockSpec((be, 1), lambda i: (i, 0)),
            full(w1), full(b1), full(w2), full(b2), full(wc1), full(bc1),
            full(wc2),
        ],
        out_specs=pl.BlockSpec((be, 128), lambda i: (i, 0)),
        out_shape=jax.ShapeDtypeStruct((m_pay, 128), jnp.float32),
    )(gt, gt, weight, w1, b1, w2, b2, wc1, bc1, wc2)


def _tc_node(tab, parts_agg, parts_cv, cv_lane, inv_deg, p, inf, hid, outf,
             wt_out, bn, first_layer):
    n = parts_agg.shape[1] - _DUMP
    nb = n // bn
    wn1 = p["node1"]["W"]
    bn1 = p["node1"]["b"].reshape(1, -1)
    wn2 = p["node2"]["W"]
    bn2 = p["node2"]["b"].reshape(1, -1)
    write_coord = wt_out > outf

    def body(*refs):
        if first_layer:
            (t_ref, pa_ref, pc_ref, w1_ref, b1_ref, w2_ref, b2_ref,
             ot_ref, oi_ref) = refs
        elif write_coord:
            (t_ref, pa_ref, pc_ref, i_ref, w1_ref, b1_ref, w2_ref,
             b2_ref, ot_ref) = refs
        else:
            (t_ref, pa_ref, w1_ref, b1_ref, w2_ref, b2_ref, ot_ref) = refs
        t = t_ref[...]
        pa = pa_ref[...]
        agg = pa[0][:, :hid] + pa[1][:, :hid]
        if write_coord:
            pc = pc_ref[...]
            csum = (pc[0] + pc[1])[:, cv_lane * 16:cv_lane * 16 + 16]
            if first_layer:
                deg = csum[:, 3:4]
                inv = 1.0 / jnp.maximum(deg, 1.0)
                oi_ref[...] = inv
            else:
                inv = i_ref[...]
            lane = lax.broadcasted_iota(jnp.int32, (bn, 16), 1)
            csum = jnp.where(lane < 3, csum, 0.0)
            cnew = t[:, inf:inf + 16] + csum * inv
        w1v = w1_ref[...]
        o1 = _silu(_dot(t[:, :inf], w1v[:inf]) + _dot(agg, w1v[inf:])
                   + b1_ref[...])
        hnew = _dot(o1, w2_ref[...]) + b2_ref[...]
        if write_coord:
            ot_ref[...] = jnp.concatenate(
                [hnew, cnew,
                 jnp.zeros((bn, wt_out - outf - 16), jnp.float32)], axis=1)
        else:
            ot_ref[...] = hnew

    full = lambda a: pl.BlockSpec(a.shape, lambda i: tuple(0 for _ in a.shape))
    wt_in = tab.shape[1]
    in_specs = [
        pl.BlockSpec((bn, wt_in), lambda i: (i, 0)),
        pl.BlockSpec((2, bn, 128), lambda i: (0, i, 0)),
    ]
    in_arrays = [tab, parts_agg]
    if write_coord:
        in_specs.append(pl.BlockSpec((2, bn, 128), lambda i: (0, i, 0)))
        in_arrays.append(parts_cv)
    if write_coord and not first_layer:
        in_specs.append(pl.BlockSpec((bn, 1), lambda i: (i, 0)))
        in_arrays.append(inv_deg)
    out_shape = [jax.ShapeDtypeStruct((n, wt_out), jnp.float32)]
    out_specs = [pl.BlockSpec((bn, wt_out), lambda i: (i, 0))]
    if first_layer:
        out_shape.append(jax.ShapeDtypeStruct((n, 1), jnp.float32))
        out_specs.append(pl.BlockSpec((bn, 1), lambda i: (i, 0)))
    return pl.pallas_call(
        body,
        grid=(nb,),
        in_specs=in_specs + [full(wn1), full(bn1), full(wn2), full(bn2)],
        out_specs=out_specs,
        out_shape=out_shape,
    )(*in_arrays, wn1, bn1, wn2, bn2)


def _tc_head1(gfaces, w1, b1, nf, bnf):
    nb = nf // bnf
    d = w1.shape[1]

    def body(g0_ref, g1_ref, g2_ref, w_ref, b_ref, y_ref, s_ref, acc):
        i = pl.program_id(0)
        xm = (g0_ref[...] + g1_ref[...] + g2_ref[...]) * (1.0 / 3.0)
        y = _dot(xm, w_ref[...]) + b_ref[...]
        y_ref[...] = y

        @pl.when(i == 0)
        def _():
            acc[0] = 0.0
            acc[1] = 0.0

        acc[0] += jnp.sum(y)
        acc[1] += jnp.sum(y * y)
        s_ref[0, 0] = acc[0]
        s_ref[0, 1] = acc[1]

    return pl.pallas_call(
        body,
        grid=(nb,),
        in_specs=[
            pl.BlockSpec((bnf, w1.shape[0]), lambda i: (i, 0)),
            pl.BlockSpec((bnf, w1.shape[0]), lambda i: (i + nb, 0)),
            pl.BlockSpec((bnf, w1.shape[0]), lambda i: (i + 2 * nb, 0)),
            pl.BlockSpec(w1.shape, lambda i: (0, 0)),
            pl.BlockSpec((1, d), lambda i: (0, 0)),
        ],
        out_specs=[
            pl.BlockSpec((bnf, d), lambda i: (i, 0)),
            pl.BlockSpec(memory_space=pltpu.SMEM),
        ],
        out_shape=[
            jax.ShapeDtypeStruct((nf, d), jnp.float32),
            jax.ShapeDtypeStruct((1, 2), jnp.float32),
        ],
        scratch_shapes=[pltpu.SMEM((2,), jnp.float32)],
    )(gfaces, gfaces, gfaces, w1, b1.reshape(1, -1))


def _tc_head2(y, sums, lnw, lnb, w2, b2, nf, bnf):
    nb = nf // bnf
    d = y.shape[1]
    k = w2.shape[1]
    denom = float(nf * d)

    def body(y_ref, s_ref, lw_ref, lb_ref, w2_ref, b2_ref, o_ref):
        mean = s_ref[0, 0] / denom
        var = s_ref[0, 1] / denom - mean * mean
        inv = lax.rsqrt(var + 1e-5)
        z = (y_ref[...] - mean) * inv * lw_ref[...] + lb_ref[...]
        z = jnp.maximum(z, 0.0)
        o = _dot(z, w2_ref[...]) + b2_ref[...]
        mx = jnp.max(o, axis=1, keepdims=True)
        o = o - mx
        lse = jnp.log(jnp.sum(jnp.exp(o), axis=1, keepdims=True))
        o_ref[...] = o - lse

    return pl.pallas_call(
        body,
        grid=(nb,),
        in_specs=[
            pl.BlockSpec((bnf, d), lambda i: (i, 0)),
            pl.BlockSpec(memory_space=pltpu.SMEM),
            pl.BlockSpec((1, d), lambda i: (0, 0)),
            pl.BlockSpec((1, d), lambda i: (0, 0)),
            pl.BlockSpec(w2.shape, lambda i: (0, 0)),
            pl.BlockSpec((1, k), lambda i: (0, 0)),
        ],
        out_specs=pl.BlockSpec((bnf, k), lambda i: (i, 0)),
        out_shape=jax.ShapeDtypeStruct((nf, k), jnp.float32),
    )(y, sums, lnw.reshape(1, -1), lnb.reshape(1, -1), w2, b2.reshape(1, -1))


def kernel(pos, normal, hks, weight, params, face, vertex2face, edge_index,
           batch, ptr, face_len, vertex2face_len):
    n = pos.shape[0]
    e = edge_index.shape[1]
    nf = face.shape[1]
    n_acc = n + _DUMP

    row = edge_index[0].astype(jnp.int32)
    col = edge_index[1].astype(jnp.int32)
    face = face.astype(jnp.int32)

    idx_rc = jnp.concatenate([row, col])
    m_rc = _pad_rows(2 * e)
    idx_rc = jnp.pad(idx_rc, (0, m_rc - 2 * e)).reshape(_NW, -1, _CH)
    m_pay = _pad_rows(e)
    scat_idx = jnp.pad(row, (0, m_pay - e), constant_values=n).reshape(-1, _CH)

    vid = face.reshape(-1)
    m_face = _pad_rows(3 * nf)
    vid_g = jnp.pad(vid, (0, m_face - 3 * nf)).reshape(_NW, -1, _CH)
    vid_s = jnp.pad(vid, (0, m_face - 3 * nf), constant_values=n).reshape(-1, _CH)

    postab = _tc_pos_normalize(pos)
    gverts = _sc_gather(postab, vid_g)
    fpay = _tc_face_payload(gverts, nf, 2000).reshape(3 * nf, 128)
    fpay = jnp.pad(fpay, ((0, m_face - 3 * nf), (0, 0)))
    fparts = _sc_scatter_add(fpay, vid_s, n_acc)
    tab = _tc_feat(fparts, hks, postab, params["feat"]["W"],
                   params["feat"]["b"], 2000)

    inv_deg = None
    widths = [(32, 32, 64, 128), (64, 64, 128, 256), (128, 128, 256, 256)]
    for li, name in enumerate(["conv1", "conv2", "conv3"]):
        inf, hid, outf, wt_out = widths[li]
        p = params[name]
        need_coord = li < 2
        gt = _sc_gather(tab, idx_rc)
        pay = _tc_edge(gt, weight, p, inf, hid, tab.shape[1], e, 2000, m_pay,
                       first_layer=(li == 0), need_coord=need_coord)
        parts_agg = _sc_scatter_add(pay, scat_idx, n_acc)
        parts_cv = parts_agg
        cv_lane = hid // 16
        outs = _tc_node(tab, parts_agg, parts_cv, cv_lane, inv_deg, p, inf,
                        hid, outf, wt_out, 2000, first_layer=(li == 0))
        if li == 0:
            tab, inv_deg = outs
        else:
            tab, = outs

    gf = _sc_gather(tab, vid_g)
    y, sums = _tc_head1(gf, params["lin1"]["W"], params["lin1"]["b"], nf, 2000)
    out = _tc_head2(y, sums, params["ln1"]["weight"], params["ln1"]["bias"],
                    params["lin2"]["W"], params["lin2"]["b"], nf, 2000)
    return out

# --- scband reference (transcript-rebuilt; emitter-appended) ---
"""Pipeline reference for scband-human-45578192945202 (READ-ONLY COPY).

The authoritative reference and input builder live on the scoring server;
editing this copy changes nothing except your own understanding.
"""

import jax, jax.numpy as jnp
import numpy as np

N_NODES = 10000
N_EDGES = 160000
N_FACES = 20000
WIDTH = 32
TARGET_DIM = 8

def _glorot(key, din, dout):
    lim = float(np.sqrt(6.0 / (din + dout)))
    return jax.random.uniform(key, (din, dout), jnp.float32, -lim, lim)

def _lin_p(key, din, dout, bias=True):
    p = {"W": _glorot(key, din, dout)}
    if bias:
        p["b"] = jnp.zeros((dout,), jnp.float32)
    return p

def _egnn_p(key, inf, outf, hid, e_d):
    ks = jax.random.split(key, 6)
    return {
        "edge1": _lin_p(ks[0], inf * 2 + 1 + e_d, hid),
        "edge2": _lin_p(ks[1], hid, hid),
        "coord1": _lin_p(ks[2], hid, hid),
        "coord2": _lin_p(ks[3], hid, 1, bias=False),
        "node1": _lin_p(ks[4], hid + inf, hid),
        "node2": _lin_p(ks[5], hid, outf),
    }

def setup_inputs(seed: int = 0):
    key = jax.random.key(seed)
    ks = jax.random.split(key, 12)
    pos = jax.random.normal(ks[0], (N_NODES, 3), jnp.float32)
    normal = jax.random.normal(ks[1], (N_NODES, 3), jnp.float32)
    hks = jax.random.uniform(ks[2], (N_NODES, 9), jnp.float32)
    edge_index = jax.random.randint(ks[3], (2, N_EDGES), 0, N_NODES)
    face = jax.random.randint(ks[4], (3, N_FACES), 0, N_NODES)
    vertex2face = jnp.stack([face.reshape(-1), jnp.tile(jnp.arange(N_FACES), 3)], axis=1)
    weight = jax.random.uniform(ks[5], (N_EDGES, 1), jnp.float32)
    batch = jnp.zeros((N_NODES,), jnp.int32)
    ptr = jnp.array([0, N_NODES], jnp.int32)
    face_len = jnp.array([N_FACES], jnp.int32)
    vertex2face_len = jnp.array([3 * N_FACES], jnp.int32)
    pk = jax.random.split(ks[6], 8)
    params = {
        "feat": _lin_p(pk[0], 10, WIDTH),
        "conv1": _egnn_p(pk[1], WIDTH, WIDTH * 2, WIDTH, 1),
        "conv2": _egnn_p(pk[2], WIDTH * 2, WIDTH * 4, WIDTH * 2, 1),
        "conv3": _egnn_p(pk[3], WIDTH * 4, WIDTH * 8, WIDTH * 4, 1),
        "lin1": _lin_p(pk[4], WIDTH * 8, WIDTH * 8),
        "ln1": {"weight": jnp.ones((WIDTH * 8,), jnp.float32), "bias": jnp.zeros((WIDTH * 8,), jnp.float32)},
        "lin2": _lin_p(pk[5], WIDTH * 8, TARGET_DIM),
    }
    return {"pos": pos, "normal": normal, "hks": hks, "weight": weight, "params": params,
            "face": face, "vertex2face": vertex2face, "edge_index": edge_index,
            "batch": batch, "ptr": ptr, "face_len": face_len, "vertex2face_len": vertex2face_len}

def _lin(p, x):
    y = x @ p["W"]
    if "b" in p:
        y = y + p["b"]
    return y

def _seg_sum(vals, idx, size):
    return jnp.zeros((size,) + vals.shape[1:], vals.dtype).at[idx].add(vals)

def _seg_mean(vals, idx, size):
    s = _seg_sum(vals, idx, size)
    c = jnp.zeros((size,), vals.dtype).at[idx].add(1.0)
    c = jnp.clip(c, 1.0)
    return s / c.reshape((-1,) + (1,) * (vals.ndim - 1))

def _seg_max(vals, idx, size):
    return jnp.full((size,) + vals.shape[1:], -jnp.inf, vals.dtype).at[idx].max(vals)

def _egnn(p, h, edge_index, coord, edge_attr):
    row = edge_index[0]
    col = edge_index[1]
    n = h.shape[0]
    coord_diff = coord[row] - coord[col]
    radial = jnp.sum(coord_diff ** 2, axis=1, keepdims=True)
    ef = jnp.concatenate([h[row], h[col], radial, edge_attr], axis=1)
    ef = jax.nn.silu(_lin(p["edge1"], ef))
    ef = jax.nn.silu(_lin(p["edge2"], ef))
    cm = jax.nn.silu(_lin(p["coord1"], ef))
    cm = _lin(p["coord2"], cm)
    coord = coord + _seg_mean(coord_diff * cm, row, n)
    agg = _seg_sum(ef, row, n)
    out = jax.nn.silu(_lin(p["node1"], jnp.concatenate([h, agg], axis=1)))
    out = _lin(p["node2"], out)
    return out, coord

def _process_v2f(v2f, ptr, face_len, v2f_len):
    ng = face_len.shape[0]
    b = jnp.repeat(jnp.arange(ng), v2f_len, total_repeat_length=v2f.shape[0])
    vertex = v2f[:, 0] + ptr[:-1][b]
    foff = jnp.concatenate([jnp.zeros((1,), face_len.dtype), jnp.cumsum(face_len)])[:-1][b]
    return jnp.stack([vertex, v2f[:, 1] + foff], axis=1)

def _pos_normalize(pos, batch, ng):
    centroid = _seg_mean(pos, batch, ng)[batch]
    pos = pos - centroid
    m = _seg_max(jnp.sqrt(jnp.sum(pos ** 2, axis=1)), batch, ng)[batch]
    return pos / m[:, None]

def _graph_ln(p, x, batch, ng):
    cnt = jnp.clip(_seg_sum(jnp.ones((x.shape[0],), x.dtype), batch, ng), 1.0)
    norm = cnt * x.shape[1]
    mean = _seg_sum(x, batch, ng).sum(axis=1) / norm
    x = x - mean[batch][:, None]
    var = _seg_sum(x * x, batch, ng).sum(axis=1) / norm
    out = x / jnp.sqrt(var + 1e-5)[batch][:, None]
    return out * p["weight"] + p["bias"]

def _forward(pos, normal, hks, weight, params, face, vertex2face, edge_index, batch, ptr, face_len, vertex2face_len):
    ng = face_len.shape[0]
    n = pos.shape[0]
    nf = face.shape[1]
    v2f = _process_v2f(vertex2face, ptr, face_len, vertex2face_len)
    pos = _pos_normalize(pos, batch, ng)
    pos_origin = pos
    v1 = pos_origin[face[1]] - pos_origin[face[0]]
    v2 = pos_origin[face[2]] - pos_origin[face[0]]
    farea = jnp.linalg.norm(jnp.cross(v1, v2), axis=-1) / 2.0
    area = _seg_mean(farea[v2f[:, 1]], v2f[:, 0], n)
    x = _lin(params["feat"], jnp.concatenate([area[:, None], hks], axis=1))
    x, pos = _egnn(params["conv1"], x, edge_index, pos, weight)
    x, pos = _egnn(params["conv2"], x, edge_index, pos, weight)
    x, pos = _egnn(params["conv3"], x, edge_index, pos, weight)
    x = _seg_mean(x[vertex2face[:, 0]], vertex2face[:, 1], nf)
    fb = _seg_mean(batch.astype(jnp.float32)[vertex2face[:, 0]], vertex2face[:, 1], nf).astype(jnp.int32)
    x = _lin(params["lin1"], x)
    x = jax.nn.relu(_graph_ln(params["ln1"], x, fb, ng))
    x = _lin(params["lin2"], x)
    return jax.nn.log_softmax(x, axis=1)

def reference(pos, normal, hks, weight, params, face, vertex2face, edge_index, batch, ptr, face_len, vertex2face_len):
    return _forward(pos, normal, hks, weight, params, face, vertex2face, edge_index, batch, ptr, face_len, vertex2face_len)

if __name__ == "__main__":
    import jax
    _d = setup_inputs()
    print(jax.jit(kernel)(*tuple(_d.values())))

</pallas_src>

<mosaic_0001>
#map = affine_map<(d0, d1) -> (0, 0)>
#map1 = affine_map<(d0, d1) -> (0, 0, 0)>
module attributes {stable_mosaic.version = 14 : i64} {
  func.func @k(%arg0: i32, %arg1: i32, %arg2: memref<10000x128xf32, #tpu.memory_space<hbm>>, %arg3: memref<32x20x96xi32, #tpu.memory_space<hbm>>, %arg4: memref<61440x128xf32, #tpu.memory_space<hbm>>, %arg5: memref<20x96xi32, #tpu.memory_space<vmem>>, %arg6: memref<96x128xf32, #tpu.memory_space<vmem>>, %arg7: memref<96x128xf32, #tpu.memory_space<vmem>>, %arg8: memref<!tpu.dma_semaphore, #tpu.memory_space<semaphore_mem>>, %arg9: memref<!tpu.dma_semaphore, #tpu.memory_space<semaphore_mem>>, %arg10: memref<!tpu.dma_semaphore, #tpu.memory_space<semaphore_mem>>, %arg11: memref<!tpu.dma_semaphore, #tpu.memory_space<semaphore_mem>>) attributes {dimension_semantics = [#tpu.dimension_semantics<core_parallel>, #tpu.dimension_semantics<subcore_parallel>], iteration_bounds = array<i64: 2, 16>, scalar_prefetch = 0 : i64, scratch_operands = 7 : i64, tpu.core_type = #tpu.core_type<sc_vector_subcore>, window_params = [{transform_indices = #map}, {transform_indices = #map1}, {transform_indices = #map}]} {
    %mul3A = arith.constant 2 : i32
    %mul3A_0 = arith.muli %arg1, %mul3A : i32
    %add3A = arith.addi %mul3A_0, %arg0 : i32
    %mul3A_1 = arith.constant 1920 : i32
    %mul3A_2 = arith.muli %add3A, %mul3A_1 : i32
    "tpu.region"() ({
      %run_scoped3A = tpu.sem_alloc : memref<!tpu.dma_semaphore, #tpu.memory_space<semaphore_mem>>
      %dma_start3A_31 = arith.constant 0 : i32
      %dma_start3A_32 = arith.constant 0 : i32
      %dma_start3A_33 = tpu.memref_slice %arg3[%add3A, %dma_start3A_31, %dma_start3A_32] : memref<32x20x96xi32, #tpu.memory_space<hbm>> -> memref<1x20x96xi32, #tpu.memory_space<hbm>>
      %dma_start3A_34 = tpu.memref_squeeze %dma_start3A_33 : memref<1x20x96xi32, #tpu.memory_space<hbm>> -> memref<20x96xi32, #tpu.memory_space<hbm>>
      %dma_start3A_35 = arith.constant 0 : i32
      %dma_start3A_36 = arith.constant 0 : i32
      %dma_start3A_37 = tpu.memref_slice %arg3[%add3A, %dma_start3A_35, %dma_start3A_36] : memref<32x20x96xi32, #tpu.memory_space<hbm>> -> memref<1x20x96xi32, #tpu.memory_space<hbm>>
      %dma_start3A_38 = tpu.memref_squeeze %dma_start3A_37 : memref<1x20x96xi32, #tpu.memory_space<hbm>> -> memref<20x96xi32, #tpu.memory_space<hbm>>
      tpu.enqueue_dma source(%dma_start3A_38 : memref<20x96xi32, #tpu.memory_space<hbm>>) target(%arg5 : memref<20x96xi32, #tpu.memory_space<vmem>>) target_semaphore(%run_scoped3A : memref<!tpu.dma_semaphore, #tpu.memory_space<semaphore_mem>>)
      %dma_wait3A_39 = arith.constant 0 : i32
      %dma_wait3A_40 = arith.constant 0 : i32
      %dma_wait3A_41 = tpu.memref_slice %arg3[%add3A, %dma_wait3A_39, %dma_wait3A_40] : memref<32x20x96xi32, #tpu.memory_space<hbm>> -> memref<1x20x96xi32, #tpu.memory_space<hbm>>
      %dma_wait3A_42 = tpu.memref_squeeze %dma_wait3A_41 : memref<1x20x96xi32, #tpu.memory_space<hbm>> -> memref<20x96xi32, #tpu.memory_space<hbm>>
      %dma_wait3A_43 = arith.constant 0 : i32
      %dma_wait3A_44 = arith.constant 0 : i32
      %dma_wait3A_45 = tpu.memref_slice %arg3[%add3A, %dma_wait3A_43, %dma_wait3A_44] : memref<32x20x96xi32, #tpu.memory_space<hbm>> -> memref<1x20x96xi32, #tpu.memory_space<hbm>>
      %dma_wait3A_46 = tpu.memref_squeeze %dma_wait3A_45 : memref<1x20x96xi32, #tpu.memory_space<hbm>> -> memref<20x96xi32, #tpu.memory_space<hbm>>
      tpu.wait_dma2 semaphore(%run_scoped3A : memref<!tpu.dma_semaphore, #tpu.memory_space<semaphore_mem>>) src(%dma_wait3A_46 : memref<20x96xi32, #tpu.memory_space<hbm>>) dst(%arg5 : memref<20x96xi32, #tpu.memory_space<vmem>>)
      tpu.yield
    }) : () -> ()
    %dma_start3A = arith.constant 0 : i32
    %dma_start3A_3 = arith.constant 0 : i32
    %dma_start3A_4 = tpu.memref_slice %arg5[%dma_start3A, %dma_start3A_3] : memref<20x96xi32, #tpu.memory_space<vmem>> -> memref<1x96xi32, #tpu.memory_space<vmem>>
    %dma_start3A_5 = tpu.memref_squeeze %dma_start3A_4 : memref<1x96xi32, #tpu.memory_space<vmem>> -> memref<96xi32, #tpu.memory_space<vmem>>
    %dma_start3A_6 = arith.constant 0 : i32
    %dma_start3A_7 = arith.constant 0 : i32
    %dma_start3A_8 = tpu.memref_slice %arg2[%dma_start3A_6, %dma_start3A_7] : memref<10000x128xf32, #tpu.memory_space<hbm>> -> memref<10000x128xf32, #tpu.memory_space<hbm>>
    tpu.enqueue_indirect_dma source(%dma_start3A_8 : memref<10000x128xf32, #tpu.memory_space<hbm>>) target(%arg6 : memref<96x128xf32, #tpu.memory_space<vmem>>) offsets(%dma_start3A_5 : memref<96xi32, #tpu.memory_space<vmem>>) semaphore(%arg8 : memref<!tpu.dma_semaphore, #tpu.memory_space<semaphore_mem>>)
    %dma_start3A_9 = arith.constant 1 : i32
    %dma_start3A_10 = arith.constant 0 : i32
    %dma_start3A_11 = tpu.memref_slice %arg5[%dma_start3A_9, %dma_start3A_10] : memref<20x96xi32, #tpu.memory_space<vmem>> -> memref<1x96xi32, #tpu.memory_space<vmem>>
    %dma_start3A_12 = tpu.memref_squeeze %dma_start3A_11 : memref<1x96xi32, #tpu.memory_space<vmem>> -> memref<96xi32, #tpu.memory_space<vmem>>
    %dma_start3A_13 = arith.constant 0 : i32
    %dma_start3A_14 = arith.constant 0 : i32
    %dma_start3A_15 = tpu.memref_slice %arg2[%dma_start3A_13, %dma_start3A_14] : memref<10000x128xf32, #tpu.memory_space<hbm>> -> memref<10000x128xf32, #tpu.memory_space<hbm>>
    tpu.enqueue_indirect_dma source(%dma_start3A_15 : memref<10000x128xf32, #tpu.memory_space<hbm>>) target(%arg7 : memref<96x128xf32, #tpu.memory_space<vmem>>) offsets(%dma_start3A_12 : memref<96xi32, #tpu.memory_space<vmem>>) semaphore(%arg9 : memref<!tpu.dma_semaphore, #tpu.memory_space<semaphore_mem>>)
    %scan3A = arith.constant 0 : i32
    %scan3A_16 = arith.constant 10 : i32
    %scan3A_17 = arith.addi %scan3A, %scan3A_16 : i32
    %scan3A_18 = arith.constant 1 : i32
    scf.for %scan3A_31 = %scan3A to %scan3A_17 step %scan3A_18  : i32 {
      %mul3A_32 = arith.constant 2 : i32
      %mul3A_33 = arith.muli %scan3A_31, %mul3A_32 : i32
      %add3A_34 = arith.constant 0 : i32
      %add3A_35 = arith.addi %add3A_34, %mul3A_33 : i32
      %add3A_36 = arith.constant 0 : i32
      %add3A_37 = arith.addi %add3A_35, %add3A_36 : i32
      %dma_wait3A_38 = arith.constant 0 : i32
      %dma_wait3A_39 = arith.constant 0 : i32
      %dma_wait3A_40 = tpu.memref_slice %arg5[%dma_wait3A_38, %dma_wait3A_39] : memref<20x96xi32, #tpu.memory_space<vmem>> -> memref<1x96xi32, #tpu.memory_space<vmem>>
      %dma_wait3A_41 = tpu.memref_squeeze %dma_wait3A_40 : memref<1x96xi32, #tpu.memory_space<vmem>> -> memref<96xi32, #tpu.memory_space<vmem>>
      %dma_wait3A_42 = arith.constant 0 : i32
      %dma_wait3A_43 = arith.constant 0 : i32
      %dma_wait3A_44 = tpu.memref_slice %arg2[%dma_wait3A_42, %dma_wait3A_43] : memref<10000x128xf32, #tpu.memory_space<hbm>> -> memref<10000x128xf32, #tpu.memory_space<hbm>>
      tpu.wait_indirect_dma semaphore(%arg8 : memref<!tpu.dma_semaphore, #tpu.memory_space<semaphore_mem>>) src(%dma_wait3A_44 : memref<10000x128xf32, #tpu.memory_space<hbm>>) dst(%arg6 : memref<96x128xf32, #tpu.memory_space<vmem>>)
      %mul3A_45 = arith.constant 96 : i32
      %mul3A_46 = arith.muli %add3A_37, %mul3A_45 : i32
      %add3A_47 = arith.addi %mul3A_2, %mul3A_46 : i32
      %dma_start3A_48 = arith.constant 0 : i32
      %dma_start3A_49 = tpu.memref_slice %arg4[%add3A_47, %dma_start3A_48] : memref<61440x128xf32, #tpu.memory_space<hbm>> -> memref<96x128xf32, #tpu.memory_space<hbm>>
      %dma_start3A_50 = arith.constant 0 : i32
      %dma_start3A_51 = tpu.memref_slice %arg4[%add3A_47, %dma_start3A_50] : memref<61440x128xf32, #tpu.memory_space<hbm>> -> memref<96x128xf32, #tpu.memory_space<hbm>>
      tpu.enqueue_dma source(%arg6 : memref<96x128xf32, #tpu.memory_space<vmem>>) target(%dma_start3A_51 : memref<96x128xf32, #tpu.memory_space<hbm>>) target_semaphore(%arg10 : memref<!tpu.dma_semaphore, #tpu.memory_space<semaphore_mem>>)
      %add3A_52 = arith.constant 2 : i32
      %add3A_53 = arith.addi %add3A_37, %add3A_52 : i32
      %lt3A = arith.constant 20 : i32
      %lt3A_54 = arith.cmpi slt, %add3A_53, %lt3A : i32
      %convert_element_type3A = arith.extui %lt3A_54 : i1 to i32
      %cond3A = arith.constant 0 : i32
      %cond3A_55 = arith.cmpi ne, %convert_element_type3A, %cond3A : i32
      scf.if %cond3A_55 {
        %mul3A_79 = arith.constant 96 : i32
        %mul3A_80 = arith.muli %add3A_37, %mul3A_79 : i32
        %add3A_81 = arith.addi %mul3A_2, %mul3A_80 : i32
        %dma_wait3A_82 = arith.constant 0 : i32
        %dma_wait3A_83 = tpu.memref_slice %arg4[%add3A_81, %dma_wait3A_82] : memref<61440x128xf32, #tpu.memory_space<hbm>> -> memref<96x128xf32, #tpu.memory_space<hbm>>
        %dma_wait3A_84 = arith.constant 0 : i32
        %dma_wait3A_85 = tpu.memref_slice %arg4[%add3A_81, %dma_wait3A_84] : memref<61440x128xf32, #tpu.memory_space<hbm>> -> memref<96x128xf32, #tpu.memory_space<hbm>>
        tpu.wait_dma2 semaphore(%arg10 : memref<!tpu.dma_semaphore, #tpu.memory_space<semaphore_mem>>) src(%arg6 : memref<96x128xf32, #tpu.memory_space<vmem>>) dst(%dma_wait3A_85 : memref<96x128xf32, #tpu.memory_space<hbm>>)
        %add3A_86 = arith.constant 2 : i32
        %add3A_87 = arith.addi %add3A_37, %add3A_86 : i32
        %dma_start3A_88 = arith.constant 0 : i32
        %dma_start3A_89 = tpu.memref_slice %arg5[%add3A_87, %dma_start3A_88] : memref<20x96xi32, #tpu.memory_space<vmem>> -> memref<1x96xi32, #tpu.memory_space<vmem>>
        %dma_start3A_90 = tpu.memref_squeeze %dma_start3A_89 : memref<1x96xi32, #tpu.memory_space<vmem>> -> memref<96xi32, #tpu.memory_space<vmem>>
        %dma_start3A_91 = arith.constant 0 : i32
        %dma_start3A_92 = arith.constant 0 : i32
        %dma_start3A_93 = tpu.memref_slice %arg2[%dma_start3A_91, %dma_start3A_92] : memref<10000x128xf32, #tpu.memory_space<hbm>> -> memref<10000x128xf32, #tpu.memory_space<hbm>>
        tpu.enqueue_indirect_dma source(%dma_start3A_93 : memref<10000x128xf32, #tpu.memory_space<hbm>>) target(%arg6 : memref<96x128xf32, #tpu.memory_space<vmem>>) offsets(%dma_start3A_90 : memref<96xi32, #tpu.memory_space<vmem>>) semaphore(%arg8 : memref<!tpu.dma_semaphore, #tpu.memory_space<semaphore_mem>>)
      } else {
      }
      %add3A_56 = arith.constant 1 : i32
      %add3A_57 = arith.addi %add3A_35, %add3A_56 : i32
      %dma_wait3A_58 = arith.constant 0 : i32
      %dma_wait3A_59 = arith.constant 0 : i32
      %dma_wait3A_60 = tpu.memref_slice %arg5[%dma_wait3A_58, %dma_wait3A_59] : memref<20x96xi32, #tpu.memory_space<vmem>> -> memref<1x96xi32, #tpu.memory_space<vmem>>
      %dma_wait3A_61 = tpu.memref_squeeze %dma_wait3A_60 : memref<1x96xi32, #tpu.memory_space<vmem>> -> memref<96xi32, #tpu.memory_space<vmem>>
      %dma_wait3A_62 = arith.constant 0 : i32
      %dma_wait3A_63 = arith.constant 0 : i32
      %dma_wait3A_64 = tpu.memref_slice %arg2[%dma_wait3A_62, %dma_wait3A_63] : memref<10000x128xf32, #tpu.memory_space<hbm>> -> memref<10000x128xf32, #tpu.memory_space<hbm>>
      tpu.wait_indirect_dma semaphore(%arg9 : memref<!tpu.dma_semaphore, #tpu.memory_space<semaphore_mem>>) src(%dma_wait3A_64 : memref<10000x128xf32, #tpu.memory_space<hbm>>) dst(%arg7 : memref<96x128xf32, #tpu.memory_space<vmem>>)
      %mul3A_65 = arith.constant 96 : i32
      %mul3A_66 = arith.muli %add3A_57, %mul3A_65 : i32
      %add3A_67 = arith.addi %mul3A_2, %mul3A_66 : i32
      %dma_start3A_68 = arith.constant 0 : i32
      %dma_start3A_69 = tpu.memref_slice %arg4[%add3A_67, %dma_start3A_68] : memref<61440x128xf32, #tpu.memory_space<hbm>> -> memref<96x128xf32, #tpu.memory_space<hbm>>
      %dma_start3A_70 = arith.constant 0 : i32
      %dma_start3A_71 = tpu.memref_slice %arg4[%add3A_67, %dma_start3A_70] : memref<61440x128xf32, #tpu.memory_space<hbm>> -> memref<96x128xf32, #tpu.memory_space<hbm>>
      tpu.enqueue_dma source(%arg7 : memref<96x128xf32, #tpu.memory_space<vmem>>) target(%dma_start3A_71 : memref<96x128xf32, #tpu.memory_space<hbm>>) target_semaphore(%arg11 : memref<!tpu.dma_semaphore, #tpu.memory_space<semaphore_mem>>)
      %add3A_72 = arith.constant 2 : i32
      %add3A_73 = arith.addi %add3A_57, %add3A_72 : i32
      %lt3A_74 = arith.constant 20 : i32
      %lt3A_75 = arith.cmpi slt, %add3A_73, %lt3A_74 : i32
      %convert_element_type3A_76 = arith.extui %lt3A_75 : i1 to i32
      %cond3A_77 = arith.constant 0 : i32
      %cond3A_78 = arith.cmpi ne, %convert_element_type3A_76, %cond3A_77 : i32
      scf.if %cond3A_78 {
        %mul3A_79 = arith.constant 96 : i32
        %mul3A_80 = arith.muli %add3A_57, %mul3A_79 : i32
        %add3A_81 = arith.addi %mul3A_2, %mul3A_80 : i32
        %dma_wait3A_82 = arith.constant 0 : i32
        %dma_wait3A_83 = tpu.memref_slice %arg4[%add3A_81, %dma_wait3A_82] : memref<61440x128xf32, #tpu.memory_space<hbm>> -> memref<96x128xf32, #tpu.memory_space<hbm>>
        %dma_wait3A_84 = arith.constant 0 : i32
        %dma_wait3A_85 = tpu.memref_slice %arg4[%add3A_81, %dma_wait3A_84] : memref<61440x128xf32, #tpu.memory_space<hbm>> -> memref<96x128xf32, #tpu.memory_space<hbm>>
        tpu.wait_dma2 semaphore(%arg11 : memref<!tpu.dma_semaphore, #tpu.memory_space<semaphore_mem>>) src(%arg7 : memref<96x128xf32, #tpu.memory_space<vmem>>) dst(%dma_wait3A_85 : memref<96x128xf32, #tpu.memory_space<hbm>>)
        %add3A_86 = arith.constant 2 : i32
        %add3A_87 = arith.addi %add3A_57, %add3A_86 : i32
        %dma_start3A_88 = arith.constant 0 : i32
        %dma_start3A_89 = tpu.memref_slice %arg5[%add3A_87, %dma_start3A_88] : memref<20x96xi32, #tpu.memory_space<vmem>> -> memref<1x96xi32, #tpu.memory_space<vmem>>
        %dma_start3A_90 = tpu.memref_squeeze %dma_start3A_89 : memref<1x96xi32, #tpu.memory_space<vmem>> -> memref<96xi32, #tpu.memory_space<vmem>>
        %dma_start3A_91 = arith.constant 0 : i32
        %dma_start3A_92 = arith.constant 0 : i32
        %dma_start3A_93 = tpu.memref_slice %arg2[%dma_start3A_91, %dma_start3A_92] : memref<10000x128xf32, #tpu.memory_space<hbm>> -> memref<10000x128xf32, #tpu.memory_space<hbm>>
        tpu.enqueue_indirect_dma source(%dma_start3A_93 : memref<10000x128xf32, #tpu.memory_space<hbm>>) target(%arg7 : memref<96x128xf32, #tpu.memory_space<vmem>>) offsets(%dma_start3A_90 : memref<96xi32, #tpu.memory_space<vmem>>) semaphore(%arg9 : memref<!tpu.dma_semaphore, #tpu.memory_space<semaphore_mem>>)
      } else {
      }
    }
    %scan3A_19 = arith.constant 10 : i32
    %add3A_20 = arith.constant 0 : i32
    %add3A_21 = arith.addi %mul3A_2, %add3A_20 : i32
    %dma_wait3A = arith.constant 0 : i32
    %dma_wait3A_22 = tpu.memref_slice %arg4[%add3A_21, %dma_wait3A] : memref<61440x128xf32, #tpu.memory_space<hbm>> -> memref<96x128xf32, #tpu.memory_space<hbm>>
    %dma_wait3A_23 = arith.constant 0 : i32
    %dma_wait3A_24 = tpu.memref_slice %arg4[%add3A_21, %dma_wait3A_23] : memref<61440x128xf32, #tpu.memory_space<hbm>> -> memref<96x128xf32, #tpu.memory_space<hbm>>
    tpu.wait_dma2 semaphore(%arg10 : memref<!tpu.dma_semaphore, #tpu.memory_space<semaphore_mem>>) src(%arg6 : memref<96x128xf32, #tpu.memory_space<vmem>>) dst(%dma_wait3A_24 : memref<96x128xf32, #tpu.memory_space<hbm>>)
    %add3A_25 = arith.constant 0 : i32
    %add3A_26 = arith.addi %mul3A_2, %add3A_25 : i32
    %dma_wait3A_27 = arith.constant 0 : i32
    %dma_wait3A_28 = tpu.memref_slice %arg4[%add3A_26, %dma_wait3A_27] : memref<61440x128xf32, #tpu.memory_space<hbm>> -> memref<96x128xf32, #tpu.memory_space<hbm>>
    %dma_wait3A_29 = arith.constant 0 : i32
    %dma_wait3A_30 = tpu.memref_slice %arg4[%add3A_26, %dma_wait3A_29] : memref<61440x128xf32, #tpu.memory_space<hbm>> -> memref<96x128xf32, #tpu.memory_space<hbm>>
    tpu.wait_dma2 semaphore(%arg11 : memref<!tpu.dma_semaphore, #tpu.memory_space<semaphore_mem>>) src(%arg7 : memref<96x128xf32, #tpu.memory_space<vmem>>) dst(%dma_wait3A_30 : memref<96x128xf32, #tpu.memory_space<hbm>>)
    return
  }
}

#map = affine_map<(d0, d1) -> (0, 0)>
#map1 = affine_map<(d0, d1) -> (0, 0, 0)>
module attributes {stable_mosaic.version = 14 : i64} {
  func.func @k(%arg0: i32, %arg1: i32, %arg2: memref<165888x128xf32, #tpu.memory_space<hbm>>, %arg3: memref<1728x96xi32, #tpu.memory_space<hbm>>, %arg4: memref<10112x128xf32, #tpu.memory_space<hbm>>, %arg5: memref<2x10112x128xf32, #tpu.memory_space<hbm>>, %arg6: memref<96xi32, #tpu.memory_space<vmem>>, %arg7: memref<96x128xf32, #tpu.memory_space<vmem>>, %arg8: memref<10112x128xf32, #tpu.memory_space<vmem_shared>>, %arg9: memref<!tpu.dma_semaphore, #tpu.memory_space<semaphore_mem>>) attributes {dimension_semantics = [#tpu.dimension_semantics<core_parallel>, #tpu.dimension_semantics<subcore_parallel>], iteration_bounds = array<i64: 2, 16>, scalar_prefetch = 0 : i64, scratch_operands = 4 : i64, tpu.core_type = #tpu.core_type<sc_vector_subcore>, window_params = [{transform_indices = #map}, {transform_indices = #map}, {transform_indices = #map}, {transform_indices = #map1}]} {
    %mul3A = arith.constant 2 : i32
    %mul3A_0 = arith.muli %arg1, %mul3A : i32
    %add3A = arith.addi %mul3A_0, %arg0 : i32
    %mul3A_1 = arith.constant 632 : i32
    %mul3A_2 = arith.muli %arg1, %mul3A_1 : i32
    %multiple_of3A = tpu.assume_multiple %mul3A_2, 8 : i32
    "tpu.region"() ({
      %run_scoped3A = tpu.sem_alloc : memref<!tpu.dma_semaphore, #tpu.memory_space<semaphore_mem>>
      %dma_start3A = arith.constant 0 : i32
      %dma_start3A_8 = tpu.memref_slice %arg8[%multiple_of3A, %dma_start3A] : memref<10112x128xf32, #tpu.memory_space<vmem_shared>> -> memref<632x128xf32, #tpu.memory_space<vmem_shared>>
      %dma_start3A_9 = arith.constant 0 : i32
      %dma_start3A_10 = tpu.memref_slice %arg4[%multiple_of3A, %dma_start3A_9] : memref<10112x128xf32, #tpu.memory_space<hbm>> -> memref<632x128xf32, #tpu.memory_space<hbm>>
      tpu.enqueue_dma source(%dma_start3A_10 : memref<632x128xf32, #tpu.memory_space<hbm>>) target(%dma_start3A_8 : memref<632x128xf32, #tpu.memory_space<vmem_shared>>) target_semaphore(%run_scoped3A : memref<!tpu.dma_semaphore, #tpu.memory_space<semaphore_mem>>)
      %dma_wait3A = arith.constant 0 : i32
      %dma_wait3A_11 = tpu.memref_slice %arg8[%multiple_of3A, %dma_wait3A] : memref<10112x128xf32, #tpu.memory_space<vmem_shared>> -> memref<632x128xf32, #tpu.memory_space<vmem_shared>>
      %dma_wait3A_12 = arith.constant 0 : i32
      %dma_wait3A_13 = tpu.memref_slice %arg4[%multiple_of3A, %dma_wait3A_12] : memref<10112x128xf32, #tpu.memory_space<hbm>> -> memref<632x128xf32, #tpu.memory_space<hbm>>
      tpu.wait_dma2 semaphore(%run_scoped3A : memref<!tpu.dma_semaphore, #tpu.memory_space<semaphore_mem>>) src(%dma_wait3A_13 : memref<632x128xf32, #tpu.memory_space<hbm>>) dst(%dma_wait3A_11 : memref<632x128xf32, #tpu.memory_space<vmem_shared>>)
      tpu.yield
    }) : () -> ()
    %barrier3A = arith.constant 0 : index
    tpu.barrier barrier_id(%barrier3A)
    %scan3A = arith.constant 0 : i32
    %scan3A_3 = arith.constant 54 : i32
    %scan3A_4 = arith.addi %scan3A, %scan3A_3 : i32
    %scan3A_5 = arith.constant 1 : i32
    scf.for %scan3A_8 = %scan3A to %scan3A_4 step %scan3A_5  : i32 {
      %mul3A_9 = arith.constant 1 : i32
      %mul3A_10 = arith.muli %scan3A_8, %mul3A_9 : i32
      %add3A_11 = arith.constant 0 : i32
      %add3A_12 = arith.addi %add3A_11, %mul3A_10 : i32
      %mul3A_13 = arith.constant 54 : i32
      %mul3A_14 = arith.muli %add3A, %mul3A_13 : i32
      %add3A_15 = arith.addi %mul3A_14, %add3A_12 : i32
      "tpu.region"() ({
        %run_scoped3A = tpu.sem_alloc : memref<!tpu.dma_semaphore, #tpu.memory_space<semaphore_mem>>
        %dma_start3A = arith.constant 0 : i32
        %dma_start3A_18 = tpu.memref_slice %arg3[%add3A_15, %dma_start3A] : memref<1728x96xi32, #tpu.memory_space<hbm>> -> memref<1x96xi32, #tpu.memory_space<hbm>>
        %dma_start3A_19 = tpu.memref_squeeze %dma_start3A_18 : memref<1x96xi32, #tpu.memory_space<hbm>> -> memref<96xi32, #tpu.memory_space<hbm>>
        %dma_start3A_20 = arith.constant 0 : i32
        %dma_start3A_21 = tpu.memref_slice %arg3[%add3A_15, %dma_start3A_20] : memref<1728x96xi32, #tpu.memory_space<hbm>> -> memref<1x96xi32, #tpu.memory_space<hbm>>
        %dma_start3A_22 = tpu.memref_squeeze %dma_start3A_21 : memref<1x96xi32, #tpu.memory_space<hbm>> -> memref<96xi32, #tpu.memory_space<hbm>>
        tpu.enqueue_dma source(%dma_start3A_22 : memref<96xi32, #tpu.memory_space<hbm>>) target(%arg6 : memref<96xi32, #tpu.memory_space<vmem>>) target_semaphore(%run_scoped3A : memref<!tpu.dma_semaphore, #tpu.memory_space<semaphore_mem>>)
        %dma_wait3A = arith.constant 0 : i32
        %dma_wait3A_23 = tpu.memref_slice %arg3[%add3A_15, %dma_wait3A] : memref<1728x96xi32, #tpu.memory_space<hbm>> -> memref<1x96xi32, #tpu.memory_space<hbm>>
        %dma_wait3A_24 = tpu.memref_squeeze %dma_wait3A_23 : memref<1x96xi32, #tpu.memory_space<hbm>> -> memref<96xi32, #tpu.memory_space<hbm>>
        %dma_wait3A_25 = arith.constant 0 : i32
        %dma_wait3A_26 = tpu.memref_slice %arg3[%add3A_15, %dma_wait3A_25] : memref<1728x96xi32, #tpu.memory_space<hbm>> -> memref<1x96xi32, #tpu.memory_space<hbm>>
        %dma_wait3A_27 = tpu.memref_squeeze %dma_wait3A_26 : memref<1x96xi32, #tpu.memory_space<hbm>> -> memref<96xi32, #tpu.memory_space<hbm>>
        tpu.wait_dma2 semaphore(%run_scoped3A : memref<!tpu.dma_semaphore, #tpu.memory_space<semaphore_mem>>) src(%dma_wait3A_27 : memref<96xi32, #tpu.memory_space<hbm>>) dst(%arg6 : memref<96xi32, #tpu.memory_space<vmem>>)
        tpu.yield
      }) : () -> ()
      %mul3A_16 = arith.constant 96 : i32
      %mul3A_17 = arith.muli %add3A_15, %mul3A_16 : i32
      "tpu.region"() ({
        %run_scoped3A = tpu.sem_alloc : memref<!tpu.dma_semaphore, #tpu.memory_space<semaphore_mem>>
        %dma_start3A = arith.constant 0 : i32
        %dma_start3A_18 = tpu.memref_slice %arg2[%mul3A_17, %dma_start3A] : memref<165888x128xf32, #tpu.memory_space<hbm>> -> memref<96x128xf32, #tpu.memory_space<hbm>>
        %dma_start3A_19 = arith.constant 0 : i32
        %dma_start3A_20 = tpu.memref_slice %arg2[%mul3A_17, %dma_start3A_19] : memref<165888x128xf32, #tpu.memory_space<hbm>> -> memref<96x128xf32, #tpu.memory_space<hbm>>
        tpu.enqueue_dma source(%dma_start3A_20 : memref<96x128xf32, #tpu.memory_space<hbm>>) target(%arg7 : memref<96x128xf32, #tpu.memory_space<vmem>>) target_semaphore(%run_scoped3A : memref<!tpu.dma_semaphore, #tpu.memory_space<semaphore_mem>>)
        %dma_wait3A = arith.constant 0 : i32
        %dma_wait3A_21 = tpu.memref_slice %arg2[%mul3A_17, %dma_wait3A] : memref<165888x128xf32, #tpu.memory_space<hbm>> -> memref<96x128xf32, #tpu.memory_space<hbm>>
        %dma_wait3A_22 = arith.constant 0 : i32
        %dma_wait3A_23 = tpu.memref_slice %arg2[%mul3A_17, %dma_wait3A_22] : memref<165888x128xf32, #tpu.memory_space<hbm>> -> memref<96x128xf32, #tpu.memory_space<hbm>>
        tpu.wait_dma2 semaphore(%run_scoped3A : memref<!tpu.dma_semaphore, #tpu.memory_space<semaphore_mem>>) src(%dma_wait3A_23 : memref<96x128xf32, #tpu.memory_space<hbm>>) dst(%arg7 : memref<96x128xf32, #tpu.memory_space<vmem>>)
        tpu.yield
      }) : () -> ()
      "tpu.region"() ({
        %run_scoped3A = tpu.sem_alloc : memref<!tpu.dma_semaphore, #tpu.memory_space<semaphore_mem>>
        %dma_start3A = arith.constant 0 : i32
        %dma_start3A_18 = arith.constant 0 : i32
        %dma_start3A_19 = tpu.memref_slice %arg8[%dma_start3A, %dma_start3A_18] : memref<10112x128xf32, #tpu.memory_space<vmem_shared>> -> memref<10112x128xf32, #tpu.memory_space<vmem_shared>>
        tpu.enqueue_indirect_dma source(%arg7 : memref<96x128xf32, #tpu.memory_space<vmem>>) target(%dma_start3A_19 : memref<10112x128xf32, #tpu.memory_space<vmem_shared>>) offsets(%arg6 : memref<96xi32, #tpu.memory_space<vmem>>) semaphore(%run_scoped3A : memref<!tpu.dma_semaphore, #tpu.memory_space<semaphore_mem>>) {add = true}
        %dma_wait3A = arith.constant 0 : i32
        %dma_wait3A_20 = arith.constant 0 : i32
        %dma_wait3A_21 = tpu.memref_slice %arg8[%dma_wait3A, %dma_wait3A_20] : memref<10112x128xf32, #tpu.memory_space<vmem_shared>> -> memref<10112x128xf32, #tpu.memory_space<vmem_shared>>
        tpu.wait_indirect_dma semaphore(%run_scoped3A : memref<!tpu.dma_semaphore, #tpu.memory_space<semaphore_mem>>) src(%arg7 : memref<96x128xf32, #tpu.memory_space<vmem>>) dst(%dma_wait3A_21 : memref<10112x128xf32, #tpu.memory_space<vmem_shared>>)
        tpu.yield
      }) : () -> ()
    }
    %scan3A_6 = arith.constant 54 : i32
    %barrier3A_7 = arith.constant 0 : index
    tpu.barrier barrier_id(%barrier3A_7)
    "tpu.region"() ({
      %run_scoped3A = tpu.sem_alloc : memref<!tpu.dma_semaphore, #tpu.memory_space<semaphore_mem>>
      %dma_start3A = arith.constant 0 : i32
      %dma_start3A_8 = arith.constant 0 : i32
      %dma_start3A_9 = tpu.memref_slice %arg5[%arg0, %dma_start3A, %dma_start3A_8] : memref<2x10112x128xf32, #tpu.memory_space<hbm>> -> memref<1x10112x128xf32, #tpu.memory_space<hbm>>
      %dma_start3A_10 = tpu.memref_squeeze %dma_start3A_9 : memref<1x10112x128xf32, #tpu.memory_space<hbm>> -> memref<10112x128xf32, #tpu.memory_space<hbm>>
      %dma_start3A_11 = arith.constant 0 : i32
      %dma_start3A_12 = tpu.memref_slice %dma_start3A_10[%multiple_of3A, %dma_start3A_11] : memref<10112x128xf32, #tpu.memory_space<hbm>> -> memref<632x128xf32, #tpu.memory_space<hbm>>
      %dma_start3A_13 = arith.constant 0 : i32
      %dma_start3A_14 = tpu.memref_slice %arg8[%multiple_of3A, %dma_start3A_13] : memref<10112x128xf32, #tpu.memory_space<vmem_shared>> -> memref<632x128xf32, #tpu.memory_space<vmem_shared>>
      tpu.enqueue_dma source(%dma_start3A_14 : memref<632x128xf32, #tpu.memory_space<vmem_shared>>) target(%dma_start3A_12 : memref<632x128xf32, #tpu.memory_space<hbm>>) target_semaphore(%run_scoped3A : memref<!tpu.dma_semaphore, #tpu.memory_space<semaphore_mem>>)
      %dma_wait3A = arith.constant 0 : i32
      %dma_wait3A_15 = arith.constant 0 : i32
      %dma_wait3A_16 = tpu.memref_slice %arg5[%arg0, %dma_wait3A, %dma_wait3A_15] : memref<2x10112x128xf32, #tpu.memory_space<hbm>> -> memref<1x10112x128xf32, #tpu.memory_space<hbm>>
      %dma_wait3A_17 = tpu.memref_squeeze %dma_wait3A_16 : memref<1x10112x128xf32, #tpu.memory_space<hbm>> -> memref<10112x128xf32, #tpu.memory_space<hbm>>
      %dma_wait3A_18 = arith.constant 0 : i32
      %dma_wait3A_19 = tpu.memref_slice %dma_wait3A_17[%multiple_of3A, %dma_wait3A_18] : memref<10112x128xf32, #tpu.memory_space<hbm>> -> memref<632x128xf32, #tpu.memory_space<hbm>>
      %dma_wait3A_20 = arith.constant 0 : i32
      %dma_wait3A_21 = tpu.memref_slice %arg8[%multiple_of3A, %dma_wait3A_20] : memref<10112x128xf32, #tpu.memory_space<vmem_shared>> -> memref<632x128xf32, #tpu.memory_space<vmem_shared>>
      tpu.wait_dma2 semaphore(%run_scoped3A : memref<!tpu.dma_semaphore, #tpu.memory_space<semaphore_mem>>) src(%dma_wait3A_21 : memref<632x128xf32, #tpu.memory_space<vmem_shared>>) dst(%dma_wait3A_19 : memref<632x128xf32, #tpu.memory_space<hbm>>)
      tpu.yield
    }) : () -> ()
    return
  }
}

#map = affine_map<(d0, d1) -> (0, 0)>
#map1 = affine_map<(d0, d1) -> (0, 0, 0)>
module attributes {stable_mosaic.version = 14 : i64} {
  func.func @k(%arg0: i32, %arg1: i32, %arg2: memref<61440x128xf32, #tpu.memory_space<hbm>>, %arg3: memref<640x96xi32, #tpu.memory_space<hbm>>, %arg4: memref<10112x128xf32, #tpu.memory_space<hbm>>, %arg5: memref<2x10112x128xf32, #tpu.memory_space<hbm>>, %arg6: memref<96xi32, #tpu.memory_space<vmem>>, %arg7: memref<96x128xf32, #tpu.memory_space<vmem>>, %arg8: memref<10112x128xf32, #tpu.memory_space<vmem_shared>>, %arg9: memref<!tpu.dma_semaphore, #tpu.memory_space<semaphore_mem>>) attributes {dimension_semantics = [#tpu.dimension_semantics<core_parallel>, #tpu.dimension_semantics<subcore_parallel>], iteration_bounds = array<i64: 2, 16>, scalar_prefetch = 0 : i64, scratch_operands = 4 : i64, tpu.core_type = #tpu.core_type<sc_vector_subcore>, window_params = [{transform_indices = #map}, {transform_indices = #map}, {transform_indices = #map}, {transform_indices = #map1}]} {
    %mul3A = arith.constant 2 : i32
    %mul3A_0 = arith.muli %arg1, %mul3A : i32
    %add3A = arith.addi %mul3A_0, %arg0 : i32
    %mul3A_1 = arith.constant 632 : i32
    %mul3A_2 = arith.muli %arg1, %mul3A_1 : i32
    %multiple_of3A = tpu.assume_multiple %mul3A_2, 8 : i32
    "tpu.region"() ({
      %run_scoped3A = tpu.sem_alloc : memref<!tpu.dma_semaphore, #tpu.memory_space<semaphore_mem>>
      %dma_start3A = arith.constant 0 : i32
      %dma_start3A_8 = tpu.memref_slice %arg8[%multiple_of3A, %dma_start3A] : memref<10112x128xf32, #tpu.memory_space<vmem_shared>> -> memref<632x128xf32, #tpu.memory_space<vmem_shared>>
      %dma_start3A_9 = arith.constant 0 : i32
      %dma_start3A_10 = tpu.memref_slice %arg4[%multiple_of3A, %dma_start3A_9] : memref<10112x128xf32, #tpu.memory_space<hbm>> -> memref<632x128xf32, #tpu.memory_space<hbm>>
      tpu.enqueue_dma source(%dma_start3A_10 : memref<632x128xf32, #tpu.memory_space<hbm>>) target(%dma_start3A_8 : memref<632x128xf32, #tpu.memory_space<vmem_shared>>) target_semaphore(%run_scoped3A : memref<!tpu.dma_semaphore, #tpu.memory_space<semaphore_mem>>)
      %dma_wait3A = arith.constant 0 : i32
      %dma_wait3A_11 = tpu.memref_slice %arg8[%multiple_of3A, %dma_wait3A] : memref<10112x128xf32, #tpu.memory_space<vmem_shared>> -> memref<632x128xf32, #tpu.memory_space<vmem_shared>>
      %dma_wait3A_12 = arith.constant 0 : i32
      %dma_wait3A_13 = tpu.memref_slice %arg4[%multiple_of3A, %dma_wait3A_12] : memref<10112x128xf32, #tpu.memory_space<hbm>> -> memref<632x128xf32, #tpu.memory_space<hbm>>
      tpu.wait_dma2 semaphore(%run_scoped3A : memref<!tpu.dma_semaphore, #tpu.memory_space<semaphore_mem>>) src(%dma_wait3A_13 : memref<632x128xf32, #tpu.memory_space<hbm>>) dst(%dma_wait3A_11 : memref<632x128xf32, #tpu.memory_space<vmem_shared>>)
      tpu.yield
    }) : () -> ()
    %barrier3A = arith.constant 0 : index
    tpu.barrier barrier_id(%barrier3A)
    %scan3A = arith.constant 0 : i32
    %scan3A_3 = arith.constant 20 : i32
    %scan3A_4 = arith.addi %scan3A, %scan3A_3 : i32
    %scan3A_5 = arith.constant 1 : i32
    scf.for %scan3A_8 = %scan3A to %scan3A_4 step %scan3A_5  : i32 {
      %mul3A_9 = arith.constant 1 : i32
      %mul3A_10 = arith.muli %scan3A_8, %mul3A_9 : i32
      %add3A_11 = arith.constant 0 : i32
      %add3A_12 = arith.addi %add3A_11, %mul3A_10 : i32
      %mul3A_13 = arith.constant 20 : i32
      %mul3A_14 = arith.muli %add3A, %mul3A_13 : i32
      %add3A_15 = arith.addi %mul3A_14, %add3A_12 : i32
      "tpu.region"() ({
        %run_scoped3A = tpu.sem_alloc : memref<!tpu.dma_semaphore, #tpu.memory_space<semaphore_mem>>
        %dma_start3A = arith.constant 0 : i32
        %dma_start3A_18 = tpu.memref_slice %arg3[%add3A_15, %dma_start3A] : memref<640x96xi32, #tpu.memory_space<hbm>> -> memref<1x96xi32, #tpu.memory_space<hbm>>
        %dma_start3A_19 = tpu.memref_squeeze %dma_start3A_18 : memref<1x96xi32, #tpu.memory_space<hbm>> -> memref<96xi32, #tpu.memory_space<hbm>>
        %dma_start3A_20 = arith.constant 0 : i32
        %dma_start3A_21 = tpu.memref_slice %arg3[%add3A_15, %dma_start3A_20] : memref<640x96xi32, #tpu.memory_space<hbm>> -> memref<1x96xi32, #tpu.memory_space<hbm>>
        %dma_start3A_22 = tpu.memref_squeeze %dma_start3A_21 : memref<1x96xi32, #tpu.memory_space<hbm>> -> memref<96xi32, #tpu.memory_space<hbm>>
        tpu.enqueue_dma source(%dma_start3A_22 : memref<96xi32, #tpu.memory_space<hbm>>) target(%arg6 : memref<96xi32, #tpu.memory_space<vmem>>) target_semaphore(%run_scoped3A : memref<!tpu.dma_semaphore, #tpu.memory_space<semaphore_mem>>)
        %dma_wait3A = arith.constant 0 : i32
        %dma_wait3A_23 = tpu.memref_slice %arg3[%add3A_15, %dma_wait3A] : memref<640x96xi32, #tpu.memory_space<hbm>> -> memref<1x96xi32, #tpu.memory_space<hbm>>
        %dma_wait3A_24 = tpu.memref_squeeze %dma_wait3A_23 : memref<1x96xi32, #tpu.memory_space<hbm>> -> memref<96xi32, #tpu.memory_space<hbm>>
        %dma_wait3A_25 = arith.constant 0 : i32
        %dma_wait3A_26 = tpu.memref_slice %arg3[%add3A_15, %dma_wait3A_25] : memref<640x96xi32, #tpu.memory_space<hbm>> -> memref<1x96xi32, #tpu.memory_space<hbm>>
        %dma_wait3A_27 = tpu.memref_squeeze %dma_wait3A_26 : memref<1x96xi32, #tpu.memory_space<hbm>> -> memref<96xi32, #tpu.memory_space<hbm>>
        tpu.wait_dma2 semaphore(%run_scoped3A : memref<!tpu.dma_semaphore, #tpu.memory_space<semaphore_mem>>) src(%dma_wait3A_27 : memref<96xi32, #tpu.memory_space<hbm>>) dst(%arg6 : memref<96xi32, #tpu.memory_space<vmem>>)
        tpu.yield
      }) : () -> ()
      %mul3A_16 = arith.constant 96 : i32
      %mul3A_17 = arith.muli %add3A_15, %mul3A_16 : i32
      "tpu.region"() ({
        %run_scoped3A = tpu.sem_alloc : memref<!tpu.dma_semaphore, #tpu.memory_space<semaphore_mem>>
        %dma_start3A = arith.constant 0 : i32
        %dma_start3A_18 = tpu.memref_slice %arg2[%mul3A_17, %dma_start3A] : memref<61440x128xf32, #tpu.memory_space<hbm>> -> memref<96x128xf32, #tpu.memory_space<hbm>>
        %dma_start3A_19 = arith.constant 0 : i32
        %dma_start3A_20 = tpu.memref_slice %arg2[%mul3A_17, %dma_start3A_19] : memref<61440x128xf32, #tpu.memory_space<hbm>> -> memref<96x128xf32, #tpu.memory_space<hbm>>
        tpu.enqueue_dma source(%dma_start3A_20 : memref<96x128xf32, #tpu.memory_space<hbm>>) target(%arg7 : memref<96x128xf32, #tpu.memory_space<vmem>>) target_semaphore(%run_scoped3A : memref<!tpu.dma_semaphore, #tpu.memory_space<semaphore_mem>>)
        %dma_wait3A = arith.constant 0 : i32
        %dma_wait3A_21 = tpu.memref_slice %arg2[%mul3A_17, %dma_wait3A] : memref<61440x128xf32, #tpu.memory_space<hbm>> -> memref<96x128xf32, #tpu.memory_space<hbm>>
        %dma_wait3A_22 = arith.constant 0 : i32
        %dma_wait3A_23 = tpu.memref_slice %arg2[%mul3A_17, %dma_wait3A_22] : memref<61440x128xf32, #tpu.memory_space<hbm>> -> memref<96x128xf32, #tpu.memory_space<hbm>>
        tpu.wait_dma2 semaphore(%run_scoped3A : memref<!tpu.dma_semaphore, #tpu.memory_space<semaphore_mem>>) src(%dma_wait3A_23 : memref<96x128xf32, #tpu.memory_space<hbm>>) dst(%arg7 : memref<96x128xf32, #tpu.memory_space<vmem>>)
        tpu.yield
      }) : () -> ()
      "tpu.region"() ({
        %run_scoped3A = tpu.sem_alloc : memref<!tpu.dma_semaphore, #tpu.memory_space<semaphore_mem>>
        %dma_start3A = arith.constant 0 : i32
        %dma_start3A_18 = arith.constant 0 : i32
        %dma_start3A_19 = tpu.memref_slice %arg8[%dma_start3A, %dma_start3A_18] : memref<10112x128xf32, #tpu.memory_space<vmem_shared>> -> memref<10112x128xf32, #tpu.memory_space<vmem_shared>>
        tpu.enqueue_indirect_dma source(%arg7 : memref<96x128xf32, #tpu.memory_space<vmem>>) target(%dma_start3A_19 : memref<10112x128xf32, #tpu.memory_space<vmem_shared>>) offsets(%arg6 : memref<96xi32, #tpu.memory_space<vmem>>) semaphore(%run_scoped3A : memref<!tpu.dma_semaphore, #tpu.memory_space<semaphore_mem>>) {add = true}
        %dma_wait3A = arith.constant 0 : i32
        %dma_wait3A_20 = arith.constant 0 : i32
        %dma_wait3A_21 = tpu.memref_slice %arg8[%dma_wait3A, %dma_wait3A_20] : memref<10112x128xf32, #tpu.memory_space<vmem_shared>> -> memref<10112x128xf32, #tpu.memory_space<vmem_shared>>
        tpu.wait_indirect_dma semaphore(%run_scoped3A : memref<!tpu.dma_semaphore, #tpu.memory_space<semaphore_mem>>) src(%arg7 : memref<96x128xf32, #tpu.memory_space<vmem>>) dst(%dma_wait3A_21 : memref<10112x128xf32, #tpu.memory_space<vmem_shared>>)
        tpu.yield
      }) : () -> ()
    }
    %scan3A_6 = arith.constant 20 : i32
    %barrier3A_7 = arith.constant 0 : index
    tpu.barrier barrier_id(%barrier3A_7)
    "tpu.region"() ({
      %run_scoped3A = tpu.sem_alloc : memref<!tpu.dma_semaphore, #tpu.memory_space<semaphore_mem>>
      %dma_start3A = arith.constant 0 : i32
      %dma_start3A_8 = arith.constant 0 : i32
      %dma_start3A_9 = tpu.memref_slice %arg5[%arg0, %dma_start3A, %dma_start3A_8] : memref<2x10112x128xf32, #tpu.memory_space<hbm>> -> memref<1x10112x128xf32, #tpu.memory_space<hbm>>
      %dma_start3A_10 = tpu.memref_squeeze %dma_start3A_9 : memref<1x10112x128xf32, #tpu.memory_space<hbm>> -> memref<10112x128xf32, #tpu.memory_space<hbm>>
      %dma_start3A_11 = arith.constant 0 : i32
      %dma_start3A_12 = tpu.memref_slice %dma_start3A_10[%multiple_of3A, %dma_start3A_11] : memref<10112x128xf32, #tpu.memory_space<hbm>> -> memref<632x128xf32, #tpu.memory_space<hbm>>
      %dma_start3A_13 = arith.constant 0 : i32
      %dma_start3A_14 = tpu.memref_slice %arg8[%multiple_of3A, %dma_start3A_13] : memref<10112x128xf32, #tpu.memory_space<vmem_shared>> -> memref<632x128xf32, #tpu.memory_space<vmem_shared>>
      tpu.enqueue_dma source(%dma_start3A_14 : memref<632x128xf32, #tpu.memory_space<vmem_shared>>) target(%dma_start3A_12 : memref<632x128xf32, #tpu.memory_space<hbm>>) target_semaphore(%run_scoped3A : memref<!tpu.dma_semaphore, #tpu.memory_space<semaphore_mem>>)
      %dma_wait3A = arith.constant 0 : i32
      %dma_wait3A_15 = arith.constant 0 : i32
      %dma_wait3A_16 = tpu.memref_slice %arg5[%arg0, %dma_wait3A, %dma_wait3A_15] : memref<2x10112x128xf32, #tpu.memory_space<hbm>> -> memref<1x10112x128xf32, #tpu.memory_space<hbm>>
      %dma_wait3A_17 = tpu.memref_squeeze %dma_wait3A_16 : memref<1x10112x128xf32, #tpu.memory_space<hbm>> -> memref<10112x128xf32, #tpu.memory_space<hbm>>
      %dma_wait3A_18 = arith.constant 0 : i32
      %dma_wait3A_19 = tpu.memref_slice %dma_wait3A_17[%multiple_of3A, %dma_wait3A_18] : memref<10112x128xf32, #tpu.memory_space<hbm>> -> memref<632x128xf32, #tpu.memory_space<hbm>>
      %dma_wait3A_20 = arith.constant 0 : i32
      %dma_wait3A_21 = tpu.memref_slice %arg8[%multiple_of3A, %dma_wait3A_20] : memref<10112x128xf32, #tpu.memory_space<vmem_shared>> -> memref<632x128xf32, #tpu.memory_space<vmem_shared>>
      tpu.wait_dma2 semaphore(%run_scoped3A : memref<!tpu.dma_semaphore, #tpu.memory_space<semaphore_mem>>) src(%dma_wait3A_21 : memref<632x128xf32, #tpu.memory_space<vmem_shared>>) dst(%dma_wait3A_19 : memref<632x128xf32, #tpu.memory_space<hbm>>)
      tpu.yield
    }) : () -> ()
    return
  }
}

#map = affine_map<(d0, d1) -> (0, 0)>
#map1 = affine_map<(d0, d1) -> (0, 0, 0)>
module attributes {stable_mosaic.version = 14 : i64} {
  func.func @k(%arg0: i32, %arg1: i32, %arg2: memref<10000x128xf32, #tpu.memory_space<hbm>>, %arg3: memref<32x106x96xi32, #tpu.memory_space<hbm>>, %arg4: memref<325632x128xf32, #tpu.memory_space<hbm>>, %arg5: memref<106x96xi32, #tpu.memory_space<vmem>>, %arg6: memref<96x128xf32, #tpu.memory_space<vmem>>, %arg7: memref<96x128xf32, #tpu.memory_space<vmem>>, %arg8: memref<!tpu.dma_semaphore, #tpu.memory_space<semaphore_mem>>, %arg9: memref<!tpu.dma_semaphore, #tpu.memory_space<semaphore_mem>>, %arg10: memref<!tpu.dma_semaphore, #tpu.memory_space<semaphore_mem>>, %arg11: memref<!tpu.dma_semaphore, #tpu.memory_space<semaphore_mem>>) attributes {dimension_semantics = [#tpu.dimension_semantics<core_parallel>, #tpu.dimension_semantics<subcore_parallel>], iteration_bounds = array<i64: 2, 16>, scalar_prefetch = 0 : i64, scratch_operands = 7 : i64, tpu.core_type = #tpu.core_type<sc_vector_subcore>, window_params = [{transform_indices = #map}, {transform_indices = #map1}, {transform_indices = #map}]} {
    %mul3A = arith.constant 2 : i32
    %mul3A_0 = arith.muli %arg1, %mul3A : i32
    %add3A = arith.addi %mul3A_0, %arg0 : i32
    %mul3A_1 = arith.constant 10176 : i32
    %mul3A_2 = arith.muli %add3A, %mul3A_1 : i32
    "tpu.region"() ({
      %run_scoped3A = tpu.sem_alloc : memref<!tpu.dma_semaphore, #tpu.memory_space<semaphore_mem>>
      %dma_start3A_31 = arith.constant 0 : i32
      %dma_start3A_32 = arith.constant 0 : i32
      %dma_start3A_33 = tpu.memref_slice %arg3[%add3A, %dma_start3A_31, %dma_start3A_32] : memref<32x106x96xi32, #tpu.memory_space<hbm>> -> memref<1x106x96xi32, #tpu.memory_space<hbm>>
      %dma_start3A_34 = tpu.memref_squeeze %dma_start3A_33 : memref<1x106x96xi32, #tpu.memory_space<hbm>> -> memref<106x96xi32, #tpu.memory_space<hbm>>
      %dma_start3A_35 = arith.constant 0 : i32
      %dma_start3A_36 = arith.constant 0 : i32
      %dma_start3A_37 = tpu.memref_slice %arg3[%add3A, %dma_start3A_35, %dma_start3A_36] : memref<32x106x96xi32, #tpu.memory_space<hbm>> -> memref<1x106x96xi32, #tpu.memory_space<hbm>>
      %dma_start3A_38 = tpu.memref_squeeze %dma_start3A_37 : memref<1x106x96xi32, #tpu.memory_space<hbm>> -> memref<106x96xi32, #tpu.memory_space<hbm>>
      tpu.enqueue_dma source(%dma_start3A_38 : memref<106x96xi32, #tpu.memory_space<hbm>>) target(%arg5 : memref<106x96xi32, #tpu.memory_space<vmem>>) target_semaphore(%run_scoped3A : memref<!tpu.dma_semaphore, #tpu.memory_space<semaphore_mem>>)
      %dma_wait3A_39 = arith.constant 0 : i32
      %dma_wait3A_40 = arith.constant 0 : i32
      %dma_wait3A_41 = tpu.memref_slice %arg3[%add3A, %dma_wait3A_39, %dma_wait3A_40] : memref<32x106x96xi32, #tpu.memory_space<hbm>> -> memref<1x106x96xi32, #tpu.memory_space<hbm>>
      %dma_wait3A_42 = tpu.memref_squeeze %dma_wait3A_41 : memref<1x106x96xi32, #tpu.memory_space<hbm>> -> memref<106x96xi32, #tpu.memory_space<hbm>>
      %dma_wait3A_43 = arith.constant 0 : i32
      %dma_wait3A_44 = arith.constant 0 : i32
      %dma_wait3A_45 = tpu.memref_slice %arg3[%add3A, %dma_wait3A_43, %dma_wait3A_44] : memref<32x106x96xi32, #tpu.memory_space<hbm>> -> memref<1x106x96xi32, #tpu.memory_space<hbm>>
      %dma_wait3A_46 = tpu.memref_squeeze %dma_wait3A_45 : memref<1x106x96xi32, #tpu.memory_space<hbm>> -> memref<106x96xi32, #tpu.memory_space<hbm>>
      tpu.wait_dma2 semaphore(%run_scoped3A : memref<!tpu.dma_semaphore, #tpu.memory_space<semaphore_mem>>) src(%dma_wait3A_46 : memref<106x96xi32, #tpu.memory_space<hbm>>) dst(%arg5 : memref<106x96xi32, #tpu.memory_space<vmem>>)
      tpu.yield
    }) : () -> ()
    %dma_start3A = arith.constant 0 : i32
    %dma_start3A_3 = arith.constant 0 : i32
    %dma_start3A_4 = tpu.memref_slice %arg5[%dma_start3A, %dma_start3A_3] : memref<106x96xi32, #tpu.memory_space<vmem>> -> memref<1x96xi32, #tpu.memory_space<vmem>>
    %dma_start3A_5 = tpu.memref_squeeze %dma_start3A_4 : memref<1x96xi32, #tpu.memory_space<vmem>> -> memref<96xi32, #tpu.memory_space<vmem>>
    %dma_start3A_6 = arith.constant 0 : i32
    %dma_start3A_7 = arith.constant 0 : i32
    %dma_start3A_8 = tpu.memref_slice %arg2[%dma_start3A_6, %dma_start3A_7] : memref<10000x128xf32, #tpu.memory_space<hbm>> -> memref<10000x128xf32, #tpu.memory_space<hbm>>
    tpu.enqueue_indirect_dma source(%dma_start3A_8 : memref<10000x128xf32, #tpu.memory_space<hbm>>) target(%arg6 : memref<96x128xf32, #tpu.memory_space<vmem>>) offsets(%dma_start3A_5 : memref<96xi32, #tpu.memory_space<vmem>>) semaphore(%arg8 : memref<!tpu.dma_semaphore, #tpu.memory_space<semaphore_mem>>)
    %dma_start3A_9 = arith.constant 1 : i32
    %dma_start3A_10 = arith.constant 0 : i32
    %dma_start3A_11 = tpu.memref_slice %arg5[%dma_start3A_9, %dma_start3A_10] : memref<106x96xi32, #tpu.memory_space<vmem>> -> memref<1x96xi32, #tpu.memory_space<vmem>>
    %dma_start3A_12 = tpu.memref_squeeze %dma_start3A_11 : memref<1x96xi32, #tpu.memory_space<vmem>> -> memref<96xi32, #tpu.memory_space<vmem>>
    %dma_start3A_13 = arith.constant 0 : i32
    %dma_start3A_14 = arith.constant 0 : i32
    %dma_start3A_15 = tpu.memref_slice %arg2[%dma_start3A_13, %dma_start3A_14] : memref<10000x128xf32, #tpu.memory_space<hbm>> -> memref<10000x128xf32, #tpu.memory_space<hbm>>
    tpu.enqueue_indirect_dma source(%dma_start3A_15 : memref<10000x128xf32, #tpu.memory_space<hbm>>) target(%arg7 : memref<96x128xf32, #tpu.memory_space<vmem>>) offsets(%dma_start3A_12 : memref<96xi32, #tpu.memory_space<vmem>>) semaphore(%arg9 : memref<!tpu.dma_semaphore, #tpu.memory_space<semaphore_mem>>)
    %scan3A = arith.constant 0 : i32
    %scan3A_16 = arith.constant 53 : i32
    %scan3A_17 = arith.addi %scan3A, %scan3A_16 : i32
    %scan3A_18 = arith.constant 1 : i32
    scf.for %scan3A_31 = %scan3A to %scan3A_17 step %scan3A_18  : i32 {
      %mul3A_32 = arith.constant 2 : i32
      %mul3A_33 = arith.muli %scan3A_31, %mul3A_32 : i32
      %add3A_34 = arith.constant 0 : i32
      %add3A_35 = arith.addi %add3A_34, %mul3A_33 : i32
      %add3A_36 = arith.constant 0 : i32
      %add3A_37 = arith.addi %add3A_35, %add3A_36 : i32
      %dma_wait3A_38 = arith.constant 0 : i32
      %dma_wait3A_39 = arith.constant 0 : i32
      %dma_wait3A_40 = tpu.memref_slice %arg5[%dma_wait3A_38, %dma_wait3A_39] : memref<106x96xi32, #tpu.memory_space<vmem>> -> memref<1x96xi32, #tpu.memory_space<vmem>>
      %dma_wait3A_41 = tpu.memref_squeeze %dma_wait3A_40 : memref<1x96xi32, #tpu.memory_space<vmem>> -> memref<96xi32, #tpu.memory_space<vmem>>
      %dma_wait3A_42 = arith.constant 0 : i32
      %dma_wait3A_43 = arith.constant 0 : i32
      %dma_wait3A_44 = tpu.memref_slice %arg2[%dma_wait3A_42, %dma_wait3A_43] : memref<10000x128xf32, #tpu.memory_space<hbm>> -> memref<10000x128xf32, #tpu.memory_space<hbm>>
      tpu.wait_indirect_dma semaphore(%arg8 : memref<!tpu.dma_semaphore, #tpu.memory_space<semaphore_mem>>) src(%dma_wait3A_44 : memref<10000x128xf32, #tpu.memory_space<hbm>>) dst(%arg6 : memref<96x128xf32, #tpu.memory_space<vmem>>)
      %mul3A_45 = arith.constant 96 : i32
      %mul3A_46 = arith.muli %add3A_37, %mul3A_45 : i32
      %add3A_47 = arith.addi %mul3A_2, %mul3A_46 : i32
      %dma_start3A_48 = arith.constant 0 : i32
      %dma_start3A_49 = tpu.memref_slice %arg4[%add3A_47, %dma_start3A_48] : memref<325632x128xf32, #tpu.memory_space<hbm>> -> memref<96x128xf32, #tpu.memory_space<hbm>>
      %dma_start3A_50 = arith.constant 0 : i32
      %dma_start3A_51 = tpu.memref_slice %arg4[%add3A_47, %dma_start3A_50] : memref<325632x128xf32, #tpu.memory_space<hbm>> -> memref<96x128xf32, #tpu.memory_space<hbm>>
      tpu.enqueue_dma source(%arg6 : memref<96x128xf32, #tpu.memory_space<vmem>>) target(%dma_start3A_51 : memref<96x128xf32, #tpu.memory_space<hbm>>) target_semaphore(%arg10 : memref<!tpu.dma_semaphore, #tpu.memory_space<semaphore_mem>>)
      %add3A_52 = arith.constant 2 : i32
      %add3A_53 = arith.addi %add3A_37, %add3A_52 : i32
      %lt3A = arith.constant 106 : i32
      %lt3A_54 = arith.cmpi slt, %add3A_53, %lt3A : i32
      %convert_element_type3A = arith.extui %lt3A_54 : i1 to i32
      %cond3A = arith.constant 0 : i32
      %cond3A_55 = arith.cmpi ne, %convert_element_type3A, %cond3A : i32
      scf.if %cond3A_55 {
        %mul3A_79 = arith.constant 96 : i32
        %mul3A_80 = arith.muli %add3A_37, %mul3A_79 : i32
        %add3A_81 = arith.addi %mul3A_2, %mul3A_80 : i32
        %dma_wait3A_82 = arith.constant 0 : i32
        %dma_wait3A_83 = tpu.memref_slice %arg4[%add3A_81, %dma_wait3A_82] : memref<325632x128xf32, #tpu.memory_space<hbm>> -> memref<96x128xf32, #tpu.memory_space<hbm>>
        %dma_wait3A_84 = arith.constant 0 : i32
        %dma_wait3A_85 = tpu.memref_slice %arg4[%add3A_81, %dma_wait3A_84] : memref<325632x128xf32, #tpu.memory_space<hbm>> -> memref<96x128xf32, #tpu.memory_space<hbm>>
        tpu.wait_dma2 semaphore(%arg10 : memref<!tpu.dma_semaphore, #tpu.memory_space<semaphore_mem>>) src(%arg6 : memref<96x128xf32, #tpu.memory_space<vmem>>) dst(%dma_wait3A_85 : memref<96x128xf32, #tpu.memory_space<hbm>>)
        %add3A_86 = arith.constant 2 : i32
        %add3A_87 = arith.addi %add3A_37, %add3A_86 : i32
        %dma_start3A_88 = arith.constant 0 : i32
        %dma_start3A_89 = tpu.memref_slice %arg5[%add3A_87, %dma_start3A_88] : memref<106x96xi32, #tpu.memory_space<vmem>> -> memref<1x96xi32, #tpu.memory_space<vmem>>
        %dma_start3A_90 = tpu.memref_squeeze %dma_start3A_89 : memref<1x96xi32, #tpu.memory_space<vmem>> -> memref<96xi32, #tpu.memory_space<vmem>>
        %dma_start3A_91 = arith.constant 0 : i32
        %dma_start3A_92 = arith.constant 0 : i32
        %dma_start3A_93 = tpu.memref_slice %arg2[%dma_start3A_91, %dma_start3A_92] : memref<10000x128xf32, #tpu.memory_space<hbm>> -> memref<10000x128xf32, #tpu.memory_space<hbm>>
        tpu.enqueue_indirect_dma source(%dma_start3A_93 : memref<10000x128xf32, #tpu.memory_space<hbm>>) target(%arg6 : memref<96x128xf32, #tpu.memory_space<vmem>>) offsets(%dma_start3A_90 : memref<96xi32, #tpu.memory_space<vmem>>) semaphore(%arg8 : memref<!tpu.dma_semaphore, #tpu.memory_space<semaphore_mem>>)
      } else {
      }
      %add3A_56 = arith.constant 1 : i32
      %add3A_57 = arith.addi %add3A_35, %add3A_56 : i32
      %dma_wait3A_58 = arith.constant 0 : i32
      %dma_wait3A_59 = arith.constant 0 : i32
      %dma_wait3A_60 = tpu.memref_slice %arg5[%dma_wait3A_58, %dma_wait3A_59] : memref<106x96xi32, #tpu.memory_space<vmem>> -> memref<1x96xi32, #tpu.memory_space<vmem>>
      %dma_wait3A_61 = tpu.memref_squeeze %dma_wait3A_60 : memref<1x96xi32, #tpu.memory_space<vmem>> -> memref<96xi32, #tpu.memory_space<vmem>>
      %dma_wait3A_62 = arith.constant 0 : i32
      %dma_wait3A_63 = arith.constant 0 : i32
      %dma_wait3A_64 = tpu.memref_slice %arg2[%dma_wait3A_62, %dma_wait3A_63] : memref<10000x128xf32, #tpu.memory_space<hbm>> -> memref<10000x128xf32, #tpu.memory_space<hbm>>
      tpu.wait_indirect_dma semaphore(%arg9 : memref<!tpu.dma_semaphore, #tpu.memory_space<semaphore_mem>>) src(%dma_wait3A_64 : memref<10000x128xf32, #tpu.memory_space<hbm>>) dst(%arg7 : memref<96x128xf32, #tpu.memory_space<vmem>>)
      %mul3A_65 = arith.constant 96 : i32
      %mul3A_66 = arith.muli %add3A_57, %mul3A_65 : i32
      %add3A_67 = arith.addi %mul3A_2, %mul3A_66 : i32
      %dma_start3A_68 = arith.constant 0 : i32
      %dma_start3A_69 = tpu.memref_slice %arg4[%add3A_67, %dma_start3A_68] : memref<325632x128xf32, #tpu.memory_space<hbm>> -> memref<96x128xf32, #tpu.memory_space<hbm>>
      %dma_start3A_70 = arith.constant 0 : i32
      %dma_start3A_71 = tpu.memref_slice %arg4[%add3A_67, %dma_start3A_70] : memref<325632x128xf32, #tpu.memory_space<hbm>> -> memref<96x128xf32, #tpu.memory_space<hbm>>
      tpu.enqueue_dma source(%arg7 : memref<96x128xf32, #tpu.memory_space<vmem>>) target(%dma_start3A_71 : memref<96x128xf32, #tpu.memory_space<hbm>>) target_semaphore(%arg11 : memref<!tpu.dma_semaphore, #tpu.memory_space<semaphore_mem>>)
      %add3A_72 = arith.constant 2 : i32
      %add3A_73 = arith.addi %add3A_57, %add3A_72 : i32
      %lt3A_74 = arith.constant 106 : i32
      %lt3A_75 = arith.cmpi slt, %add3A_73, %lt3A_74 : i32
      %convert_element_type3A_76 = arith.extui %lt3A_75 : i1 to i32
      %cond3A_77 = arith.constant 0 : i32
      %cond3A_78 = arith.cmpi ne, %convert_element_type3A_76, %cond3A_77 : i32
      scf.if %cond3A_78 {
        %mul3A_79 = arith.constant 96 : i32
        %mul3A_80 = arith.muli %add3A_57, %mul3A_79 : i32
        %add3A_81 = arith.addi %mul3A_2, %mul3A_80 : i32
        %dma_wait3A_82 = arith.constant 0 : i32
        %dma_wait3A_83 = tpu.memref_slice %arg4[%add3A_81, %dma_wait3A_82] : memref<325632x128xf32, #tpu.memory_space<hbm>> -> memref<96x128xf32, #tpu.memory_space<hbm>>
        %dma_wait3A_84 = arith.constant 0 : i32
        %dma_wait3A_85 = tpu.memref_slice %arg4[%add3A_81, %dma_wait3A_84] : memref<325632x128xf32, #tpu.memory_space<hbm>> -> memref<96x128xf32, #tpu.memory_space<hbm>>
        tpu.wait_dma2 semaphore(%arg11 : memref<!tpu.dma_semaphore, #tpu.memory_space<semaphore_mem>>) src(%arg7 : memref<96x128xf32, #tpu.memory_space<vmem>>) dst(%dma_wait3A_85 : memref<96x128xf32, #tpu.memory_space<hbm>>)
        %add3A_86 = arith.constant 2 : i32
        %add3A_87 = arith.addi %add3A_57, %add3A_86 : i32
        %dma_start3A_88 = arith.constant 0 : i32
        %dma_start3A_89 = tpu.memref_slice %arg5[%add3A_87, %dma_start3A_88] : memref<106x96xi32, #tpu.memory_space<vmem>> -> memref<1x96xi32, #tpu.memory_space<vmem>>
        %dma_start3A_90 = tpu.memref_squeeze %dma_start3A_89 : memref<1x96xi32, #tpu.memory_space<vmem>> -> memref<96xi32, #tpu.memory_space<vmem>>
        %dma_start3A_91 = arith.constant 0 : i32
        %dma_start3A_92 = arith.constant 0 : i32
        %dma_start3A_93 = tpu.memref_slice %arg2[%dma_start3A_91, %dma_start3A_92] : memref<10000x128xf32, #tpu.memory_space<hbm>> -> memref<10000x128xf32, #tpu.memory_space<hbm>>
        tpu.enqueue_indirect_dma source(%dma_start3A_93 : memref<10000x128xf32, #tpu.memory_space<hbm>>) target(%arg7 : memref<96x128xf32, #tpu.memory_space<vmem>>) offsets(%dma_start3A_90 : memref<96xi32, #tpu.memory_space<vmem>>) semaphore(%arg9 : memref<!tpu.dma_semaphore, #tpu.memory_space<semaphore_mem>>)
      } else {
      }
    }
    %scan3A_19 = arith.constant 53 : i32
    %add3A_20 = arith.constant 0 : i32
    %add3A_21 = arith.addi %mul3A_2, %add3A_20 : i32
    %dma_wait3A = arith.constant 0 : i32
    %dma_wait3A_22 = tpu.memref_slice %arg4[%add3A_21, %dma_wait3A] : memref<325632x128xf32, #tpu.memory_space<hbm>> -> memref<96x128xf32, #tpu.memory_space<hbm>>
    %dma_wait3A_23 = arith.constant 0 : i32
    %dma_wait3A_24 = tpu.memref_slice %arg4[%add3A_21, %dma_wait3A_23] : memref<325632x128xf32, #tpu.memory_space<hbm>> -> memref<96x128xf32, #tpu.memory_space<hbm>>
    tpu.wait_dma2 semaphore(%arg10 : memref<!tpu.dma_semaphore, #tpu.memory_space<semaphore_mem>>) src(%arg6 : memref<96x128xf32, #tpu.memory_space<vmem>>) dst(%dma_wait3A_24 : memref<96x128xf32, #tpu.memory_space<hbm>>)
    %add3A_25 = arith.constant 0 : i32
    %add3A_26 = arith.addi %mul3A_2, %add3A_25 : i32
    %dma_wait3A_27 = arith.constant 0 : i32
    %dma_wait3A_28 = tpu.memref_slice %arg4[%add3A_26, %dma_wait3A_27] : memref<325632x128xf32, #tpu.memory_space<hbm>> -> memref<96x128xf32, #tpu.memory_space<hbm>>
    %dma_wait3A_29 = arith.constant 0 : i32
    %dma_wait3A_30 = tpu.memref_slice %arg4[%add3A_26, %dma_wait3A_29] : memref<325632x128xf32, #tpu.memory_space<hbm>> -> memref<96x128xf32, #tpu.memory_space<hbm>>
    tpu.wait_dma2 semaphore(%arg11 : memref<!tpu.dma_semaphore, #tpu.memory_space<semaphore_mem>>) src(%arg7 : memref<96x128xf32, #tpu.memory_space<vmem>>) dst(%dma_wait3A_30 : memref<96x128xf32, #tpu.memory_space<hbm>>)
    return
  }
}

#map = affine_map<(d0, d1) -> (0, 0)>
#map1 = affine_map<(d0, d1) -> (0, 0, 0)>
module attributes {stable_mosaic.version = 14 : i64} {
  func.func @k(%arg0: i32, %arg1: i32, %arg2: memref<165888x128xf32, #tpu.memory_space<hbm>>, %arg3: memref<1728x96xi32, #tpu.memory_space<hbm>>, %arg4: memref<10112x128xf32, #tpu.memory_space<hbm>>, %arg5: memref<2x10112x128xf32, #tpu.memory_space<hbm>>, %arg6: memref<96xi32, #tpu.memory_space<vmem>>, %arg7: memref<96x128xf32, #tpu.memory_space<vmem>>, %arg8: memref<10112x128xf32, #tpu.memory_space<vmem_shared>>, %arg9: memref<!tpu.dma_semaphore, #tpu.memory_space<semaphore_mem>>) attributes {dimension_semantics = [#tpu.dimension_semantics<core_parallel>, #tpu.dimension_semantics<subcore_parallel>], iteration_bounds = array<i64: 2, 16>, scalar_prefetch = 0 : i64, scratch_operands = 4 : i64, tpu.core_type = #tpu.core_type<sc_vector_subcore>, window_params = [{transform_indices = #map}, {transform_indices = #map}, {transform_indices = #map}, {transform_indices = #map1}]} {
    %mul3A = arith.constant 2 : i32
    %mul3A_0 = arith.muli %arg1, %mul3A : i32
    %add3A = arith.addi %mul3A_0, %arg0 : i32
    %mul3A_1 = arith.constant 632 : i32
    %mul3A_2 = arith.muli %arg1, %mul3A_1 : i32
    %multiple_of3A = tpu.assume_multiple %mul3A_2, 8 : i32
    "tpu.region"() ({
      %run_scoped3A = tpu.sem_alloc : memref<!tpu.dma_semaphore, #tpu.memory_space<semaphore_mem>>
      %dma_start3A = arith.constant 0 : i32
      %dma_start3A_8 = tpu.memref_slice %arg8[%multiple_of3A, %dma_start3A] : memref<10112x128xf32, #tpu.memory_space<vmem_shared>> -> memref<632x128xf32, #tpu.memory_space<vmem_shared>>
      %dma_start3A_9 = arith.constant 0 : i32
      %dma_start3A_10 = tpu.memref_slice %arg4[%multiple_of3A, %dma_start3A_9] : memref<10112x128xf32, #tpu.memory_space<hbm>> -> memref<632x128xf32, #tpu.memory_space<hbm>>
      tpu.enqueue_dma source(%dma_start3A_10 : memref<632x128xf32, #tpu.memory_space<hbm>>) target(%dma_start3A_8 : memref<632x128xf32, #tpu.memory_space<vmem_shared>>) target_semaphore(%run_scoped3A : memref<!tpu.dma_semaphore, #tpu.memory_space<semaphore_mem>>)
      %dma_wait3A = arith.constant 0 : i32
      %dma_wait3A_11 = tpu.memref_slice %arg8[%multiple_of3A, %dma_wait3A] : memref<10112x128xf32, #tpu.memory_space<vmem_shared>> -> memref<632x128xf32, #tpu.memory_space<vmem_shared>>
      %dma_wait3A_12 = arith.constant 0 : i32
      %dma_wait3A_13 = tpu.memref_slice %arg4[%multiple_of3A, %dma_wait3A_12] : memref<10112x128xf32, #tpu.memory_space<hbm>> -> memref<632x128xf32, #tpu.memory_space<hbm>>
      tpu.wait_dma2 semaphore(%run_scoped3A : memref<!tpu.dma_semaphore, #tpu.memory_space<semaphore_mem>>) src(%dma_wait3A_13 : memref<632x128xf32, #tpu.memory_space<hbm>>) dst(%dma_wait3A_11 : memref<632x128xf32, #tpu.memory_space<vmem_shared>>)
      tpu.yield
    }) : () -> ()
    %barrier3A = arith.constant 0 : index
    tpu.barrier barrier_id(%barrier3A)
    %scan3A = arith.constant 0 : i32
    %scan3A_3 = arith.constant 54 : i32
    %scan3A_4 = arith.addi %scan3A, %scan3A_3 : i32
    %scan3A_5 = arith.constant 1 : i32
    scf.for %scan3A_8 = %scan3A to %scan3A_4 step %scan3A_5  : i32 {
      %mul3A_9 = arith.constant 1 : i32
      %mul3A_10 = arith.muli %scan3A_8, %mul3A_9 : i32
      %add3A_11 = arith.constant 0 : i32
      %add3A_12 = arith.addi %add3A_11, %mul3A_10 : i32
      %mul3A_13 = arith.constant 54 : i32
      %mul3A_14 = arith.muli %add3A, %mul3A_13 : i32
      %add3A_15 = arith.addi %mul3A_14, %add3A_12 : i32
      "tpu.region"() ({
        %run_scoped3A = tpu.sem_alloc : memref<!tpu.dma_semaphore, #tpu.memory_space<semaphore_mem>>
        %dma_start3A = arith.constant 0 : i32
        %dma_start3A_18 = tpu.memref_slice %arg3[%add3A_15, %dma_start3A] : memref<1728x96xi32, #tpu.memory_space<hbm>> -> memref<1x96xi32, #tpu.memory_space<hbm>>
        %dma_start3A_19 = tpu.memref_squeeze %dma_start3A_18 : memref<1x96xi32, #tpu.memory_space<hbm>> -> memref<96xi32, #tpu.memory_space<hbm>>
        %dma_start3A_20 = arith.constant 0 : i32
        %dma_start3A_21 = tpu.memref_slice %arg3[%add3A_15, %dma_start3A_20] : memref<1728x96xi32, #tpu.memory_space<hbm>> -> memref<1x96xi32, #tpu.memory_space<hbm>>
        %dma_start3A_22 = tpu.memref_squeeze %dma_start3A_21 : memref<1x96xi32, #tpu.memory_space<hbm>> -> memref<96xi32, #tpu.memory_space<hbm>>
        tpu.enqueue_dma source(%dma_start3A_22 : memref<96xi32, #tpu.memory_space<hbm>>) target(%arg6 : memref<96xi32, #tpu.memory_space<vmem>>) target_semaphore(%run_scoped3A : memref<!tpu.dma_semaphore, #tpu.memory_space<semaphore_mem>>)
        %dma_wait3A = arith.constant 0 : i32
        %dma_wait3A_23 = tpu.memref_slice %arg3[%add3A_15, %dma_wait3A] : memref<1728x96xi32, #tpu.memory_space<hbm>> -> memref<1x96xi32, #tpu.memory_space<hbm>>
        %dma_wait3A_24 = tpu.memref_squeeze %dma_wait3A_23 : memref<1x96xi32, #tpu.memory_space<hbm>> -> memref<96xi32, #tpu.memory_space<hbm>>
        %dma_wait3A_25 = arith.constant 0 : i32
        %dma_wait3A_26 = tpu.memref_slice %arg3[%add3A_15, %dma_wait3A_25] : memref<1728x96xi32, #tpu.memory_space<hbm>> -> memref<1x96xi32, #tpu.memory_space<hbm>>
        %dma_wait3A_27 = tpu.memref_squeeze %dma_wait3A_26 : memref<1x96xi32, #tpu.memory_space<hbm>> -> memref<96xi32, #tpu.memory_space<hbm>>
        tpu.wait_dma2 semaphore(%run_scoped3A : memref<!tpu.dma_semaphore, #tpu.memory_space<semaphore_mem>>) src(%dma_wait3A_27 : memref<96xi32, #tpu.memory_space<hbm>>) dst(%arg6 : memref<96xi32, #tpu.memory_space<vmem>>)
        tpu.yield
      }) : () -> ()
      %mul3A_16 = arith.constant 96 : i32
      %mul3A_17 = arith.muli %add3A_15, %mul3A_16 : i32
      "tpu.region"() ({
        %run_scoped3A = tpu.sem_alloc : memref<!tpu.dma_semaphore, #tpu.memory_space<semaphore_mem>>
        %dma_start3A = arith.constant 0 : i32
        %dma_start3A_18 = tpu.memref_slice %arg2[%mul3A_17, %dma_start3A] : memref<165888x128xf32, #tpu.memory_space<hbm>> -> memref<96x128xf32, #tpu.memory_space<hbm>>
        %dma_start3A_19 = arith.constant 0 : i32
        %dma_start3A_20 = tpu.memref_slice %arg2[%mul3A_17, %dma_start3A_19] : memref<165888x128xf32, #tpu.memory_space<hbm>> -> memref<96x128xf32, #tpu.memory_space<hbm>>
        tpu.enqueue_dma source(%dma_start3A_20 : memref<96x128xf32, #tpu.memory_space<hbm>>) target(%arg7 : memref<96x128xf32, #tpu.memory_space<vmem>>) target_semaphore(%run_scoped3A : memref<!tpu.dma_semaphore, #tpu.memory_space<semaphore_mem>>)
        %dma_wait3A = arith.constant 0 : i32
        %dma_wait3A_21 = tpu.memref_slice %arg2[%mul3A_17, %dma_wait3A] : memref<165888x128xf32, #tpu.memory_space<hbm>> -> memref<96x128xf32, #tpu.memory_space<hbm>>
        %dma_wait3A_22 = arith.constant 0 : i32
        %dma_wait3A_23 = tpu.memref_slice %arg2[%mul3A_17, %dma_wait3A_22] : memref<165888x128xf32, #tpu.memory_space<hbm>> -> memref<96x128xf32, #tpu.memory_space<hbm>>
        tpu.wait_dma2 semaphore(%run_scoped3A : memref<!tpu.dma_semaphore, #tpu.memory_space<semaphore_mem>>) src(%dma_wait3A_23 : memref<96x128xf32, #tpu.memory_space<hbm>>) dst(%arg7 : memref<96x128xf32, #tpu.memory_space<vmem>>)
        tpu.yield
      }) : () -> ()
      "tpu.region"() ({
        %run_scoped3A = tpu.sem_alloc : memref<!tpu.dma_semaphore, #tpu.memory_space<semaphore_mem>>
        %dma_start3A = arith.constant 0 : i32
        %dma_start3A_18 = arith.constant 0 : i32
        %dma_start3A_19 = tpu.memref_slice %arg8[%dma_start3A, %dma_start3A_18] : memref<10112x128xf32, #tpu.memory_space<vmem_shared>> -> memref<10112x128xf32, #tpu.memory_space<vmem_shared>>
        tpu.enqueue_indirect_dma source(%arg7 : memref<96x128xf32, #tpu.memory_space<vmem>>) target(%dma_start3A_19 : memref<10112x128xf32, #tpu.memory_space<vmem_shared>>) offsets(%arg6 : memref<96xi32, #tpu.memory_space<vmem>>) semaphore(%run_scoped3A : memref<!tpu.dma_semaphore, #tpu.memory_space<semaphore_mem>>) {add = true}
        %dma_wait3A = arith.constant 0 : i32
        %dma_wait3A_20 = arith.constant 0 : i32
        %dma_wait3A_21 = tpu.memref_slice %arg8[%dma_wait3A, %dma_wait3A_20] : memref<10112x128xf32, #tpu.memory_space<vmem_shared>> -> memref<10112x128xf32, #tpu.memory_space<vmem_shared>>
        tpu.wait_indirect_dma semaphore(%run_scoped3A : memref<!tpu.dma_semaphore, #tpu.memory_space<semaphore_mem>>) src(%arg7 : memref<96x128xf32, #tpu.memory_space<vmem>>) dst(%dma_wait3A_21 : memref<10112x128xf32, #tpu.memory_space<vmem_shared>>)
        tpu.yield
      }) : () -> ()
    }
    %scan3A_6 = arith.constant 54 : i32
    %barrier3A_7 = arith.constant 0 : index
    tpu.barrier barrier_id(%barrier3A_7)
    "tpu.region"() ({
      %run_scoped3A = tpu.sem_alloc : memref<!tpu.dma_semaphore, #tpu.memory_space<semaphore_mem>>
      %dma_start3A = arith.constant 0 : i32
      %dma_start3A_8 = arith.constant 0 : i32
      %dma_start3A_9 = tpu.memref_slice %arg5[%arg0, %dma_start3A, %dma_start3A_8] : memref<2x10112x128xf32, #tpu.memory_space<hbm>> -> memref<1x10112x128xf32, #tpu.memory_space<hbm>>
      %dma_start3A_10 = tpu.memref_squeeze %dma_start3A_9 : memref<1x10112x128xf32, #tpu.memory_space<hbm>> -> memref<10112x128xf32, #tpu.memory_space<hbm>>
      %dma_start3A_11 = arith.constant 0 : i32
      %dma_start3A_12 = tpu.memref_slice %dma_start3A_10[%multiple_of3A, %dma_start3A_11] : memref<10112x128xf32, #tpu.memory_space<hbm>> -> memref<632x128xf32, #tpu.memory_space<hbm>>
      %dma_start3A_13 = arith.constant 0 : i32
      %dma_start3A_14 = tpu.memref_slice %arg8[%multiple_of3A, %dma_start3A_13] : memref<10112x128xf32, #tpu.memory_space<vmem_shared>> -> memref<632x128xf32, #tpu.memory_space<vmem_shared>>
      tpu.enqueue_dma source(%dma_start3A_14 : memref<632x128xf32, #tpu.memory_space<vmem_shared>>) target(%dma_start3A_12 : memref<632x128xf32, #tpu.memory_space<hbm>>) target_semaphore(%run_scoped3A : memref<!tpu.dma_semaphore, #tpu.memory_space<semaphore_mem>>)
      %dma_wait3A = arith.constant 0 : i32
      %dma_wait3A_15 = arith.constant 0 : i32
      %dma_wait3A_16 = tpu.memref_slice %arg5[%arg0, %dma_wait3A, %dma_wait3A_15] : memref<2x10112x128xf32, #tpu.memory_space<hbm>> -> memref<1x10112x128xf32, #tpu.memory_space<hbm>>
      %dma_wait3A_17 = tpu.memref_squeeze %dma_wait3A_16 : memref<1x10112x128xf32, #tpu.memory_space<hbm>> -> memref<10112x128xf32, #tpu.memory_space<hbm>>
      %dma_wait3A_18 = arith.constant 0 : i32
      %dma_wait3A_19 = tpu.memref_slice %dma_wait3A_17[%multiple_of3A, %dma_wait3A_18] : memref<10112x128xf32, #tpu.memory_space<hbm>> -> memref<632x128xf32, #tpu.memory_space<hbm>>
      %dma_wait3A_20 = arith.constant 0 : i32
      %dma_wait3A_21 = tpu.memref_slice %arg8[%multiple_of3A, %dma_wait3A_20] : memref<10112x128xf32, #tpu.memory_space<vmem_shared>> -> memref<632x128xf32, #tpu.memory_space<vmem_shared>>
      tpu.wait_dma2 semaphore(%run_scoped3A : memref<!tpu.dma_semaphore, #tpu.memory_space<semaphore_mem>>) src(%dma_wait3A_21 : memref<632x128xf32, #tpu.memory_space<vmem_shared>>) dst(%dma_wait3A_19 : memref<632x128xf32, #tpu.memory_space<hbm>>)
      tpu.yield
    }) : () -> ()
    return
  }
}

#map = affine_map<(d0, d1) -> (0, 0)>
#map1 = affine_map<(d0, d1) -> (0, 0, 0)>
module attributes {stable_mosaic.version = 14 : i64} {
  func.func @k(%arg0: i32, %arg1: i32, %arg2: memref<10000x128xf32, #tpu.memory_space<hbm>>, %arg3: memref<32x106x96xi32, #tpu.memory_space<hbm>>, %arg4: memref<325632x128xf32, #tpu.memory_space<hbm>>, %arg5: memref<106x96xi32, #tpu.memory_space<vmem>>, %arg6: memref<96x128xf32, #tpu.memory_space<vmem>>, %arg7: memref<96x128xf32, #tpu.memory_space<vmem>>, %arg8: memref<!tpu.dma_semaphore, #tpu.memory_space<semaphore_mem>>, %arg9: memref<!tpu.dma_semaphore, #tpu.memory_space<semaphore_mem>>, %arg10: memref<!tpu.dma_semaphore, #tpu.memory_space<semaphore_mem>>, %arg11: memref<!tpu.dma_semaphore, #tpu.memory_space<semaphore_mem>>) attributes {dimension_semantics = [#tpu.dimension_semantics<core_parallel>, #tpu.dimension_semantics<subcore_parallel>], iteration_bounds = array<i64: 2, 16>, scalar_prefetch = 0 : i64, scratch_operands = 7 : i64, tpu.core_type = #tpu.core_type<sc_vector_subcore>, window_params = [{transform_indices = #map}, {transform_indices = #map1}, {transform_indices = #map}]} {
    %mul3A = arith.constant 2 : i32
    %mul3A_0 = arith.muli %arg1, %mul3A : i32
    %add3A = arith.addi %mul3A_0, %arg0 : i32
    %mul3A_1 = arith.constant 10176 : i32
    %mul3A_2 = arith.muli %add3A, %mul3A_1 : i32
    "tpu.region"() ({
      %run_scoped3A = tpu.sem_alloc : memref<!tpu.dma_semaphore, #tpu.memory_space<semaphore_mem>>
      %dma_start3A_31 = arith.constant 0 : i32
      %dma_start3A_32 = arith.constant 0 : i32
      %dma_start3A_33 = tpu.memref_slice %arg3[%add3A, %dma_start3A_31, %dma_start3A_32] : memref<32x106x96xi32, #tpu.memory_space<hbm>> -> memref<1x106x96xi32, #tpu.memory_space<hbm>>
      %dma_start3A_34 = tpu.memref_squeeze %dma_start3A_33 : memref<1x106x96xi32, #tpu.memory_space<hbm>> -> memref<106x96xi32, #tpu.memory_space<hbm>>
      %dma_start3A_35 = arith.constant 0 : i32
      %dma_start3A_36 = arith.constant 0 : i32
      %dma_start3A_37 = tpu.memref_slice %arg3[%add3A, %dma_start3A_35, %dma_start3A_36] : memref<32x106x96xi32, #tpu.memory_space<hbm>> -> memref<1x106x96xi32, #tpu.memory_space<hbm>>
      %dma_start3A_38 = tpu.memref_squeeze %dma_start3A_37 : memref<1x106x96xi32, #tpu.memory_space<hbm>> -> memref<106x96xi32, #tpu.memory_space<hbm>>
      tpu.enqueue_dma source(%dma_start3A_38 : memref<106x96xi32, #tpu.memory_space<hbm>>) target(%arg5 : memref<106x96xi32, #tpu.memory_space<vmem>>) target_semaphore(%run_scoped3A : memref<!tpu.dma_semaphore, #tpu.memory_space<semaphore_mem>>)
      %dma_wait3A_39 = arith.constant 0 : i32
      %dma_wait3A_40 = arith.constant 0 : i32
      %dma_wait3A_41 = tpu.memref_slice %arg3[%add3A, %dma_wait3A_39, %dma_wait3A_40] : memref<32x106x96xi32, #tpu.memory_space<hbm>> -> memref<1x106x96xi32, #tpu.memory_space<hbm>>
      %dma_wait3A_42 = tpu.memref_squeeze %dma_wait3A_41 : memref<1x106x96xi32, #tpu.memory_space<hbm>> -> memref<106x96xi32, #tpu.memory_space<hbm>>
      %dma_wait3A_43 = arith.constant 0 : i32
      %dma_wait3A_44 = arith.constant 0 : i32
      %dma_wait3A_45 = tpu.memref_slice %arg3[%add3A, %dma_wait3A_43, %dma_wait3A_44] : memref<32x106x96xi32, #tpu.memory_space<hbm>> -> memref<1x106x96xi32, #tpu.memory_space<hbm>>
      %dma_wait3A_46 = tpu.memref_squeeze %dma_wait3A_45 : memref<1x106x96xi32, #tpu.memory_space<hbm>> -> memref<106x96xi32, #tpu.memory_space<hbm>>
      tpu.wait_dma2 semaphore(%run_scoped3A : memref<!tpu.dma_semaphore, #tpu.memory_space<semaphore_mem>>) src(%dma_wait3A_46 : memref<106x96xi32, #tpu.memory_space<hbm>>) dst(%arg5 : memref<106x96xi32, #tpu.memory_space<vmem>>)
      tpu.yield
    }) : () -> ()
    %dma_start3A = arith.constant 0 : i32
    %dma_start3A_3 = arith.constant 0 : i32
    %dma_start3A_4 = tpu.memref_slice %arg5[%dma_start3A, %dma_start3A_3] : memref<106x96xi32, #tpu.memory_space<vmem>> -> memref<1x96xi32, #tpu.memory_space<vmem>>
    %dma_start3A_5 = tpu.memref_squeeze %dma_start3A_4 : memref<1x96xi32, #tpu.memory_space<vmem>> -> memref<96xi32, #tpu.memory_space<vmem>>
    %dma_start3A_6 = arith.constant 0 : i32
    %dma_start3A_7 = arith.constant 0 : i32
    %dma_start3A_8 = tpu.memref_slice %arg2[%dma_start3A_6, %dma_start3A_7] : memref<10000x128xf32, #tpu.memory_space<hbm>> -> memref<10000x128xf32, #tpu.memory_space<hbm>>
    tpu.enqueue_indirect_dma source(%dma_start3A_8 : memref<10000x128xf32, #tpu.memory_space<hbm>>) target(%arg6 : memref<96x128xf32, #tpu.memory_space<vmem>>) offsets(%dma_start3A_5 : memref<96xi32, #tpu.memory_space<vmem>>) semaphore(%arg8 : memref<!tpu.dma_semaphore, #tpu.memory_space<semaphore_mem>>)
    %dma_start3A_9 = arith.constant 1 : i32
    %dma_start3A_10 = arith.constant 0 : i32
    %dma_start3A_11 = tpu.memref_slice %arg5[%dma_start3A_9, %dma_start3A_10] : memref<106x96xi32, #tpu.memory_space<vmem>> -> memref<1x96xi32, #tpu.memory_space<vmem>>
    %dma_start3A_12 = tpu.memref_squeeze %dma_start3A_11 : memref<1x96xi32, #tpu.memory_space<vmem>> -> memref<96xi32, #tpu.memory_space<vmem>>
    %dma_start3A_13 = arith.constant 0 : i32
    %dma_start3A_14 = arith.constant 0 : i32
    %dma_start3A_15 = tpu.memref_slice %arg2[%dma_start3A_13, %dma_start3A_14] : memref<10000x128xf32, #tpu.memory_space<hbm>> -> memref<10000x128xf32, #tpu.memory_space<hbm>>
    tpu.enqueue_indirect_dma source(%dma_start3A_15 : memref<10000x128xf32, #tpu.memory_space<hbm>>) target(%arg7 : memref<96x128xf32, #tpu.memory_space<vmem>>) offsets(%dma_start3A_12 : memref<96xi32, #tpu.memory_space<vmem>>) semaphore(%arg9 : memref<!tpu.dma_semaphore, #tpu.memory_space<semaphore_mem>>)
    %scan3A = arith.constant 0 : i32
    %scan3A_16 = arith.constant 53 : i32
    %scan3A_17 = arith.addi %scan3A, %scan3A_16 : i32
    %scan3A_18 = arith.constant 1 : i32
    scf.for %scan3A_31 = %scan3A to %scan3A_17 step %scan3A_18  : i32 {
      %mul3A_32 = arith.constant 2 : i32
      %mul3A_33 = arith.muli %scan3A_31, %mul3A_32 : i32
      %add3A_34 = arith.constant 0 : i32
      %add3A_35 = arith.addi %add3A_34, %mul3A_33 : i32
      %add3A_36 = arith.constant 0 : i32
      %add3A_37 = arith.addi %add3A_35, %add3A_36 : i32
      %dma_wait3A_38 = arith.constant 0 : i32
      %dma_wait3A_39 = arith.constant 0 : i32
      %dma_wait3A_40 = tpu.memref_slice %arg5[%dma_wait3A_38, %dma_wait3A_39] : memref<106x96xi32, #tpu.memory_space<vmem>> -> memref<1x96xi32, #tpu.memory_space<vmem>>
      %dma_wait3A_41 = tpu.memref_squeeze %dma_wait3A_40 : memref<1x96xi32, #tpu.memory_space<vmem>> -> memref<96xi32, #tpu.memory_space<vmem>>
      %dma_wait3A_42 = arith.constant 0 : i32
      %dma_wait3A_43 = arith.constant 0 : i32
      %dma_wait3A_44 = tpu.memref_slice %arg2[%dma_wait3A_42, %dma_wait3A_43] : memref<10000x128xf32, #tpu.memory_space<hbm>> -> memref<10000x128xf32, #tpu.memory_space<hbm>>
      tpu.wait_indirect_dma semaphore(%arg8 : memref<!tpu.dma_semaphore, #tpu.memory_space<semaphore_mem>>) src(%dma_wait3A_44 : memref<10000x128xf32, #tpu.memory_space<hbm>>) dst(%arg6 : memref<96x128xf32, #tpu.memory_space<vmem>>)
      %mul3A_45 = arith.constant 96 : i32
      %mul3A_46 = arith.muli %add3A_37, %mul3A_45 : i32
      %add3A_47 = arith.addi %mul3A_2, %mul3A_46 : i32
      %dma_start3A_48 = arith.constant 0 : i32
      %dma_start3A_49 = tpu.memref_slice %arg4[%add3A_47, %dma_start3A_48] : memref<325632x128xf32, #tpu.memory_space<hbm>> -> memref<96x128xf32, #tpu.memory_space<hbm>>
      %dma_start3A_50 = arith.constant 0 : i32
      %dma_start3A_51 = tpu.memref_slice %arg4[%add3A_47, %dma_start3A_50] : memref<325632x128xf32, #tpu.memory_space<hbm>> -> memref<96x128xf32, #tpu.memory_space<hbm>>
      tpu.enqueue_dma source(%arg6 : memref<96x128xf32, #tpu.memory_space<vmem>>) target(%dma_start3A_51 : memref<96x128xf32, #tpu.memory_space<hbm>>) target_semaphore(%arg10 : memref<!tpu.dma_semaphore, #tpu.memory_space<semaphore_mem>>)
      %add3A_52 = arith.constant 2 : i32
      %add3A_53 = arith.addi %add3A_37, %add3A_52 : i32
      %lt3A = arith.constant 106 : i32
      %lt3A_54 = arith.cmpi slt, %add3A_53, %lt3A : i32
      %convert_element_type3A = arith.extui %lt3A_54 : i1 to i32
      %cond3A = arith.constant 0 : i32
      %cond3A_55 = arith.cmpi ne, %convert_element_type3A, %cond3A : i32
      scf.if %cond3A_55 {
        %mul3A_79 = arith.constant 96 : i32
        %mul3A_80 = arith.muli %add3A_37, %mul3A_79 : i32
        %add3A_81 = arith.addi %mul3A_2, %mul3A_80 : i32
        %dma_wait3A_82 = arith.constant 0 : i32
        %dma_wait3A_83 = tpu.memref_slice %arg4[%add3A_81, %dma_wait3A_82] : memref<325632x128xf32, #tpu.memory_space<hbm>> -> memref<96x128xf32, #tpu.memory_space<hbm>>
        %dma_wait3A_84 = arith.constant 0 : i32
        %dma_wait3A_85 = tpu.memref_slice %arg4[%add3A_81, %dma_wait3A_84] : memref<325632x128xf32, #tpu.memory_space<hbm>> -> memref<96x128xf32, #tpu.memory_space<hbm>>
        tpu.wait_dma2 semaphore(%arg10 : memref<!tpu.dma_semaphore, #tpu.memory_space<semaphore_mem>>) src(%arg6 : memref<96x128xf32, #tpu.memory_space<vmem>>) dst(%dma_wait3A_85 : memref<96x128xf32, #tpu.memory_space<hbm>>)
        %add3A_86 = arith.constant 2 : i32
        %add3A_87 = arith.addi %add3A_37, %add3A_86 : i32
        %dma_start3A_88 = arith.constant 0 : i32
        %dma_start3A_89 = tpu.memref_slice %arg5[%add3A_87, %dma_start3A_88] : memref<106x96xi32, #tpu.memory_space<vmem>> -> memref<1x96xi32, #tpu.memory_space<vmem>>
        %dma_start3A_90 = tpu.memref_squeeze %dma_start3A_89 : memref<1x96xi32, #tpu.memory_space<vmem>> -> memref<96xi32, #tpu.memory_space<vmem>>
        %dma_start3A_91 = arith.constant 0 : i32
        %dma_start3A_92 = arith.constant 0 : i32
        %dma_start3A_93 = tpu.memref_slice %arg2[%dma_start3A_91, %dma_start3A_92] : memref<10000x128xf32, #tpu.memory_space<hbm>> -> memref<10000x128xf32, #tpu.memory_space<hbm>>
        tpu.enqueue_indirect_dma source(%dma_start3A_93 : memref<10000x128xf32, #tpu.memory_space<hbm>>) target(%arg6 : memref<96x128xf32, #tpu.memory_space<vmem>>) offsets(%dma_start3A_90 : memref<96xi32, #tpu.memory_space<vmem>>) semaphore(%arg8 : memref<!tpu.dma_semaphore, #tpu.memory_space<semaphore_mem>>)
      } else {
      }
      %add3A_56 = arith.constant 1 : i32
      %add3A_57 = arith.addi %add3A_35, %add3A_56 : i32
      %dma_wait3A_58 = arith.constant 0 : i32
      %dma_wait3A_59 = arith.constant 0 : i32
      %dma_wait3A_60 = tpu.memref_slice %arg5[%dma_wait3A_58, %dma_wait3A_59] : memref<106x96xi32, #tpu.memory_space<vmem>> -> memref<1x96xi32, #tpu.memory_space<vmem>>
      %dma_wait3A_61 = tpu.memref_squeeze %dma_wait3A_60 : memref<1x96xi32, #tpu.memory_space<vmem>> -> memref<96xi32, #tpu.memory_space<vmem>>
      %dma_wait3A_62 = arith.constant 0 : i32
      %dma_wait3A_63 = arith.constant 0 : i32
      %dma_wait3A_64 = tpu.memref_slice %arg2[%dma_wait3A_62, %dma_wait3A_63] : memref<10000x128xf32, #tpu.memory_space<hbm>> -> memref<10000x128xf32, #tpu.memory_space<hbm>>
      tpu.wait_indirect_dma semaphore(%arg9 : memref<!tpu.dma_semaphore, #tpu.memory_space<semaphore_mem>>) src(%dma_wait3A_64 : memref<10000x128xf32, #tpu.memory_space<hbm>>) dst(%arg7 : memref<96x128xf32, #tpu.memory_space<vmem>>)
      %mul3A_65 = arith.constant 96 : i32
      %mul3A_66 = arith.muli %add3A_57, %mul3A_65 : i32
      %add3A_67 = arith.addi %mul3A_2, %mul3A_66 : i32
      %dma_start3A_68 = arith.constant 0 : i32
      %dma_start3A_69 = tpu.memref_slice %arg4[%add3A_67, %dma_start3A_68] : memref<325632x128xf32, #tpu.memory_space<hbm>> -> memref<96x128xf32, #tpu.memory_space<hbm>>
      %dma_start3A_70 = arith.constant 0 : i32
      %dma_start3A_71 = tpu.memref_slice %arg4[%add3A_67, %dma_start3A_70] : memref<325632x128xf32, #tpu.memory_space<hbm>> -> memref<96x128xf32, #tpu.memory_space<hbm>>
      tpu.enqueue_dma source(%arg7 : memref<96x128xf32, #tpu.memory_space<vmem>>) target(%dma_start3A_71 : memref<96x128xf32, #tpu.memory_space<hbm>>) target_semaphore(%arg11 : memref<!tpu.dma_semaphore, #tpu.memory_space<semaphore_mem>>)
      %add3A_72 = arith.constant 2 : i32
      %add3A_73 = arith.addi %add3A_57, %add3A_72 : i32
      %lt3A_74 = arith.constant 106 : i32
      %lt3A_75 = arith.cmpi slt, %add3A_73, %lt3A_74 : i32
      %convert_element_type3A_76 = arith.extui %lt3A_75 : i1 to i32
      %cond3A_77 = arith.constant 0 : i32
      %cond3A_78 = arith.cmpi ne, %convert_element_type3A_76, %cond3A_77 : i32
      scf.if %cond3A_78 {
        %mul3A_79 = arith.constant 96 : i32
        %mul3A_80 = arith.muli %add3A_57, %mul3A_79 : i32
        %add3A_81 = arith.addi %mul3A_2, %mul3A_80 : i32
        %dma_wait3A_82 = arith.constant 0 : i32
        %dma_wait3A_83 = tpu.memref_slice %arg4[%add3A_81, %dma_wait3A_82] : memref<325632x128xf32, #tpu.memory_space<hbm>> -> memref<96x128xf32, #tpu.memory_space<hbm>>
        %dma_wait3A_84 = arith.constant 0 : i32
        %dma_wait3A_85 = tpu.memref_slice %arg4[%add3A_81, %dma_wait3A_84] : memref<325632x128xf32, #tpu.memory_space<hbm>> -> memref<96x128xf32, #tpu.memory_space<hbm>>
        tpu.wait_dma2 semaphore(%arg11 : memref<!tpu.dma_semaphore, #tpu.memory_space<semaphore_mem>>) src(%arg7 : memref<96x128xf32, #tpu.memory_space<vmem>>) dst(%dma_wait3A_85 : memref<96x128xf32, #tpu.memory_space<hbm>>)
        %add3A_86 = arith.constant 2 : i32
        %add3A_87 = arith.addi %add3A_57, %add3A_86 : i32
        %dma_start3A_88 = arith.constant 0 : i32
        %dma_start3A_89 = tpu.memref_slice %arg5[%add3A_87, %dma_start3A_88] : memref<106x96xi32, #tpu.memory_space<vmem>> -> memref<1x96xi32, #tpu.memory_space<vmem>>
        %dma_start3A_90 = tpu.memref_squeeze %dma_start3A_89 : memref<1x96xi32, #tpu.memory_space<vmem>> -> memref<96xi32, #tpu.memory_space<vmem>>
        %dma_start3A_91 = arith.constant 0 : i32
        %dma_start3A_92 = arith.constant 0 : i32
        %dma_start3A_93 = tpu.memref_slice %arg2[%dma_start3A_91, %dma_start3A_92] : memref<10000x128xf32, #tpu.memory_space<hbm>> -> memref<10000x128xf32, #tpu.memory_space<hbm>>
        tpu.enqueue_indirect_dma source(%dma_start3A_93 : memref<10000x128xf32, #tpu.memory_space<hbm>>) target(%arg7 : memref<96x128xf32, #tpu.memory_space<vmem>>) offsets(%dma_start3A_90 : memref<96xi32, #tpu.memory_space<vmem>>) semaphore(%arg9 : memref<!tpu.dma_semaphore, #tpu.memory_space<semaphore_mem>>)
      } else {
      }
    }
    %scan3A_19 = arith.constant 53 : i32
    %add3A_20 = arith.constant 0 : i32
    %add3A_21 = arith.addi %mul3A_2, %add3A_20 : i32
    %dma_wait3A = arith.constant 0 : i32
    %dma_wait3A_22 = tpu.memref_slice %arg4[%add3A_21, %dma_wait3A] : memref<325632x128xf32, #tpu.memory_space<hbm>> -> memref<96x128xf32, #tpu.memory_space<hbm>>
    %dma_wait3A_23 = arith.constant 0 : i32
    %dma_wait3A_24 = tpu.memref_slice %arg4[%add3A_21, %dma_wait3A_23] : memref<325632x128xf32, #tpu.memory_space<hbm>> -> memref<96x128xf32, #tpu.memory_space<hbm>>
    tpu.wait_dma2 semaphore(%arg10 : memref<!tpu.dma_semaphore, #tpu.memory_space<semaphore_mem>>) src(%arg6 : memref<96x128xf32, #tpu.memory_space<vmem>>) dst(%dma_wait3A_24 : memref<96x128xf32, #tpu.memory_space<hbm>>)
    %add3A_25 = arith.constant 0 : i32
    %add3A_26 = arith.addi %mul3A_2, %add3A_25 : i32
    %dma_wait3A_27 = arith.constant 0 : i32
    %dma_wait3A_28 = tpu.memref_slice %arg4[%add3A_26, %dma_wait3A_27] : memref<325632x128xf32, #tpu.memory_space<hbm>> -> memref<96x128xf32, #tpu.memory_space<hbm>>
    %dma_wait3A_29 = arith.constant 0 : i32
    %dma_wait3A_30 = tpu.memref_slice %arg4[%add3A_26, %dma_wait3A_29] : memref<325632x128xf32, #tpu.memory_space<hbm>> -> memref<96x128xf32, #tpu.memory_space<hbm>>
    tpu.wait_dma2 semaphore(%arg11 : memref<!tpu.dma_semaphore, #tpu.memory_space<semaphore_mem>>) src(%arg7 : memref<96x128xf32, #tpu.memory_space<vmem>>) dst(%dma_wait3A_30 : memref<96x128xf32, #tpu.memory_space<hbm>>)
    return
  }
}

#map = affine_map<(d0, d1) -> (0, 0)>
#map1 = affine_map<(d0, d1) -> (0, 0, 0)>
module attributes {stable_mosaic.version = 14 : i64} {
  func.func @k(%arg0: i32, %arg1: i32, %arg2: memref<10000x256xf32, #tpu.memory_space<hbm>>, %arg3: memref<32x106x96xi32, #tpu.memory_space<hbm>>, %arg4: memref<325632x256xf32, #tpu.memory_space<hbm>>, %arg5: memref<106x96xi32, #tpu.memory_space<vmem>>, %arg6: memref<96x256xf32, #tpu.memory_space<vmem>>, %arg7: memref<96x256xf32, #tpu.memory_space<vmem>>, %arg8: memref<!tpu.dma_semaphore, #tpu.memory_space<semaphore_mem>>, %arg9: memref<!tpu.dma_semaphore, #tpu.memory_space<semaphore_mem>>, %arg10: memref<!tpu.dma_semaphore, #tpu.memory_space<semaphore_mem>>, %arg11: memref<!tpu.dma_semaphore, #tpu.memory_space<semaphore_mem>>) attributes {dimension_semantics = [#tpu.dimension_semantics<core_parallel>, #tpu.dimension_semantics<subcore_parallel>], iteration_bounds = array<i64: 2, 16>, scalar_prefetch = 0 : i64, scratch_operands = 7 : i64, tpu.core_type = #tpu.core_type<sc_vector_subcore>, window_params = [{transform_indices = #map}, {transform_indices = #map1}, {transform_indices = #map}]} {
    %mul3A = arith.constant 2 : i32
    %mul3A_0 = arith.muli %arg1, %mul3A : i32
    %add3A = arith.addi %mul3A_0, %arg0 : i32
    %mul3A_1 = arith.constant 10176 : i32
    %mul3A_2 = arith.muli %add3A, %mul3A_1 : i32
    "tpu.region"() ({
      %run_scoped3A = tpu.sem_alloc : memref<!tpu.dma_semaphore, #tpu.memory_space<semaphore_mem>>
      %dma_start3A_31 = arith.constant 0 : i32
      %dma_start3A_32 = arith.constant 0 : i32
      %dma_start3A_33 = tpu.memref_slice %arg3[%add3A, %dma_start3A_31, %dma_start3A_32] : memref<32x106x96xi32, #tpu.memory_space<hbm>> -> memref<1x106x96xi32, #tpu.memory_space<hbm>>
      %dma_start3A_34 = tpu.memref_squeeze %dma_start3A_33 : memref<1x106x96xi32, #tpu.memory_space<hbm>> -> memref<106x96xi32, #tpu.memory_space<hbm>>
      %dma_start3A_35 = arith.constant 0 : i32
      %dma_start3A_36 = arith.constant 0 : i32
      %dma_start3A_37 = tpu.memref_slice %arg3[%add3A, %dma_start3A_35, %dma_start3A_36] : memref<32x106x96xi32, #tpu.memory_space<hbm>> -> memref<1x106x96xi32, #tpu.memory_space<hbm>>
      %dma_start3A_38 = tpu.memref_squeeze %dma_start3A_37 : memref<1x106x96xi32, #tpu.memory_space<hbm>> -> memref<106x96xi32, #tpu.memory_space<hbm>>
      tpu.enqueue_dma source(%dma_start3A_38 : memref<106x96xi32, #tpu.memory_space<hbm>>) target(%arg5 : memref<106x96xi32, #tpu.memory_space<vmem>>) target_semaphore(%run_scoped3A : memref<!tpu.dma_semaphore, #tpu.memory_space<semaphore_mem>>)
      %dma_wait3A_39 = arith.constant 0 : i32
      %dma_wait3A_40 = arith.constant 0 : i32
      %dma_wait3A_41 = tpu.memref_slice %arg3[%add3A, %dma_wait3A_39, %dma_wait3A_40] : memref<32x106x96xi32, #tpu.memory_space<hbm>> -> memref<1x106x96xi32, #tpu.memory_space<hbm>>
      %dma_wait3A_42 = tpu.memref_squeeze %dma_wait3A_41 : memref<1x106x96xi32, #tpu.memory_space<hbm>> -> memref<106x96xi32, #tpu.memory_space<hbm>>
      %dma_wait3A_43 = arith.constant 0 : i32
      %dma_wait3A_44 = arith.constant 0 : i32
      %dma_wait3A_45 = tpu.memref_slice %arg3[%add3A, %dma_wait3A_43, %dma_wait3A_44] : memref<32x106x96xi32, #tpu.memory_space<hbm>> -> memref<1x106x96xi32, #tpu.memory_space<hbm>>
      %dma_wait3A_46 = tpu.memref_squeeze %dma_wait3A_45 : memref<1x106x96xi32, #tpu.memory_space<hbm>> -> memref<106x96xi32, #tpu.memory_space<hbm>>
      tpu.wait_dma2 semaphore(%run_scoped3A : memref<!tpu.dma_semaphore, #tpu.memory_space<semaphore_mem>>) src(%dma_wait3A_46 : memref<106x96xi32, #tpu.memory_space<hbm>>) dst(%arg5 : memref<106x96xi32, #tpu.memory_space<vmem>>)
      tpu.yield
    }) : () -> ()
    %dma_start3A = arith.constant 0 : i32
    %dma_start3A_3 = arith.constant 0 : i32
    %dma_start3A_4 = tpu.memref_slice %arg5[%dma_start3A, %dma_start3A_3] : memref<106x96xi32, #tpu.memory_space<vmem>> -> memref<1x96xi32, #tpu.memory_space<vmem>>
    %dma_start3A_5 = tpu.memref_squeeze %dma_start3A_4 : memref<1x96xi32, #tpu.memory_space<vmem>> -> memref<96xi32, #tpu.memory_space<vmem>>
    %dma_start3A_6 = arith.constant 0 : i32
    %dma_start3A_7 = arith.constant 0 : i32
    %dma_start3A_8 = tpu.memref_slice %arg2[%dma_start3A_6, %dma_start3A_7] : memref<10000x256xf32, #tpu.memory_space<hbm>> -> memref<10000x256xf32, #tpu.memory_space<hbm>>
    tpu.enqueue_indirect_dma source(%dma_start3A_8 : memref<10000x256xf32, #tpu.memory_space<hbm>>) target(%arg6 : memref<96x256xf32, #tpu.memory_space<vmem>>) offsets(%dma_start3A_5 : memref<96xi32, #tpu.memory_space<vmem>>) semaphore(%arg8 : memref<!tpu.dma_semaphore, #tpu.memory_space<semaphore_mem>>)
    %dma_start3A_9 = arith.constant 1 : i32
    %dma_start3A_10 = arith.constant 0 : i32
    %dma_start3A_11 = tpu.memref_slice %arg5[%dma_start3A_9, %dma_start3A_10] : memref<106x96xi32, #tpu.memory_space<vmem>> -> memref<1x96xi32, #tpu.memory_space<vmem>>
    %dma_start3A_12 = tpu.memref_squeeze %dma_start3A_11 : memref<1x96xi32, #tpu.memory_space<vmem>> -> memref<96xi32, #tpu.memory_space<vmem>>
    %dma_start3A_13 = arith.constant 0 : i32
    %dma_start3A_14 = arith.constant 0 : i32
    %dma_start3A_15 = tpu.memref_slice %arg2[%dma_start3A_13, %dma_start3A_14] : memref<10000x256xf32, #tpu.memory_space<hbm>> -> memref<10000x256xf32, #tpu.memory_space<hbm>>
    tpu.enqueue_indirect_dma source(%dma_start3A_15 : memref<10000x256xf32, #tpu.memory_space<hbm>>) target(%arg7 : memref<96x256xf32, #tpu.memory_space<vmem>>) offsets(%dma_start3A_12 : memref<96xi32, #tpu.memory_space<vmem>>) semaphore(%arg9 : memref<!tpu.dma_semaphore, #tpu.memory_space<semaphore_mem>>)
    %scan3A = arith.constant 0 : i32
    %scan3A_16 = arith.constant 53 : i32
    %scan3A_17 = arith.addi %scan3A, %scan3A_16 : i32
    %scan3A_18 = arith.constant 1 : i32
    scf.for %scan3A_31 = %scan3A to %scan3A_17 step %scan3A_18  : i32 {
      %mul3A_32 = arith.constant 2 : i32
      %mul3A_33 = arith.muli %scan3A_31, %mul3A_32 : i32
      %add3A_34 = arith.constant 0 : i32
      %add3A_35 = arith.addi %add3A_34, %mul3A_33 : i32
      %add3A_36 = arith.constant 0 : i32
      %add3A_37 = arith.addi %add3A_35, %add3A_36 : i32
      %dma_wait3A_38 = arith.constant 0 : i32
      %dma_wait3A_39 = arith.constant 0 : i32
      %dma_wait3A_40 = tpu.memref_slice %arg5[%dma_wait3A_38, %dma_wait3A_39] : memref<106x96xi32, #tpu.memory_space<vmem>> -> memref<1x96xi32, #tpu.memory_space<vmem>>
      %dma_wait3A_41 = tpu.memref_squeeze %dma_wait3A_40 : memref<1x96xi32, #tpu.memory_space<vmem>> -> memref<96xi32, #tpu.memory_space<vmem>>
      %dma_wait3A_42 = arith.constant 0 : i32
      %dma_wait3A_43 = arith.constant 0 : i32
      %dma_wait3A_44 = tpu.memref_slice %arg2[%dma_wait3A_42, %dma_wait3A_43] : memref<10000x256xf32, #tpu.memory_space<hbm>> -> memref<10000x256xf32, #tpu.memory_space<hbm>>
      tpu.wait_indirect_dma semaphore(%arg8 : memref<!tpu.dma_semaphore, #tpu.memory_space<semaphore_mem>>) src(%dma_wait3A_44 : memref<10000x256xf32, #tpu.memory_space<hbm>>) dst(%arg6 : memref<96x256xf32, #tpu.memory_space<vmem>>)
      %mul3A_45 = arith.constant 96 : i32
      %mul3A_46 = arith.muli %add3A_37, %mul3A_45 : i32
      %add3A_47 = arith.addi %mul3A_2, %mul3A_46 : i32
      %dma_start3A_48 = arith.constant 0 : i32
      %dma_start3A_49 = tpu.memref_slice %arg4[%add3A_47, %dma_start3A_48] : memref<325632x256xf32, #tpu.memory_space<hbm>> -> memref<96x256xf32, #tpu.memory_space<hbm>>
      %dma_start3A_50 = arith.constant 0 : i32
      %dma_start3A_51 = tpu.memref_slice %arg4[%add3A_47, %dma_start3A_50] : memref<325632x256xf32, #tpu.memory_space<hbm>> -> memref<96x256xf32, #tpu.memory_space<hbm>>
      tpu.enqueue_dma source(%arg6 : memref<96x256xf32, #tpu.memory_space<vmem>>) target(%dma_start3A_51 : memref<96x256xf32, #tpu.memory_space<hbm>>) target_semaphore(%arg10 : memref<!tpu.dma_semaphore, #tpu.memory_space<semaphore_mem>>)
      %add3A_52 = arith.constant 2 : i32
      %add3A_53 = arith.addi %add3A_37, %add3A_52 : i32
      %lt3A = arith.constant 106 : i32
      %lt3A_54 = arith.cmpi slt, %add3A_53, %lt3A : i32
      %convert_element_type3A = arith.extui %lt3A_54 : i1 to i32
      %cond3A = arith.constant 0 : i32
      %cond3A_55 = arith.cmpi ne, %convert_element_type3A, %cond3A : i32
      scf.if %cond3A_55 {
        %mul3A_79 = arith.constant 96 : i32
        %mul3A_80 = arith.muli %add3A_37, %mul3A_79 : i32
        %add3A_81 = arith.addi %mul3A_2, %mul3A_80 : i32
        %dma_wait3A_82 = arith.constant 0 : i32
        %dma_wait3A_83 = tpu.memref_slice %arg4[%add3A_81, %dma_wait3A_82] : memref<325632x256xf32, #tpu.memory_space<hbm>> -> memref<96x256xf32, #tpu.memory_space<hbm>>
        %dma_wait3A_84 = arith.constant 0 : i32
        %dma_wait3A_85 = tpu.memref_slice %arg4[%add3A_81, %dma_wait3A_84] : memref<325632x256xf32, #tpu.memory_space<hbm>> -> memref<96x256xf32, #tpu.memory_space<hbm>>
        tpu.wait_dma2 semaphore(%arg10 : memref<!tpu.dma_semaphore, #tpu.memory_space<semaphore_mem>>) src(%arg6 : memref<96x256xf32, #tpu.memory_space<vmem>>) dst(%dma_wait3A_85 : memref<96x256xf32, #tpu.memory_space<hbm>>)
        %add3A_86 = arith.constant 2 : i32
        %add3A_87 = arith.addi %add3A_37, %add3A_86 : i32
        %dma_start3A_88 = arith.constant 0 : i32
        %dma_start3A_89 = tpu.memref_slice %arg5[%add3A_87, %dma_start3A_88] : memref<106x96xi32, #tpu.memory_space<vmem>> -> memref<1x96xi32, #tpu.memory_space<vmem>>
        %dma_start3A_90 = tpu.memref_squeeze %dma_start3A_89 : memref<1x96xi32, #tpu.memory_space<vmem>> -> memref<96xi32, #tpu.memory_space<vmem>>
        %dma_start3A_91 = arith.constant 0 : i32
        %dma_start3A_92 = arith.constant 0 : i32
        %dma_start3A_93 = tpu.memref_slice %arg2[%dma_start3A_91, %dma_start3A_92] : memref<10000x256xf32, #tpu.memory_space<hbm>> -> memref<10000x256xf32, #tpu.memory_space<hbm>>
        tpu.enqueue_indirect_dma source(%dma_start3A_93 : memref<10000x256xf32, #tpu.memory_space<hbm>>) target(%arg6 : memref<96x256xf32, #tpu.memory_space<vmem>>) offsets(%dma_start3A_90 : memref<96xi32, #tpu.memory_space<vmem>>) semaphore(%arg8 : memref<!tpu.dma_semaphore, #tpu.memory_space<semaphore_mem>>)
      } else {
      }
      %add3A_56 = arith.constant 1 : i32
      %add3A_57 = arith.addi %add3A_35, %add3A_56 : i32
      %dma_wait3A_58 = arith.constant 0 : i32
      %dma_wait3A_59 = arith.constant 0 : i32
      %dma_wait3A_60 = tpu.memref_slice %arg5[%dma_wait3A_58, %dma_wait3A_59] : memref<106x96xi32, #tpu.memory_space<vmem>> -> memref<1x96xi32, #tpu.memory_space<vmem>>
      %dma_wait3A_61 = tpu.memref_squeeze %dma_wait3A_60 : memref<1x96xi32, #tpu.memory_space<vmem>> -> memref<96xi32, #tpu.memory_space<vmem>>
      %dma_wait3A_62 = arith.constant 0 : i32
      %dma_wait3A_63 = arith.constant 0 : i32
      %dma_wait3A_64 = tpu.memref_slice %arg2[%dma_wait3A_62, %dma_wait3A_63] : memref<10000x256xf32, #tpu.memory_space<hbm>> -> memref<10000x256xf32, #tpu.memory_space<hbm>>
      tpu.wait_indirect_dma semaphore(%arg9 : memref<!tpu.dma_semaphore, #tpu.memory_space<semaphore_mem>>) src(%dma_wait3A_64 : memref<10000x256xf32, #tpu.memory_space<hbm>>) dst(%arg7 : memref<96x256xf32, #tpu.memory_space<vmem>>)
      %mul3A_65 = arith.constant 96 : i32
      %mul3A_66 = arith.muli %add3A_57, %mul3A_65 : i32
      %add3A_67 = arith.addi %mul3A_2, %mul3A_66 : i32
      %dma_start3A_68 = arith.constant 0 : i32
      %dma_start3A_69 = tpu.memref_slice %arg4[%add3A_67, %dma_start3A_68] : memref<325632x256xf32, #tpu.memory_space<hbm>> -> memref<96x256xf32, #tpu.memory_space<hbm>>
      %dma_start3A_70 = arith.constant 0 : i32
      %dma_start3A_71 = tpu.memref_slice %arg4[%add3A_67, %dma_start3A_70] : memref<325632x256xf32, #tpu.memory_space<hbm>> -> memref<96x256xf32, #tpu.memory_space<hbm>>
      tpu.enqueue_dma source(%arg7 : memref<96x256xf32, #tpu.memory_space<vmem>>) target(%dma_start3A_71 : memref<96x256xf32, #tpu.memory_space<hbm>>) target_semaphore(%arg11 : memref<!tpu.dma_semaphore, #tpu.memory_space<semaphore_mem>>)
      %add3A_72 = arith.constant 2 : i32
      %add3A_73 = arith.addi %add3A_57, %add3A_72 : i32
      %lt3A_74 = arith.constant 106 : i32
      %lt3A_75 = arith.cmpi slt, %add3A_73, %lt3A_74 : i32
      %convert_element_type3A_76 = arith.extui %lt3A_75 : i1 to i32
      %cond3A_77 = arith.constant 0 : i32
      %cond3A_78 = arith.cmpi ne, %convert_element_type3A_76, %cond3A_77 : i32
      scf.if %cond3A_78 {
        %mul3A_79 = arith.constant 96 : i32
        %mul3A_80 = arith.muli %add3A_57, %mul3A_79 : i32
        %add3A_81 = arith.addi %mul3A_2, %mul3A_80 : i32
        %dma_wait3A_82 = arith.constant 0 : i32
        %dma_wait3A_83 = tpu.memref_slice %arg4[%add3A_81, %dma_wait3A_82] : memref<325632x256xf32, #tpu.memory_space<hbm>> -> memref<96x256xf32, #tpu.memory_space<hbm>>
        %dma_wait3A_84 = arith.constant 0 : i32
        %dma_wait3A_85 = tpu.memref_slice %arg4[%add3A_81, %dma_wait3A_84] : memref<325632x256xf32, #tpu.memory_space<hbm>> -> memref<96x256xf32, #tpu.memory_space<hbm>>
        tpu.wait_dma2 semaphore(%arg11 : memref<!tpu.dma_semaphore, #tpu.memory_space<semaphore_mem>>) src(%arg7 : memref<96x256xf32, #tpu.memory_space<vmem>>) dst(%dma_wait3A_85 : memref<96x256xf32, #tpu.memory_space<hbm>>)
        %add3A_86 = arith.constant 2 : i32
        %add3A_87 = arith.addi %add3A_57, %add3A_86 : i32
        %dma_start3A_88 = arith.constant 0 : i32
        %dma_start3A_89 = tpu.memref_slice %arg5[%add3A_87, %dma_start3A_88] : memref<106x96xi32, #tpu.memory_space<vmem>> -> memref<1x96xi32, #tpu.memory_space<vmem>>
        %dma_start3A_90 = tpu.memref_squeeze %dma_start3A_89 : memref<1x96xi32, #tpu.memory_space<vmem>> -> memref<96xi32, #tpu.memory_space<vmem>>
        %dma_start3A_91 = arith.constant 0 : i32
        %dma_start3A_92 = arith.constant 0 : i32
        %dma_start3A_93 = tpu.memref_slice %arg2[%dma_start3A_91, %dma_start3A_92] : memref<10000x256xf32, #tpu.memory_space<hbm>> -> memref<10000x256xf32, #tpu.memory_space<hbm>>
        tpu.enqueue_indirect_dma source(%dma_start3A_93 : memref<10000x256xf32, #tpu.memory_space<hbm>>) target(%arg7 : memref<96x256xf32, #tpu.memory_space<vmem>>) offsets(%dma_start3A_90 : memref<96xi32, #tpu.memory_space<vmem>>) semaphore(%arg9 : memref<!tpu.dma_semaphore, #tpu.memory_space<semaphore_mem>>)
      } else {
      }
    }
    %scan3A_19 = arith.constant 53 : i32
    %add3A_20 = arith.constant 0 : i32
    %add3A_21 = arith.addi %mul3A_2, %add3A_20 : i32
    %dma_wait3A = arith.constant 0 : i32
    %dma_wait3A_22 = tpu.memref_slice %arg4[%add3A_21, %dma_wait3A] : memref<325632x256xf32, #tpu.memory_space<hbm>> -> memref<96x256xf32, #tpu.memory_space<hbm>>
    %dma_wait3A_23 = arith.constant 0 : i32
    %dma_wait3A_24 = tpu.memref_slice %arg4[%add3A_21, %dma_wait3A_23] : memref<325632x256xf32, #tpu.memory_space<hbm>> -> memref<96x256xf32, #tpu.memory_space<hbm>>
    tpu.wait_dma2 semaphore(%arg10 : memref<!tpu.dma_semaphore, #tpu.memory_space<semaphore_mem>>) src(%arg6 : memref<96x256xf32, #tpu.memory_space<vmem>>) dst(%dma_wait3A_24 : memref<96x256xf32, #tpu.memory_space<hbm>>)
    %add3A_25 = arith.constant 0 : i32
    %add3A_26 = arith.addi %mul3A_2, %add3A_25 : i32
    %dma_wait3A_27 = arith.constant 0 : i32
    %dma_wait3A_28 = tpu.memref_slice %arg4[%add3A_26, %dma_wait3A_27] : memref<325632x256xf32, #tpu.memory_space<hbm>> -> memref<96x256xf32, #tpu.memory_space<hbm>>
    %dma_wait3A_29 = arith.constant 0 : i32
    %dma_wait3A_30 = tpu.memref_slice %arg4[%add3A_26, %dma_wait3A_29] : memref<325632x256xf32, #tpu.memory_space<hbm>> -> memref<96x256xf32, #tpu.memory_space<hbm>>
    tpu.wait_dma2 semaphore(%arg11 : memref<!tpu.dma_semaphore, #tpu.memory_space<semaphore_mem>>) src(%arg7 : memref<96x256xf32, #tpu.memory_space<vmem>>) dst(%dma_wait3A_30 : memref<96x256xf32, #tpu.memory_space<hbm>>)
    return
  }
}

#map = affine_map<(d0, d1) -> (0, 0)>
#map1 = affine_map<(d0, d1) -> (0, 0, 0)>
module attributes {stable_mosaic.version = 14 : i64} {
  func.func @k(%arg0: i32, %arg1: i32, %arg2: memref<165888x128xf32, #tpu.memory_space<hbm>>, %arg3: memref<1728x96xi32, #tpu.memory_space<hbm>>, %arg4: memref<10112x128xf32, #tpu.memory_space<hbm>>, %arg5: memref<2x10112x128xf32, #tpu.memory_space<hbm>>, %arg6: memref<96xi32, #tpu.memory_space<vmem>>, %arg7: memref<96x128xf32, #tpu.memory_space<vmem>>, %arg8: memref<10112x128xf32, #tpu.memory_space<vmem_shared>>, %arg9: memref<!tpu.dma_semaphore, #tpu.memory_space<semaphore_mem>>) attributes {dimension_semantics = [#tpu.dimension_semantics<core_parallel>, #tpu.dimension_semantics<subcore_parallel>], iteration_bounds = array<i64: 2, 16>, scalar_prefetch = 0 : i64, scratch_operands = 4 : i64, tpu.core_type = #tpu.core_type<sc_vector_subcore>, window_params = [{transform_indices = #map}, {transform_indices = #map}, {transform_indices = #map}, {transform_indices = #map1}]} {
    %mul3A = arith.constant 2 : i32
    %mul3A_0 = arith.muli %arg1, %mul3A : i32
    %add3A = arith.addi %mul3A_0, %arg0 : i32
    %mul3A_1 = arith.constant 632 : i32
    %mul3A_2 = arith.muli %arg1, %mul3A_1 : i32
    %multiple_of3A = tpu.assume_multiple %mul3A_2, 8 : i32
    "tpu.region"() ({
      %run_scoped3A = tpu.sem_alloc : memref<!tpu.dma_semaphore, #tpu.memory_space<semaphore_mem>>
      %dma_start3A = arith.constant 0 : i32
      %dma_start3A_8 = tpu.memref_slice %arg8[%multiple_of3A, %dma_start3A] : memref<10112x128xf32, #tpu.memory_space<vmem_shared>> -> memref<632x128xf32, #tpu.memory_space<vmem_shared>>
      %dma_start3A_9 = arith.constant 0 : i32
      %dma_start3A_10 = tpu.memref_slice %arg4[%multiple_of3A, %dma_start3A_9] : memref<10112x128xf32, #tpu.memory_space<hbm>> -> memref<632x128xf32, #tpu.memory_space<hbm>>
      tpu.enqueue_dma source(%dma_start3A_10 : memref<632x128xf32, #tpu.memory_space<hbm>>) target(%dma_start3A_8 : memref<632x128xf32, #tpu.memory_space<vmem_shared>>) target_semaphore(%run_scoped3A : memref<!tpu.dma_semaphore, #tpu.memory_space<semaphore_mem>>)
      %dma_wait3A = arith.constant 0 : i32
      %dma_wait3A_11 = tpu.memref_slice %arg8[%multiple_of3A, %dma_wait3A] : memref<10112x128xf32, #tpu.memory_space<vmem_shared>> -> memref<632x128xf32, #tpu.memory_space<vmem_shared>>
      %dma_wait3A_12 = arith.constant 0 : i32
      %dma_wait3A_13 = tpu.memref_slice %arg4[%multiple_of3A, %dma_wait3A_12] : memref<10112x128xf32, #tpu.memory_space<hbm>> -> memref<632x128xf32, #tpu.memory_space<hbm>>
      tpu.wait_dma2 semaphore(%run_scoped3A : memref<!tpu.dma_semaphore, #tpu.memory_space<semaphore_mem>>) src(%dma_wait3A_13 : memref<632x128xf32, #tpu.memory_space<hbm>>) dst(%dma_wait3A_11 : memref<632x128xf32, #tpu.memory_space<vmem_shared>>)
      tpu.yield
    }) : () -> ()
    %barrier3A = arith.constant 0 : index
    tpu.barrier barrier_id(%barrier3A)
    %scan3A = arith.constant 0 : i32
    %scan3A_3 = arith.constant 54 : i32
    %scan3A_4 = arith.addi %scan3A, %scan3A_3 : i32
    %scan3A_5 = arith.constant 1 : i32
    scf.for %scan3A_8 = %scan3A to %scan3A_4 step %scan3A_5  : i32 {
      %mul3A_9 = arith.constant 1 : i32
      %mul3A_10 = arith.muli %scan3A_8, %mul3A_9 : i32
      %add3A_11 = arith.constant 0 : i32
      %add3A_12 = arith.addi %add3A_11, %mul3A_10 : i32
      %mul3A_13 = arith.constant 54 : i32
      %mul3A_14 = arith.muli %add3A, %mul3A_13 : i32
      %add3A_15 = arith.addi %mul3A_14, %add3A_12 : i32
      "tpu.region"() ({
        %run_scoped3A = tpu.sem_alloc : memref<!tpu.dma_semaphore, #tpu.memory_space<semaphore_mem>>
        %dma_start3A = arith.constant 0 : i32
        %dma_start3A_18 = tpu.memref_slice %arg3[%add3A_15, %dma_start3A] : memref<1728x96xi32, #tpu.memory_space<hbm>> -> memref<1x96xi32, #tpu.memory_space<hbm>>
        %dma_start3A_19 = tpu.memref_squeeze %dma_start3A_18 : memref<1x96xi32, #tpu.memory_space<hbm>> -> memref<96xi32, #tpu.memory_space<hbm>>
        %dma_start3A_20 = arith.constant 0 : i32
        %dma_start3A_21 = tpu.memref_slice %arg3[%add3A_15, %dma_start3A_20] : memref<1728x96xi32, #tpu.memory_space<hbm>> -> memref<1x96xi32, #tpu.memory_space<hbm>>
        %dma_start3A_22 = tpu.memref_squeeze %dma_start3A_21 : memref<1x96xi32, #tpu.memory_space<hbm>> -> memref<96xi32, #tpu.memory_space<hbm>>
        tpu.enqueue_dma source(%dma_start3A_22 : memref<96xi32, #tpu.memory_space<hbm>>) target(%arg6 : memref<96xi32, #tpu.memory_space<vmem>>) target_semaphore(%run_scoped3A : memref<!tpu.dma_semaphore, #tpu.memory_space<semaphore_mem>>)
        %dma_wait3A = arith.constant 0 : i32
        %dma_wait3A_23 = tpu.memref_slice %arg3[%add3A_15, %dma_wait3A] : memref<1728x96xi32, #tpu.memory_space<hbm>> -> memref<1x96xi32, #tpu.memory_space<hbm>>
        %dma_wait3A_24 = tpu.memref_squeeze %dma_wait3A_23 : memref<1x96xi32, #tpu.memory_space<hbm>> -> memref<96xi32, #tpu.memory_space<hbm>>
        %dma_wait3A_25 = arith.constant 0 : i32
        %dma_wait3A_26 = tpu.memref_slice %arg3[%add3A_15, %dma_wait3A_25] : memref<1728x96xi32, #tpu.memory_space<hbm>> -> memref<1x96xi32, #tpu.memory_space<hbm>>
        %dma_wait3A_27 = tpu.memref_squeeze %dma_wait3A_26 : memref<1x96xi32, #tpu.memory_space<hbm>> -> memref<96xi32, #tpu.memory_space<hbm>>
        tpu.wait_dma2 semaphore(%run_scoped3A : memref<!tpu.dma_semaphore, #tpu.memory_space<semaphore_mem>>) src(%dma_wait3A_27 : memref<96xi32, #tpu.memory_space<hbm>>) dst(%arg6 : memref<96xi32, #tpu.memory_space<vmem>>)
        tpu.yield
      }) : () -> ()
      %mul3A_16 = arith.constant 96 : i32
      %mul3A_17 = arith.muli %add3A_15, %mul3A_16 : i32
      "tpu.region"() ({
        %run_scoped3A = tpu.sem_alloc : memref<!tpu.dma_semaphore, #tpu.memory_space<semaphore_mem>>
        %dma_start3A = arith.constant 0 : i32
        %dma_start3A_18 = tpu.memref_slice %arg2[%mul3A_17, %dma_start3A] : memref<165888x128xf32, #tpu.memory_space<hbm>> -> memref<96x128xf32, #tpu.memory_space<hbm>>
        %dma_start3A_19 = arith.constant 0 : i32
        %dma_start3A_20 = tpu.memref_slice %arg2[%mul3A_17, %dma_start3A_19] : memref<165888x128xf32, #tpu.memory_space<hbm>> -> memref<96x128xf32, #tpu.memory_space<hbm>>
        tpu.enqueue_dma source(%dma_start3A_20 : memref<96x128xf32, #tpu.memory_space<hbm>>) target(%arg7 : memref<96x128xf32, #tpu.memory_space<vmem>>) target_semaphore(%run_scoped3A : memref<!tpu.dma_semaphore, #tpu.memory_space<semaphore_mem>>)
        %dma_wait3A = arith.constant 0 : i32
        %dma_wait3A_21 = tpu.memref_slice %arg2[%mul3A_17, %dma_wait3A] : memref<165888x128xf32, #tpu.memory_space<hbm>> -> memref<96x128xf32, #tpu.memory_space<hbm>>
        %dma_wait3A_22 = arith.constant 0 : i32
        %dma_wait3A_23 = tpu.memref_slice %arg2[%mul3A_17, %dma_wait3A_22] : memref<165888x128xf32, #tpu.memory_space<hbm>> -> memref<96x128xf32, #tpu.memory_space<hbm>>
        tpu.wait_dma2 semaphore(%run_scoped3A : memref<!tpu.dma_semaphore, #tpu.memory_space<semaphore_mem>>) src(%dma_wait3A_23 : memref<96x128xf32, #tpu.memory_space<hbm>>) dst(%arg7 : memref<96x128xf32, #tpu.memory_space<vmem>>)
        tpu.yield
      }) : () -> ()
      "tpu.region"() ({
        %run_scoped3A = tpu.sem_alloc : memref<!tpu.dma_semaphore, #tpu.memory_space<semaphore_mem>>
        %dma_start3A = arith.constant 0 : i32
        %dma_start3A_18 = arith.constant 0 : i32
        %dma_start3A_19 = tpu.memref_slice %arg8[%dma_start3A, %dma_start3A_18] : memref<10112x128xf32, #tpu.memory_space<vmem_shared>> -> memref<10112x128xf32, #tpu.memory_space<vmem_shared>>
        tpu.enqueue_indirect_dma source(%arg7 : memref<96x128xf32, #tpu.memory_space<vmem>>) target(%dma_start3A_19 : memref<10112x128xf32, #tpu.memory_space<vmem_shared>>) offsets(%arg6 : memref<96xi32, #tpu.memory_space<vmem>>) semaphore(%run_scoped3A : memref<!tpu.dma_semaphore, #tpu.memory_space<semaphore_mem>>) {add = true}
        %dma_wait3A = arith.constant 0 : i32
        %dma_wait3A_20 = arith.constant 0 : i32
        %dma_wait3A_21 = tpu.memref_slice %arg8[%dma_wait3A, %dma_wait3A_20] : memref<10112x128xf32, #tpu.memory_space<vmem_shared>> -> memref<10112x128xf32, #tpu.memory_space<vmem_shared>>
        tpu.wait_indirect_dma semaphore(%run_scoped3A : memref<!tpu.dma_semaphore, #tpu.memory_space<semaphore_mem>>) src(%arg7 : memref<96x128xf32, #tpu.memory_space<vmem>>) dst(%dma_wait3A_21 : memref<10112x128xf32, #tpu.memory_space<vmem_shared>>)
        tpu.yield
      }) : () -> ()
    }
    %scan3A_6 = arith.constant 54 : i32
    %barrier3A_7 = arith.constant 0 : index
    tpu.barrier barrier_id(%barrier3A_7)
    "tpu.region"() ({
      %run_scoped3A = tpu.sem_alloc : memref<!tpu.dma_semaphore, #tpu.memory_space<semaphore_mem>>
      %dma_start3A = arith.constant 0 : i32
      %dma_start3A_8 = arith.constant 0 : i32
      %dma_start3A_9 = tpu.memref_slice %arg5[%arg0, %dma_start3A, %dma_start3A_8] : memref<2x10112x128xf32, #tpu.memory_space<hbm>> -> memref<1x10112x128xf32, #tpu.memory_space<hbm>>
      %dma_start3A_10 = tpu.memref_squeeze %dma_start3A_9 : memref<1x10112x128xf32, #tpu.memory_space<hbm>> -> memref<10112x128xf32, #tpu.memory_space<hbm>>
      %dma_start3A_11 = arith.constant 0 : i32
      %dma_start3A_12 = tpu.memref_slice %dma_start3A_10[%multiple_of3A, %dma_start3A_11] : memref<10112x128xf32, #tpu.memory_space<hbm>> -> memref<632x128xf32, #tpu.memory_space<hbm>>
      %dma_start3A_13 = arith.constant 0 : i32
      %dma_start3A_14 = tpu.memref_slice %arg8[%multiple_of3A, %dma_start3A_13] : memref<10112x128xf32, #tpu.memory_space<vmem_shared>> -> memref<632x128xf32, #tpu.memory_space<vmem_shared>>
      tpu.enqueue_dma source(%dma_start3A_14 : memref<632x128xf32, #tpu.memory_space<vmem_shared>>) target(%dma_start3A_12 : memref<632x128xf32, #tpu.memory_space<hbm>>) target_semaphore(%run_scoped3A : memref<!tpu.dma_semaphore, #tpu.memory_space<semaphore_mem>>)
      %dma_wait3A = arith.constant 0 : i32
      %dma_wait3A_15 = arith.constant 0 : i32
      %dma_wait3A_16 = tpu.memref_slice %arg5[%arg0, %dma_wait3A, %dma_wait3A_15] : memref<2x10112x128xf32, #tpu.memory_space<hbm>> -> memref<1x10112x128xf32, #tpu.memory_space<hbm>>
      %dma_wait3A_17 = tpu.memref_squeeze %dma_wait3A_16 : memref<1x10112x128xf32, #tpu.memory_space<hbm>> -> memref<10112x128xf32, #tpu.memory_space<hbm>>
      %dma_wait3A_18 = arith.constant 0 : i32
      %dma_wait3A_19 = tpu.memref_slice %dma_wait3A_17[%multiple_of3A, %dma_wait3A_18] : memref<10112x128xf32, #tpu.memory_space<hbm>> -> memref<632x128xf32, #tpu.memory_space<hbm>>
      %dma_wait3A_20 = arith.constant 0 : i32
      %dma_wait3A_21 = tpu.memref_slice %arg8[%multiple_of3A, %dma_wait3A_20] : memref<10112x128xf32, #tpu.memory_space<vmem_shared>> -> memref<632x128xf32, #tpu.memory_space<vmem_shared>>
      tpu.wait_dma2 semaphore(%run_scoped3A : memref<!tpu.dma_semaphore, #tpu.memory_space<semaphore_mem>>) src(%dma_wait3A_21 : memref<632x128xf32, #tpu.memory_space<vmem_shared>>) dst(%dma_wait3A_19 : memref<632x128xf32, #tpu.memory_space<hbm>>)
      tpu.yield
    }) : () -> ()
    return
  }
}

#map = affine_map<(d0, d1) -> (0, 0)>
#map1 = affine_map<(d0, d1) -> (0, 0, 0)>
module attributes {stable_mosaic.version = 14 : i64} {
  func.func @k(%arg0: i32, %arg1: i32, %arg2: memref<10000x256xf32, #tpu.memory_space<hbm>>, %arg3: memref<32x20x96xi32, #tpu.memory_space<hbm>>, %arg4: memref<61440x256xf32, #tpu.memory_space<hbm>>, %arg5: memref<20x96xi32, #tpu.memory_space<vmem>>, %arg6: memref<96x256xf32, #tpu.memory_space<vmem>>, %arg7: memref<96x256xf32, #tpu.memory_space<vmem>>, %arg8: memref<!tpu.dma_semaphore, #tpu.memory_space<semaphore_mem>>, %arg9: memref<!tpu.dma_semaphore, #tpu.memory_space<semaphore_mem>>, %arg10: memref<!tpu.dma_semaphore, #tpu.memory_space<semaphore_mem>>, %arg11: memref<!tpu.dma_semaphore, #tpu.memory_space<semaphore_mem>>) attributes {dimension_semantics = [#tpu.dimension_semantics<core_parallel>, #tpu.dimension_semantics<subcore_parallel>], iteration_bounds = array<i64: 2, 16>, scalar_prefetch = 0 : i64, scratch_operands = 7 : i64, tpu.core_type = #tpu.core_type<sc_vector_subcore>, window_params = [{transform_indices = #map}, {transform_indices = #map1}, {transform_indices = #map}]} {
    %mul3A = arith.constant 2 : i32
    %mul3A_0 = arith.muli %arg1, %mul3A : i32
    %add3A = arith.addi %mul3A_0, %arg0 : i32
    %mul3A_1 = arith.constant 1920 : i32
    %mul3A_2 = arith.muli %add3A, %mul3A_1 : i32
    "tpu.region"() ({
      %run_scoped3A = tpu.sem_alloc : memref<!tpu.dma_semaphore, #tpu.memory_space<semaphore_mem>>
      %dma_start3A_31 = arith.constant 0 : i32
      %dma_start3A_32 = arith.constant 0 : i32
      %dma_start3A_33 = tpu.memref_slice %arg3[%add3A, %dma_start3A_31, %dma_start3A_32] : memref<32x20x96xi32, #tpu.memory_space<hbm>> -> memref<1x20x96xi32, #tpu.memory_space<hbm>>
      %dma_start3A_34 = tpu.memref_squeeze %dma_start3A_33 : memref<1x20x96xi32, #tpu.memory_space<hbm>> -> memref<20x96xi32, #tpu.memory_space<hbm>>
      %dma_start3A_35 = arith.constant 0 : i32
      %dma_start3A_36 = arith.constant 0 : i32
      %dma_start3A_37 = tpu.memref_slice %arg3[%add3A, %dma_start3A_35, %dma_start3A_36] : memref<32x20x96xi32, #tpu.memory_space<hbm>> -> memref<1x20x96xi32, #tpu.memory_space<hbm>>
      %dma_start3A_38 = tpu.memref_squeeze %dma_start3A_37 : memref<1x20x96xi32, #tpu.memory_space<hbm>> -> memref<20x96xi32, #tpu.memory_space<hbm>>
      tpu.enqueue_dma source(%dma_start3A_38 : memref<20x96xi32, #tpu.memory_space<hbm>>) target(%arg5 : memref<20x96xi32, #tpu.memory_space<vmem>>) target_semaphore(%run_scoped3A : memref<!tpu.dma_semaphore, #tpu.memory_space<semaphore_mem>>)
      %dma_wait3A_39 = arith.constant 0 : i32
      %dma_wait3A_40 = arith.constant 0 : i32
      %dma_wait3A_41 = tpu.memref_slice %arg3[%add3A, %dma_wait3A_39, %dma_wait3A_40] : memref<32x20x96xi32, #tpu.memory_space<hbm>> -> memref<1x20x96xi32, #tpu.memory_space<hbm>>
      %dma_wait3A_42 = tpu.memref_squeeze %dma_wait3A_41 : memref<1x20x96xi32, #tpu.memory_space<hbm>> -> memref<20x96xi32, #tpu.memory_space<hbm>>
      %dma_wait3A_43 = arith.constant 0 : i32
      %dma_wait3A_44 = arith.constant 0 : i32
      %dma_wait3A_45 = tpu.memref_slice %arg3[%add3A, %dma_wait3A_43, %dma_wait3A_44] : memref<32x20x96xi32, #tpu.memory_space<hbm>> -> memref<1x20x96xi32, #tpu.memory_space<hbm>>
      %dma_wait3A_46 = tpu.memref_squeeze %dma_wait3A_45 : memref<1x20x96xi32, #tpu.memory_space<hbm>> -> memref<20x96xi32, #tpu.memory_space<hbm>>
      tpu.wait_dma2 semaphore(%run_scoped3A : memref<!tpu.dma_semaphore, #tpu.memory_space<semaphore_mem>>) src(%dma_wait3A_46 : memref<20x96xi32, #tpu.memory_space<hbm>>) dst(%arg5 : memref<20x96xi32, #tpu.memory_space<vmem>>)
      tpu.yield
    }) : () -> ()
    %dma_start3A = arith.constant 0 : i32
    %dma_start3A_3 = arith.constant 0 : i32
    %dma_start3A_4 = tpu.memref_slice %arg5[%dma_start3A, %dma_start3A_3] : memref<20x96xi32, #tpu.memory_space<vmem>> -> memref<1x96xi32, #tpu.memory_space<vmem>>
    %dma_start3A_5 = tpu.memref_squeeze %dma_start3A_4 : memref<1x96xi32, #tpu.memory_space<vmem>> -> memref<96xi32, #tpu.memory_space<vmem>>
    %dma_start3A_6 = arith.constant 0 : i32
    %dma_start3A_7 = arith.constant 0 : i32
    %dma_start3A_8 = tpu.memref_slice %arg2[%dma_start3A_6, %dma_start3A_7] : memref<10000x256xf32, #tpu.memory_space<hbm>> -> memref<10000x256xf32, #tpu.memory_space<hbm>>
    tpu.enqueue_indirect_dma source(%dma_start3A_8 : memref<10000x256xf32, #tpu.memory_space<hbm>>) target(%arg6 : memref<96x256xf32, #tpu.memory_space<vmem>>) offsets(%dma_start3A_5 : memref<96xi32, #tpu.memory_space<vmem>>) semaphore(%arg8 : memref<!tpu.dma_semaphore, #tpu.memory_space<semaphore_mem>>)
    %dma_start3A_9 = arith.constant 1 : i32
    %dma_start3A_10 = arith.constant 0 : i32
    %dma_start3A_11 = tpu.memref_slice %arg5[%dma_start3A_9, %dma_start3A_10] : memref<20x96xi32, #tpu.memory_space<vmem>> -> memref<1x96xi32, #tpu.memory_space<vmem>>
    %dma_start3A_12 = tpu.memref_squeeze %dma_start3A_11 : memref<1x96xi32, #tpu.memory_space<vmem>> -> memref<96xi32, #tpu.memory_space<vmem>>
    %dma_start3A_13 = arith.constant 0 : i32
    %dma_start3A_14 = arith.constant 0 : i32
    %dma_start3A_15 = tpu.memref_slice %arg2[%dma_start3A_13, %dma_start3A_14] : memref<10000x256xf32, #tpu.memory_space<hbm>> -> memref<10000x256xf32, #tpu.memory_space<hbm>>
    tpu.enqueue_indirect_dma source(%dma_start3A_15 : memref<10000x256xf32, #tpu.memory_space<hbm>>) target(%arg7 : memref<96x256xf32, #tpu.memory_space<vmem>>) offsets(%dma_start3A_12 : memref<96xi32, #tpu.memory_space<vmem>>) semaphore(%arg9 : memref<!tpu.dma_semaphore, #tpu.memory_space<semaphore_mem>>)
    %scan3A = arith.constant 0 : i32
    %scan3A_16 = arith.constant 10 : i32
    %scan3A_17 = arith.addi %scan3A, %scan3A_16 : i32
    %scan3A_18 = arith.constant 1 : i32
    scf.for %scan3A_31 = %scan3A to %scan3A_17 step %scan3A_18  : i32 {
      %mul3A_32 = arith.constant 2 : i32
      %mul3A_33 = arith.muli %scan3A_31, %mul3A_32 : i32
      %add3A_34 = arith.constant 0 : i32
      %add3A_35 = arith.addi %add3A_34, %mul3A_33 : i32
      %add3A_36 = arith.constant 0 : i32
      %add3A_37 = arith.addi %add3A_35, %add3A_36 : i32
      %dma_wait3A_38 = arith.constant 0 : i32
      %dma_wait3A_39 = arith.constant 0 : i32
      %dma_wait3A_40 = tpu.memref_slice %arg5[%dma_wait3A_38, %dma_wait3A_39] : memref<20x96xi32, #tpu.memory_space<vmem>> -> memref<1x96xi32, #tpu.memory_space<vmem>>
      %dma_wait3A_41 = tpu.memref_squeeze %dma_wait3A_40 : memref<1x96xi32, #tpu.memory_space<vmem>> -> memref<96xi32, #tpu.memory_space<vmem>>
      %dma_wait3A_42 = arith.constant 0 : i32
      %dma_wait3A_43 = arith.constant 0 : i32
      %dma_wait3A_44 = tpu.memref_slice %arg2[%dma_wait3A_42, %dma_wait3A_43] : memref<10000x256xf32, #tpu.memory_space<hbm>> -> memref<10000x256xf32, #tpu.memory_space<hbm>>
      tpu.wait_indirect_dma semaphore(%arg8 : memref<!tpu.dma_semaphore, #tpu.memory_space<semaphore_mem>>) src(%dma_wait3A_44 : memref<10000x256xf32, #tpu.memory_space<hbm>>) dst(%arg6 : memref<96x256xf32, #tpu.memory_space<vmem>>)
      %mul3A_45 = arith.constant 96 : i32
      %mul3A_46 = arith.muli %add3A_37, %mul3A_45 : i32
      %add3A_47 = arith.addi %mul3A_2, %mul3A_46 : i32
      %dma_start3A_48 = arith.constant 0 : i32
      %dma_start3A_49 = tpu.memref_slice %arg4[%add3A_47, %dma_start3A_48] : memref<61440x256xf32, #tpu.memory_space<hbm>> -> memref<96x256xf32, #tpu.memory_space<hbm>>
      %dma_start3A_50 = arith.constant 0 : i32
      %dma_start3A_51 = tpu.memref_slice %arg4[%add3A_47, %dma_start3A_50] : memref<61440x256xf32, #tpu.memory_space<hbm>> -> memref<96x256xf32, #tpu.memory_space<hbm>>
      tpu.enqueue_dma source(%arg6 : memref<96x256xf32, #tpu.memory_space<vmem>>) target(%dma_start3A_51 : memref<96x256xf32, #tpu.memory_space<hbm>>) target_semaphore(%arg10 : memref<!tpu.dma_semaphore, #tpu.memory_space<semaphore_mem>>)
      %add3A_52 = arith.constant 2 : i32
      %add3A_53 = arith.addi %add3A_37, %add3A_52 : i32
      %lt3A = arith.constant 20 : i32
      %lt3A_54 = arith.cmpi slt, %add3A_53, %lt3A : i32
      %convert_element_type3A = arith.extui %lt3A_54 : i1 to i32
      %cond3A = arith.constant 0 : i32
      %cond3A_55 = arith.cmpi ne, %convert_element_type3A, %cond3A : i32
      scf.if %cond3A_55 {
        %mul3A_79 = arith.constant 96 : i32
        %mul3A_80 = arith.muli %add3A_37, %mul3A_79 : i32
        %add3A_81 = arith.addi %mul3A_2, %mul3A_80 : i32
        %dma_wait3A_82 = arith.constant 0 : i32
        %dma_wait3A_83 = tpu.memref_slice %arg4[%add3A_81, %dma_wait3A_82] : memref<61440x256xf32, #tpu.memory_space<hbm>> -> memref<96x256xf32, #tpu.memory_space<hbm>>
        %dma_wait3A_84 = arith.constant 0 : i32
        %dma_wait3A_85 = tpu.memref_slice %arg4[%add3A_81, %dma_wait3A_84] : memref<61440x256xf32, #tpu.memory_space<hbm>> -> memref<96x256xf32, #tpu.memory_space<hbm>>
        tpu.wait_dma2 semaphore(%arg10 : memref<!tpu.dma_semaphore, #tpu.memory_space<semaphore_mem>>) src(%arg6 : memref<96x256xf32, #tpu.memory_space<vmem>>) dst(%dma_wait3A_85 : memref<96x256xf32, #tpu.memory_space<hbm>>)
        %add3A_86 = arith.constant 2 : i32
        %add3A_87 = arith.addi %add3A_37, %add3A_86 : i32
        %dma_start3A_88 = arith.constant 0 : i32
        %dma_start3A_89 = tpu.memref_slice %arg5[%add3A_87, %dma_start3A_88] : memref<20x96xi32, #tpu.memory_space<vmem>> -> memref<1x96xi32, #tpu.memory_space<vmem>>
        %dma_start3A_90 = tpu.memref_squeeze %dma_start3A_89 : memref<1x96xi32, #tpu.memory_space<vmem>> -> memref<96xi32, #tpu.memory_space<vmem>>
        %dma_start3A_91 = arith.constant 0 : i32
        %dma_start3A_92 = arith.constant 0 : i32
        %dma_start3A_93 = tpu.memref_slice %arg2[%dma_start3A_91, %dma_start3A_92] : memref<10000x256xf32, #tpu.memory_space<hbm>> -> memref<10000x256xf32, #tpu.memory_space<hbm>>
        tpu.enqueue_indirect_dma source(%dma_start3A_93 : memref<10000x256xf32, #tpu.memory_space<hbm>>) target(%arg6 : memref<96x256xf32, #tpu.memory_space<vmem>>) offsets(%dma_start3A_90 : memref<96xi32, #tpu.memory_space<vmem>>) semaphore(%arg8 : memref<!tpu.dma_semaphore, #tpu.memory_space<semaphore_mem>>)
      } else {
      }
      %add3A_56 = arith.constant 1 : i32
      %add3A_57 = arith.addi %add3A_35, %add3A_56 : i32
      %dma_wait3A_58 = arith.constant 0 : i32
      %dma_wait3A_59 = arith.constant 0 : i32
      %dma_wait3A_60 = tpu.memref_slice %arg5[%dma_wait3A_58, %dma_wait3A_59] : memref<20x96xi32, #tpu.memory_space<vmem>> -> memref<1x96xi32, #tpu.memory_space<vmem>>
      %dma_wait3A_61 = tpu.memref_squeeze %dma_wait3A_60 : memref<1x96xi32, #tpu.memory_space<vmem>> -> memref<96xi32, #tpu.memory_space<vmem>>
      %dma_wait3A_62 = arith.constant 0 : i32
      %dma_wait3A_63 = arith.constant 0 : i32
      %dma_wait3A_64 = tpu.memref_slice %arg2[%dma_wait3A_62, %dma_wait3A_63] : memref<10000x256xf32, #tpu.memory_space<hbm>> -> memref<10000x256xf32, #tpu.memory_space<hbm>>
      tpu.wait_indirect_dma semaphore(%arg9 : memref<!tpu.dma_semaphore, #tpu.memory_space<semaphore_mem>>) src(%dma_wait3A_64 : memref<10000x256xf32, #tpu.memory_space<hbm>>) dst(%arg7 : memref<96x256xf32, #tpu.memory_space<vmem>>)
      %mul3A_65 = arith.constant 96 : i32
      %mul3A_66 = arith.muli %add3A_57, %mul3A_65 : i32
      %add3A_67 = arith.addi %mul3A_2, %mul3A_66 : i32
      %dma_start3A_68 = arith.constant 0 : i32
      %dma_start3A_69 = tpu.memref_slice %arg4[%add3A_67, %dma_start3A_68] : memref<61440x256xf32, #tpu.memory_space<hbm>> -> memref<96x256xf32, #tpu.memory_space<hbm>>
      %dma_start3A_70 = arith.constant 0 : i32
      %dma_start3A_71 = tpu.memref_slice %arg4[%add3A_67, %dma_start3A_70] : memref<61440x256xf32, #tpu.memory_space<hbm>> -> memref<96x256xf32, #tpu.memory_space<hbm>>
      tpu.enqueue_dma source(%arg7 : memref<96x256xf32, #tpu.memory_space<vmem>>) target(%dma_start3A_71 : memref<96x256xf32, #tpu.memory_space<hbm>>) target_semaphore(%arg11 : memref<!tpu.dma_semaphore, #tpu.memory_space<semaphore_mem>>)
      %add3A_72 = arith.constant 2 : i32
      %add3A_73 = arith.addi %add3A_57, %add3A_72 : i32
      %lt3A_74 = arith.constant 20 : i32
      %lt3A_75 = arith.cmpi slt, %add3A_73, %lt3A_74 : i32
      %convert_element_type3A_76 = arith.extui %lt3A_75 : i1 to i32
      %cond3A_77 = arith.constant 0 : i32
      %cond3A_78 = arith.cmpi ne, %convert_element_type3A_76, %cond3A_77 : i32
      scf.if %cond3A_78 {
        %mul3A_79 = arith.constant 96 : i32
        %mul3A_80 = arith.muli %add3A_57, %mul3A_79 : i32
        %add3A_81 = arith.addi %mul3A_2, %mul3A_80 : i32
        %dma_wait3A_82 = arith.constant 0 : i32
        %dma_wait3A_83 = tpu.memref_slice %arg4[%add3A_81, %dma_wait3A_82] : memref<61440x256xf32, #tpu.memory_space<hbm>> -> memref<96x256xf32, #tpu.memory_space<hbm>>
        %dma_wait3A_84 = arith.constant 0 : i32
        %dma_wait3A_85 = tpu.memref_slice %arg4[%add3A_81, %dma_wait3A_84] : memref<61440x256xf32, #tpu.memory_space<hbm>> -> memref<96x256xf32, #tpu.memory_space<hbm>>
        tpu.wait_dma2 semaphore(%arg11 : memref<!tpu.dma_semaphore, #tpu.memory_space<semaphore_mem>>) src(%arg7 : memref<96x256xf32, #tpu.memory_space<vmem>>) dst(%dma_wait3A_85 : memref<96x256xf32, #tpu.memory_space<hbm>>)
        %add3A_86 = arith.constant 2 : i32
        %add3A_87 = arith.addi %add3A_57, %add3A_86 : i32
        %dma_start3A_88 = arith.constant 0 : i32
        %dma_start3A_89 = tpu.memref_slice %arg5[%add3A_87, %dma_start3A_88] : memref<20x96xi32, #tpu.memory_space<vmem>> -> memref<1x96xi32, #tpu.memory_space<vmem>>
        %dma_start3A_90 = tpu.memref_squeeze %dma_start3A_89 : memref<1x96xi32, #tpu.memory_space<vmem>> -> memref<96xi32, #tpu.memory_space<vmem>>
        %dma_start3A_91 = arith.constant 0 : i32
        %dma_start3A_92 = arith.constant 0 : i32
        %dma_start3A_93 = tpu.memref_slice %arg2[%dma_start3A_91, %dma_start3A_92] : memref<10000x256xf32, #tpu.memory_space<hbm>> -> memref<10000x256xf32, #tpu.memory_space<hbm>>
        tpu.enqueue_indirect_dma source(%dma_start3A_93 : memref<10000x256xf32, #tpu.memory_space<hbm>>) target(%arg7 : memref<96x256xf32, #tpu.memory_space<vmem>>) offsets(%dma_start3A_90 : memref<96xi32, #tpu.memory_space<vmem>>) semaphore(%arg9 : memref<!tpu.dma_semaphore, #tpu.memory_space<semaphore_mem>>)
      } else {
      }
    }
    %scan3A_19 = arith.constant 10 : i32
    %add3A_20 = arith.constant 0 : i32
    %add3A_21 = arith.addi %mul3A_2, %add3A_20 : i32
    %dma_wait3A = arith.constant 0 : i32
    %dma_wait3A_22 = tpu.memref_slice %arg4[%add3A_21, %dma_wait3A] : memref<61440x256xf32, #tpu.memory_space<hbm>> -> memref<96x256xf32, #tpu.memory_space<hbm>>
    %dma_wait3A_23 = arith.constant 0 : i32
    %dma_wait3A_24 = tpu.memref_slice %arg4[%add3A_21, %dma_wait3A_23] : memref<61440x256xf32, #tpu.memory_space<hbm>> -> memref<96x256xf32, #tpu.memory_space<hbm>>
    tpu.wait_dma2 semaphore(%arg10 : memref<!tpu.dma_semaphore, #tpu.memory_space<semaphore_mem>>) src(%arg6 : memref<96x256xf32, #tpu.memory_space<vmem>>) dst(%dma_wait3A_24 : memref<96x256xf32, #tpu.memory_space<hbm>>)
    %add3A_25 = arith.constant 0 : i32
    %add3A_26 = arith.addi %mul3A_2, %add3A_25 : i32
    %dma_wait3A_27 = arith.constant 0 : i32
    %dma_wait3A_28 = tpu.memref_slice %arg4[%add3A_26, %dma_wait3A_27] : memref<61440x256xf32, #tpu.memory_space<hbm>> -> memref<96x256xf32, #tpu.memory_space<hbm>>
    %dma_wait3A_29 = arith.constant 0 : i32
    %dma_wait3A_30 = tpu.memref_slice %arg4[%add3A_26, %dma_wait3A_29] : memref<61440x256xf32, #tpu.memory_space<hbm>> -> memref<96x256xf32, #tpu.memory_space<hbm>>
    tpu.wait_dma2 semaphore(%arg11 : memref<!tpu.dma_semaphore, #tpu.memory_space<semaphore_mem>>) src(%arg7 : memref<96x256xf32, #tpu.memory_space<vmem>>) dst(%dma_wait3A_30 : memref<96x256xf32, #tpu.memory_space<hbm>>)
    return
  }
}

module attributes {stable_mosaic.version = 14 : i64} {
  func.func @body(%arg0: memref<10000x3xf32, #tpu.memory_space<vmem>>, %arg1: memref<10000x128xf32, #tpu.memory_space<vmem>>) attributes {dimension_semantics = [], scalar_prefetch = 0 : i64, scratch_operands = 0 : i64, tpu.core_type = #tpu.core_type<tc>} {
    %get3A = arith.constant 0 : index
    %get3A_0 = arith.constant 0 : index
    %get3A_1 = vector.load %arg0[%get3A, %get3A_0] : memref<10000x3xf32, #tpu.memory_space<vmem>>, vector<10000x3xf32>
    %reduce_sum3A = arith.constant dense<0.000000e+00> : vector<3xf32>
    %reduce_sum3A_2 = vector.multi_reduction <add>, %get3A_1, %reduce_sum3A [0] : vector<10000x3xf32> to vector<3xf32>
    %broadcast_in_dim3A = vector.shape_cast %reduce_sum3A_2 : vector<3xf32> to vector<1x3xf32>
    %div3A = arith.constant 1.000000e+04 : f32
    %div3A_3 = vector.broadcast %div3A : f32 to vector<1x3xf32>
    %div3A_4 = arith.divf %broadcast_in_dim3A, %div3A_3 : vector<1x3xf32>
    %sub3A = vector.broadcast %div3A_4 : vector<1x3xf32> to vector<10000x3xf32>
    %sub3A_5 = arith.subf %get3A_1, %sub3A : vector<10000x3xf32>
    %mul3A = arith.mulf %sub3A_5, %sub3A_5 : vector<10000x3xf32>
    %reduce_sum3A_6 = arith.constant dense<0.000000e+00> : vector<10000xf32>
    %reduce_sum3A_7 = vector.multi_reduction <add>, %mul3A, %reduce_sum3A_6 [1] : vector<10000x3xf32> to vector<10000xf32>
    %broadcast_in_dim3A_8 = vector.shape_cast %reduce_sum3A_7 : vector<10000xf32> to vector<10000x1xf32>
    %sqrt3A = math.sqrt %broadcast_in_dim3A_8 : vector<10000x1xf32>
    %reduce_max3A = vector.shape_cast %sqrt3A : vector<10000x1xf32> to vector<1x10000x1xf32>
    %reduce_max3A_9 = arith.constant dense<0xFF800000> : vector<1xf32>
    %reduce_max3A_10 = vector.multi_reduction <maximumf>, %reduce_max3A, %reduce_max3A_9 [1, 2] : vector<1x10000x1xf32> to vector<1xf32>
    %reduce_max3A_11 = vector.shape_cast %reduce_max3A_10 : vector<1xf32> to vector<1x1x1xf32>
    %reduce_max3A_12 = vector.extract %reduce_max3A_11[0, 0, 0] : f32 from vector<1x1x1xf32>
    %div3A_13 = vector.broadcast %reduce_max3A_12 : f32 to vector<10000x3xf32>
    %div3A_14 = arith.divf %sub3A_5, %div3A_13 : vector<10000x3xf32>
    %broadcast_in_dim3A_15 = arith.constant 0.000000e+00 : f32
    %broadcast_in_dim3A_16 = vector.broadcast %broadcast_in_dim3A_15 : f32 to vector<10000x125xf32>
    %concatenate3A = tpu.concatenate %div3A_14, %broadcast_in_dim3A_16 in 1 : vector<10000x3xf32>, vector<10000x125xf32> -> vector<10000x128xf32>
    %swap3A = arith.constant 0 : index
    %swap3A_17 = arith.constant 0 : index
    %swap3A_18 = vector.load %arg1[%swap3A, %swap3A_17] : memref<10000x128xf32, #tpu.memory_space<vmem>>, vector<10000x128xf32>
    tpu.vector_store %arg1[%swap3A, %swap3A_17], %concatenate3A {strides = array<i32>} : memref<10000x128xf32, #tpu.memory_space<vmem>>, vector<10000x128xf32>,
    return
  }
}

module attributes {stable_mosaic.version = 14 : i64} {
  func.func @body(%arg0: i32, %arg1: memref<2000x128xf32, #tpu.memory_space<vmem>>, %arg2: memref<2000x128xf32, #tpu.memory_space<vmem>>, %arg3: memref<2000x128xf32, #tpu.memory_space<vmem>>, %arg4: memref<3x2000x128xf32, #tpu.memory_space<vmem>>) attributes {dimension_semantics = [#tpu.dimension_semantics<arbitrary>], iteration_bounds = array<i64: 10>, scalar_prefetch = 0 : i64, scratch_operands = 0 : i64, tpu.core_type = #tpu.core_type<tc>, window_params = [{transform_indices = @transform_0, window_bounds = array<i64: 2000, 128>}, {transform_indices = @transform_1, window_bounds = array<i64: 2000, 128>}, {transform_indices = @transform_2, window_bounds = array<i64: 2000, 128>}, {transform_indices = @transform_3, window_bounds = array<i64: 3, 2000, 128>}]} {
    %get3A = arith.constant 0 : index
    %get3A_0 = arith.constant 0 : index
    %get3A_1 = vector.load %arg1[%get3A, %get3A_0] : memref<2000x128xf32, #tpu.memory_space<vmem>>, vector<2000x16xf32>
    %get3A_2 = arith.constant 0 : index
    %get3A_3 = arith.constant 0 : index
    %get3A_4 = vector.load %arg2[%get3A_2, %get3A_3] : memref<2000x128xf32, #tpu.memory_space<vmem>>, vector<2000x16xf32>
    %sub3A = arith.subf %get3A_4, %get3A_1 : vector<2000x16xf32>
    %get3A_5 = arith.constant 0 : index
    %get3A_6 = arith.constant 0 : index
    %get3A_7 = vector.load %arg3[%get3A_5, %get3A_6] : memref<2000x128xf32, #tpu.memory_space<vmem>>, vector<2000x16xf32>
    %sub3A_8 = arith.subf %get3A_7, %get3A_1 : vector<2000x16xf32>
    %slice3A = vector.extract_strided_slice %sub3A {offsets = [0, 0], sizes = [2000, 1], strides = [1, 1]} : vector<2000x16xf32> to vector<2000x1xf32>
    %slice3A_9 = vector.extract_strided_slice %sub3A {offsets = [0, 1], sizes = [2000, 1], strides = [1, 1]} : vector<2000x16xf32> to vector<2000x1xf32>
    %slice3A_10 = vector.extract_strided_slice %sub3A {offsets = [0, 2], sizes = [2000, 1], strides = [1, 1]} : vector<2000x16xf32> to vector<2000x1xf32>
    %slice3A_11 = vector.extract_strided_slice %sub3A_8 {offsets = [0, 0], sizes = [2000, 1], strides = [1, 1]} : vector<2000x16xf32> to vector<2000x1xf32>
    %slice3A_12 = vector.extract_strided_slice %sub3A_8 {offsets = [0, 1], sizes = [2000, 1], strides = [1, 1]} : vector<2000x16xf32> to vector<2000x1xf32>
    %slice3A_13 = vector.extract_strided_slice %sub3A_8 {offsets = [0, 2], sizes = [2000, 1], strides = [1, 1]} : vector<2000x16xf32> to vector<2000x1xf32>
    %mul3A = arith.mulf %slice3A_9, %slice3A_13 : vector<2000x1xf32>
    %mul3A_14 = arith.mulf %slice3A_10, %slice3A_12 : vector<2000x1xf32>
    %sub3A_15 = arith.subf %mul3A, %mul3A_14 : vector<2000x1xf32>
    %mul3A_16 = arith.mulf %slice3A_10, %slice3A_11 : vector<2000x1xf32>
    %mul3A_17 = arith.mulf %slice3A, %slice3A_13 : vector<2000x1xf32>
    %sub3A_18 = arith.subf %mul3A_16, %mul3A_17 : vector<2000x1xf32>
    %mul3A_19 = arith.mulf %slice3A, %slice3A_12 : vector<2000x1xf32>
    %mul3A_20 = arith.mulf %slice3A_9, %slice3A_11 : vector<2000x1xf32>
    %sub3A_21 = arith.subf %mul3A_19, %mul3A_20 : vector<2000x1xf32>
    %mul3A_22 = arith.mulf %sub3A_15, %sub3A_15 : vector<2000x1xf32>
    %mul3A_23 = arith.mulf %sub3A_18, %sub3A_18 : vector<2000x1xf32>
    %add3A = arith.addf %mul3A_22, %mul3A_23 : vector<2000x1xf32>
    %mul3A_24 = arith.mulf %sub3A_21, %sub3A_21 : vector<2000x1xf32>
    %add3A_25 = arith.addf %add3A, %mul3A_24 : vector<2000x1xf32>
    %sqrt3A = math.sqrt %add3A_25 : vector<2000x1xf32>
    %mul3A_26 = arith.constant 5.000000e-01 : f32
    %mul3A_27 = vector.broadcast %mul3A_26 : f32 to vector<2000x1xf32>
    %mul3A_28 = arith.mulf %sqrt3A, %mul3A_27 : vector<2000x1xf32>
    %broadcast_in_dim3A = arith.constant 1.000000e+00 : f32
    %broadcast_in_dim3A_29 = vector.broadcast %broadcast_in_dim3A : f32 to vector<2000x1xf32>
    %broadcast_in_dim3A_30 = arith.constant 0.000000e+00 : f32
    %broadcast_in_dim3A_31 = vector.broadcast %broadcast_in_dim3A_30 : f32 to vector<2000x126xf32>
    %concatenate3A = tpu.concatenate %mul3A_28, %broadcast_in_dim3A_29, %broadcast_in_dim3A_31 in 1 : vector<2000x1xf32>, vector<2000x1xf32>, vector<2000x126xf32> -> vector<2000x128xf32>
    %broadcast_in_dim3A_32 = vector.shape_cast %concatenate3A : vector<2000x128xf32> to vector<1x2000x128xf32>
    %broadcast_in_dim3A_33 = vector.shape_cast %broadcast_in_dim3A_32 : vector<1x2000x128xf32> to vector<1x2000x128xf32>
    %broadcast_in_dim3A_34 = vector.broadcast %broadcast_in_dim3A_33 : vector<1x2000x128xf32> to vector<3x2000x128xf32>
    %swap3A = arith.constant 0 : index
    %swap3A_35 = arith.constant 0 : index
    %swap3A_36 = arith.constant 0 : index
    %swap3A_37 = vector.load %arg4[%swap3A, %swap3A_35, %swap3A_36] : memref<3x2000x128xf32, #tpu.memory_space<vmem>>, vector<3x2000x128xf32>
    tpu.vector_store %arg4[%swap3A, %swap3A_35, %swap3A_36], %broadcast_in_dim3A_34 {strides = array<i32>} : memref<3x2000x128xf32, #tpu.memory_space<vmem>>, vector<3x2000x128xf32>,
    return
  }
  func.func @transform_0(%arg0: i32) -> (i32, i32) {
    %c0_i32 = arith.constant 0 : i32
    %c0_i32_0 = arith.constant 0 : i32
    return %arg0, %c0_i32 : i32, i32
  }
  func.func @transform_1(%arg0: i32) -> (i32, i32) {
    %add3A = arith.constant 10 : i32
    %add3A_0 = arith.addi %arg0, %add3A : i32
    %c0_i32 = arith.constant 0 : i32
    %c0_i32_1 = arith.constant 0 : i32
    return %add3A_0, %c0_i32 : i32, i32
  }
  func.func @transform_2(%arg0: i32) -> (i32, i32) {
    %add3A = arith.constant 20 : i32
    %add3A_0 = arith.addi %arg0, %add3A : i32
    %c0_i32 = arith.constant 0 : i32
    %c0_i32_1 = arith.constant 0 : i32
    return %add3A_0, %c0_i32 : i32, i32
  }
  func.func @transform_3(%arg0: i32) -> (i32, i32, i32) {
    %c0_i32 = arith.constant 0 : i32
    %c0_i32_0 = arith.constant 0 : i32
    %c0_i32_1 = arith.constant 0 : i32
    return %c0_i32, %arg0, %c0_i32_0 : i32, i32, i32
  }
}

module attributes {stable_mosaic.version = 14 : i64} {
  func.func @body(%arg0: i32, %arg1: memref<2x2000x128xf32, #tpu.memory_space<vmem>>, %arg2: memref<2000x9xf32, #tpu.memory_space<vmem>>, %arg3: memref<2000x128xf32, #tpu.memory_space<vmem>>, %arg4: memref<10x32xf32, #tpu.memory_space<vmem>>, %arg5: memref<1x32xf32, #tpu.memory_space<vmem>>, %arg6: memref<2000x128xf32, #tpu.memory_space<vmem>>) attributes {dimension_semantics = [#tpu.dimension_semantics<arbitrary>], iteration_bounds = array<i64: 5>, scalar_prefetch = 0 : i64, scratch_operands = 0 : i64, tpu.core_type = #tpu.core_type<tc>, window_params = [{transform_indices = @transform_0, window_bounds = array<i64: 2, 2000, 128>}, {transform_indices = @transform_1, window_bounds = array<i64: 2000, 9>}, {transform_indices = @transform_2, window_bounds = array<i64: 2000, 128>}, {pipeline_mode = #tpu.pipeline_mode<synchronous>, transform_indices = @transform_3, window_bounds = array<i64: 10, 32>}, {pipeline_mode = #tpu.pipeline_mode<synchronous>, transform_indices = @transform_4, window_bounds = array<i64: 1, 32>}, {transform_indices = @transform_5, window_bounds = array<i64: 2000, 128>}]} {
    %get3A = arith.constant 0 : index
    %get3A_0 = arith.constant 0 : index
    %get3A_1 = arith.constant 0 : index
    %get3A_2 = vector.load %arg1[%get3A, %get3A_0, %get3A_1] : memref<2x2000x128xf32, #tpu.memory_space<vmem>>, vector<2x2000x128xf32>
    %slice3A = vector.extract_strided_slice %get3A_2 {offsets = [0, 0, 0], sizes = [1, 2000, 1], strides = [1, 1, 1]} : vector<2x2000x128xf32> to vector<1x2000x1xf32>
    %squeeze3A = vector.shape_cast %slice3A : vector<1x2000x1xf32> to vector<2000x1xf32>
    %slice3A_3 = vector.extract_strided_slice %get3A_2 {offsets = [1, 0, 0], sizes = [1, 2000, 1], strides = [1, 1, 1]} : vector<2x2000x128xf32> to vector<1x2000x1xf32>
    %squeeze3A_4 = vector.shape_cast %slice3A_3 : vector<1x2000x1xf32> to vector<2000x1xf32>
    %add3A = arith.addf %squeeze3A, %squeeze3A_4 : vector<2000x1xf32>
    %slice3A_5 = vector.extract_strided_slice %get3A_2 {offsets = [0, 0, 1], sizes = [1, 2000, 1], strides = [1, 1, 1]} : vector<2x2000x128xf32> to vector<1x2000x1xf32>
    %squeeze3A_6 = vector.shape_cast %slice3A_5 : vector<1x2000x1xf32> to vector<2000x1xf32>
    %slice3A_7 = vector.extract_strided_slice %get3A_2 {offsets = [1, 0, 1], sizes = [1, 2000, 1], strides = [1, 1, 1]} : vector<2x2000x128xf32> to vector<1x2000x1xf32>
    %squeeze3A_8 = vector.shape_cast %slice3A_7 : vector<1x2000x1xf32> to vector<2000x1xf32>
    %add3A_9 = arith.addf %squeeze3A_6, %squeeze3A_8 : vector<2000x1xf32>
    %max3A = arith.constant 1.000000e+00 : f32
    %max3A_10 = vector.broadcast %max3A : f32 to vector<2000x1xf32>
    %max3A_11 = arith.maximumf %add3A_9, %max3A_10 : vector<2000x1xf32>
    %div3A = arith.divf %add3A, %max3A_11 : vector<2000x1xf32>
    %get3A_12 = arith.constant 0 : index
    %get3A_13 = arith.constant 0 : index
    %get3A_14 = vector.load %arg4[%get3A_12, %get3A_13] : memref<10x32xf32, #tpu.memory_space<vmem>>, vector<10x32xf32>
    %slice3A_15 = vector.extract_strided_slice %get3A_14 {offsets = [0, 0], sizes = [1, 32], strides = [1, 1]} : vector<10x32xf32> to vector<1x32xf32>
    %mul3A = vector.broadcast %div3A : vector<2000x1xf32> to vector<2000x32xf32>
    %mul3A_16 = vector.broadcast %slice3A_15 : vector<1x32xf32> to vector<2000x32xf32>
    %mul3A_17 = arith.mulf %mul3A, %mul3A_16 : vector<2000x32xf32>
    %get3A_18 = arith.constant 0 : index
    %get3A_19 = arith.constant 0 : index
    %get3A_20 = vector.load %arg2[%get3A_18, %get3A_19] : memref<2000x9xf32, #tpu.memory_space<vmem>>, vector<2000x9xf32>
    %slice3A_21 = vector.extract_strided_slice %get3A_14 {offsets = [1, 0], sizes = [9, 32], strides = [1, 1]} : vector<10x32xf32> to vector<9x32xf32>
    %convert_element_type3A = arith.truncf %get3A_20 : vector<2000x9xf32> to vector<2000x9xbf16>
    %convert_element_type3A_22 = arith.truncf %slice3A_21 : vector<9x32xf32> to vector<9x32xbf16>
    %dot_general3A = arith.constant dense<0.000000e+00> : vector<2000x32xf32>
    %dot_general3A_23 = tpu.matmul %convert_element_type3A, %convert_element_type3A_22, %dot_general3A {dimension_numbers = #tpu.dot_dimension_numbers<[1], [0], [0], [1], [0, 0, 1, 1], [], []>, transpose_lhs_hint = false} : vector<2000x9xbf16>, vector<9x32xbf16>, vector<2000x32xf32> -> vector<2000x32xf32>
    %add3A_24 = arith.addf %mul3A_17, %dot_general3A_23 : vector<2000x32xf32>
    %get3A_25 = arith.constant 0 : index
    %get3A_26 = arith.constant 0 : index
    %get3A_27 = vector.load %arg5[%get3A_25, %get3A_26] : memref<1x32xf32, #tpu.memory_space<vmem>>, vector<1x32xf32>
    %add3A_28 = vector.broadcast %get3A_27 : vector<1x32xf32> to vector<2000x32xf32>
    %add3A_29 = arith.addf %add3A_24, %add3A_28 : vector<2000x32xf32>
    %get3A_30 = arith.constant 0 : index
    %get3A_31 = arith.constant 0 : index
    %get3A_32 = vector.load %arg3[%get3A_30, %get3A_31] : memref<2000x128xf32, #tpu.memory_space<vmem>>, vector<2000x16xf32>
    %broadcast_in_dim3A = arith.constant 0.000000e+00 : f32
    %broadcast_in_dim3A_33 = vector.broadcast %broadcast_in_dim3A : f32 to vector<2000x80xf32>
    %concatenate3A = tpu.concatenate %add3A_29, %get3A_32, %broadcast_in_dim3A_33 in 1 : vector<2000x32xf32>, vector<2000x16xf32>, vector<2000x80xf32> -> vector<2000x128xf32>
    %swap3A = arith.constant 0 : index
    %swap3A_34 = arith.constant 0 : index
    %swap3A_35 = vector.load %arg6[%swap3A, %swap3A_34] : memref<2000x128xf32, #tpu.memory_space<vmem>>, vector<2000x128xf32>
    tpu.vector_store %arg6[%swap3A, %swap3A_34], %concatenate3A {strides = array<i32>} : memref<2000x128xf32, #tpu.memory_space<vmem>>, vector<2000x128xf32>,
    return
  }
  func.func @transform_0(%arg0: i32) -> (i32, i32, i32) {
    %c0_i32 = arith.constant 0 : i32
    %c0_i32_0 = arith.constant 0 : i32
    %c0_i32_1 = arith.constant 0 : i32
    return %c0_i32, %arg0, %c0_i32_0 : i32, i32, i32
  }
  func.func @transform_1(%arg0: i32) -> (i32, i32) {
    %c0_i32 = arith.constant 0 : i32
    %c0_i32_0 = arith.constant 0 : i32
    return %arg0, %c0_i32 : i32, i32
  }
  func.func @transform_2(%arg0: i32) -> (i32, i32) {
    %c0_i32 = arith.constant 0 : i32
    %c0_i32_0 = arith.constant 0 : i32
    return %arg0, %c0_i32 : i32, i32
  }
  func.func @transform_3(%arg0: i32) -> (i32, i32) {
    %c0_i32 = arith.constant 0 : i32
    %c0_i32_0 = arith.constant 0 : i32
    %c0_i32_1 = arith.constant 0 : i32
    return %c0_i32, %c0_i32_0 : i32, i32
  }
  func.func @transform_4(%arg0: i32) -> (i32, i32) {
    %c0_i32 = arith.constant 0 : i32
    %c0_i32_0 = arith.constant 0 : i32
    %c0_i32_1 = arith.constant 0 : i32
    return %c0_i32, %c0_i32_0 : i32, i32
  }
  func.func @transform_5(%arg0: i32) -> (i32, i32) {
    %c0_i32 = arith.constant 0 : i32
    %c0_i32_0 = arith.constant 0 : i32
    return %arg0, %c0_i32 : i32, i32
  }
}

module attributes {stable_mosaic.version = 14 : i64} {
  func.func @body(%arg0: i32, %arg1: memref<2000x128xf32, #tpu.memory_space<vmem>>, %arg2: memref<2000x128xf32, #tpu.memory_space<vmem>>, %arg3: memref<2000x1xf32, #tpu.memory_space<vmem>>, %arg4: memref<66x32xf32, #tpu.memory_space<vmem>>, %arg5: memref<1x32xf32, #tpu.memory_space<vmem>>, %arg6: memref<32x32xf32, #tpu.memory_space<vmem>>, %arg7: memref<1x32xf32, #tpu.memory_space<vmem>>, %arg8: memref<32x32xf32, #tpu.memory_space<vmem>>, %arg9: memref<1x32xf32, #tpu.memory_space<vmem>>, %arg10: memref<32x1xf32, #tpu.memory_space<vmem>>, %arg11: memref<2000x128xf32, #tpu.memory_space<vmem>>) attributes {dimension_semantics = [#tpu.dimension_semantics<arbitrary>], iteration_bounds = array<i64: 80>, scalar_prefetch = 0 : i64, scratch_operands = 0 : i64, tpu.core_type = #tpu.core_type<tc>, window_params = [{transform_indices = @transform_0, window_bounds = array<i64: 2000, 128>}, {transform_indices = @transform_1, window_bounds = array<i64: 2000, 128>}, {transform_indices = @transform_2, window_bounds = array<i64: 2000, 1>}, {pipeline_mode = #tpu.pipeline_mode<synchronous>, transform_indices = @transform_3, window_bounds = array<i64: 66, 32>}, {pipeline_mode = #tpu.pipeline_mode<synchronous>, transform_indices = @transform_4, window_bounds = array<i64: 1, 32>}, {pipeline_mode = #tpu.pipeline_mode<synchronous>, transform_indices = @transform_5, window_bounds = array<i64: 32, 32>}, {pipeline_mode = #tpu.pipeline_mode<synchronous>, transform_indices = @transform_6, window_bounds = array<i64: 1, 32>}, {pipeline_mode = #tpu.pipeline_mode<synchronous>, transform_indices = @transform_7, window_bounds = array<i64: 32, 32>}, {pipeline_mode = #tpu.pipeline_mode<synchronous>, transform_indices = @transform_8, window_bounds = array<i64: 1, 32>}, {pipeline_mode = #tpu.pipeline_mode<synchronous>, transform_indices = @transform_9, window_bounds = array<i64: 32, 1>}, {transform_indices = @transform_10, window_bounds = array<i64: 2000, 128>}]} {
    %get3A = arith.constant 0 : index
    %get3A_0 = arith.constant 0 : index
    %get3A_1 = vector.load %arg1[%get3A, %get3A_0] : memref<2000x128xf32, #tpu.memory_space<vmem>>, vector<2000x128xf32>
    %get3A_2 = arith.constant 0 : index
    %get3A_3 = arith.constant 0 : index
    %get3A_4 = vector.load %arg2[%get3A_2, %get3A_3] : memref<2000x128xf32, #tpu.memory_space<vmem>>, vector<2000x128xf32>
    %slice3A = vector.extract_strided_slice %get3A_1 {offsets = [0, 32], sizes = [2000, 16], strides = [1, 1]} : vector<2000x128xf32> to vector<2000x16xf32>
    %slice3A_5 = vector.extract_strided_slice %get3A_4 {offsets = [0, 32], sizes = [2000, 16], strides = [1, 1]} : vector<2000x128xf32> to vector<2000x16xf32>
    %sub3A = arith.subf %slice3A, %slice3A_5 : vector<2000x16xf32>
    %mul3A = arith.mulf %sub3A, %sub3A : vector<2000x16xf32>
    %reduce_sum3A = arith.constant dense<0.000000e+00> : vector<2000xf32>
    %reduce_sum3A_6 = vector.multi_reduction <add>, %mul3A, %reduce_sum3A [1] : vector<2000x16xf32> to vector<2000xf32>
    %broadcast_in_dim3A = vector.shape_cast %reduce_sum3A_6 : vector<2000xf32> to vector<2000x1xf32>
    %get3A_7 = arith.constant 0 : index
    %get3A_8 = arith.constant 0 : index
    %get3A_9 = vector.load %arg4[%get3A_7, %get3A_8] : memref<66x32xf32, #tpu.memory_space<vmem>>, vector<66x32xf32>
    %slice3A_10 = vector.extract_strided_slice %get3A_1 {offsets = [0, 0], sizes = [2000, 32], strides = [1, 1]} : vector<2000x128xf32> to vector<2000x32xf32>
    %slice3A_11 = vector.extract_strided_slice %get3A_9 {offsets = [0, 0], sizes = [32, 32], strides = [1, 1]} : vector<66x32xf32> to vector<32x32xf32>
    %convert_element_type3A = arith.truncf %slice3A_10 : vector<2000x32xf32> to vector<2000x32xbf16>
    %convert_element_type3A_12 = arith.truncf %slice3A_11 : vector<32x32xf32> to vector<32x32xbf16>
    %dot_general3A = arith.constant dense<0.000000e+00> : vector<2000x32xf32>
    %dot_general3A_13 = tpu.matmul %convert_element_type3A, %convert_element_type3A_12, %dot_general3A {dimension_numbers = #tpu.dot_dimension_numbers<[1], [0], [0], [1], [0, 0, 1, 1], [], []>, transpose_lhs_hint = false} : vector<2000x32xbf16>, vector<32x32xbf16>, vector<2000x32xf32> -> vector<2000x32xf32>
    %slice3A_14 = vector.extract_strided_slice %get3A_4 {offsets = [0, 0], sizes = [2000, 32], strides = [1, 1]} : vector<2000x128xf32> to vector<2000x32xf32>
    %slice3A_15 = vector.extract_strided_slice %get3A_9 {offsets = [32, 0], sizes = [32, 32], strides = [1, 1]} : vector<66x32xf32> to vector<32x32xf32>
    %convert_element_type3A_16 = arith.truncf %slice3A_14 : vector<2000x32xf32> to vector<2000x32xbf16>
    %convert_element_type3A_17 = arith.truncf %slice3A_15 : vector<32x32xf32> to vector<32x32xbf16>
    %dot_general3A_18 = arith.constant dense<0.000000e+00> : vector<2000x32xf32>
    %dot_general3A_19 = tpu.matmul %convert_element_type3A_16, %convert_element_type3A_17, %dot_general3A_18 {dimension_numbers = #tpu.dot_dimension_numbers<[1], [0], [0], [1], [0, 0, 1, 1], [], []>, transpose_lhs_hint = false} : vector<2000x32xbf16>, vector<32x32xbf16>, vector<2000x32xf32> -> vector<2000x32xf32>
    %add3A = arith.addf %dot_general3A_13, %dot_general3A_19 : vector<2000x32xf32>
    %slice3A_20 = vector.extract_strided_slice %get3A_9 {offsets = [64, 0], sizes = [1, 32], strides = [1, 1]} : vector<66x32xf32> to vector<1x32xf32>
    %mul3A_21 = vector.broadcast %broadcast_in_dim3A : vector<2000x1xf32> to vector<2000x32xf32>
    %mul3A_22 = vector.broadcast %slice3A_20 : vector<1x32xf32> to vector<2000x32xf32>
    %mul3A_23 = arith.mulf %mul3A_21, %mul3A_22 : vector<2000x32xf32>
    %add3A_24 = arith.addf %add3A, %mul3A_23 : vector<2000x32xf32>
    %get3A_25 = arith.constant 0 : index
    %get3A_26 = arith.constant 0 : index
    %get3A_27 = vector.load %arg3[%get3A_25, %get3A_26] : memref<2000x1xf32, #tpu.memory_space<vmem>>, vector<2000x1xf32>
    %slice3A_28 = vector.extract_strided_slice %get3A_9 {offsets = [65, 0], sizes = [1, 32], strides = [1, 1]} : vector<66x32xf32> to vector<1x32xf32>
    %mul3A_29 = vector.broadcast %get3A_27 : vector<2000x1xf32> to vector<2000x32xf32>
    %mul3A_30 = vector.broadcast %slice3A_28 : vector<1x32xf32> to vector<2000x32xf32>
    %mul3A_31 = arith.mulf %mul3A_29, %mul3A_30 : vector<2000x32xf32>
    %add3A_32 = arith.addf %add3A_24, %mul3A_31 : vector<2000x32xf32>
    %get3A_33 = arith.constant 0 : index
    %get3A_34 = arith.constant 0 : index
    %get3A_35 = vector.load %arg5[%get3A_33, %get3A_34] : memref<1x32xf32, #tpu.memory_space<vmem>>, vector<1x32xf32>
    %add3A_36 = vector.broadcast %get3A_35 : vector<1x32xf32> to vector<2000x32xf32>
    %add3A_37 = arith.addf %add3A_32, %add3A_36 : vector<2000x32xf32>
    %logistic3A = arith.negf %add3A_37 : vector<2000x32xf32>
    %logistic3A_38 = math.exp %logistic3A : vector<2000x32xf32>
    %logistic3A_39 = arith.constant 1.000000e+00 : f32
    %logistic3A_40 = vector.broadcast %logistic3A_39 : f32 to vector<2000x32xf32>
    %logistic3A_41 = arith.addf %logistic3A_40, %logistic3A_38 : vector<2000x32xf32>
    %logistic3A_42 = arith.divf %logistic3A_40, %logistic3A_41 : vector<2000x32xf32>
    %mul3A_43 = arith.mulf %add3A_37, %logistic3A_42 : vector<2000x32xf32>
    %get3A_44 = arith.constant 0 : index
    %get3A_45 = arith.constant 0 : index
    %get3A_46 = vector.load %arg6[%get3A_44, %get3A_45] : memref<32x32xf32, #tpu.memory_space<vmem>>, vector<32x32xf32>
    %convert_element_type3A_47 = arith.truncf %mul3A_43 : vector<2000x32xf32> to vector<2000x32xbf16>
    %convert_element_type3A_48 = arith.truncf %get3A_46 : vector<32x32xf32> to vector<32x32xbf16>
    %dot_general3A_49 = arith.constant dense<0.000000e+00> : vector<2000x32xf32>
    %dot_general3A_50 = tpu.matmul %convert_element_type3A_47, %convert_element_type3A_48, %dot_general3A_49 {dimension_numbers = #tpu.dot_dimension_numbers<[1], [0], [0], [1], [0, 0, 1, 1], [], []>, transpose_lhs_hint = false} : vector<2000x32xbf16>, vector<32x32xbf16>, vector<2000x32xf32> -> vector<2000x32xf32>
    %get3A_51 = arith.constant 0 : index
    %get3A_52 = arith.constant 0 : index
    %get3A_53 = vector.load %arg7[%get3A_51, %get3A_52] : memref<1x32xf32, #tpu.memory_space<vmem>>, vector<1x32xf32>
    %add3A_54 = vector.broadcast %get3A_53 : vector<1x32xf32> to vector<2000x32xf32>
    %add3A_55 = arith.addf %dot_general3A_50, %add3A_54 : vector<2000x32xf32>
    %logistic3A_56 = arith.negf %add3A_55 : vector<2000x32xf32>
    %logistic3A_57 = math.exp %logistic3A_56 : vector<2000x32xf32>
    %logistic3A_58 = arith.constant 1.000000e+00 : f32
    %logistic3A_59 = vector.broadcast %logistic3A_58 : f32 to vector<2000x32xf32>
    %logistic3A_60 = arith.addf %logistic3A_59, %logistic3A_57 : vector<2000x32xf32>
    %logistic3A_61 = arith.divf %logistic3A_59, %logistic3A_60 : vector<2000x32xf32>
    %mul3A_62 = arith.mulf %add3A_55, %logistic3A_61 : vector<2000x32xf32>
    %get3A_63 = arith.constant 0 : index
    %get3A_64 = arith.constant 0 : index
    %get3A_65 = vector.load %arg8[%get3A_63, %get3A_64] : memref<32x32xf32, #tpu.memory_space<vmem>>, vector<32x32xf32>
    %convert_element_type3A_66 = arith.truncf %mul3A_62 : vector<2000x32xf32> to vector<2000x32xbf16>
    %convert_element_type3A_67 = arith.truncf %get3A_65 : vector<32x32xf32> to vector<32x32xbf16>
    %dot_general3A_68 = arith.constant dense<0.000000e+00> : vector<2000x32xf32>
    %dot_general3A_69 = tpu.matmul %convert_element_type3A_66, %convert_element_type3A_67, %dot_general3A_68 {dimension_numbers = #tpu.dot_dimension_numbers<[1], [0], [0], [1], [0, 0, 1, 1], [], []>, transpose_lhs_hint = false} : vector<2000x32xbf16>, vector<32x32xbf16>, vector<2000x32xf32> -> vector<2000x32xf32>
    %get3A_70 = arith.constant 0 : index
    %get3A_71 = arith.constant 0 : index
    %get3A_72 = vector.load %arg9[%get3A_70, %get3A_71] : memref<1x32xf32, #tpu.memory_space<vmem>>, vector<1x32xf32>
    %add3A_73 = vector.broadcast %get3A_72 : vector<1x32xf32> to vector<2000x32xf32>
    %add3A_74 = arith.addf %dot_general3A_69, %add3A_73 : vector<2000x32xf32>
    %logistic3A_75 = arith.negf %add3A_74 : vector<2000x32xf32>
    %logistic3A_76 = math.exp %logistic3A_75 : vector<2000x32xf32>
    %logistic3A_77 = arith.constant 1.000000e+00 : f32
    %logistic3A_78 = vector.broadcast %logistic3A_77 : f32 to vector<2000x32xf32>
    %logistic3A_79 = arith.addf %logistic3A_78, %logistic3A_76 : vector<2000x32xf32>
    %logistic3A_80 = arith.divf %logistic3A_78, %logistic3A_79 : vector<2000x32xf32>
    %mul3A_81 = arith.mulf %add3A_74, %logistic3A_80 : vector<2000x32xf32>
    %get3A_82 = arith.constant 0 : index
    %get3A_83 = arith.constant 0 : index
    %get3A_84 = vector.load %arg10[%get3A_82, %get3A_83] : memref<32x1xf32, #tpu.memory_space<vmem>>, vector<32x1xf32>
    %convert_element_type3A_85 = arith.truncf %mul3A_81 : vector<2000x32xf32> to vector<2000x32xbf16>
    %convert_element_type3A_86 = arith.truncf %get3A_84 : vector<32x1xf32> to vector<32x1xbf16>
    %dot_general3A_87 = arith.constant dense<0.000000e+00> : vector<2000x1xf32>
    %dot_general3A_88 = tpu.matmul %convert_element_type3A_85, %convert_element_type3A_86, %dot_general3A_87 {dimension_numbers = #tpu.dot_dimension_numbers<[1], [0], [0], [1], [0, 0, 1, 1], [], []>, transpose_lhs_hint = false} : vector<2000x32xbf16>, vector<32x1xbf16>, vector<2000x1xf32> -> vector<2000x1xf32>
    %mul3A_89 = vector.broadcast %dot_general3A_88 : vector<2000x1xf32> to vector<2000x16xf32>
    %mul3A_90 = arith.mulf %sub3A, %mul3A_89 : vector<2000x16xf32>
    %iota3A = tpu.iota {dimensions = array<i32: 1>} : vector<2000x16xi32>
    %eq3A = arith.constant 3 : i32
    %eq3A_91 = vector.broadcast %eq3A : i32 to vector<2000x16xi32>
    %eq3A_92 = arith.cmpi eq, %iota3A, %eq3A_91 : vector<2000x16xi32>
    %jit3A = arith.constant 1.000000e+00 : f32
    %broadcast_in_dim3A_93 = vector.broadcast %jit3A : f32 to vector<2000x16xf32>
    %select_n3A = arith.select %eq3A_92, %broadcast_in_dim3A_93, %mul3A_90 : vector<2000x16xi1>, vector<2000x16xf32>
    %broadcast_in_dim3A_94 = arith.constant 0.000000e+00 : f32
    %broadcast_in_dim3A_95 = vector.broadcast %broadcast_in_dim3A_94 : f32 to vector<2000x80xf32>
    %concatenate3A = tpu.concatenate %mul3A_62, %select_n3A, %broadcast_in_dim3A_95 in 1 : vector<2000x32xf32>, vector<2000x16xf32>, vector<2000x80xf32> -> vector<2000x128xf32>
    %swap3A = arith.constant 0 : index
    %swap3A_96 = arith.constant 0 : index
    %swap3A_97 = vector.load %arg11[%swap3A, %swap3A_96] : memref<2000x128xf32, #tpu.memory_space<vmem>>, vector<2000x128xf32>
    tpu.vector_store %arg11[%swap3A, %swap3A_96], %concatenate3A {strides = array<i32>} : memref<2000x128xf32, #tpu.memory_space<vmem>>, vector<2000x128xf32>,
    return
  }
  func.func @transform_0(%arg0: i32) -> (i32, i32) {
    %c0_i32 = arith.constant 0 : i32
    %c0_i32_0 = arith.constant 0 : i32
    return %arg0, %c0_i32 : i32, i32
  }
  func.func @transform_1(%arg0: i32) -> (i32, i32) {
    %add3A = arith.constant 80 : i32
    %add3A_0 = arith.addi %arg0, %add3A : i32
    %c0_i32 = arith.constant 0 : i32
    %c0_i32_1 = arith.constant 0 : i32
    return %add3A_0, %c0_i32 : i32, i32
  }
  func.func @transform_2(%arg0: i32) -> (i32, i32) {
    %c0_i32 = arith.constant 0 : i32
    %c0_i32_0 = arith.constant 0 : i32
    return %arg0, %c0_i32 : i32, i32
  }
  func.func @transform_3(%arg0: i32) -> (i32, i32) {
    %c0_i32 = arith.constant 0 : i32
    %c0_i32_0 = arith.constant 0 : i32
    %c0_i32_1 = arith.constant 0 : i32
    return %c0_i32, %c0_i32_0 : i32, i32
  }
  func.func @transform_4(%arg0: i32) -> (i32, i32) {
    %c0_i32 = arith.constant 0 : i32
    %c0_i32_0 = arith.constant 0 : i32
    %c0_i32_1 = arith.constant 0 : i32
    return %c0_i32, %c0_i32_0 : i32, i32
  }
  func.func @transform_5(%arg0: i32) -> (i32, i32) {
    %c0_i32 = arith.constant 0 : i32
    %c0_i32_0 = arith.constant 0 : i32
    %c0_i32_1 = arith.constant 0 : i32
    return %c0_i32, %c0_i32_0 : i32, i32
  }
  func.func @transform_6(%arg0: i32) -> (i32, i32) {
    %c0_i32 = arith.constant 0 : i32
    %c0_i32_0 = arith.constant 0 : i32
    %c0_i32_1 = arith.constant 0 : i32
    return %c0_i32, %c0_i32_0 : i32, i32
  }
  func.func @transform_7(%arg0: i32) -> (i32, i32) {
    %c0_i32 = arith.constant 0 : i32
    %c0_i32_0 = arith.constant 0 : i32
    %c0_i32_1 = arith.constant 0 : i32
    return %c0_i32, %c0_i32_0 : i32, i32
  }
  func.func @transform_8(%arg0: i32) -> (i32, i32) {
    %c0_i32 = arith.constant 0 : i32
    %c0_i32_0 = arith.constant 0 : i32
    %c0_i32_1 = arith.constant 0 : i32
    return %c0_i32, %c0_i32_0 : i32, i32
  }
  func.func @transform_9(%arg0: i32) -> (i32, i32) {
    %c0_i32 = arith.constant 0 : i32
    %c0_i32_0 = arith.constant 0 : i32
    %c0_i32_1 = arith.constant 0 : i32
    return %c0_i32, %c0_i32_0 : i32, i32
  }
  func.func @transform_10(%arg0: i32) -> (i32, i32) {
    %c0_i32 = arith.constant 0 : i32
    %c0_i32_0 = arith.constant 0 : i32
    return %arg0, %c0_i32 : i32, i32
  }
}

module attributes {stable_mosaic.version = 14 : i64} {
  func.func @body(%arg0: i32, %arg1: memref<2000x128xf32, #tpu.memory_space<vmem>>, %arg2: memref<2x2000x128xf32, #tpu.memory_space<vmem>>, %arg3: memref<2x2000x128xf32, #tpu.memory_space<vmem>>, %arg4: memref<64x32xf32, #tpu.memory_space<vmem>>, %arg5: memref<1x32xf32, #tpu.memory_space<vmem>>, %arg6: memref<32x64xf32, #tpu.memory_space<vmem>>, %arg7: memref<1x64xf32, #tpu.memory_space<vmem>>, %arg8: memref<2000x128xf32, #tpu.memory_space<vmem>>, %arg9: memref<2000x1xf32, #tpu.memory_space<vmem>>) attributes {dimension_semantics = [#tpu.dimension_semantics<arbitrary>], iteration_bounds = array<i64: 5>, scalar_prefetch = 0 : i64, scratch_operands = 0 : i64, tpu.core_type = #tpu.core_type<tc>, window_params = [{transform_indices = @transform_0, window_bounds = array<i64: 2000, 128>}, {transform_indices = @transform_1, window_bounds = array<i64: 2, 2000, 128>}, {transform_indices = @transform_2, window_bounds = array<i64: 2, 2000, 128>}, {pipeline_mode = #tpu.pipeline_mode<synchronous>, transform_indices = @transform_3, window_bounds = array<i64: 64, 32>}, {pipeline_mode = #tpu.pipeline_mode<synchronous>, transform_indices = @transform_4, window_bounds = array<i64: 1, 32>}, {pipeline_mode = #tpu.pipeline_mode<synchronous>, transform_indices = @transform_5, window_bounds = array<i64: 32, 64>}, {pipeline_mode = #tpu.pipeline_mode<synchronous>, transform_indices = @transform_6, window_bounds = array<i64: 1, 64>}, {transform_indices = @transform_7, window_bounds = array<i64: 2000, 128>}, {transform_indices = @transform_8, window_bounds = array<i64: 2000, 1>}]} {
    %get3A = arith.constant 0 : index
    %get3A_0 = arith.constant 0 : index
    %get3A_1 = vector.load %arg1[%get3A, %get3A_0] : memref<2000x128xf32, #tpu.memory_space<vmem>>, vector<2000x128xf32>
    %get3A_2 = arith.constant 0 : index
    %get3A_3 = arith.constant 0 : index
    %get3A_4 = arith.constant 0 : index
    %get3A_5 = vector.load %arg2[%get3A_2, %get3A_3, %get3A_4] : memref<2x2000x128xf32, #tpu.memory_space<vmem>>, vector<2x2000x128xf32>
    %slice3A = vector.extract_strided_slice %get3A_5 {offsets = [0, 0, 0], sizes = [1, 2000, 128], strides = [1, 1, 1]} : vector<2x2000x128xf32> to vector<1x2000x128xf32>
    %squeeze3A = vector.shape_cast %slice3A : vector<1x2000x128xf32> to vector<2000x128xf32>
    %slice3A_6 = vector.extract_strided_slice %squeeze3A {offsets = [0, 0], sizes = [2000, 32], strides = [1, 1]} : vector<2000x128xf32> to vector<2000x32xf32>
    %slice3A_7 = vector.extract_strided_slice %get3A_5 {offsets = [1, 0, 0], sizes = [1, 2000, 128], strides = [1, 1, 1]} : vector<2x2000x128xf32> to vector<1x2000x128xf32>
    %squeeze3A_8 = vector.shape_cast %slice3A_7 : vector<1x2000x128xf32> to vector<2000x128xf32>
    %slice3A_9 = vector.extract_strided_slice %squeeze3A_8 {offsets = [0, 0], sizes = [2000, 32], strides = [1, 1]} : vector<2000x128xf32> to vector<2000x32xf32>
    %add3A = arith.addf %slice3A_6, %slice3A_9 : vector<2000x32xf32>
    %get3A_10 = arith.constant 0 : index
    %get3A_11 = arith.constant 0 : index
    %get3A_12 = arith.constant 0 : index
    %get3A_13 = vector.load %arg3[%get3A_10, %get3A_11, %get3A_12] : memref<2x2000x128xf32, #tpu.memory_space<vmem>>, vector<2x2000x128xf32>
    %slice3A_14 = vector.extract_strided_slice %get3A_13 {offsets = [0, 0, 0], sizes = [1, 2000, 128], strides = [1, 1, 1]} : vector<2x2000x128xf32> to vector<1x2000x128xf32>
    %squeeze3A_15 = vector.shape_cast %slice3A_14 : vector<1x2000x128xf32> to vector<2000x128xf32>
    %slice3A_16 = vector.extract_strided_slice %get3A_13 {offsets = [1, 0, 0], sizes = [1, 2000, 128], strides = [1, 1, 1]} : vector<2x2000x128xf32> to vector<1x2000x128xf32>
    %squeeze3A_17 = vector.shape_cast %slice3A_16 : vector<1x2000x128xf32> to vector<2000x128xf32>
    %add3A_18 = arith.addf %squeeze3A_15, %squeeze3A_17 : vector<2000x128xf32>
    %slice3A_19 = vector.extract_strided_slice %add3A_18 {offsets = [0, 32], sizes = [2000, 16], strides = [1, 1]} : vector<2000x128xf32> to vector<2000x16xf32>
    %slice3A_20 = vector.extract_strided_slice %slice3A_19 {offsets = [0, 3], sizes = [2000, 1], strides = [1, 1]} : vector<2000x16xf32> to vector<2000x1xf32>
    %max3A = arith.constant 1.000000e+00 : f32
    %max3A_21 = vector.broadcast %max3A : f32 to vector<2000x1xf32>
    %max3A_22 = arith.maximumf %slice3A_20, %max3A_21 : vector<2000x1xf32>
    %div3A = arith.constant 1.000000e+00 : f32
    %div3A_23 = vector.broadcast %div3A : f32 to vector<2000x1xf32>
    %div3A_24 = arith.divf %div3A_23, %max3A_22 : vector<2000x1xf32>
    %swap3A = arith.constant 0 : index
    %swap3A_25 = arith.constant 0 : index
    %swap3A_26 = vector.load %arg9[%swap3A, %swap3A_25] : memref<2000x1xf32, #tpu.memory_space<vmem>>, vector<2000x1xf32>
    tpu.vector_store %arg9[%swap3A, %swap3A_25], %div3A_24 {strides = array<i32>} : memref<2000x1xf32, #tpu.memory_space<vmem>>, vector<2000x1xf32>,
    %iota3A = tpu.iota {dimensions = array<i32: 1>} : vector<2000x16xi32>
    %lt3A = arith.constant 3 : i32
    %lt3A_27 = vector.broadcast %lt3A : i32 to vector<2000x16xi32>
    %lt3A_28 = arith.cmpi slt, %iota3A, %lt3A_27 : vector<2000x16xi32>
    %jit3A = arith.constant 0.000000e+00 : f32
    %broadcast_in_dim3A = vector.broadcast %jit3A : f32 to vector<2000x16xf32>
    %select_n3A = arith.select %lt3A_28, %slice3A_19, %broadcast_in_dim3A : vector<2000x16xi1>, vector<2000x16xf32>
    %slice3A_29 = vector.extract_strided_slice %get3A_1 {offsets = [0, 32], sizes = [2000, 16], strides = [1, 1]} : vector<2000x128xf32> to vector<2000x16xf32>
    %mul3A = vector.broadcast %div3A_24 : vector<2000x1xf32> to vector<2000x16xf32>
    %mul3A_30 = arith.mulf %select_n3A, %mul3A : vector<2000x16xf32>
    %add3A_31 = arith.addf %slice3A_29, %mul3A_30 : vector<2000x16xf32>
    %get3A_32 = arith.constant 0 : index
    %get3A_33 = arith.constant 0 : index
    %get3A_34 = vector.load %arg4[%get3A_32, %get3A_33] : memref<64x32xf32, #tpu.memory_space<vmem>>, vector<64x32xf32>
    %slice3A_35 = vector.extract_strided_slice %get3A_1 {offsets = [0, 0], sizes = [2000, 32], strides = [1, 1]} : vector<2000x128xf32> to vector<2000x32xf32>
    %slice3A_36 = vector.extract_strided_slice %get3A_34 {offsets = [0, 0], sizes = [32, 32], strides = [1, 1]} : vector<64x32xf32> to vector<32x32xf32>
    %convert_element_type3A = arith.truncf %slice3A_35 : vector<2000x32xf32> to vector<2000x32xbf16>
    %convert_element_type3A_37 = arith.truncf %slice3A_36 : vector<32x32xf32> to vector<32x32xbf16>
    %dot_general3A = arith.constant dense<0.000000e+00> : vector<2000x32xf32>
    %dot_general3A_38 = tpu.matmul %convert_element_type3A, %convert_element_type3A_37, %dot_general3A {dimension_numbers = #tpu.dot_dimension_numbers<[1], [0], [0], [1], [0, 0, 1, 1], [], []>, transpose_lhs_hint = false} : vector<2000x32xbf16>, vector<32x32xbf16>, vector<2000x32xf32> -> vector<2000x32xf32>
    %slice3A_39 = vector.extract_strided_slice %get3A_34 {offsets = [32, 0], sizes = [32, 32], strides = [1, 1]} : vector<64x32xf32> to vector<32x32xf32>
    %convert_element_type3A_40 = arith.truncf %add3A : vector<2000x32xf32> to vector<2000x32xbf16>
    %convert_element_type3A_41 = arith.truncf %slice3A_39 : vector<32x32xf32> to vector<32x32xbf16>
    %dot_general3A_42 = arith.constant dense<0.000000e+00> : vector<2000x32xf32>
    %dot_general3A_43 = tpu.matmul %convert_element_type3A_40, %convert_element_type3A_41, %dot_general3A_42 {dimension_numbers = #tpu.dot_dimension_numbers<[1], [0], [0], [1], [0, 0, 1, 1], [], []>, transpose_lhs_hint = false} : vector<2000x32xbf16>, vector<32x32xbf16>, vector<2000x32xf32> -> vector<2000x32xf32>
    %add3A_44 = arith.addf %dot_general3A_38, %dot_general3A_43 : vector<2000x32xf32>
    %get3A_45 = arith.constant 0 : index
    %get3A_46 = arith.constant 0 : index
    %get3A_47 = vector.load %arg5[%get3A_45, %get3A_46] : memref<1x32xf32, #tpu.memory_space<vmem>>, vector<1x32xf32>
    %add3A_48 = vector.broadcast %get3A_47 : vector<1x32xf32> to vector<2000x32xf32>
    %add3A_49 = arith.addf %add3A_44, %add3A_48 : vector<2000x32xf32>
    %logistic3A = arith.negf %add3A_49 : vector<2000x32xf32>
    %logistic3A_50 = math.exp %logistic3A : vector<2000x32xf32>
    %logistic3A_51 = arith.constant 1.000000e+00 : f32
    %logistic3A_52 = vector.broadcast %logistic3A_51 : f32 to vector<2000x32xf32>
    %logistic3A_53 = arith.addf %logistic3A_52, %logistic3A_50 : vector<2000x32xf32>
    %logistic3A_54 = arith.divf %logistic3A_52, %logistic3A_53 : vector<2000x32xf32>
    %mul3A_55 = arith.mulf %add3A_49, %logistic3A_54 : vector<2000x32xf32>
    %get3A_56 = arith.constant 0 : index
    %get3A_57 = arith.constant 0 : index
    %get3A_58 = vector.load %arg6[%get3A_56, %get3A_57] : memref<32x64xf32, #tpu.memory_space<vmem>>, vector<32x64xf32>
    %convert_element_type3A_59 = arith.truncf %mul3A_55 : vector<2000x32xf32> to vector<2000x32xbf16>
    %convert_element_type3A_60 = arith.truncf %get3A_58 : vector<32x64xf32> to vector<32x64xbf16>
    %dot_general3A_61 = arith.constant dense<0.000000e+00> : vector<2000x64xf32>
    %dot_general3A_62 = tpu.matmul %convert_element_type3A_59, %convert_element_type3A_60, %dot_general3A_61 {dimension_numbers = #tpu.dot_dimension_numbers<[1], [0], [0], [1], [0, 0, 1, 1], [], []>, transpose_lhs_hint = false} : vector<2000x32xbf16>, vector<32x64xbf16>, vector<2000x64xf32> -> vector<2000x64xf32>
    %get3A_63 = arith.constant 0 : index
    %get3A_64 = arith.constant 0 : index
    %get3A_65 = vector.load %arg7[%get3A_63, %get3A_64] : memref<1x64xf32, #tpu.memory_space<vmem>>, vector<1x64xf32>
    %add3A_66 = vector.broadcast %get3A_65 : vector<1x64xf32> to vector<2000x64xf32>
    %add3A_67 = arith.addf %dot_general3A_62, %add3A_66 : vector<2000x64xf32>
    %broadcast_in_dim3A_68 = arith.constant 0.000000e+00 : f32
    %broadcast_in_dim3A_69 = vector.broadcast %broadcast_in_dim3A_68 : f32 to vector<2000x48xf32>
    %concatenate3A = tpu.concatenate %add3A_67, %add3A_31, %broadcast_in_dim3A_69 in 1 : vector<2000x64xf32>, vector<2000x16xf32>, vector<2000x48xf32> -> vector<2000x128xf32>
    %swap3A_70 = arith.constant 0 : index
    %swap3A_71 = arith.constant 0 : index
    %swap3A_72 = vector.load %arg8[%swap3A_70, %swap3A_71] : memref<2000x128xf32, #tpu.memory_space<vmem>>, vector<2000x128xf32>
    tpu.vector_store %arg8[%swap3A_70, %swap3A_71], %concatenate3A {strides = array<i32>} : memref<2000x128xf32, #tpu.memory_space<vmem>>, vector<2000x128xf32>,
    return
  }
  func.func @transform_0(%arg0: i32) -> (i32, i32) {
    %c0_i32 = arith.constant 0 : i32
    %c0_i32_0 = arith.constant 0 : i32
    return %arg0, %c0_i32 : i32, i32
  }
  func.func @transform_1(%arg0: i32) -> (i32, i32, i32) {
    %c0_i32 = arith.constant 0 : i32
    %c0_i32_0 = arith.constant 0 : i32
    %c0_i32_1 = arith.constant 0 : i32
    return %c0_i32, %arg0, %c0_i32_0 : i32, i32, i32
  }
  func.func @transform_2(%arg0: i32) -> (i32, i32, i32) {
    %c0_i32 = arith.constant 0 : i32
    %c0_i32_0 = arith.constant 0 : i32
    %c0_i32_1 = arith.constant 0 : i32
    return %c0_i32, %arg0, %c0_i32_0 : i32, i32, i32
  }
  func.func @transform_3(%arg0: i32) -> (i32, i32) {
    %c0_i32 = arith.constant 0 : i32
    %c0_i32_0 = arith.constant 0 : i32
    %c0_i32_1 = arith.constant 0 : i32
    return %c0_i32, %c0_i32_0 : i32, i32
  }
  func.func @transform_4(%arg0: i32) -> (i32, i32) {
    %c0_i32 = arith.constant 0 : i32
    %c0_i32_0 = arith.constant 0 : i32
    %c0_i32_1 = arith.constant 0 : i32
    return %c0_i32, %c0_i32_0 : i32, i32
  }
  func.func @transform_5(%arg0: i32) -> (i32, i32) {
    %c0_i32 = arith.constant 0 : i32
    %c0_i32_0 = arith.constant 0 : i32
    %c0_i32_1 = arith.constant 0 : i32
    return %c0_i32, %c0_i32_0 : i32, i32
  }
  func.func @transform_6(%arg0: i32) -> (i32, i32) {
    %c0_i32 = arith.constant 0 : i32
    %c0_i32_0 = arith.constant 0 : i32
    %c0_i32_1 = arith.constant 0 : i32
    return %c0_i32, %c0_i32_0 : i32, i32
  }
  func.func @transform_7(%arg0: i32) -> (i32, i32) {
    %c0_i32 = arith.constant 0 : i32
    %c0_i32_0 = arith.constant 0 : i32
    return %arg0, %c0_i32 : i32, i32
  }
  func.func @transform_8(%arg0: i32) -> (i32, i32) {
    %c0_i32 = arith.constant 0 : i32
    %c0_i32_0 = arith.constant 0 : i32
    return %arg0, %c0_i32 : i32, i32
  }
}

module attributes {stable_mosaic.version = 14 : i64} {
  func.func @body(%arg0: i32, %arg1: memref<2000x128xf32, #tpu.memory_space<vmem>>, %arg2: memref<2000x128xf32, #tpu.memory_space<vmem>>, %arg3: memref<2000x1xf32, #tpu.memory_space<vmem>>, %arg4: memref<130x64xf32, #tpu.memory_space<vmem>>, %arg5: memref<1x64xf32, #tpu.memory_space<vmem>>, %arg6: memref<64x64xf32, #tpu.memory_space<vmem>>, %arg7: memref<1x64xf32, #tpu.memory_space<vmem>>, %arg8: memref<64x64xf32, #tpu.memory_space<vmem>>, %arg9: memref<1x64xf32, #tpu.memory_space<vmem>>, %arg10: memref<64x1xf32, #tpu.memory_space<vmem>>, %arg11: memref<2000x128xf32, #tpu.memory_space<vmem>>) attributes {dimension_semantics = [#tpu.dimension_semantics<arbitrary>], iteration_bounds = array<i64: 80>, scalar_prefetch = 0 : i64, scratch_operands = 0 : i64, tpu.core_type = #tpu.core_type<tc>, window_params = [{transform_indices = @transform_0, window_bounds = array<i64: 2000, 128>}, {transform_indices = @transform_1, window_bounds = array<i64: 2000, 128>}, {transform_indices = @transform_2, window_bounds = array<i64: 2000, 1>}, {pipeline_mode = #tpu.pipeline_mode<synchronous>, transform_indices = @transform_3, window_bounds = array<i64: 130, 64>}, {pipeline_mode = #tpu.pipeline_mode<synchronous>, transform_indices = @transform_4, window_bounds = array<i64: 1, 64>}, {pipeline_mode = #tpu.pipeline_mode<synchronous>, transform_indices = @transform_5, window_bounds = array<i64: 64, 64>}, {pipeline_mode = #tpu.pipeline_mode<synchronous>, transform_indices = @transform_6, window_bounds = array<i64: 1, 64>}, {pipeline_mode = #tpu.pipeline_mode<synchronous>, transform_indices = @transform_7, window_bounds = array<i64: 64, 64>}, {pipeline_mode = #tpu.pipeline_mode<synchronous>, transform_indices = @transform_8, window_bounds = array<i64: 1, 64>}, {pipeline_mode = #tpu.pipeline_mode<synchronous>, transform_indices = @transform_9, window_bounds = array<i64: 64, 1>}, {transform_indices = @transform_10, window_bounds = array<i64: 2000, 128>}]} {
    %get3A = arith.constant 0 : index
    %get3A_0 = arith.constant 0 : index
    %get3A_1 = vector.load %arg1[%get3A, %get3A_0] : memref<2000x128xf32, #tpu.memory_space<vmem>>, vector<2000x128xf32>
    %get3A_2 = arith.constant 0 : index
    %get3A_3 = arith.constant 0 : index
    %get3A_4 = vector.load %arg2[%get3A_2, %get3A_3] : memref<2000x128xf32, #tpu.memory_space<vmem>>, vector<2000x128xf32>
    %slice3A = vector.extract_strided_slice %get3A_1 {offsets = [0, 64], sizes = [2000, 16], strides = [1, 1]} : vector<2000x128xf32> to vector<2000x16xf32>
    %slice3A_5 = vector.extract_strided_slice %get3A_4 {offsets = [0, 64], sizes = [2000, 16], strides = [1, 1]} : vector<2000x128xf32> to vector<2000x16xf32>
    %sub3A = arith.subf %slice3A, %slice3A_5 : vector<2000x16xf32>
    %mul3A = arith.mulf %sub3A, %sub3A : vector<2000x16xf32>
    %reduce_sum3A = arith.constant dense<0.000000e+00> : vector<2000xf32>
    %reduce_sum3A_6 = vector.multi_reduction <add>, %mul3A, %reduce_sum3A [1] : vector<2000x16xf32> to vector<2000xf32>
    %broadcast_in_dim3A = vector.shape_cast %reduce_sum3A_6 : vector<2000xf32> to vector<2000x1xf32>
    %get3A_7 = arith.constant 0 : index
    %get3A_8 = arith.constant 0 : index
    %get3A_9 = vector.load %arg4[%get3A_7, %get3A_8] : memref<130x64xf32, #tpu.memory_space<vmem>>, vector<130x64xf32>
    %slice3A_10 = vector.extract_strided_slice %get3A_1 {offsets = [0, 0], sizes = [2000, 64], strides = [1, 1]} : vector<2000x128xf32> to vector<2000x64xf32>
    %slice3A_11 = vector.extract_strided_slice %get3A_9 {offsets = [0, 0], sizes = [64, 64], strides = [1, 1]} : vector<130x64xf32> to vector<64x64xf32>
    %convert_element_type3A = arith.truncf %slice3A_10 : vector<2000x64xf32> to vector<2000x64xbf16>
    %convert_element_type3A_12 = arith.truncf %slice3A_11 : vector<64x64xf32> to vector<64x64xbf16>
    %dot_general3A = arith.constant dense<0.000000e+00> : vector<2000x64xf32>
    %dot_general3A_13 = tpu.matmul %convert_element_type3A, %convert_element_type3A_12, %dot_general3A {dimension_numbers = #tpu.dot_dimension_numbers<[1], [0], [0], [1], [0, 0, 1, 1], [], []>, transpose_lhs_hint = false} : vector<2000x64xbf16>, vector<64x64xbf16>, vector<2000x64xf32> -> vector<2000x64xf32>
    %slice3A_14 = vector.extract_strided_slice %get3A_4 {offsets = [0, 0], sizes = [2000, 64], strides = [1, 1]} : vector<2000x128xf32> to vector<2000x64xf32>
    %slice3A_15 = vector.extract_strided_slice %get3A_9 {offsets = [64, 0], sizes = [64, 64], strides = [1, 1]} : vector<130x64xf32> to vector<64x64xf32>
    %convert_element_type3A_16 = arith.truncf %slice3A_14 : vector<2000x64xf32> to vector<2000x64xbf16>
    %convert_element_type3A_17 = arith.truncf %slice3A_15 : vector<64x64xf32> to vector<64x64xbf16>
    %dot_general3A_18 = arith.constant dense<0.000000e+00> : vector<2000x64xf32>
    %dot_general3A_19 = tpu.matmul %convert_element_type3A_16, %convert_element_type3A_17, %dot_general3A_18 {dimension_numbers = #tpu.dot_dimension_numbers<[1], [0], [0], [1], [0, 0, 1, 1], [], []>, transpose_lhs_hint = false} : vector<2000x64xbf16>, vector<64x64xbf16>, vector<2000x64xf32> -> vector<2000x64xf32>
    %add3A = arith.addf %dot_general3A_13, %dot_general3A_19 : vector<2000x64xf32>
    %slice3A_20 = vector.extract_strided_slice %get3A_9 {offsets = [128, 0], sizes = [1, 64], strides = [1, 1]} : vector<130x64xf32> to vector<1x64xf32>
    %mul3A_21 = vector.broadcast %broadcast_in_dim3A : vector<2000x1xf32> to vector<2000x64xf32>
    %mul3A_22 = vector.broadcast %slice3A_20 : vector<1x64xf32> to vector<2000x64xf32>
    %mul3A_23 = arith.mulf %mul3A_21, %mul3A_22 : vector<2000x64xf32>
    %add3A_24 = arith.addf %add3A, %mul3A_23 : vector<2000x64xf32>
    %get3A_25 = arith.constant 0 : index
    %get3A_26 = arith.constant 0 : index
    %get3A_27 = vector.load %arg3[%get3A_25, %get3A_26] : memref<2000x1xf32, #tpu.memory_space<vmem>>, vector<2000x1xf32>
    %slice3A_28 = vector.extract_strided_slice %get3A_9 {offsets = [129, 0], sizes = [1, 64], strides = [1, 1]} : vector<130x64xf32> to vector<1x64xf32>
    %mul3A_29 = vector.broadcast %get3A_27 : vector<2000x1xf32> to vector<2000x64xf32>
    %mul3A_30 = vector.broadcast %slice3A_28 : vector<1x64xf32> to vector<2000x64xf32>
    %mul3A_31 = arith.mulf %mul3A_29, %mul3A_30 : vector<2000x64xf32>
    %add3A_32 = arith.addf %add3A_24, %mul3A_31 : vector<2000x64xf32>
    %get3A_33 = arith.constant 0 : index
    %get3A_34 = arith.constant 0 : index
    %get3A_35 = vector.load %arg5[%get3A_33, %get3A_34] : memref<1x64xf32, #tpu.memory_space<vmem>>, vector<1x64xf32>
    %add3A_36 = vector.broadcast %get3A_35 : vector<1x64xf32> to vector<2000x64xf32>
    %add3A_37 = arith.addf %add3A_32, %add3A_36 : vector<2000x64xf32>
    %logistic3A = arith.negf %add3A_37 : vector<2000x64xf32>
    %logistic3A_38 = math.exp %logistic3A : vector<2000x64xf32>
    %logistic3A_39 = arith.constant 1.000000e+00 : f32
    %logistic3A_40 = vector.broadcast %logistic3A_39 : f32 to vector<2000x64xf32>
    %logistic3A_41 = arith.addf %logistic3A_40, %logistic3A_38 : vector<2000x64xf32>
    %logistic3A_42 = arith.divf %logistic3A_40, %logistic3A_41 : vector<2000x64xf32>
    %mul3A_43 = arith.mulf %add3A_37, %logistic3A_42 : vector<2000x64xf32>
    %get3A_44 = arith.constant 0 : index
    %get3A_45 = arith.constant 0 : index
    %get3A_46 = vector.load %arg6[%get3A_44, %get3A_45] : memref<64x64xf32, #tpu.memory_space<vmem>>, vector<64x64xf32>
    %convert_element_type3A_47 = arith.truncf %mul3A_43 : vector<2000x64xf32> to vector<2000x64xbf16>
    %convert_element_type3A_48 = arith.truncf %get3A_46 : vector<64x64xf32> to vector<64x64xbf16>
    %dot_general3A_49 = arith.constant dense<0.000000e+00> : vector<2000x64xf32>
    %dot_general3A_50 = tpu.matmul %convert_element_type3A_47, %convert_element_type3A_48, %dot_general3A_49 {dimension_numbers = #tpu.dot_dimension_numbers<[1], [0], [0], [1], [0, 0, 1, 1], [], []>, transpose_lhs_hint = false} : vector<2000x64xbf16>, vector<64x64xbf16>, vector<2000x64xf32> -> vector<2000x64xf32>
    %get3A_51 = arith.constant 0 : index
    %get3A_52 = arith.constant 0 : index
    %get3A_53 = vector.load %arg7[%get3A_51, %get3A_52] : memref<1x64xf32, #tpu.memory_space<vmem>>, vector<1x64xf32>
    %add3A_54 = vector.broadcast %get3A_53 : vector<1x64xf32> to vector<2000x64xf32>
    %add3A_55 = arith.addf %dot_general3A_50, %add3A_54 : vector<2000x64xf32>
    %logistic3A_56 = arith.negf %add3A_55 : vector<2000x64xf32>
    %logistic3A_57 = math.exp %logistic3A_56 : vector<2000x64xf32>
    %logistic3A_58 = arith.constant 1.000000e+00 : f32
    %logistic3A_59 = vector.broadcast %logistic3A_58 : f32 to vector<2000x64xf32>
    %logistic3A_60 = arith.addf %logistic3A_59, %logistic3A_57 : vector<2000x64xf32>
    %logistic3A_61 = arith.divf %logistic3A_59, %logistic3A_60 : vector<2000x64xf32>
    %mul3A_62 = arith.mulf %add3A_55, %logistic3A_61 : vector<2000x64xf32>
    %get3A_63 = arith.constant 0 : index
    %get3A_64 = arith.constant 0 : index
    %get3A_65 = vector.load %arg8[%get3A_63, %get3A_64] : memref<64x64xf32, #tpu.memory_space<vmem>>, vector<64x64xf32>
    %convert_element_type3A_66 = arith.truncf %mul3A_62 : vector<2000x64xf32> to vector<2000x64xbf16>
    %convert_element_type3A_67 = arith.truncf %get3A_65 : vector<64x64xf32> to vector<64x64xbf16>
    %dot_general3A_68 = arith.constant dense<0.000000e+00> : vector<2000x64xf32>
    %dot_general3A_69 = tpu.matmul %convert_element_type3A_66, %convert_element_type3A_67, %dot_general3A_68 {dimension_numbers = #tpu.dot_dimension_numbers<[1], [0], [0], [1], [0, 0, 1, 1], [], []>, transpose_lhs_hint = false} : vector<2000x64xbf16>, vector<64x64xbf16>, vector<2000x64xf32> -> vector<2000x64xf32>
    %get3A_70 = arith.constant 0 : index
    %get3A_71 = arith.constant 0 : index
    %get3A_72 = vector.load %arg9[%get3A_70, %get3A_71] : memref<1x64xf32, #tpu.memory_space<vmem>>, vector<1x64xf32>
    %add3A_73 = vector.broadcast %get3A_72 : vector<1x64xf32> to vector<2000x64xf32>
    %add3A_74 = arith.addf %dot_general3A_69, %add3A_73 : vector<2000x64xf32>
    %logistic3A_75 = arith.negf %add3A_74 : vector<2000x64xf32>
    %logistic3A_76 = math.exp %logistic3A_75 : vector<2000x64xf32>
    %logistic3A_77 = arith.constant 1.000000e+00 : f32
    %logistic3A_78 = vector.broadcast %logistic3A_77 : f32 to vector<2000x64xf32>
    %logistic3A_79 = arith.addf %logistic3A_78, %logistic3A_76 : vector<2000x64xf32>
    %logistic3A_80 = arith.divf %logistic3A_78, %logistic3A_79 : vector<2000x64xf32>
    %mul3A_81 = arith.mulf %add3A_74, %logistic3A_80 : vector<2000x64xf32>
    %get3A_82 = arith.constant 0 : index
    %get3A_83 = arith.constant 0 : index
    %get3A_84 = vector.load %arg10[%get3A_82, %get3A_83] : memref<64x1xf32, #tpu.memory_space<vmem>>, vector<64x1xf32>
    %convert_element_type3A_85 = arith.truncf %mul3A_81 : vector<2000x64xf32> to vector<2000x64xbf16>
    %convert_element_type3A_86 = arith.truncf %get3A_84 : vector<64x1xf32> to vector<64x1xbf16>
    %dot_general3A_87 = arith.constant dense<0.000000e+00> : vector<2000x1xf32>
    %dot_general3A_88 = tpu.matmul %convert_element_type3A_85, %convert_element_type3A_86, %dot_general3A_87 {dimension_numbers = #tpu.dot_dimension_numbers<[1], [0], [0], [1], [0, 0, 1, 1], [], []>, transpose_lhs_hint = false} : vector<2000x64xbf16>, vector<64x1xbf16>, vector<2000x1xf32> -> vector<2000x1xf32>
    %mul3A_89 = vector.broadcast %dot_general3A_88 : vector<2000x1xf32> to vector<2000x16xf32>
    %mul3A_90 = arith.mulf %sub3A, %mul3A_89 : vector<2000x16xf32>
    %broadcast_in_dim3A_91 = arith.constant 0.000000e+00 : f32
    %broadcast_in_dim3A_92 = vector.broadcast %broadcast_in_dim3A_91 : f32 to vector<2000x48xf32>
    %concatenate3A = tpu.concatenate %mul3A_62, %mul3A_90, %broadcast_in_dim3A_92 in 1 : vector<2000x64xf32>, vector<2000x16xf32>, vector<2000x48xf32> -> vector<2000x128xf32>
    %swap3A = arith.constant 0 : index
    %swap3A_93 = arith.constant 0 : index
    %swap3A_94 = vector.load %arg11[%swap3A, %swap3A_93] : memref<2000x128xf32, #tpu.memory_space<vmem>>, vector<2000x128xf32>
    tpu.vector_store %arg11[%swap3A, %swap3A_93], %concatenate3A {strides = array<i32>} : memref<2000x128xf32, #tpu.memory_space<vmem>>, vector<2000x128xf32>,
    return
  }
  func.func @transform_0(%arg0: i32) -> (i32, i32) {
    %c0_i32 = arith.constant 0 : i32
    %c0_i32_0 = arith.constant 0 : i32
    return %arg0, %c0_i32 : i32, i32
  }
  func.func @transform_1(%arg0: i32) -> (i32, i32) {
    %add3A = arith.constant 80 : i32
    %add3A_0 = arith.addi %arg0, %add3A : i32
    %c0_i32 = arith.constant 0 : i32
    %c0_i32_1 = arith.constant 0 : i32
    return %add3A_0, %c0_i32 : i32, i32
  }
  func.func @transform_2(%arg0: i32) -> (i32, i32) {
    %c0_i32 = arith.constant 0 : i32
    %c0_i32_0 = arith.constant 0 : i32
    return %arg0, %c0_i32 : i32, i32
  }
  func.func @transform_3(%arg0: i32) -> (i32, i32) {
    %c0_i32 = arith.constant 0 : i32
    %c0_i32_0 = arith.constant 0 : i32
    %c0_i32_1 = arith.constant 0 : i32
    return %c0_i32, %c0_i32_0 : i32, i32
  }
  func.func @transform_4(%arg0: i32) -> (i32, i32) {
    %c0_i32 = arith.constant 0 : i32
    %c0_i32_0 = arith.constant 0 : i32
    %c0_i32_1 = arith.constant 0 : i32
    return %c0_i32, %c0_i32_0 : i32, i32
  }
  func.func @transform_5(%arg0: i32) -> (i32, i32) {
    %c0_i32 = arith.constant 0 : i32
    %c0_i32_0 = arith.constant 0 : i32
    %c0_i32_1 = arith.constant 0 : i32
    return %c0_i32, %c0_i32_0 : i32, i32
  }
  func.func @transform_6(%arg0: i32) -> (i32, i32) {
    %c0_i32 = arith.constant 0 : i32
    %c0_i32_0 = arith.constant 0 : i32
    %c0_i32_1 = arith.constant 0 : i32
    return %c0_i32, %c0_i32_0 : i32, i32
  }
  func.func @transform_7(%arg0: i32) -> (i32, i32) {
    %c0_i32 = arith.constant 0 : i32
    %c0_i32_0 = arith.constant 0 : i32
    %c0_i32_1 = arith.constant 0 : i32
    return %c0_i32, %c0_i32_0 : i32, i32
  }
  func.func @transform_8(%arg0: i32) -> (i32, i32) {
    %c0_i32 = arith.constant 0 : i32
    %c0_i32_0 = arith.constant 0 : i32
    %c0_i32_1 = arith.constant 0 : i32
    return %c0_i32, %c0_i32_0 : i32, i32
  }
  func.func @transform_9(%arg0: i32) -> (i32, i32) {
    %c0_i32 = arith.constant 0 : i32
    %c0_i32_0 = arith.constant 0 : i32
    %c0_i32_1 = arith.constant 0 : i32
    return %c0_i32, %c0_i32_0 : i32, i32
  }
  func.func @transform_10(%arg0: i32) -> (i32, i32) {
    %c0_i32 = arith.constant 0 : i32
    %c0_i32_0 = arith.constant 0 : i32
    return %arg0, %c0_i32 : i32, i32
  }
}

module attributes {stable_mosaic.version = 14 : i64} {
  func.func @body(%arg0: i32, %arg1: memref<2000x128xf32, #tpu.memory_space<vmem>>, %arg2: memref<2x2000x128xf32, #tpu.memory_space<vmem>>, %arg3: memref<2x2000x128xf32, #tpu.memory_space<vmem>>, %arg4: memref<2000x1xf32, #tpu.memory_space<vmem>>, %arg5: memref<128x64xf32, #tpu.memory_space<vmem>>, %arg6: memref<1x64xf32, #tpu.memory_space<vmem>>, %arg7: memref<64x128xf32, #tpu.memory_space<vmem>>, %arg8: memref<1x128xf32, #tpu.memory_space<vmem>>, %arg9: memref<2000x256xf32, #tpu.memory_space<vmem>>) attributes {dimension_semantics = [#tpu.dimension_semantics<arbitrary>], iteration_bounds = array<i64: 5>, scalar_prefetch = 0 : i64, scratch_operands = 0 : i64, tpu.core_type = #tpu.core_type<tc>, window_params = [{transform_indices = @transform_0, window_bounds = array<i64: 2000, 128>}, {transform_indices = @transform_1, window_bounds = array<i64: 2, 2000, 128>}, {transform_indices = @transform_2, window_bounds = array<i64: 2, 2000, 128>}, {transform_indices = @transform_3, window_bounds = array<i64: 2000, 1>}, {pipeline_mode = #tpu.pipeline_mode<synchronous>, transform_indices = @transform_4, window_bounds = array<i64: 128, 64>}, {pipeline_mode = #tpu.pipeline_mode<synchronous>, transform_indices = @transform_5, window_bounds = array<i64: 1, 64>}, {pipeline_mode = #tpu.pipeline_mode<synchronous>, transform_indices = @transform_6, window_bounds = array<i64: 64, 128>}, {pipeline_mode = #tpu.pipeline_mode<synchronous>, transform_indices = @transform_7, window_bounds = array<i64: 1, 128>}, {transform_indices = @transform_8, window_bounds = array<i64: 2000, 256>}]} {
    %get3A = arith.constant 0 : index
    %get3A_0 = arith.constant 0 : index
    %get3A_1 = vector.load %arg1[%get3A, %get3A_0] : memref<2000x128xf32, #tpu.memory_space<vmem>>, vector<2000x128xf32>
    %get3A_2 = arith.constant 0 : index
    %get3A_3 = arith.constant 0 : index
    %get3A_4 = arith.constant 0 : index
    %get3A_5 = vector.load %arg2[%get3A_2, %get3A_3, %get3A_4] : memref<2x2000x128xf32, #tpu.memory_space<vmem>>, vector<2x2000x128xf32>
    %slice3A = vector.extract_strided_slice %get3A_5 {offsets = [0, 0, 0], sizes = [1, 2000, 128], strides = [1, 1, 1]} : vector<2x2000x128xf32> to vector<1x2000x128xf32>
    %squeeze3A = vector.shape_cast %slice3A : vector<1x2000x128xf32> to vector<2000x128xf32>
    %slice3A_6 = vector.extract_strided_slice %squeeze3A {offsets = [0, 0], sizes = [2000, 64], strides = [1, 1]} : vector<2000x128xf32> to vector<2000x64xf32>
    %slice3A_7 = vector.extract_strided_slice %get3A_5 {offsets = [1, 0, 0], sizes = [1, 2000, 128], strides = [1, 1, 1]} : vector<2x2000x128xf32> to vector<1x2000x128xf32>
    %squeeze3A_8 = vector.shape_cast %slice3A_7 : vector<1x2000x128xf32> to vector<2000x128xf32>
    %slice3A_9 = vector.extract_strided_slice %squeeze3A_8 {offsets = [0, 0], sizes = [2000, 64], strides = [1, 1]} : vector<2000x128xf32> to vector<2000x64xf32>
    %add3A = arith.addf %slice3A_6, %slice3A_9 : vector<2000x64xf32>
    %get3A_10 = arith.constant 0 : index
    %get3A_11 = arith.constant 0 : index
    %get3A_12 = arith.constant 0 : index
    %get3A_13 = vector.load %arg3[%get3A_10, %get3A_11, %get3A_12] : memref<2x2000x128xf32, #tpu.memory_space<vmem>>, vector<2x2000x128xf32>
    %slice3A_14 = vector.extract_strided_slice %get3A_13 {offsets = [0, 0, 0], sizes = [1, 2000, 128], strides = [1, 1, 1]} : vector<2x2000x128xf32> to vector<1x2000x128xf32>
    %squeeze3A_15 = vector.shape_cast %slice3A_14 : vector<1x2000x128xf32> to vector<2000x128xf32>
    %slice3A_16 = vector.extract_strided_slice %get3A_13 {offsets = [1, 0, 0], sizes = [1, 2000, 128], strides = [1, 1, 1]} : vector<2x2000x128xf32> to vector<1x2000x128xf32>
    %squeeze3A_17 = vector.shape_cast %slice3A_16 : vector<1x2000x128xf32> to vector<2000x128xf32>
    %add3A_18 = arith.addf %squeeze3A_15, %squeeze3A_17 : vector<2000x128xf32>
    %slice3A_19 = vector.extract_strided_slice %add3A_18 {offsets = [0, 64], sizes = [2000, 16], strides = [1, 1]} : vector<2000x128xf32> to vector<2000x16xf32>
    %get3A_20 = arith.constant 0 : index
    %get3A_21 = arith.constant 0 : index
    %get3A_22 = vector.load %arg4[%get3A_20, %get3A_21] : memref<2000x1xf32, #tpu.memory_space<vmem>>, vector<2000x1xf32>
    %iota3A = tpu.iota {dimensions = array<i32: 1>} : vector<2000x16xi32>
    %lt3A = arith.constant 3 : i32
    %lt3A_23 = vector.broadcast %lt3A : i32 to vector<2000x16xi32>
    %lt3A_24 = arith.cmpi slt, %iota3A, %lt3A_23 : vector<2000x16xi32>
    %jit3A = arith.constant 0.000000e+00 : f32
    %broadcast_in_dim3A = vector.broadcast %jit3A : f32 to vector<2000x16xf32>
    %select_n3A = arith.select %lt3A_24, %slice3A_19, %broadcast_in_dim3A : vector<2000x16xi1>, vector<2000x16xf32>
    %slice3A_25 = vector.extract_strided_slice %get3A_1 {offsets = [0, 64], sizes = [2000, 16], strides = [1, 1]} : vector<2000x128xf32> to vector<2000x16xf32>
    %mul3A = vector.broadcast %get3A_22 : vector<2000x1xf32> to vector<2000x16xf32>
    %mul3A_26 = arith.mulf %select_n3A, %mul3A : vector<2000x16xf32>
    %add3A_27 = arith.addf %slice3A_25, %mul3A_26 : vector<2000x16xf32>
    %get3A_28 = arith.constant 0 : index
    %get3A_29 = arith.constant 0 : index
    %get3A_30 = vector.load %arg5[%get3A_28, %get3A_29] : memref<128x64xf32, #tpu.memory_space<vmem>>, vector<128x64xf32>
    %slice3A_31 = vector.extract_strided_slice %get3A_1 {offsets = [0, 0], sizes = [2000, 64], strides = [1, 1]} : vector<2000x128xf32> to vector<2000x64xf32>
    %slice3A_32 = vector.extract_strided_slice %get3A_30 {offsets = [0, 0], sizes = [64, 64], strides = [1, 1]} : vector<128x64xf32> to vector<64x64xf32>
    %convert_element_type3A = arith.truncf %slice3A_31 : vector<2000x64xf32> to vector<2000x64xbf16>
    %convert_element_type3A_33 = arith.truncf %slice3A_32 : vector<64x64xf32> to vector<64x64xbf16>
    %dot_general3A = arith.constant dense<0.000000e+00> : vector<2000x64xf32>
    %dot_general3A_34 = tpu.matmul %convert_element_type3A, %convert_element_type3A_33, %dot_general3A {dimension_numbers = #tpu.dot_dimension_numbers<[1], [0], [0], [1], [0, 0, 1, 1], [], []>, transpose_lhs_hint = false} : vector<2000x64xbf16>, vector<64x64xbf16>, vector<2000x64xf32> -> vector<2000x64xf32>
    %slice3A_35 = vector.extract_strided_slice %get3A_30 {offsets = [64, 0], sizes = [64, 64], strides = [1, 1]} : vector<128x64xf32> to vector<64x64xf32>
    %convert_element_type3A_36 = arith.truncf %add3A : vector<2000x64xf32> to vector<2000x64xbf16>
    %convert_element_type3A_37 = arith.truncf %slice3A_35 : vector<64x64xf32> to vector<64x64xbf16>
    %dot_general3A_38 = arith.constant dense<0.000000e+00> : vector<2000x64xf32>
    %dot_general3A_39 = tpu.matmul %convert_element_type3A_36, %convert_element_type3A_37, %dot_general3A_38 {dimension_numbers = #tpu.dot_dimension_numbers<[1], [0], [0], [1], [0, 0, 1, 1], [], []>, transpose_lhs_hint = false} : vector<2000x64xbf16>, vector<64x64xbf16>, vector<2000x64xf32> -> vector<2000x64xf32>
    %add3A_40 = arith.addf %dot_general3A_34, %dot_general3A_39 : vector<2000x64xf32>
    %get3A_41 = arith.constant 0 : index
    %get3A_42 = arith.constant 0 : index
    %get3A_43 = vector.load %arg6[%get3A_41, %get3A_42] : memref<1x64xf32, #tpu.memory_space<vmem>>, vector<1x64xf32>
    %add3A_44 = vector.broadcast %get3A_43 : vector<1x64xf32> to vector<2000x64xf32>
    %add3A_45 = arith.addf %add3A_40, %add3A_44 : vector<2000x64xf32>
    %logistic3A = arith.negf %add3A_45 : vector<2000x64xf32>
    %logistic3A_46 = math.exp %logistic3A : vector<2000x64xf32>
    %logistic3A_47 = arith.constant 1.000000e+00 : f32
    %logistic3A_48 = vector.broadcast %logistic3A_47 : f32 to vector<2000x64xf32>
    %logistic3A_49 = arith.addf %logistic3A_48, %logistic3A_46 : vector<2000x64xf32>
    %logistic3A_50 = arith.divf %logistic3A_48, %logistic3A_49 : vector<2000x64xf32>
    %mul3A_51 = arith.mulf %add3A_45, %logistic3A_50 : vector<2000x64xf32>
    %get3A_52 = arith.constant 0 : index
    %get3A_53 = arith.constant 0 : index
    %get3A_54 = vector.load %arg7[%get3A_52, %get3A_53] : memref<64x128xf32, #tpu.memory_space<vmem>>, vector<64x128xf32>
    %convert_element_type3A_55 = arith.truncf %mul3A_51 : vector<2000x64xf32> to vector<2000x64xbf16>
    %convert_element_type3A_56 = arith.truncf %get3A_54 : vector<64x128xf32> to vector<64x128xbf16>
    %dot_general3A_57 = arith.constant dense<0.000000e+00> : vector<2000x128xf32>
    %dot_general3A_58 = tpu.matmul %convert_element_type3A_55, %convert_element_type3A_56, %dot_general3A_57 {dimension_numbers = #tpu.dot_dimension_numbers<[1], [0], [0], [1], [0, 0, 1, 1], [], []>, transpose_lhs_hint = false} : vector<2000x64xbf16>, vector<64x128xbf16>, vector<2000x128xf32> -> vector<2000x128xf32>
    %get3A_59 = arith.constant 0 : index
    %get3A_60 = arith.constant 0 : index
    %get3A_61 = vector.load %arg8[%get3A_59, %get3A_60] : memref<1x128xf32, #tpu.memory_space<vmem>>, vector<1x128xf32>
    %add3A_62 = vector.broadcast %get3A_61 : vector<1x128xf32> to vector<2000x128xf32>
    %add3A_63 = arith.addf %dot_general3A_58, %add3A_62 : vector<2000x128xf32>
    %broadcast_in_dim3A_64 = arith.constant 0.000000e+00 : f32
    %broadcast_in_dim3A_65 = vector.broadcast %broadcast_in_dim3A_64 : f32 to vector<2000x112xf32>
    %concatenate3A = tpu.concatenate %add3A_63, %add3A_27, %broadcast_in_dim3A_65 in 1 : vector<2000x128xf32>, vector<2000x16xf32>, vector<2000x112xf32> -> vector<2000x256xf32>
    %swap3A = arith.constant 0 : index
    %swap3A_66 = arith.constant 0 : index
    %swap3A_67 = vector.load %arg9[%swap3A, %swap3A_66] : memref<2000x256xf32, #tpu.memory_space<vmem>>, vector<2000x256xf32>
    tpu.vector_store %arg9[%swap3A, %swap3A_66], %concatenate3A {strides = array<i32>} : memref<2000x256xf32, #tpu.memory_space<vmem>>, vector<2000x256xf32>,
    return
  }
  func.func @transform_0(%arg0: i32) -> (i32, i32) {
    %c0_i32 = arith.constant 0 : i32
    %c0_i32_0 = arith.constant 0 : i32
    return %arg0, %c0_i32 : i32, i32
  }
  func.func @transform_1(%arg0: i32) -> (i32, i32, i32) {
    %c0_i32 = arith.constant 0 : i32
    %c0_i32_0 = arith.constant 0 : i32
    %c0_i32_1 = arith.constant 0 : i32
    return %c0_i32, %arg0, %c0_i32_0 : i32, i32, i32
  }
  func.func @transform_2(%arg0: i32) -> (i32, i32, i32) {
    %c0_i32 = arith.constant 0 : i32
    %c0_i32_0 = arith.constant 0 : i32
    %c0_i32_1 = arith.constant 0 : i32
    return %c0_i32, %arg0, %c0_i32_0 : i32, i32, i32
  }
  func.func @transform_3(%arg0: i32) -> (i32, i32) {
    %c0_i32 = arith.constant 0 : i32
    %c0_i32_0 = arith.constant 0 : i32
    return %arg0, %c0_i32 : i32, i32
  }
  func.func @transform_4(%arg0: i32) -> (i32, i32) {
    %c0_i32 = arith.constant 0 : i32
    %c0_i32_0 = arith.constant 0 : i32
    %c0_i32_1 = arith.constant 0 : i32
    return %c0_i32, %c0_i32_0 : i32, i32
  }
  func.func @transform_5(%arg0: i32) -> (i32, i32) {
    %c0_i32 = arith.constant 0 : i32
    %c0_i32_0 = arith.constant 0 : i32
    %c0_i32_1 = arith.constant 0 : i32
    return %c0_i32, %c0_i32_0 : i32, i32
  }
  func.func @transform_6(%arg0: i32) -> (i32, i32) {
    %c0_i32 = arith.constant 0 : i32
    %c0_i32_0 = arith.constant 0 : i32
    %c0_i32_1 = arith.constant 0 : i32
    return %c0_i32, %c0_i32_0 : i32, i32
  }
  func.func @transform_7(%arg0: i32) -> (i32, i32) {
    %c0_i32 = arith.constant 0 : i32
    %c0_i32_0 = arith.constant 0 : i32
    %c0_i32_1 = arith.constant 0 : i32
    return %c0_i32, %c0_i32_0 : i32, i32
  }
  func.func @transform_8(%arg0: i32) -> (i32, i32) {
    %c0_i32 = arith.constant 0 : i32
    %c0_i32_0 = arith.constant 0 : i32
    return %arg0, %c0_i32 : i32, i32
  }
}

module attributes {stable_mosaic.version = 14 : i64} {
  func.func @body(%arg0: i32, %arg1: memref<2000x256xf32, #tpu.memory_space<vmem>>, %arg2: memref<2000x256xf32, #tpu.memory_space<vmem>>, %arg3: memref<2000x1xf32, #tpu.memory_space<vmem>>, %arg4: memref<258x128xf32, #tpu.memory_space<vmem>>, %arg5: memref<1x128xf32, #tpu.memory_space<vmem>>, %arg6: memref<128x128xf32, #tpu.memory_space<vmem>>, %arg7: memref<1x128xf32, #tpu.memory_space<vmem>>, %arg8: memref<128x128xf32, #tpu.memory_space<vmem>>, %arg9: memref<1x128xf32, #tpu.memory_space<vmem>>, %arg10: memref<128x1xf32, #tpu.memory_space<vmem>>, %arg11: memref<2000x128xf32, #tpu.memory_space<vmem>>) attributes {dimension_semantics = [#tpu.dimension_semantics<arbitrary>], iteration_bounds = array<i64: 80>, scalar_prefetch = 0 : i64, scratch_operands = 0 : i64, tpu.core_type = #tpu.core_type<tc>, window_params = [{transform_indices = @transform_0, window_bounds = array<i64: 2000, 256>}, {transform_indices = @transform_1, window_bounds = array<i64: 2000, 256>}, {transform_indices = @transform_2, window_bounds = array<i64: 2000, 1>}, {pipeline_mode = #tpu.pipeline_mode<synchronous>, transform_indices = @transform_3, window_bounds = array<i64: 258, 128>}, {pipeline_mode = #tpu.pipeline_mode<synchronous>, transform_indices = @transform_4, window_bounds = array<i64: 1, 128>}, {pipeline_mode = #tpu.pipeline_mode<synchronous>, transform_indices = @transform_5, window_bounds = array<i64: 128, 128>}, {pipeline_mode = #tpu.pipeline_mode<synchronous>, transform_indices = @transform_6, window_bounds = array<i64: 1, 128>}, {pipeline_mode = #tpu.pipeline_mode<synchronous>, transform_indices = @transform_7, window_bounds = array<i64: 128, 128>}, {pipeline_mode = #tpu.pipeline_mode<synchronous>, transform_indices = @transform_8, window_bounds = array<i64: 1, 128>}, {pipeline_mode = #tpu.pipeline_mode<synchronous>, transform_indices = @transform_9, window_bounds = array<i64: 128, 1>}, {transform_indices = @transform_10, window_bounds = array<i64: 2000, 128>}]} {
    %get3A = arith.constant 0 : index
    %get3A_0 = arith.constant 0 : index
    %get3A_1 = vector.load %arg1[%get3A, %get3A_0] : memref<2000x256xf32, #tpu.memory_space<vmem>>, vector<2000x256xf32>
    %get3A_2 = arith.constant 0 : index
    %get3A_3 = arith.constant 0 : index
    %get3A_4 = vector.load %arg2[%get3A_2, %get3A_3] : memref<2000x256xf32, #tpu.memory_space<vmem>>, vector<2000x256xf32>
    %slice3A = vector.extract_strided_slice %get3A_1 {offsets = [0, 128], sizes = [2000, 16], strides = [1, 1]} : vector<2000x256xf32> to vector<2000x16xf32>
    %slice3A_5 = vector.extract_strided_slice %get3A_4 {offsets = [0, 128], sizes = [2000, 16], strides = [1, 1]} : vector<2000x256xf32> to vector<2000x16xf32>
    %sub3A = arith.subf %slice3A, %slice3A_5 : vector<2000x16xf32>
    %mul3A = arith.mulf %sub3A, %sub3A : vector<2000x16xf32>
    %reduce_sum3A = arith.constant dense<0.000000e+00> : vector<2000xf32>
    %reduce_sum3A_6 = vector.multi_reduction <add>, %mul3A, %reduce_sum3A [1] : vector<2000x16xf32> to vector<2000xf32>
    %broadcast_in_dim3A = vector.shape_cast %reduce_sum3A_6 : vector<2000xf32> to vector<2000x1xf32>
    %get3A_7 = arith.constant 0 : index
    %get3A_8 = arith.constant 0 : index
    %get3A_9 = vector.load %arg4[%get3A_7, %get3A_8] : memref<258x128xf32, #tpu.memory_space<vmem>>, vector<258x128xf32>
    %slice3A_10 = vector.extract_strided_slice %get3A_1 {offsets = [0, 0], sizes = [2000, 128], strides = [1, 1]} : vector<2000x256xf32> to vector<2000x128xf32>
    %slice3A_11 = vector.extract_strided_slice %get3A_9 {offsets = [0, 0], sizes = [128, 128], strides = [1, 1]} : vector<258x128xf32> to vector<128x128xf32>
    %convert_element_type3A = arith.truncf %slice3A_10 : vector<2000x128xf32> to vector<2000x128xbf16>
    %convert_element_type3A_12 = arith.truncf %slice3A_11 : vector<128x128xf32> to vector<128x128xbf16>
    %dot_general3A = arith.constant dense<0.000000e+00> : vector<2000x128xf32>
    %dot_general3A_13 = tpu.matmul %convert_element_type3A, %convert_element_type3A_12, %dot_general3A {dimension_numbers = #tpu.dot_dimension_numbers<[1], [0], [0], [1], [0, 0, 1, 1], [], []>, transpose_lhs_hint = false} : vector<2000x128xbf16>, vector<128x128xbf16>, vector<2000x128xf32> -> vector<2000x128xf32>
    %slice3A_14 = vector.extract_strided_slice %get3A_4 {offsets = [0, 0], sizes = [2000, 128], strides = [1, 1]} : vector<2000x256xf32> to vector<2000x128xf32>
    %slice3A_15 = vector.extract_strided_slice %get3A_9 {offsets = [128, 0], sizes = [128, 128], strides = [1, 1]} : vector<258x128xf32> to vector<128x128xf32>
    %convert_element_type3A_16 = arith.truncf %slice3A_14 : vector<2000x128xf32> to vector<2000x128xbf16>
    %convert_element_type3A_17 = arith.truncf %slice3A_15 : vector<128x128xf32> to vector<128x128xbf16>
    %dot_general3A_18 = arith.constant dense<0.000000e+00> : vector<2000x128xf32>
    %dot_general3A_19 = tpu.matmul %convert_element_type3A_16, %convert_element_type3A_17, %dot_general3A_18 {dimension_numbers = #tpu.dot_dimension_numbers<[1], [0], [0], [1], [0, 0, 1, 1], [], []>, transpose_lhs_hint = false} : vector<2000x128xbf16>, vector<128x128xbf16>, vector<2000x128xf32> -> vector<2000x128xf32>
    %add3A = arith.addf %dot_general3A_13, %dot_general3A_19 : vector<2000x128xf32>
    %slice3A_20 = vector.extract_strided_slice %get3A_9 {offsets = [256, 0], sizes = [1, 128], strides = [1, 1]} : vector<258x128xf32> to vector<1x128xf32>
    %mul3A_21 = vector.broadcast %broadcast_in_dim3A : vector<2000x1xf32> to vector<2000x128xf32>
    %mul3A_22 = vector.broadcast %slice3A_20 : vector<1x128xf32> to vector<2000x128xf32>
    %mul3A_23 = arith.mulf %mul3A_21, %mul3A_22 : vector<2000x128xf32>
    %add3A_24 = arith.addf %add3A, %mul3A_23 : vector<2000x128xf32>
    %get3A_25 = arith.constant 0 : index
    %get3A_26 = arith.constant 0 : index
    %get3A_27 = vector.load %arg3[%get3A_25, %get3A_26] : memref<2000x1xf32, #tpu.memory_space<vmem>>, vector<2000x1xf32>
    %slice3A_28 = vector.extract_strided_slice %get3A_9 {offsets = [257, 0], sizes = [1, 128], strides = [1, 1]} : vector<258x128xf32> to vector<1x128xf32>
    %mul3A_29 = vector.broadcast %get3A_27 : vector<2000x1xf32> to vector<2000x128xf32>
    %mul3A_30 = vector.broadcast %slice3A_28 : vector<1x128xf32> to vector<2000x128xf32>
    %mul3A_31 = arith.mulf %mul3A_29, %mul3A_30 : vector<2000x128xf32>
    %add3A_32 = arith.addf %add3A_24, %mul3A_31 : vector<2000x128xf32>
    %get3A_33 = arith.constant 0 : index
    %get3A_34 = arith.constant 0 : index
    %get3A_35 = vector.load %arg5[%get3A_33, %get3A_34] : memref<1x128xf32, #tpu.memory_space<vmem>>, vector<1x128xf32>
    %add3A_36 = vector.broadcast %get3A_35 : vector<1x128xf32> to vector<2000x128xf32>
    %add3A_37 = arith.addf %add3A_32, %add3A_36 : vector<2000x128xf32>
    %logistic3A = arith.negf %add3A_37 : vector<2000x128xf32>
    %logistic3A_38 = math.exp %logistic3A : vector<2000x128xf32>
    %logistic3A_39 = arith.constant 1.000000e+00 : f32
    %logistic3A_40 = vector.broadcast %logistic3A_39 : f32 to vector<2000x128xf32>
    %logistic3A_41 = arith.addf %logistic3A_40, %logistic3A_38 : vector<2000x128xf32>
    %logistic3A_42 = arith.divf %logistic3A_40, %logistic3A_41 : vector<2000x128xf32>
    %mul3A_43 = arith.mulf %add3A_37, %logistic3A_42 : vector<2000x128xf32>
    %get3A_44 = arith.constant 0 : index
    %get3A_45 = arith.constant 0 : index
    %get3A_46 = vector.load %arg6[%get3A_44, %get3A_45] : memref<128x128xf32, #tpu.memory_space<vmem>>, vector<128x128xf32>
    %convert_element_type3A_47 = arith.truncf %mul3A_43 : vector<2000x128xf32> to vector<2000x128xbf16>
    %convert_element_type3A_48 = arith.truncf %get3A_46 : vector<128x128xf32> to vector<128x128xbf16>
    %dot_general3A_49 = arith.constant dense<0.000000e+00> : vector<2000x128xf32>
    %dot_general3A_50 = tpu.matmul %convert_element_type3A_47, %convert_element_type3A_48, %dot_general3A_49 {dimension_numbers = #tpu.dot_dimension_numbers<[1], [0], [0], [1], [0, 0, 1, 1], [], []>, transpose_lhs_hint = false} : vector<2000x128xbf16>, vector<128x128xbf16>, vector<2000x128xf32> -> vector<2000x128xf32>
    %get3A_51 = arith.constant 0 : index
    %get3A_52 = arith.constant 0 : index
    %get3A_53 = vector.load %arg7[%get3A_51, %get3A_52] : memref<1x128xf32, #tpu.memory_space<vmem>>, vector<1x128xf32>
    %add3A_54 = vector.broadcast %get3A_53 : vector<1x128xf32> to vector<2000x128xf32>
    %add3A_55 = arith.addf %dot_general3A_50, %add3A_54 : vector<2000x128xf32>
    %logistic3A_56 = arith.negf %add3A_55 : vector<2000x128xf32>
    %logistic3A_57 = math.exp %logistic3A_56 : vector<2000x128xf32>
    %logistic3A_58 = arith.constant 1.000000e+00 : f32
    %logistic3A_59 = vector.broadcast %logistic3A_58 : f32 to vector<2000x128xf32>
    %logistic3A_60 = arith.addf %logistic3A_59, %logistic3A_57 : vector<2000x128xf32>
    %logistic3A_61 = arith.divf %logistic3A_59, %logistic3A_60 : vector<2000x128xf32>
    %mul3A_62 = arith.mulf %add3A_55, %logistic3A_61 : vector<2000x128xf32>
    %swap3A = arith.constant 0 : index
    %swap3A_63 = arith.constant 0 : index
    %swap3A_64 = vector.load %arg11[%swap3A, %swap3A_63] : memref<2000x128xf32, #tpu.memory_space<vmem>>, vector<2000x128xf32>
    tpu.vector_store %arg11[%swap3A, %swap3A_63], %mul3A_62 {strides = array<i32>} : memref<2000x128xf32, #tpu.memory_space<vmem>>, vector<2000x128xf32>,
    return
  }
  func.func @transform_0(%arg0: i32) -> (i32, i32) {
    %c0_i32 = arith.constant 0 : i32
    %c0_i32_0 = arith.constant 0 : i32
    return %arg0, %c0_i32 : i32, i32
  }
  func.func @transform_1(%arg0: i32) -> (i32, i32) {
    %add3A = arith.constant 80 : i32
    %add3A_0 = arith.addi %arg0, %add3A : i32
    %c0_i32 = arith.constant 0 : i32
    %c0_i32_1 = arith.constant 0 : i32
    return %add3A_0, %c0_i32 : i32, i32
  }
  func.func @transform_2(%arg0: i32) -> (i32, i32) {
    %c0_i32 = arith.constant 0 : i32
    %c0_i32_0 = arith.constant 0 : i32
    return %arg0, %c0_i32 : i32, i32
  }
  func.func @transform_3(%arg0: i32) -> (i32, i32) {
    %c0_i32 = arith.constant 0 : i32
    %c0_i32_0 = arith.constant 0 : i32
    %c0_i32_1 = arith.constant 0 : i32
    return %c0_i32, %c0_i32_0 : i32, i32
  }
  func.func @transform_4(%arg0: i32) -> (i32, i32) {
    %c0_i32 = arith.constant 0 : i32
    %c0_i32_0 = arith.constant 0 : i32
    %c0_i32_1 = arith.constant 0 : i32
    return %c0_i32, %c0_i32_0 : i32, i32
  }
  func.func @transform_5(%arg0: i32) -> (i32, i32) {
    %c0_i32 = arith.constant 0 : i32
    %c0_i32_0 = arith.constant 0 : i32
    %c0_i32_1 = arith.constant 0 : i32
    return %c0_i32, %c0_i32_0 : i32, i32
  }
  func.func @transform_6(%arg0: i32) -> (i32, i32) {
    %c0_i32 = arith.constant 0 : i32
    %c0_i32_0 = arith.constant 0 : i32
    %c0_i32_1 = arith.constant 0 : i32
    return %c0_i32, %c0_i32_0 : i32, i32
  }
  func.func @transform_7(%arg0: i32) -> (i32, i32) {
    %c0_i32 = arith.constant 0 : i32
    %c0_i32_0 = arith.constant 0 : i32
    %c0_i32_1 = arith.constant 0 : i32
    return %c0_i32, %c0_i32_0 : i32, i32
  }
  func.func @transform_8(%arg0: i32) -> (i32, i32) {
    %c0_i32 = arith.constant 0 : i32
    %c0_i32_0 = arith.constant 0 : i32
    %c0_i32_1 = arith.constant 0 : i32
    return %c0_i32, %c0_i32_0 : i32, i32
  }
  func.func @transform_9(%arg0: i32) -> (i32, i32) {
    %c0_i32 = arith.constant 0 : i32
    %c0_i32_0 = arith.constant 0 : i32
    %c0_i32_1 = arith.constant 0 : i32
    return %c0_i32, %c0_i32_0 : i32, i32
  }
  func.func @transform_10(%arg0: i32) -> (i32, i32) {
    %c0_i32 = arith.constant 0 : i32
    %c0_i32_0 = arith.constant 0 : i32
    return %arg0, %c0_i32 : i32, i32
  }
}

module attributes {stable_mosaic.version = 14 : i64} {
  func.func @body(%arg0: i32, %arg1: memref<2000x256xf32, #tpu.memory_space<vmem>>, %arg2: memref<2x2000x128xf32, #tpu.memory_space<vmem>>, %arg3: memref<256x128xf32, #tpu.memory_space<vmem>>, %arg4: memref<1x128xf32, #tpu.memory_space<vmem>>, %arg5: memref<128x256xf32, #tpu.memory_space<vmem>>, %arg6: memref<1x256xf32, #tpu.memory_space<vmem>>, %arg7: memref<2000x256xf32, #tpu.memory_space<vmem>>) attributes {dimension_semantics = [#tpu.dimension_semantics<arbitrary>], iteration_bounds = array<i64: 5>, scalar_prefetch = 0 : i64, scratch_operands = 0 : i64, tpu.core_type = #tpu.core_type<tc>, window_params = [{transform_indices = @transform_0, window_bounds = array<i64: 2000, 256>}, {transform_indices = @transform_1, window_bounds = array<i64: 2, 2000, 128>}, {pipeline_mode = #tpu.pipeline_mode<synchronous>, transform_indices = @transform_2, window_bounds = array<i64: 256, 128>}, {pipeline_mode = #tpu.pipeline_mode<synchronous>, transform_indices = @transform_3, window_bounds = array<i64: 1, 128>}, {pipeline_mode = #tpu.pipeline_mode<synchronous>, transform_indices = @transform_4, window_bounds = array<i64: 128, 256>}, {pipeline_mode = #tpu.pipeline_mode<synchronous>, transform_indices = @transform_5, window_bounds = array<i64: 1, 256>}, {transform_indices = @transform_6, window_bounds = array<i64: 2000, 256>}]} {
    %get3A = arith.constant 0 : index
    %get3A_0 = arith.constant 0 : index
    %get3A_1 = vector.load %arg1[%get3A, %get3A_0] : memref<2000x256xf32, #tpu.memory_space<vmem>>, vector<2000x256xf32>
    %get3A_2 = arith.constant 0 : index
    %get3A_3 = arith.constant 0 : index
    %get3A_4 = arith.constant 0 : index
    %get3A_5 = vector.load %arg2[%get3A_2, %get3A_3, %get3A_4] : memref<2x2000x128xf32, #tpu.memory_space<vmem>>, vector<2x2000x128xf32>
    %slice3A = vector.extract_strided_slice %get3A_5 {offsets = [0, 0, 0], sizes = [1, 2000, 128], strides = [1, 1, 1]} : vector<2x2000x128xf32> to vector<1x2000x128xf32>
    %squeeze3A = vector.shape_cast %slice3A : vector<1x2000x128xf32> to vector<2000x128xf32>
    %slice3A_6 = vector.extract_strided_slice %get3A_5 {offsets = [1, 0, 0], sizes = [1, 2000, 128], strides = [1, 1, 1]} : vector<2x2000x128xf32> to vector<1x2000x128xf32>
    %squeeze3A_7 = vector.shape_cast %slice3A_6 : vector<1x2000x128xf32> to vector<2000x128xf32>
    %add3A = arith.addf %squeeze3A, %squeeze3A_7 : vector<2000x128xf32>
    %get3A_8 = arith.constant 0 : index
    %get3A_9 = arith.constant 0 : index
    %get3A_10 = vector.load %arg3[%get3A_8, %get3A_9] : memref<256x128xf32, #tpu.memory_space<vmem>>, vector<256x128xf32>
    %slice3A_11 = vector.extract_strided_slice %get3A_1 {offsets = [0, 0], sizes = [2000, 128], strides = [1, 1]} : vector<2000x256xf32> to vector<2000x128xf32>
    %slice3A_12 = vector.extract_strided_slice %get3A_10 {offsets = [0, 0], sizes = [128, 128], strides = [1, 1]} : vector<256x128xf32> to vector<128x128xf32>
    %convert_element_type3A = arith.truncf %slice3A_11 : vector<2000x128xf32> to vector<2000x128xbf16>
    %convert_element_type3A_13 = arith.truncf %slice3A_12 : vector<128x128xf32> to vector<128x128xbf16>
    %dot_general3A = arith.constant dense<0.000000e+00> : vector<2000x128xf32>
    %dot_general3A_14 = tpu.matmul %convert_element_type3A, %convert_element_type3A_13, %dot_general3A {dimension_numbers = #tpu.dot_dimension_numbers<[1], [0], [0], [1], [0, 0, 1, 1], [], []>, transpose_lhs_hint = false} : vector<2000x128xbf16>, vector<128x128xbf16>, vector<2000x128xf32> -> vector<2000x128xf32>
    %slice3A_15 = vector.extract_strided_slice %get3A_10 {offsets = [128, 0], sizes = [128, 128], strides = [1, 1]} : vector<256x128xf32> to vector<128x128xf32>
    %convert_element_type3A_16 = arith.truncf %add3A : vector<2000x128xf32> to vector<2000x128xbf16>
    %convert_element_type3A_17 = arith.truncf %slice3A_15 : vector<128x128xf32> to vector<128x128xbf16>
    %dot_general3A_18 = arith.constant dense<0.000000e+00> : vector<2000x128xf32>
    %dot_general3A_19 = tpu.matmul %convert_element_type3A_16, %convert_element_type3A_17, %dot_general3A_18 {dimension_numbers = #tpu.dot_dimension_numbers<[1], [0], [0], [1], [0, 0, 1, 1], [], []>, transpose_lhs_hint = false} : vector<2000x128xbf16>, vector<128x128xbf16>, vector<2000x128xf32> -> vector<2000x128xf32>
    %add3A_20 = arith.addf %dot_general3A_14, %dot_general3A_19 : vector<2000x128xf32>
    %get3A_21 = arith.constant 0 : index
    %get3A_22 = arith.constant 0 : index
    %get3A_23 = vector.load %arg4[%get3A_21, %get3A_22] : memref<1x128xf32, #tpu.memory_space<vmem>>, vector<1x128xf32>
    %add3A_24 = vector.broadcast %get3A_23 : vector<1x128xf32> to vector<2000x128xf32>
    %add3A_25 = arith.addf %add3A_20, %add3A_24 : vector<2000x128xf32>
    %logistic3A = arith.negf %add3A_25 : vector<2000x128xf32>
    %logistic3A_26 = math.exp %logistic3A : vector<2000x128xf32>
    %logistic3A_27 = arith.constant 1.000000e+00 : f32
    %logistic3A_28 = vector.broadcast %logistic3A_27 : f32 to vector<2000x128xf32>
    %logistic3A_29 = arith.addf %logistic3A_28, %logistic3A_26 : vector<2000x128xf32>
    %logistic3A_30 = arith.divf %logistic3A_28, %logistic3A_29 : vector<2000x128xf32>
    %mul3A = arith.mulf %add3A_25, %logistic3A_30 : vector<2000x128xf32>
    %get3A_31 = arith.constant 0 : index
    %get3A_32 = arith.constant 0 : index
    %get3A_33 = vector.load %arg5[%get3A_31, %get3A_32] : memref<128x256xf32, #tpu.memory_space<vmem>>, vector<128x256xf32>
    %convert_element_type3A_34 = arith.truncf %mul3A : vector<2000x128xf32> to vector<2000x128xbf16>
    %convert_element_type3A_35 = arith.truncf %get3A_33 : vector<128x256xf32> to vector<128x256xbf16>
    %dot_general3A_36 = arith.constant dense<0.000000e+00> : vector<2000x256xf32>
    %dot_general3A_37 = tpu.matmul %convert_element_type3A_34, %convert_element_type3A_35, %dot_general3A_36 {dimension_numbers = #tpu.dot_dimension_numbers<[1], [0], [0], [1], [0, 0, 1, 1], [], []>, transpose_lhs_hint = false} : vector<2000x128xbf16>, vector<128x256xbf16>, vector<2000x256xf32> -> vector<2000x256xf32>
    %get3A_38 = arith.constant 0 : index
    %get3A_39 = arith.constant 0 : index
    %get3A_40 = vector.load %arg6[%get3A_38, %get3A_39] : memref<1x256xf32, #tpu.memory_space<vmem>>, vector<1x256xf32>
    %add3A_41 = vector.broadcast %get3A_40 : vector<1x256xf32> to vector<2000x256xf32>
    %add3A_42 = arith.addf %dot_general3A_37, %add3A_41 : vector<2000x256xf32>
    %swap3A = arith.constant 0 : index
    %swap3A_43 = arith.constant 0 : index
    %swap3A_44 = vector.load %arg7[%swap3A, %swap3A_43] : memref<2000x256xf32, #tpu.memory_space<vmem>>, vector<2000x256xf32>
    tpu.vector_store %arg7[%swap3A, %swap3A_43], %add3A_42 {strides = array<i32>} : memref<2000x256xf32, #tpu.memory_space<vmem>>, vector<2000x256xf32>,
    return
  }
  func.func @transform_0(%arg0: i32) -> (i32, i32) {
    %c0_i32 = arith.constant 0 : i32
    %c0_i32_0 = arith.constant 0 : i32
    return %arg0, %c0_i32 : i32, i32
  }
  func.func @transform_1(%arg0: i32) -> (i32, i32, i32) {
    %c0_i32 = arith.constant 0 : i32
    %c0_i32_0 = arith.constant 0 : i32
    %c0_i32_1 = arith.constant 0 : i32
    return %c0_i32, %arg0, %c0_i32_0 : i32, i32, i32
  }
  func.func @transform_2(%arg0: i32) -> (i32, i32) {
    %c0_i32 = arith.constant 0 : i32
    %c0_i32_0 = arith.constant 0 : i32
    %c0_i32_1 = arith.constant 0 : i32
    return %c0_i32, %c0_i32_0 : i32, i32
  }
  func.func @transform_3(%arg0: i32) -> (i32, i32) {
    %c0_i32 = arith.constant 0 : i32
    %c0_i32_0 = arith.constant 0 : i32
    %c0_i32_1 = arith.constant 0 : i32
    return %c0_i32, %c0_i32_0 : i32, i32
  }
  func.func @transform_4(%arg0: i32) -> (i32, i32) {
    %c0_i32 = arith.constant 0 : i32
    %c0_i32_0 = arith.constant 0 : i32
    %c0_i32_1 = arith.constant 0 : i32
    return %c0_i32, %c0_i32_0 : i32, i32
  }
  func.func @transform_5(%arg0: i32) -> (i32, i32) {
    %c0_i32 = arith.constant 0 : i32
    %c0_i32_0 = arith.constant 0 : i32
    %c0_i32_1 = arith.constant 0 : i32
    return %c0_i32, %c0_i32_0 : i32, i32
  }
  func.func @transform_6(%arg0: i32) -> (i32, i32) {
    %c0_i32 = arith.constant 0 : i32
    %c0_i32_0 = arith.constant 0 : i32
    return %arg0, %c0_i32 : i32, i32
  }
}

module attributes {stable_mosaic.version = 14 : i64} {
  func.func @body(%arg0: i32, %arg1: memref<2000x256xf32, #tpu.memory_space<vmem>>, %arg2: memref<2000x256xf32, #tpu.memory_space<vmem>>, %arg3: memref<2000x256xf32, #tpu.memory_space<vmem>>, %arg4: memref<256x256xf32, #tpu.memory_space<vmem>>, %arg5: memref<1x256xf32, #tpu.memory_space<vmem>>, %arg6: memref<2000x256xf32, #tpu.memory_space<vmem>>, %arg7: memref<1x2xf32, #tpu.memory_space<smem>>, %arg8: memref<2xf32, #tpu.memory_space<smem>>) attributes {dimension_semantics = [#tpu.dimension_semantics<arbitrary>], iteration_bounds = array<i64: 10>, scalar_prefetch = 0 : i64, scratch_operands = 1 : i64, tpu.core_type = #tpu.core_type<tc>, window_params = [{transform_indices = @transform_0, window_bounds = array<i64: 2000, 256>}, {transform_indices = @transform_1, window_bounds = array<i64: 2000, 256>}, {transform_indices = @transform_2, window_bounds = array<i64: 2000, 256>}, {pipeline_mode = #tpu.pipeline_mode<synchronous>, transform_indices = @transform_3, window_bounds = array<i64: 256, 256>}, {pipeline_mode = #tpu.pipeline_mode<synchronous>, transform_indices = @transform_4, window_bounds = array<i64: 1, 256>}, {transform_indices = @transform_5, window_bounds = array<i64: 2000, 256>}, {transform_indices = @transform_6, window_bounds = array<i64: 1, 2>}]} {
    %get3A = arith.constant 0 : index
    %get3A_0 = arith.constant 0 : index
    %get3A_1 = vector.load %arg1[%get3A, %get3A_0] : memref<2000x256xf32, #tpu.memory_space<vmem>>, vector<2000x256xf32>
    %get3A_2 = arith.constant 0 : index
    %get3A_3 = arith.constant 0 : index
    %get3A_4 = vector.load %arg2[%get3A_2, %get3A_3] : memref<2000x256xf32, #tpu.memory_space<vmem>>, vector<2000x256xf32>
    %add3A = arith.addf %get3A_1, %get3A_4 : vector<2000x256xf32>
    %get3A_5 = arith.constant 0 : index
    %get3A_6 = arith.constant 0 : index
    %get3A_7 = vector.load %arg3[%get3A_5, %get3A_6] : memref<2000x256xf32, #tpu.memory_space<vmem>>, vector<2000x256xf32>
    %add3A_8 = arith.addf %add3A, %get3A_7 : vector<2000x256xf32>
    %mul3A = arith.constant 0.333333343 : f32
    %mul3A_9 = vector.broadcast %mul3A : f32 to vector<2000x256xf32>
    %mul3A_10 = arith.mulf %add3A_8, %mul3A_9 : vector<2000x256xf32>
    %get3A_11 = arith.constant 0 : index
    %get3A_12 = arith.constant 0 : index
    %get3A_13 = vector.load %arg4[%get3A_11, %get3A_12] : memref<256x256xf32, #tpu.memory_space<vmem>>, vector<256x256xf32>
    %convert_element_type3A = arith.truncf %mul3A_10 : vector<2000x256xf32> to vector<2000x256xbf16>
    %convert_element_type3A_14 = arith.truncf %get3A_13 : vector<256x256xf32> to vector<256x256xbf16>
    %dot_general3A = arith.constant dense<0.000000e+00> : vector<2000x256xf32>
    %dot_general3A_15 = tpu.matmul %convert_element_type3A, %convert_element_type3A_14, %dot_general3A {dimension_numbers = #tpu.dot_dimension_numbers<[1], [0], [0], [1], [0, 0, 1, 1], [], []>, transpose_lhs_hint = false} : vector<2000x256xbf16>, vector<256x256xbf16>, vector<2000x256xf32> -> vector<2000x256xf32>
    %get3A_16 = arith.constant 0 : index
    %get3A_17 = arith.constant 0 : index
    %get3A_18 = vector.load %arg5[%get3A_16, %get3A_17] : memref<1x256xf32, #tpu.memory_space<vmem>>, vector<1x256xf32>
    %add3A_19 = vector.broadcast %get3A_18 : vector<1x256xf32> to vector<2000x256xf32>
    %add3A_20 = arith.addf %dot_general3A_15, %add3A_19 : vector<2000x256xf32>
    %swap3A = arith.constant 0 : index
    %swap3A_21 = arith.constant 0 : index
    %swap3A_22 = vector.load %arg6[%swap3A, %swap3A_21] : memref<2000x256xf32, #tpu.memory_space<vmem>>, vector<2000x256xf32>
    tpu.vector_store %arg6[%swap3A, %swap3A_21], %add3A_20 {strides = array<i32>} : memref<2000x256xf32, #tpu.memory_space<vmem>>, vector<2000x256xf32>,
    %eq3A = arith.constant 0 : i32
    %eq3A_23 = arith.cmpi eq, %arg0, %eq3A : i32
    %convert_element_type3A_24 = arith.extui %eq3A_23 : i1 to i32
    %cond3A = arith.constant 0 : i32
    %cond3A_25 = arith.cmpi ne, %convert_element_type3A_24, %cond3A : i32
    scf.if %cond3A_25 {
      %swap3A_56 = arith.constant 0.000000e+00 : f32
      %swap3A_57 = arith.constant 0 : index
      %swap3A_58 = memref.load %arg8[%swap3A_57] : memref<2xf32, #tpu.memory_space<smem>>
      memref.store %swap3A_56, %arg8[%swap3A_57] : memref<2xf32, #tpu.memory_space<smem>>
      %swap3A_59 = arith.constant 0.000000e+00 : f32
      %swap3A_60 = arith.constant 1 : index
      %swap3A_61 = memref.load %arg8[%swap3A_60] : memref<2xf32, #tpu.memory_space<smem>>
      memref.store %swap3A_59, %arg8[%swap3A_60] : memref<2xf32, #tpu.memory_space<smem>>
    } else {
    }
    %get3A_26 = arith.constant 0 : index
    %get3A_27 = memref.load %arg8[%get3A_26] : memref<2xf32, #tpu.memory_space<smem>>
    %reduce_sum3A = vector.shape_cast %add3A_20 : vector<2000x256xf32> to vector<1x2000x256xf32>
    %reduce_sum3A_28 = arith.constant dense<0.000000e+00> : vector<1xf32>
    %reduce_sum3A_29 = vector.multi_reduction <add>, %reduce_sum3A, %reduce_sum3A_28 [1, 2] : vector<1x2000x256xf32> to vector<1xf32>
    %reduce_sum3A_30 = vector.shape_cast %reduce_sum3A_29 : vector<1xf32> to vector<1x1x1xf32>
    %reduce_sum3A_31 = vector.extract %reduce_sum3A_30[0, 0, 0] : f32 from vector<1x1x1xf32>
    %add3A_32 = arith.addf %get3A_27, %reduce_sum3A_31 : f32
    %swap3A_33 = arith.constant 0 : index
    %swap3A_34 = memref.load %arg8[%swap3A_33] : memref<2xf32, #tpu.memory_space<smem>>
    memref.store %add3A_32, %arg8[%swap3A_33] : memref<2xf32, #tpu.memory_space<smem>>
    %get3A_35 = arith.constant 1 : index
    %get3A_36 = memref.load %arg8[%get3A_35] : memref<2xf32, #tpu.memory_space<smem>>
    %mul3A_37 = arith.mulf %add3A_20, %add3A_20 : vector<2000x256xf32>
    %reduce_sum3A_38 = vector.shape_cast %mul3A_37 : vector<2000x256xf32> to vector<1x2000x256xf32>
    %reduce_sum3A_39 = arith.constant dense<0.000000e+00> : vector<1xf32>
    %reduce_sum3A_40 = vector.multi_reduction <add>, %reduce_sum3A_38, %reduce_sum3A_39 [1, 2] : vector<1x2000x256xf32> to vector<1xf32>
    %reduce_sum3A_41 = vector.shape_cast %reduce_sum3A_40 : vector<1xf32> to vector<1x1x1xf32>
    %reduce_sum3A_42 = vector.extract %reduce_sum3A_41[0, 0, 0] : f32 from vector<1x1x1xf32>
    %add3A_43 = arith.addf %get3A_36, %reduce_sum3A_42 : f32
    %swap3A_44 = arith.constant 1 : index
    %swap3A_45 = memref.load %arg8[%swap3A_44] : memref<2xf32, #tpu.memory_space<smem>>
    memref.store %add3A_43, %arg8[%swap3A_44] : memref<2xf32, #tpu.memory_space<smem>>
    %get3A_46 = arith.constant 0 : index
    %get3A_47 = memref.load %arg8[%get3A_46] : memref<2xf32, #tpu.memory_space<smem>>
    %swap3A_48 = arith.constant 0 : index
    %swap3A_49 = arith.constant 0 : index
    %swap3A_50 = memref.load %arg7[%swap3A_48, %swap3A_49] : memref<1x2xf32, #tpu.memory_space<smem>>
    memref.store %get3A_47, %arg7[%swap3A_48, %swap3A_49] : memref<1x2xf32, #tpu.memory_space<smem>>
    %get3A_51 = arith.constant 1 : index
    %get3A_52 = memref.load %arg8[%get3A_51] : memref<2xf32, #tpu.memory_space<smem>>
    %swap3A_53 = arith.constant 0 : index
    %swap3A_54 = arith.constant 1 : index
    %swap3A_55 = memref.load %arg7[%swap3A_53, %swap3A_54] : memref<1x2xf32, #tpu.memory_space<smem>>
    memref.store %get3A_52, %arg7[%swap3A_53, %swap3A_54] : memref<1x2xf32, #tpu.memory_space<smem>>
    return
  }
  func.func @transform_0(%arg0: i32) -> (i32, i32) {
    %c0_i32 = arith.constant 0 : i32
    %c0_i32_0 = arith.constant 0 : i32
    return %arg0, %c0_i32 : i32, i32
  }
  func.func @transform_1(%arg0: i32) -> (i32, i32) {
    %add3A = arith.constant 10 : i32
    %add3A_0 = arith.addi %arg0, %add3A : i32
    %c0_i32 = arith.constant 0 : i32
    %c0_i32_1 = arith.constant 0 : i32
    return %add3A_0, %c0_i32 : i32, i32
  }
  func.func @transform_2(%arg0: i32) -> (i32, i32) {
    %add3A = arith.constant 20 : i32
    %add3A_0 = arith.addi %arg0, %add3A : i32
    %c0_i32 = arith.constant 0 : i32
    %c0_i32_1 = arith.constant 0 : i32
    return %add3A_0, %c0_i32 : i32, i32
  }
  func.func @transform_3(%arg0: i32) -> (i32, i32) {
    %c0_i32 = arith.constant 0 : i32
    %c0_i32_0 = arith.constant 0 : i32
    %c0_i32_1 = arith.constant 0 : i32
    return %c0_i32, %c0_i32_0 : i32, i32
  }
  func.func @transform_4(%arg0: i32) -> (i32, i32) {
    %c0_i32 = arith.constant 0 : i32
    %c0_i32_0 = arith.constant 0 : i32
    %c0_i32_1 = arith.constant 0 : i32
    return %c0_i32, %c0_i32_0 : i32, i32
  }
  func.func @transform_5(%arg0: i32) -> (i32, i32) {
    %c0_i32 = arith.constant 0 : i32
    %c0_i32_0 = arith.constant 0 : i32
    return %arg0, %c0_i32 : i32, i32
  }
  func.func @transform_6(%arg0: i32) -> (i32, i32) {
    %c0_i32 = arith.constant 0 : i32
    %c0_i32_0 = arith.constant 0 : i32
    %c0_i32_1 = arith.constant 0 : i32
    return %c0_i32, %c0_i32_0 : i32, i32
  }
}

module attributes {stable_mosaic.version = 14 : i64} {
  func.func @body(%arg0: i32, %arg1: memref<2000x256xf32, #tpu.memory_space<vmem>>, %arg2: memref<1x2xf32, #tpu.memory_space<smem>>, %arg3: memref<1x256xf32, #tpu.memory_space<vmem>>, %arg4: memref<1x256xf32, #tpu.memory_space<vmem>>, %arg5: memref<256x8xf32, #tpu.memory_space<vmem>>, %arg6: memref<1x8xf32, #tpu.memory_space<vmem>>, %arg7: memref<2000x8xf32, #tpu.memory_space<vmem>>) attributes {dimension_semantics = [#tpu.dimension_semantics<arbitrary>], iteration_bounds = array<i64: 10>, scalar_prefetch = 0 : i64, scratch_operands = 0 : i64, tpu.core_type = #tpu.core_type<tc>, window_params = [{transform_indices = @transform_0, window_bounds = array<i64: 2000, 256>}, {transform_indices = @transform_1, window_bounds = array<i64: 1, 2>}, {pipeline_mode = #tpu.pipeline_mode<synchronous>, transform_indices = @transform_2, window_bounds = array<i64: 1, 256>}, {pipeline_mode = #tpu.pipeline_mode<synchronous>, transform_indices = @transform_3, window_bounds = array<i64: 1, 256>}, {pipeline_mode = #tpu.pipeline_mode<synchronous>, transform_indices = @transform_4, window_bounds = array<i64: 256, 8>}, {pipeline_mode = #tpu.pipeline_mode<synchronous>, transform_indices = @transform_5, window_bounds = array<i64: 1, 8>}, {transform_indices = @transform_6, window_bounds = array<i64: 2000, 8>}]} {
    %get3A = arith.constant 0 : index
    %get3A_0 = arith.constant 0 : index
    %get3A_1 = memref.load %arg2[%get3A, %get3A_0] : memref<1x2xf32, #tpu.memory_space<smem>>
    %div3A = arith.constant 5.120000e+06 : f32
    %div3A_2 = arith.divf %get3A_1, %div3A : f32
    %get3A_3 = arith.constant 0 : index
    %get3A_4 = arith.constant 1 : index
    %get3A_5 = memref.load %arg2[%get3A_3, %get3A_4] : memref<1x2xf32, #tpu.memory_space<smem>>
    %div3A_6 = arith.constant 5.120000e+06 : f32
    %div3A_7 = arith.divf %get3A_5, %div3A_6 : f32
    %mul3A = arith.mulf %div3A_2, %div3A_2 : f32
    %sub3A = arith.subf %div3A_7, %mul3A : f32
    %add3A = arith.constant 9.99999974E-6 : f32
    %add3A_8 = arith.addf %sub3A, %add3A : f32
    %rsqrt3A = math.rsqrt %add3A_8 : f32
    %get3A_9 = arith.constant 0 : index
    %get3A_10 = arith.constant 0 : index
    %get3A_11 = vector.load %arg1[%get3A_9, %get3A_10] : memref<2000x256xf32, #tpu.memory_space<vmem>>, vector<2000x256xf32>
    %sub3A_12 = vector.broadcast %div3A_2 : f32 to vector<2000x256xf32>
    %sub3A_13 = arith.subf %get3A_11, %sub3A_12 : vector<2000x256xf32>
    %mul3A_14 = vector.broadcast %rsqrt3A : f32 to vector<2000x256xf32>
    %mul3A_15 = arith.mulf %sub3A_13, %mul3A_14 : vector<2000x256xf32>
    %get3A_16 = arith.constant 0 : index
    %get3A_17 = arith.constant 0 : index
    %get3A_18 = vector.load %arg3[%get3A_16, %get3A_17] : memref<1x256xf32, #tpu.memory_space<vmem>>, vector<1x256xf32>
    %mul3A_19 = vector.broadcast %get3A_18 : vector<1x256xf32> to vector<2000x256xf32>
    %mul3A_20 = arith.mulf %mul3A_15, %mul3A_19 : vector<2000x256xf32>
    %get3A_21 = arith.constant 0 : index
    %get3A_22 = arith.constant 0 : index
    %get3A_23 = vector.load %arg4[%get3A_21, %get3A_22] : memref<1x256xf32, #tpu.memory_space<vmem>>, vector<1x256xf32>
    %add3A_24 = vector.broadcast %get3A_23 : vector<1x256xf32> to vector<2000x256xf32>
    %add3A_25 = arith.addf %mul3A_20, %add3A_24 : vector<2000x256xf32>
    %max3A = arith.constant 0.000000e+00 : f32
    %max3A_26 = vector.broadcast %max3A : f32 to vector<2000x256xf32>
    %max3A_27 = arith.maximumf %add3A_25, %max3A_26 : vector<2000x256xf32>
    %get3A_28 = arith.constant 0 : index
    %get3A_29 = arith.constant 0 : index
    %get3A_30 = vector.load %arg5[%get3A_28, %get3A_29] : memref<256x8xf32, #tpu.memory_space<vmem>>, vector<256x8xf32>
    %convert_element_type3A = arith.truncf %max3A_27 : vector<2000x256xf32> to vector<2000x256xbf16>
    %convert_element_type3A_31 = arith.truncf %get3A_30 : vector<256x8xf32> to vector<256x8xbf16>
    %dot_general3A = arith.constant dense<0.000000e+00> : vector<2000x8xf32>
    %dot_general3A_32 = tpu.matmul %convert_element_type3A, %convert_element_type3A_31, %dot_general3A {dimension_numbers = #tpu.dot_dimension_numbers<[1], [0], [0], [1], [0, 0, 1, 1], [], []>, transpose_lhs_hint = false} : vector<2000x256xbf16>, vector<256x8xbf16>, vector<2000x8xf32> -> vector<2000x8xf32>
    %get3A_33 = arith.constant 0 : index
    %get3A_34 = arith.constant 0 : index
    %get3A_35 = vector.load %arg6[%get3A_33, %get3A_34] : memref<1x8xf32, #tpu.memory_space<vmem>>, vector<1x8xf32>
    %add3A_36 = vector.broadcast %get3A_35 : vector<1x8xf32> to vector<2000x8xf32>
    %add3A_37 = arith.addf %dot_general3A_32, %add3A_36 : vector<2000x8xf32>
    %reduce_max3A = arith.constant dense<0xFF800000> : vector<2000xf32>
    %reduce_max3A_38 = vector.multi_reduction <maximumf>, %add3A_37, %reduce_max3A [1] : vector<2000x8xf32> to vector<2000xf32>
    %broadcast_in_dim3A = vector.shape_cast %reduce_max3A_38 : vector<2000xf32> to vector<2000x1xf32>
    %sub3A_39 = vector.broadcast %broadcast_in_dim3A : vector<2000x1xf32> to vector<2000x8xf32>
    %sub3A_40 = arith.subf %add3A_37, %sub3A_39 : vector<2000x8xf32>
    %exp3A = math.exp %sub3A_40 : vector<2000x8xf32>
    %reduce_sum3A = arith.constant dense<0.000000e+00> : vector<2000xf32>
    %reduce_sum3A_41 = vector.multi_reduction <add>, %exp3A, %reduce_sum3A [1] : vector<2000x8xf32> to vector<2000xf32>
    %broadcast_in_dim3A_42 = vector.shape_cast %reduce_sum3A_41 : vector<2000xf32> to vector<2000x1xf32>
    %log3A = math.log %broadcast_in_dim3A_42 : vector<2000x1xf32>
    %sub3A_43 = vector.broadcast %log3A : vector<2000x1xf32> to vector<2000x8xf32>
    %sub3A_44 = arith.subf %sub3A_40, %sub3A_43 : vector<2000x8xf32>
    %swap3A = arith.constant 0 : index
    %swap3A_45 = arith.constant 0 : index
    %swap3A_46 = vector.load %arg7[%swap3A, %swap3A_45] : memref<2000x8xf32, #tpu.memory_space<vmem>>, vector<2000x8xf32>
    tpu.vector_store %arg7[%swap3A, %swap3A_45], %sub3A_44 {strides = array<i32>} : memref<2000x8xf32, #tpu.memory_space<vmem>>, vector<2000x8xf32>,
    return
  }
  func.func @transform_0(%arg0: i32) -> (i32, i32) {
    %c0_i32 = arith.constant 0 : i32
    %c0_i32_0 = arith.constant 0 : i32
    return %arg0, %c0_i32 : i32, i32
  }
  func.func @transform_1(%arg0: i32) -> (i32, i32) {
    %c0_i32 = arith.constant 0 : i32
    %c0_i32_0 = arith.constant 0 : i32
    %c0_i32_1 = arith.constant 0 : i32
    return %c0_i32, %c0_i32_0 : i32, i32
  }
  func.func @transform_2(%arg0: i32) -> (i32, i32) {
    %c0_i32 = arith.constant 0 : i32
    %c0_i32_0 = arith.constant 0 : i32
    %c0_i32_1 = arith.constant 0 : i32
    return %c0_i32, %c0_i32_0 : i32, i32
  }
  func.func @transform_3(%arg0: i32) -> (i32, i32) {
    %c0_i32 = arith.constant 0 : i32
    %c0_i32_0 = arith.constant 0 : i32
    %c0_i32_1 = arith.constant 0 : i32
    return %c0_i32, %c0_i32_0 : i32, i32
  }
  func.func @transform_4(%arg0: i32) -> (i32, i32) {
    %c0_i32 = arith.constant 0 : i32
    %c0_i32_0 = arith.constant 0 : i32
    %c0_i32_1 = arith.constant 0 : i32
    return %c0_i32, %c0_i32_0 : i32, i32
  }
  func.func @transform_5(%arg0: i32) -> (i32, i32) {
    %c0_i32 = arith.constant 0 : i32
    %c0_i32_0 = arith.constant 0 : i32
    %c0_i32_1 = arith.constant 0 : i32
    return %c0_i32, %c0_i32_0 : i32, i32
  }
  func.func @transform_6(%arg0: i32) -> (i32, i32) {
    %c0_i32 = arith.constant 0 : i32
    %c0_i32_0 = arith.constant 0 : i32
    return %arg0, %c0_i32 : i32, i32
  }
}

</mosaic_0001>

<sc_bundles>
// kernel: kernel.22.cloned.1.call-start
scs
__scs_entry_jumppad:
0x0: {  	(pc) =	sbr.rel $0x88, $3  }
0x1: {  	(tag) =	ssettag $0x0;
	lr =	simm.s32 $0x1  }
0x2: {  	[smem:$0x3F73] =	sst lr;
	_ =	strace $0xD0000000  }
0x3: {  	_ = 	snop  }
0x4: {  	_ = 	snop  }
0x5: {  	_ = 	snop  }
0x6: {  	_ = 	snop  }
0x7: {  	_ = 	snop  }
__scs_overlays_trampoline_lowered:
0x8: {  	[smem:$0x3F82] =	sst s0  }
0x9: {  	[smem:$0x3F83] =	sst s1  }
0xa: {  	[smem:$0x3F84] =	sst s2  }
0xb: {  	[smem:$0x3F85] =	sst s3  }
0xc: {  	[smem:$0x3F86] =	sst s4  }
0xd: {  	[smem:$0x3F87] =	sst s5  }
0xe: {  	[smem:$0x3F88] =	sst s6  }
0xf: {  	[smem:$0x3F89] =	sst s7  }
0x10: {  	[smem:$0x3F8A] =	sst s8  }
0x11: {  	[smem:$0x3F8B] =	sst s9;
	s0 =	simm.s32 @!p0 $0x0  }
0x12: {  	s1 =	sld [smem:$0x3F71];
	s0 =	simm.s32 @p0 $0x1  }
0x13: {  	[smem:$0x3F8C] =	sst s0;
	s0 =	simm.s32 @!p1 $0x0  }
0x14: {  	s2 =	sld [smem:$0x3F70];
	s0 =	simm.s32 @p1 $0x1  }
0x15: {  	[smem:$0x3F8D] =	sst s0;
	s0 =	simm.s32 @!p2 $0x0  }
0x16: {  	s3 =	sld [smem:$0x3FDB];
	s0 =	simm.s32 @p2 $0x1  }
0x17: {  	s4 =	simm.s32 $0x1BF5;
	[smem:$0x3F8F] =	sst s0  }
0x18: {  	s0 =	sld [smem:$0x3F72];
	_ =	swait.ge [sflag:s4], $0x0  }
0x19: {  	s7 =	sld [smem:$0x3F73]  }
0x1a: {  	s8 =	sadd.s32 $0xFFFFE003, lr  }
0x1b: {  	s9 =	sadd.s32 $0xFFFFFEF7, lr;
	s5 =	simm.s32 $0xFFFFFFFF;
	p2 =	slt.u32 s8, $0xFFFFF086  }
0x1c: {  	p1 =	slt.u32 s9, $0xF7A;
	s5 =	simm.s32 @!p2 $0x0  }
0x1d: {  	s5 =	simm.s32 @p1 $0x1;
	p0 =	seq.s32 s7, s2  }
0x1e: {  	s7 =	smul.u32 @!p0 $0xF7A, s2;
	p2 =	seq.s32 @!p0 s5, $0x0  }
0x1f: {  	s9 =	smul.u32 $0xF7A, s1;
	s8 =	simm.s32 @!p0 $0x1BF5;
	p2 =	por !p2, p0  }
0x20: {  	[sflag:s8] =	ssyncset.s32 @!p0 $0xFFFFF086;
	s6 =	sadd.s32 @!p0 s3, s7;
	s7 =	simm.s32 @!p0 $0x108  }
0x21: {  	s3 =	sadd.s32 s3, s9;
	s6 =	sadd.s32 @!p0 $0x88, s6;
	s7 =	simm.s32 @p2 $0x1082  }
0x22: {  	[simem:s7], [sflag:s8] =	dma.local @!p0 [hbm:s6], $0xF7A  }
0x23: {  	s9 =	sor.u32 $0xD0000000, s2;
	s6 =	simm.s32 $0x108;
	_ =	swait.ge @!p0 [sflag:s8], $0x0  }
0x24: {  	s3 =	sadd.s32 $0x88, s3;
	s6 =	simm.s32 @!p1 $0x1082;
	[sflag:s4] =	ssyncset.s32 $0xFFFFF086  }
0x25: {  	[simem:s6], [sflag:s4] =	dma.local [hbm:s3], $0xF7A  }
0x26: {  	[smem:$0x3F73] =	sst s1;
	(tag) =	ssettag s2;
	_ =	strace s9  }
0x27: {  	s1 =	sld [smem:$0x3F83]  }
0x28: {  	s2 =	sld [smem:$0x3F84]  }
0x29: {  	s4 =	sld [smem:$0x3F86]  }
0x2a: {  	p0 =	seq.s32 s5, $0x0;
	s5 =	sld [smem:$0x3F87]  }
0x2b: {  	s6 =	sld [smem:$0x3F88]  }
0x2c: {  	s7 =	sld [smem:$0x3F89]  }
0x2d: {  	s3 =	simm.s32 $0x108;
	s8 =	sld [smem:$0x3F8A]  }
0x2e: {  	s3 =	simm.s32 @!p0 $0x1082;
	s9 =	sld [smem:$0x3F8B]  }
0x2f: {  	lr =	sadd.s32 s0, s3;
	s0 =	sld [smem:$0x3F82]  }
0x30: {  	s3 =	sld [smem:$0x3F85]  }
0x31: {  	[smem:$0x3F8E] =	sst s10  }
0x32: {  	s10 =	sld [smem:$0x3F8C];
	_ =	sdelay $0x3  }
0x33: {  	p0 =	seq.s32 s10, $0x1;
	s10 =	sld [smem:$0x3F8E];
	_ =	sdelay $0x3  }
0x34: {  	[smem:$0x3F8E] =	sst s10  }
0x35: {  	s10 =	sld [smem:$0x3F8D];
	_ =	sdelay $0x3  }
0x36: {  	p1 =	seq.s32 s10, $0x1;
	s10 =	sld [smem:$0x3F8E];
	_ =	sdelay $0x3  }
0x37: {  	[smem:$0x3F8E] =	sst s10  }
0x38: {  	s10 =	sld [smem:$0x3F8F]  }
0x39: {  	_ = 	snop;
	(pc) =	sbr.ind lr, $3  }
0x3a: {  	_ = 	snop  }
0x3b: {  	_ = 	snop  }
0x3c: {  	p2 =	seq.s32 s10, $0x1;
	s10 =	sld [smem:$0x3F8E]  }
0x3d: {  	_ =	shalt  }
0x3e: {  	_ =	shalt  }
0x3f: {  	_ =	shalt  }
0x40: {  	_ =	shalt  }
0x41: {  	_ =	shalt  }
0x42: {  	_ =	shalt  }
0x43: {  	_ =	shalt  }
0x44: {  	_ =	shalt  }
0x45: {  	_ =	shalt  }
0x46: {  	_ =	shalt  }
0x47: {  	_ =	shalt  }
0x48: {  	_ =	shalt  }
0x49: {  	_ =	shalt  }
0x4a: {  	_ =	shalt  }
0x4b: {  	_ =	shalt  }
0x4c: {  	_ =	shalt  }
0x4d: {  	_ =	shalt  }
0x4e: {  	_ =	shalt  }
0x4f: {  	_ =	shalt  }
0x50: {  	_ =	shalt  }
0x51: {  	_ =	shalt  }
0x52: {  	_ =	shalt  }
0x53: {  	_ =	shalt  }
0x54: {  	_ =	shalt  }
0x55: {  	_ =	shalt  }
0x56: {  	_ =	shalt  }
0x57: {  	_ =	shalt  }
0x58: {  	_ =	shalt  }
0x59: {  	_ =	shalt  }
0x5a: {  	_ =	shalt  }
0x5b: {  	_ =	shalt  }
0x5c: {  	_ =	shalt  }
0x5d: {  	_ =	shalt  }
0x5e: {  	_ =	shalt  }
0x5f: {  	_ =	shalt  }
0x60: {  	_ =	shalt  }
0x61: {  	_ =	shalt  }
0x62: {  	_ =	shalt  }
0x63: {  	_ =	shalt  }
0x64: {  	_ =	shalt  }
0x65: {  	_ =	shalt  }
0x66: {  	_ =	shalt  }
0x67: {  	_ =	shalt  }
0x68: {  	_ =	shalt  }
0x69: {  	_ =	shalt  }
0x6a: {  	_ =	shalt  }
0x6b: {  	_ =	shalt  }
0x6c: {  	_ =	shalt  }
0x6d: {  	_ =	shalt  }
0x6e: {  	_ =	shalt  }
0x6f: {  	_ =	shalt  }
0x70: {  	_ =	shalt  }
0x71: {  	_ =	shalt  }
0x72: {  	_ =	shalt  }
0x73: {  	_ =	shalt  }
0x74: {  	_ =	shalt  }
0x75: {  	_ =	shalt  }
0x76: {  	_ =	shalt  }
0x77: {  	_ =	shalt  }
0x78: {  	_ =	shalt  }
0x79: {  	_ =	shalt  }
0x7a: {  	_ =	shalt  }
0x7b: {  	_ =	shalt  }
0x7c: {  	_ =	shalt  }
0x7d: {  	_ =	shalt  }
0x7e: {  	_ =	shalt  }
0x7f: {  	_ =	shalt  }
0x80: {  	_ =	shalt  }
0x81: {  	_ =	shalt  }
0x82: {  	_ =	shalt  }
0x83: {  	_ =	shalt  }
0x84: {  	_ =	shalt  }
0x85: {  	_ =	shalt  }
0x86: {  	_ =	shalt  }
0x87: {  	_ =	shalt  }
.Lfunc_end0:
.L_simem_size_0:
called_computation_lowered:
.L_overlay_start_0:
0x88: {  	s2 =	sld [smem:$0x3FD9]  }
0x89: {  	s3 =	sld [smem:$0x3FFE];
	_ =	sdelay $0x1  }
0x8a: {  	s1 =	srdreg.scid  }
0x8b: {  	s0 =	sand.u32 $0x1, s1  }
0x8c: {  	s16 =	sshll.u32 s0, $0xA;
	s2 =	sadd.s32 s3, s2  }
0x8d: {  	s2 =	sadd.s32 s2, s16  }
0x8e: {  	[smem:$0x3F9A] =	sst s2  }
0x8f: {  	_ = 	snop  }
0x90: {  	(tm) =	ssettm $0x1  }
0x91: {  	s17 =	sld [smem:$0x3FFB];
	_ =	sdelay $0x3  }
0x92: {  	_ =	strace s17  }
0x93: {  	s2 =	sld [smem:$0x3FFC];
	_ =	sdelay $0x3  }
0x94: {  	_ =	strace s2  }
0x95: {  	s2 =	sld [smem:$0x3FFD];
	_ =	sdelay $0x3  }
0x96: {  	_ =	strace s2  }
0x97: {  	_ =	strace $0x8FFFFFFF  }
0x98: {  	s18 =	sld [smem:$0x3FDB];
	_ =	sdelay $0x1  }
0x99: {  	s19 =	simm.s32 $_scs_section_size  }
0x9a: {  	s4 =	simm.s32 $_size__tile_overlayer_lowered;
	s5 =	simm.s32 $_tile_overlayer_lowered  }
0x9b: {  	s22 =	simm.s32 $0x1BFF;
	s21 =	sshll.u32 s5, $0x1;
	s2 =	sadd.s32 s19, s18  }
0x9c: {  	s6 =	simm.s32 $0x0;
	s20 =	sshll.u32 s4, $0x1;
	s4 =	sadd.s32 s21, s2  }
0x9d: {  	[timem:s6], [sflag:s22] =	dma.local [hbm:s4], s20  }
0x9e: {  	_ =	swait.ge [sflag:s22], s20  }
0x9f: {  	s3 =	ssub.s32 $0x0, s20;
	[sflag:s22] =	ssyncset.done $0x0  }
0xa0: {  	[sflag:s22] =	ssyncadd.s32 s3;
	_ =	sdelay $0x1  }
0xa1: {  	s23 =	simm.s32 $0x1B8B  }
0xa2: {  	_ =	swait.ge [sflag:s23], $0x1  }
0xa3: {  	[sflag:s23] =	ssyncset.done $0x0  }
0xa4: {  	s25 =	simm.s32 $0x1B8E;
	s24 =	sld [smem:$0x3FFE];
	[sflag:s23] =	ssyncadd.s32 $0xFFFFFFFF  }
0xa5: {  	s26 =	simm.s32 $execute0_lowered;
	[smem:$0x3FD2] =	sst s25  }
0xa6: {  	s4 =	sshll.u32 s26, $0x1;
	_ =	strace $0x80000046;
	[dreg:$0x1] =	wrdreg $0xFFFFFFFF  }
0xa7: {  	s28 =	simm.s32 $_size_execute0_lowered;
	s2 =	sadd.s32 s2, s4;
	[dreg:$0x0] =	wrdreg $0x0  }
0xa8: {  	s4 =	sshll.u32 s28, $0x1;
	[dreg:$0x2] =	wrdreg s2  }
0xa9: {  	[dreg:$0x3] =	wrdreg s4  }
0xaa: {  	[dreg:$0x4] =	wrdreg $0xC0  }
0xab: {  	_ =	task [dreg:s6], $0x5FFFF  }
0xac: {  	[dreg:$0x1] =	wrdreg $0xFFFFFFFF  }
0xad: {  	[dreg:$0x0] =	wrdreg $0x60  }
0xae: {  	[dreg:$0x2] =	wrdreg s24  }
0xaf: {  	[dreg:$0x3] =	wrdreg $0x9  }
0xb0: {  	_ =	task.clear_ibuf [dreg:s6], $0x4FFFF;
	_ =	strace $0x90000046  }
0xb1: {  	s29 =	simm.s32 $0x9;
	_ =	strace $0x80000048  }
0xb2: {  	_ =	swait.ge [sflag:s29], $0x1  }
0xb3: {  	[sflag:s29] =	ssyncadd.s32 $0xFFFFFFFF  }
0xb4: {  	_ =	strace $0x90000048  }
0xb5: {  	_ =	sfence  }
0xb6: {  	s30 =	sld [smem:$0x0];
	_ =	sdelay $0x2  }
0xb7: {  	s31 =	sshll.u32 s1, $0xD;
	s1 =	sshrl.u32 s1, $0x2  }
0xb8: {  	s3 =	sand.u32 $0x4000, s31;
	s1 =	sadd.s32 s1, s30  }
0xb9: {  	s0 =	sor.u32 s3, s0;
	s1 =	sshll.u32 s1, $0x11  }
0xba: {  	s0 =	sor.u32 s1, s0  }
0xbb: {  	s0 =	sadd.s32 $0x8F2B, s0  }
0xbc: {  	[sflag:s0] =	ssyncadd.remote.s32 $0x1  }
0xbd: {  	_ =	sfence.sel $0xFFFF  }
0xbe: {  	[dreg:$0x0] =	wrdreg $0xFFFFFFFF;
	(pc) =	sbr.abs _section_cstart, $3  }
0xbf: {  	[dreg:$0x1] =	wrdreg $0xFFFFFFFF  }
0xc0: {  	_ =	task.clear_ibuf [dreg:s6], $0x2FFFF;
	_ =	strace $0x9FFFFFFF  }
0xc1: {  	(tm) =	ssettm $0x7FFFFFFF  }
tec
execute0_lowered:
.L_overlay_start_1:
0x0: {  	(tag) =	ssettag $0x1  }
0x1: {  	s1 =	srdreg.scid  }
0x2: {  	s0 =	stileid.u32;
	s4 =	rddreg [dreg:$0x0];
	s2 =	simm.s32 $0x0  }
0x3: {  	s12 =	simm.s32 $0x80;
	s13 =	simm.s32 $0x3C00;
	s14 =	simm.s32 $0x1  }
0x4: {  	s15 =	simm.s32 $0x3;
	s16 =	simm.s32 $0x2;
	s17 =	simm.s32 $0x4  }
0x5: {  	s18 =	simm.s32 $0x0;
	s5 =	sand.u32 $0x1, s1;
	s1 =	rddreg [dreg:$0x1]  }
0x6: {  	s3 =	sshll.u32 s0, $0x1;
	[smem:$0x7FF] =	sst s2;
	s29 =	smul.u32 $0xF000, s0  }
0x7: {  	s10 =	sadd.s32 $0x33E00, s4;
	s6 =	sor.u32 s5, s3;
	s11 =	smul.u32 $0x7800, s5  }
0x8: {  	_ =	strace $0x80000047;
	s8 =	ssub.s32 $0x2, s5;
	s7 =	smul.u32 $0x180, s6  }
0x9: {  	s3 =	sadd.s32 $0xCC00, s4;
	s9 =	sshrl.u32 s8, $0x1;
	s6 =	smul.u32 $0x7800, s6  }
0xa: {  	s31 =	sadd.s32 s29, s10;
	s8 =	ssub.s32 s8, s9;
	s9 =	simm.s32 $0x5  }
0xb: {  	s7 =	sadd.s32 s7, s4;
	s30 =	sadd.s32 s10, s6;
	s5 =	smax.u32 s8, $0x1  }
0xc: {  	s8 =	sadd.s32 s11, s31;
	s10 =	simm.s32 $0x60;
	s11 =	simm.s32 $0xC00  }
0xd: {  	s4 =	sadd.s32 $0x9C00, s7;
	s6 =	sadd.s32 $0x6C00, s30;
	s7 =	sadd.s32 $0x7200, s30  }
.LBB2_1:
0xe: {  	[tilespmem:s2], [sflag:$0x5] =	stream.linear.gather [hbm4b:s4+s2], $0xA00, $0x38;
	[tilespmem:$0x6C00] =	vst v63  }
0xf: {  	_ =	swait.ge [sflag:s9], $0xA00  }
0x10: {  	[sflag:s9] =	ssyncset.done $0x0  }
0x11: {  	[sflag:s9] =	ssyncadd.s32 $0xFFFFF600  }
0x12: {  	[tilespmem:s11], [sflag:$0x1] =	stream.indirect.gather [hbm4b:s3+s10], $0x80, s2, s10, $0xb8;
	[tilespmem:$0x6C00] =	vst v63  }
0x13: {  	_ = 	snop  }
0x14: {  	[tilespmem:s13], [sflag:$0x2] =	stream.indirect.gather [hbm4b:s3+s10], $0x80, s12, s10, $0xb8;
	[tilespmem:$0x6C00] =	vst v63  }
0x15: {  	_ =	swait.ge [sflag:s14], $0x3000  }
0x16: {  	[sflag:s14] =	ssyncset.done $0x0  }
0x17: {  	s19 =	sadd.s32 $0x0, s8;
	[sflag:s14] =	ssyncadd.s32 $0xFFFFD000  }
0x18: {  	[hbm4b:s19+s2] =	stream.linear.scatter [tilespmem:s11], [sflag:$0x3], $0x3000, $0x38;
	[tilespmem:$0x6C00] =	vst v63  }
0x19: {  	_ =	swait.ge [sflag:s15], $0x3000  }
0x1a: {  	[sflag:s15] =	ssyncset.done $0x0  }
0x1b: {  	s20 =	simm.s32 $0x100;
	[sflag:s15] =	ssyncadd.s32 $0xFFFFD000  }
0x1c: {  	[tilespmem:s11], [sflag:$0x1] =	stream.indirect.gather [hbm4b:s3+s10], $0x80, s20, s10, $0xb8;
	[tilespmem:$0x6C00] =	vst v63  }
0x1d: {  	_ =	swait.ge [sflag:s16], $0x3000  }
0x1e: {  	[sflag:s16] =	ssyncset.done $0x0  }
0x1f: {  	s19 =	sadd.s32 $0x600, s19;
	[sflag:s16] =	ssyncadd.s32 $0xFFFFD000  }
0x20: {  	[hbm4b:s19+s2] =	stream.linear.scatter [tilespmem:s13], [sflag:$0x4], $0x3000, $0x38;
	[tilespmem:$0x6C00] =	vst v63  }
0x21: {  	_ =	swait.ge [sflag:s17], $0x3000  }
0x22: {  	s21 =	simm.s32 $0x280;
	[sflag:s17] =	ssyncset.done $0x0  }
0x23: {  	s20 =	simm.s32 $0xC00;
	s19 =	simm.s32 $0x180;
	[sflag:s17] =	ssyncadd.s32 $0xFFFFD000  }
.LBB2_2:
0x24: {  	[tilespmem:s13], [sflag:$0x2] =	stream.indirect.gather [hbm4b:s3+s10], $0x80, s19, s10, $0xb8;
	[tilespmem:$0x6C00] =	vst v63  }
0x25: {  	s22 =	smov.u32 s20;
	s19 =	smov.u32 s21  }
0x26: {  	p0 =	sne.s32 s20, $0x6000;
	s20 =	sadd.s32 $0xC00, s20;
	_ =	swait.ge [sflag:s14], $0x3000  }
0x27: {  	[sflag:s14] =	ssyncset.done $0x0  }
0x28: {  	s22 =	sadd.s32 s22, s8;
	[sflag:s14] =	ssyncadd.s32 $0xFFFFD000  }
0x29: {  	[hbm4b:s22+s2] =	stream.linear.scatter [tilespmem:s11], [sflag:$0x3], $0x3000, $0x38;
	[tilespmem:$0x6C00] =	vst v63  }
0x2a: {  	_ =	swait.ge [sflag:s15], $0x3000  }
0x2b: {  	[sflag:s15] =	ssyncset.done $0x0  }
0x2c: {  	s23 =	sadd.s32 $0xFFFFFF80, s21;
	[sflag:s15] =	ssyncadd.s32 $0xFFFFD000  }
0x2d: {  	[tilespmem:s11], [sflag:$0x1] =	stream.indirect.gather [hbm4b:s3+s10], $0x80, s23, s10, $0xb8;
	[tilespmem:$0x6C00] =	vst v63  }
0x2e: {  	_ =	swait.ge [sflag:s16], $0x3000  }
0x2f: {  	[sflag:s16] =	ssyncset.done $0x0  }
.Ltmp0:
0x30: {  	s22 =	sadd.s32 $0x600, s22;
	[sflag:s16] =	ssyncadd.s32 $0xFFFFD000;
	(pc) =	sbr.rel @p0 .LBB2_2-.Ltmp0, $4  }
0x31: {  	[hbm4b:s22+s2] =	stream.linear.scatter [tilespmem:s13], [sflag:$0x4], $0x3000, $0x38;
	[tilespmem:$0x6C00] =	vst v63  }
0x32: {  	_ =	swait.ge [sflag:s17], $0x3000  }
0x33: {  	[sflag:s17] =	ssyncset.done $0x0  }
0x34: {  	s21 =	sadd.s32 $0x100, s21;
	[sflag:s17] =	ssyncadd.s32 $0xFFFFD000  }
0x35: {  	[tilespmem:s13], [sflag:$0x2] =	stream.indirect.gather [hbm4b:s3+s10], $0x80, s19, s10, $0xb8;
	[tilespmem:$0x6C00] =	vst v63  }
0x36: {  	_ =	swait.ge [sflag:s14], $0x3000  }
0x37: {  	[sflag:s14] =	ssyncset.done $0x0  }
0x38: {  	[sflag:s14] =	ssyncadd.s32 $0xFFFFD000  }
0x39: {  	[hbm4b:s6+s2] =	stream.linear.scatter [tilespmem:s11], [sflag:$0x3], $0x3000, $0x38;
	[tilespmem:$0x6C00] =	vst v63  }
0x3a: {  	_ =	swait.ge [sflag:s16], $0x3000  }
0x3b: {  	[sflag:s16] =	ssyncset.done $0x0  }
0x3c: {  	s18 =	sadd.s32 $0x1, s18;
	[sflag:s16] =	ssyncadd.s32 $0xFFFFD000  }
0x3d: {  	[hbm4b:s7+s2] =	stream.linear.scatter [tilespmem:s13], [sflag:$0x4], $0x3000, $0x38;
	[tilespmem:$0x6C00] =	vst v63  }
0x3e: {  	p0 =	sne.s32 s18, s5;
	_ =	swait.ge [sflag:s15], $0x3000  }
.Ltmp1:
0x3f: {  	[sflag:s15] =	ssyncset.done $0x0;
	(pc) =	sbr.rel @p0 .LBB2_1-.Ltmp1, $4  }
0x40: {  	[sflag:s15] =	ssyncadd.s32 $0xFFFFD000  }
0x41: {  	_ =	swait.ge [sflag:s17], $0x3000  }
0x42: {  	[sflag:s17] =	ssyncset.done $0x0  }
0x43: {  	[sflag:s17] =	ssyncadd.s32 $0xFFFFD000  }
0x44: {  	_ =	sfence.sel $0x180000  }
0x45: {  	[bflag:$0x0] =	sbarrier.arrive $0xFFFF  }
0x46: {  	p0 =	sne.s32 s0, $0x0;
	_ =	strace $0x90000047  }
0x47: {  	s0 =	sadd.s32 @!p0 $0x100000, s1;
	[bflag:$0x2] =	sbarrier.arrive $0xFFFF  }
0x48: {  	[sflag:s0] =	ssyncadd.tile.s32 @!p0 $0x1;
	_ =	shalt  }
.Lfunc_end2:
_tile_overlayer_lowered:
.L_overlay_start_2:
0x49: {  	(tag) =	ssettag $0x2  }
0x4a: {  	s0 =	rddreg [dreg:$0x0];
	s2 =	stileid.u32  }
0x4b: {  	s1 =	rddreg [dreg:$0x1];
	p0 =	sne.s32 s2, $0x0  }
0x4c: {  	s3 =	rddreg [dreg:$0x2];
	[bflag:$0x3] =	sbarrier.arrive $0xFFFF;
	s2 =	simm.s32 @!p0 $0x1C05  }
0x4d: {  	[timem:s3], [sflag:s2] =	dma.local @!p0 [hbm:s0], s1  }
0x4e: {  	s0 =	simm.s32 @!p0 $0x5  }
0x4f: {  	_ =	swait.ge @!p0 [sflag:s0], s1  }
0x50: {  	s1 =	ssub.s32 @!p0 $0x0, s1;
	[sflag:s0] =	ssyncset.done @!p0 $0x0  }
0x51: {  	[sflag:s0] =	ssyncadd.s32 @!p0 s1  }
0x52: {  	[bflag:$0x3] =	sbarrier.arrive $0xFFFF  }
0x53: {  	_ =	shalt  }

// kernel: kernel.25.cloned.1.call-start
scs
__scs_entry_jumppad:
0x0: {  	(pc) =	sbr.rel $0x88, $3  }
0x1: {  	(tag) =	ssettag $0x0;
	lr =	simm.s32 $0x1  }
0x2: {  	[smem:$0x3F73] =	sst lr;
	_ =	strace $0xD0000000  }
0x3: {  	_ = 	snop  }
0x4: {  	_ = 	snop  }
0x5: {  	_ = 	snop  }
0x6: {  	_ = 	snop  }
0x7: {  	_ = 	snop  }
__scs_overlays_trampoline_lowered:
0x8: {  	[smem:$0x3F82] =	sst s0  }
0x9: {  	[smem:$0x3F83] =	sst s1  }
0xa: {  	[smem:$0x3F84] =	sst s2  }
0xb: {  	[smem:$0x3F85] =	sst s3  }
0xc: {  	[smem:$0x3F86] =	sst s4  }
0xd: {  	[smem:$0x3F87] =	sst s5  }
0xe: {  	[smem:$0x3F88] =	sst s6  }
0xf: {  	[smem:$0x3F89] =	sst s7  }
0x10: {  	[smem:$0x3F8A] =	sst s8  }
0x11: {  	[smem:$0x3F8B] =	sst s9;
	s0 =	simm.s32 @!p0 $0x0  }
0x12: {  	s1 =	sld [smem:$0x3F71];
	s0 =	simm.s32 @p0 $0x1  }
0x13: {  	[smem:$0x3F8C] =	sst s0;
	s0 =	simm.s32 @!p1 $0x0  }
0x14: {  	s2 =	sld [smem:$0x3F70];
	s0 =	simm.s32 @p1 $0x1  }
0x15: {  	[smem:$0x3F8D] =	sst s0;
	s0 =	simm.s32 @!p2 $0x0  }
0x16: {  	s3 =	sld [smem:$0x3FDB];
	s0 =	simm.s32 @p2 $0x1  }
0x17: {  	s4 =	simm.s32 $0x1BF5;
	[smem:$0x3F8F] =	sst s0  }
0x18: {  	s0 =	sld [smem:$0x3F72];
	_ =	swait.ge [sflag:s4], $0x0  }
0x19: {  	s7 =	sld [smem:$0x3F73]  }
0x1a: {  	s8 =	sadd.s32 $0xFFFFE003, lr  }
0x1b: {  	s9 =	sadd.s32 $0xFFFFFEF7, lr;
	s5 =	simm.s32 $0xFFFFFFFF;
	p2 =	slt.u32 s8, $0xFFFFF086  }
0x1c: {  	p1 =	slt.u32 s9, $0xF7A;
	s5 =	simm.s32 @!p2 $0x0  }
0x1d: {  	s5 =	simm.s32 @p1 $0x1;
	p0 =	seq.s32 s7, s2  }
0x1e: {  	s7 =	smul.u32 @!p0 $0xF7A, s2;
	p2 =	seq.s32 @!p0 s5, $0x0  }
0x1f: {  	s9 =	smul.u32 $0xF7A, s1;
	s8 =	simm.s32 @!p0 $0x1BF5;
	p2 =	por !p2, p0  }
0x20: {  	[sflag:s8] =	ssyncset.s32 @!p0 $0xFFFFF086;
	s6 =	sadd.s32 @!p0 s3, s7;
	s7 =	simm.s32 @!p0 $0x108  }
0x21: {  	s3 =	sadd.s32 s3, s9;
	s6 =	sadd.s32 @!p0 $0x88, s6;
	s7 =	simm.s32 @p2 $0x1082  }
0x22: {  	[simem:s7], [sflag:s8] =	dma.local @!p0 [hbm:s6], $0xF7A  }
0x23: {  	s9 =	sor.u32 $0xD0000000, s2;
	s6 =	simm.s32 $0x108;
	_ =	swait.ge @!p0 [sflag:s8], $0x0  }
0x24: {  	s3 =	sadd.s32 $0x88, s3;
	s6 =	simm.s32 @!p1 $0x1082;
	[sflag:s4] =	ssyncset.s32 $0xFFFFF086  }
0x25: {  	[simem:s6], [sflag:s4] =	dma.local [hbm:s3], $0xF7A  }
0x26: {  	[smem:$0x3F73] =	sst s1;
	(tag) =	ssettag s2;
	_ =	strace s9  }
0x27: {  	s1 =	sld [smem:$0x3F83]  }
0x28: {  	s2 =	sld [smem:$0x3F84]  }
0x29: {  	s4 =	sld [smem:$0x3F86]  }
0x2a: {  	p0 =	seq.s32 s5, $0x0;
	s5 =	sld [smem:$0x3F87]  }
0x2b: {  	s6 =	sld [smem:$0x3F88]  }
0x2c: {  	s7 =	sld [smem:$0x3F89]  }
0x2d: {  	s3 =	simm.s32 $0x108;
	s8 =	sld [smem:$0x3F8A]  }
0x2e: {  	s3 =	simm.s32 @!p0 $0x1082;
	s9 =	sld [smem:$0x3F8B]  }
0x2f: {  	lr =	sadd.s32 s0, s3;
	s0 =	sld [smem:$0x3F82]  }
0x30: {  	s3 =	sld [smem:$0x3F85]  }
0x31: {  	[smem:$0x3F8E] =	sst s10  }
0x32: {  	s10 =	sld [smem:$0x3F8C];
	_ =	sdelay $0x3  }
0x33: {  	p0 =	seq.s32 s10, $0x1;
	s10 =	sld [smem:$0x3F8E];
	_ =	sdelay $0x3  }
0x34: {  	[smem:$0x3F8E] =	sst s10  }
0x35: {  	s10 =	sld [smem:$0x3F8D];
	_ =	sdelay $0x3  }
0x36: {  	p1 =	seq.s32 s10, $0x1;
	s10 =	sld [smem:$0x3F8E];
	_ =	sdelay $0x3  }
0x37: {  	[smem:$0x3F8E] =	sst s10  }
0x38: {  	s10 =	sld [smem:$0x3F8F]  }
0x39: {  	_ = 	snop;
	(pc) =	sbr.ind lr, $3  }
0x3a: {  	_ = 	snop  }
0x3b: {  	_ = 	snop  }
0x3c: {  	p2 =	seq.s32 s10, $0x1;
	s10 =	sld [smem:$0x3F8E]  }
0x3d: {  	_ =	shalt  }
0x3e: {  	_ =	shalt  }
0x3f: {  	_ =	shalt  }
0x40: {  	_ =	shalt  }
0x41: {  	_ =	shalt  }
0x42: {  	_ =	shalt  }
0x43: {  	_ =	shalt  }
0x44: {  	_ =	shalt  }
0x45: {  	_ =	shalt  }
0x46: {  	_ =	shalt  }
0x47: {  	_ =	shalt  }
0x48: {  	_ =	shalt  }
0x49: {  	_ =	shalt  }
0x4a: {  	_ =	shalt  }
0x4b: {  	_ =	shalt  }
0x4c: {  	_ =	shalt  }
0x4d: {  	_ =	shalt  }
0x4e: {  	_ =	shalt  }
0x4f: {  	_ =	shalt  }
0x50: {  	_ =	shalt  }
0x51: {  	_ =	shalt  }
0x52: {  	_ =	shalt  }
0x53: {  	_ =	shalt  }
0x54: {  	_ =	shalt  }
0x55: {  	_ =	shalt  }
0x56: {  	_ =	shalt  }
0x57: {  	_ =	shalt  }
0x58: {  	_ =	shalt  }
0x59: {  	_ =	shalt  }
0x5a: {  	_ =	shalt  }
0x5b: {  	_ =	shalt  }
0x5c: {  	_ =	shalt  }
0x5d: {  	_ =	shalt  }
0x5e: {  	_ =	shalt  }
0x5f: {  	_ =	shalt  }
0x60: {  	_ =	shalt  }
0x61: {  	_ =	shalt  }
0x62: {  	_ =	shalt  }
0x63: {  	_ =	shalt  }
0x64: {  	_ =	shalt  }
0x65: {  	_ =	shalt  }
0x66: {  	_ =	shalt  }
0x67: {  	_ =	shalt  }
0x68: {  	_ =	shalt  }
0x69: {  	_ =	shalt  }
0x6a: {  	_ =	shalt  }
0x6b: {  	_ =	shalt  }
0x6c: {  	_ =	shalt  }
0x6d: {  	_ =	shalt  }
0x6e: {  	_ =	shalt  }
0x6f: {  	_ =	shalt  }
0x70: {  	_ =	shalt  }
0x71: {  	_ =	shalt  }
0x72: {  	_ =	shalt  }
0x73: {  	_ =	shalt  }
0x74: {  	_ =	shalt  }
0x75: {  	_ =	shalt  }
0x76: {  	_ =	shalt  }
0x77: {  	_ =	shalt  }
0x78: {  	_ =	shalt  }
0x79: {  	_ =	shalt  }
0x7a: {  	_ =	shalt  }
0x7b: {  	_ =	shalt  }
0x7c: {  	_ =	shalt  }
0x7d: {  	_ =	shalt  }
0x7e: {  	_ =	shalt  }
0x7f: {  	_ =	shalt  }
0x80: {  	_ =	shalt  }
0x81: {  	_ =	shalt  }
0x82: {  	_ =	shalt  }
0x83: {  	_ =	shalt  }
0x84: {  	_ =	shalt  }
0x85: {  	_ =	shalt  }
0x86: {  	_ =	shalt  }
0x87: {  	_ =	shalt  }
.Lfunc_end0:
.L_simem_size_0:
called_computation.1_lowered:
.L_overlay_start_0:
0x88: {  	s2 =	sld [smem:$0x3FD9]  }
0x89: {  	s3 =	sld [smem:$0x3FFE];
	_ =	sdelay $0x1  }
0x8a: {  	s1 =	srdreg.scid  }
0x8b: {  	s0 =	sand.u32 $0x1, s1  }
0x8c: {  	s16 =	sshll.u32 s0, $0xA;
	s2 =	sadd.s32 s3, s2  }
0x8d: {  	s2 =	sadd.s32 s2, s16  }
0x8e: {  	[smem:$0x3F9A] =	sst s2  }
0x8f: {  	_ = 	snop  }
0x90: {  	(tm) =	ssettm $0x1  }
0x91: {  	s17 =	sld [smem:$0x3FFB];
	_ =	sdelay $0x3  }
0x92: {  	_ =	strace s17  }
0x93: {  	s2 =	sld [smem:$0x3FFC];
	_ =	sdelay $0x3  }
0x94: {  	_ =	strace s2  }
0x95: {  	s2 =	sld [smem:$0x3FFD];
	_ =	sdelay $0x3  }
0x96: {  	_ =	strace s2  }
0x97: {  	_ =	strace $0x8FFFFFFF  }
0x98: {  	s18 =	sld [smem:$0x3FDB];
	_ =	sdelay $0x1  }
0x99: {  	s19 =	simm.s32 $_scs_section_size  }
0x9a: {  	s4 =	simm.s32 $_size__tile_overlayer_lowered;
	s5 =	simm.s32 $_tile_overlayer_lowered  }
0x9b: {  	s22 =	simm.s32 $0x1BFF;
	s21 =	sshll.u32 s5, $0x1;
	s2 =	sadd.s32 s19, s18  }
0x9c: {  	s6 =	simm.s32 $0x0;
	s20 =	sshll.u32 s4, $0x1;
	s4 =	sadd.s32 s21, s2  }
0x9d: {  	[timem:s6], [sflag:s22] =	dma.local [hbm:s4], s20  }
0x9e: {  	_ =	swait.ge [sflag:s22], s20  }
0x9f: {  	s3 =	ssub.s32 $0x0, s20;
	[sflag:s22] =	ssyncset.done $0x0  }
0xa0: {  	[sflag:s22] =	ssyncadd.s32 s3;
	_ =	sdelay $0x1  }
0xa1: {  	s23 =	simm.s32 $0x1B8B  }
0xa2: {  	_ =	swait.ge [sflag:s23], $0x1  }
0xa3: {  	[sflag:s23] =	ssyncset.done $0x0  }
0xa4: {  	s25 =	simm.s32 $0x1B8E;
	s24 =	sld [smem:$0x3FFE];
	[sflag:s23] =	ssyncadd.s32 $0xFFFFFFFF  }
0xa5: {  	s26 =	simm.s32 $execute0_lowered;
	[smem:$0x3FD2] =	sst s25  }
0xa6: {  	s4 =	sshll.u32 s26, $0x1;
	_ =	strace $0x80000049;
	[dreg:$0x1] =	wrdreg $0xFFFFFFFF  }
0xa7: {  	s28 =	simm.s32 $_size_execute0_lowered;
	s2 =	sadd.s32 s2, s4;
	[dreg:$0x0] =	wrdreg $0x0  }
0xa8: {  	s4 =	sshll.u32 s28, $0x1;
	[dreg:$0x2] =	wrdreg s2  }
0xa9: {  	[dreg:$0x3] =	wrdreg s4  }
0xaa: {  	[dreg:$0x4] =	wrdreg $0xC0  }
0xab: {  	_ =	task [dreg:s6], $0x5FFFF  }
0xac: {  	[dreg:$0x1] =	wrdreg $0xFFFFFFFF  }
0xad: {  	[dreg:$0x0] =	wrdreg $0x60  }
0xae: {  	[dreg:$0x2] =	wrdreg s24  }
0xaf: {  	[dreg:$0x3] =	wrdreg $0x30800  }
0xb0: {  	[dreg:$0x4] =	wrdreg $0x9  }
0xb1: {  	_ =	task.clear_ibuf [dreg:s6], $0x5FFFF;
	_ =	strace $0x90000049  }
0xb2: {  	s29 =	simm.s32 $0x9;
	_ =	strace $0x8000004B  }
0xb3: {  	_ =	swait.ge [sflag:s29], $0x1  }
0xb4: {  	[sflag:s29] =	ssyncadd.s32 $0xFFFFFFFF  }
0xb5: {  	_ =	strace $0x9000004B  }
0xb6: {  	_ =	sfence  }
0xb7: {  	s30 =	sld [smem:$0x0];
	_ =	sdelay $0x2  }
0xb8: {  	s31 =	sshll.u32 s1, $0xD;
	s1 =	sshrl.u32 s1, $0x2  }
0xb9: {  	s3 =	sand.u32 $0x4000, s31;
	s1 =	sadd.s32 s1, s30  }
0xba: {  	s0 =	sor.u32 s3, s0;
	s1 =	sshll.u32 s1, $0x11  }
0xbb: {  	s0 =	sor.u32 s1, s0  }
0xbc: {  	s0 =	sadd.s32 $0x8F2B, s0  }
0xbd: {  	[sflag:s0] =	ssyncadd.remote.s32 $0x1  }
0xbe: {  	_ =	sfence.sel $0xFFFF  }
0xbf: {  	[dreg:$0x0] =	wrdreg $0xFFFFFFFF;
	(pc) =	sbr.abs _section_cstart, $3  }
0xc0: {  	[dreg:$0x1] =	wrdreg $0xFFFFFFFF  }
0xc1: {  	_ =	task.clear_ibuf [dreg:s6], $0x2FFFF;
	_ =	strace $0x9FFFFFFF  }
0xc2: {  	(tm) =	ssettm $0x7FFFFFFF  }
0xc3: {  	_ =	shalt  }
tec
execute0_lowered:
.L_overlay_start_1:
0x0: {  	(tag) =	ssettag $0x1  }
0x1: {  	s4 =	rddreg [dreg:$0x0];
	s1 =	stileid.u32  }
0x2: {  	s2 =	rddreg [dreg:$0x1];
	s5 =	smul.u32 $0xF000, s1  }
0x3: {  	s0 =	rddreg [dreg:$0x2];
	s6 =	smul.u32 $0x280, s1  }
0x4: {  	s7 =	srdreg.scid;
	s13 =	smul.u32 $0x2780, s1  }
0x5: {  	s3 =	simm.s32 $0x0;
	s25 =	sand.u32 $0x1, s7;
	s12 =	smul.u32 $0x4F000, s1  }
0x6: {  	[smem:$0x7FF] =	sst s3;
	s7 =	smul.u32 $0x27800, s25  }
0x7: {  	s29 =	sshll.u32 s1, $0x6;
	_ =	strace $0x8000004A;
	s26 =	smul.u32 $0x7800, s25  }
0x8: {  	s9 =	ssub.s32 $0x2, s25;
	s14 =	smul.u32 $0x140, s25;
	s8 =	sadd.s32 s5, s4  }
0x9: {  	s6 =	sadd.s32 s6, s4;
	s10 =	sadd.s32 s13, s4;
	s11 =	sshrl.u32 s9, $0x1  }
0xa: {  	s28 =	sshrl.u32 s12, $0x2;
	s5 =	sor.u32 $0x1C01, s29;
	s12 =	simm.s32 $0x60  }
0xb: {  	s7 =	sadd.s32 s7, s4;
	s9 =	ssub.s32 s9, s11;
	s15 =	sadd.s32 s28, s2  }
0xc: {  	s4 =	sadd.s32 $0x126600, s10;
	s30 =	sadd.s32 s26, s8;
	s31 =	sadd.s32 s14, s6  }
0xd: {  	s10 =	simm.s32 $0x1;
	s11 =	simm.s32 $0x80;
	s14 =	simm.s32 $0x0  }
0xe: {  	s16 =	sadd.s32 $0x14DE00, s7;
	s6 =	smax.u32 s9, $0x1;
	s7 =	sadd.s32 $0x33E00, s30  }
0xf: {  	s8 =	sadd.s32 $0x123E00, s31;
	s9 =	sshrl.u32 s15, $0x3;
	s13 =	sadd.s32 s13, s16  }
.LBB2_1:
0x10: {  	[spmem:s9], [sflag:s5] =	dma.local [hbm:s4], $0x2780  }
0x11: {  	_ =	swait.ge [sflag:s10], $0x2780  }
0x12: {  	[sflag:s10] =	ssyncset.done $0x0  }
0x13: {  	[sflag:s10] =	ssyncadd.s32 $0xFFFFD880  }
0x14: {  	s15 =	sadd.s32 $0x0, s8;
	[bflag:$0x0] =	sbarrier.arrive $0xFFFF  }
0x15: {  	[tilespmem:s3], [sflag:$0x1] =	stream.linear.gather [hbm4b:s15+s3], $0x80, $0x38;
	[tilespmem:$0x16C80] =	vst v63  }
0x16: {  	_ =	swait.ge [sflag:s10], $0x80  }
0x17: {  	[sflag:s10] =	ssyncset.done $0x0  }
0x18: {  	[sflag:s10] =	ssyncadd.s32 $0xFFFFFF80  }
0x19: {  	[tilespmem:s11], [sflag:$0x1] =	stream.linear.gather [hbm4b:s7+s3], $0x3000, $0x38;
	[tilespmem:$0x16C80] =	vst v63  }
0x1a: {  	_ =	swait.ge [sflag:s10], $0x3000  }
0x1b: {  	[sflag:s10] =	ssyncset.done $0x0  }
0x1c: {  	[sflag:s10] =	ssyncadd.s32 $0xFFFFD000  }
0x1d: {  	[spmem:s2] =	stream.indirect.scatter.add.f32 [tilespmem:s11], [sflag:$0x1], $0x80, s3, s12, $0xb8;
	[tilespmem:$0x16C80] =	vst v63  }
0x1e: {  	s16 =	simm.s32 $0x10;
	_ =	swait.ge [sflag:s10], $0x3000  }
0x1f: {  	s17 =	simm.s32 $0x20;
	s15 =	sadd.s32 $0x600, s7;
	[sflag:s10] =	ssyncset.done $0x0  }
.LBB2_2:
0x20: {  	s18 =	sadd.s32 s16, s8  }
0x21: {  	[sflag:s10] =	ssyncadd.s32 $0xFFFFD000;
	s16 =	smov.u32 s17;
	s19 =	sadd.s32 $0x10, s17  }
0x22: {  	[tilespmem:s3], [sflag:$0x1] =	stream.linear.gather [hbm4b:s18+s3], $0x80, $0x38;
	[tilespmem:$0x16C80] =	vst v63  }
0x23: {  	p0 =	sne.s32 s17, $0x130;
	_ =	swait.ge [sflag:s10], $0x80  }
0x24: {  	[sflag:s10] =	ssyncset.done $0x0  }
0x25: {  	[sflag:s10] =	ssyncadd.s32 $0xFFFFFF80  }
0x26: {  	[tilespmem:s11], [sflag:$0x1] =	stream.linear.gather [hbm4b:s15+s3], $0x3000, $0x38;
	[tilespmem:$0x16C80] =	vst v63  }
0x27: {  	_ =	swait.ge [sflag:s10], $0x3000  }
.Ltmp0:
0x28: {  	[sflag:s10] =	ssyncset.done $0x0;
	(pc) =	sbr.rel @p0 .LBB2_2-.Ltmp0, $4  }
0x29: {  	[sflag:s10] =	ssyncadd.s32 $0xFFFFD000  }
0x2a: {  	[spmem:s2] =	stream.indirect.scatter.add.f32 [tilespmem:s11], [sflag:$0x1], $0x80, s3, s12, $0xb8;
	[tilespmem:$0x16C80] =	vst v63  }
0x2b: {  	_ =	swait.ge [sflag:s10], $0x3000  }
0x2c: {  	s17 =	smov.u32 s19;
	s15 =	sadd.s32 $0x600, s15;
	[sflag:s10] =	ssyncset.done $0x0  }
0x2d: {  	s16 =	sadd.s32 s16, s8;
	[sflag:s10] =	ssyncadd.s32 $0xFFFFD000  }
0x2e: {  	[tilespmem:s3], [sflag:$0x1] =	stream.linear.gather [hbm4b:s16+s3], $0x80, $0x38;
	[tilespmem:$0x16C80] =	vst v63  }
0x2f: {  	_ =	swait.ge [sflag:s10], $0x80  }
0x30: {  	[sflag:s10] =	ssyncset.done $0x0  }
0x31: {  	[sflag:s10] =	ssyncadd.s32 $0xFFFFFF80  }
0x32: {  	[tilespmem:s11], [sflag:$0x1] =	stream.linear.gather [hbm4b:s15+s3], $0x3000, $0x38;
	[tilespmem:$0x16C80] =	vst v63  }
0x33: {  	_ =	swait.ge [sflag:s10], $0x3000  }
0x34: {  	[sflag:s10] =	ssyncset.done $0x0  }
0x35: {  	[sflag:s10] =	ssyncadd.s32 $0xFFFFD000  }
0x36: {  	[spmem:s2] =	stream.indirect.scatter.add.f32 [tilespmem:s11], [sflag:$0x1], $0x80, s3, s12, $0xb8;
	[tilespmem:$0x16C80] =	vst v63  }
0x37: {  	_ =	swait.ge [sflag:s10], $0x3000  }
0x38: {  	s14 =	sadd.s32 $0x1, s14;
	[sflag:s10] =	ssyncset.done $0x0  }
0x39: {  	p0 =	sne.s32 s14, s6;
	[sflag:s10] =	ssyncadd.s32 $0xFFFFD000  }
.Ltmp1:
0x3a: {  	[bflag:$0x0] =	sbarrier.arrive $0xFFFF;
	(pc) =	sbr.rel @p0 .LBB2_1-.Ltmp1, $4  }
0x3b: {  	[hbm:s13], [sflag:s5] =	dma.local [spmem:s9], $0x2780  }
0x3c: {  	_ =	swait.ge [sflag:s10], $0x2780  }
0x3d: {  	[sflag:s10] =	ssyncset.done $0x0  }
0x3e: {  	[sflag:s10] =	ssyncadd.s32 $0xFFFFD880  }
0x3f: {  	_ =	sfence.sel $0x180000  }
0x40: {  	[bflag:$0x0] =	sbarrier.arrive $0xFFFF  }
0x41: {  	p0 =	sne.s32 s1, $0x0;
	_ =	strace $0x9000004A  }
0x42: {  	s0 =	sadd.s32 @!p0 $0x100000, s0;
	[bflag:$0x2] =	sbarrier.arrive $0xFFFF  }
0x43: {  	[sflag:s0] =	ssyncadd.tile.s32 @!p0 $0x1;
	_ =	shalt  }
.Lfunc_end2:
_tile_overlayer_lowered:
.L_overlay_start_2:
0x44: {  	(tag) =	ssettag $0x2  }
0x45: {  	s0 =	rddreg [dreg:$0x0];
	s2 =	stileid.u32  }
0x46: {  	s1 =	rddreg [dreg:$0x1];
	p0 =	sne.s32 s2, $0x0  }
0x47: {  	s3 =	rddreg [dreg:$0x2];
	[bflag:$0x3] =	sbarrier.arrive $0xFFFF;
	s2 =	simm.s32 @!p0 $0x1C01  }
0x48: {  	[timem:s3], [sflag:s2] =	dma.local @!p0 [hbm:s0], s1  }
0x49: {  	s0 =	simm.s32 @!p0 $0x1  }
0x4a: {  	_ =	swait.ge @!p0 [sflag:s0], s1  }
0x4b: {  	s1 =	ssub.s32 @!p0 $0x0, s1;
	[sflag:s0] =	ssyncset.done @!p0 $0x0  }
0x4c: {  	[sflag:s0] =	ssyncadd.s32 @!p0 s1  }
0x4d: {  	[bflag:$0x3] =	sbarrier.arrive $0xFFFF  }
0x4e: {  	_ =	shalt  }

// kernel: kernel.28.cloned.1.call-start
scs
__scs_entry_jumppad:
0x0: {  	(pc) =	sbr.rel $0x88, $3  }
0x1: {  	(tag) =	ssettag $0x0;
	lr =	simm.s32 $0x1  }
0x2: {  	[smem:$0x3F73] =	sst lr;
	_ =	strace $0xD0000000  }
0x3: {  	_ = 	snop  }
0x4: {  	_ = 	snop  }
0x5: {  	_ = 	snop  }
0x6: {  	_ = 	snop  }
0x7: {  	_ = 	snop  }
__scs_overlays_trampoline_lowered:
0x8: {  	[smem:$0x3F82] =	sst s0  }
0x9: {  	[smem:$0x3F83] =	sst s1  }
0xa: {  	[smem:$0x3F84] =	sst s2  }
0xb: {  	[smem:$0x3F85] =	sst s3  }
0xc: {  	[smem:$0x3F86] =	sst s4  }
0xd: {  	[smem:$0x3F87] =	sst s5  }
0xe: {  	[smem:$0x3F88] =	sst s6  }
0xf: {  	[smem:$0x3F89] =	sst s7  }
0x10: {  	[smem:$0x3F8A] =	sst s8  }
0x11: {  	[smem:$0x3F8B] =	sst s9;
	s0 =	simm.s32 @!p0 $0x0  }
0x12: {  	s1 =	sld [smem:$0x3F71];
	s0 =	simm.s32 @p0 $0x1  }
0x13: {  	[smem:$0x3F8C] =	sst s0;
	s0 =	simm.s32 @!p1 $0x0  }
0x14: {  	s2 =	sld [smem:$0x3F70];
	s0 =	simm.s32 @p1 $0x1  }
0x15: {  	[smem:$0x3F8D] =	sst s0;
	s0 =	simm.s32 @!p2 $0x0  }
0x16: {  	s3 =	sld [smem:$0x3FDB];
	s0 =	simm.s32 @p2 $0x1  }
0x17: {  	s4 =	simm.s32 $0x1BF5;
	[smem:$0x3F8F] =	sst s0  }
0x18: {  	s0 =	sld [smem:$0x3F72];
	_ =	swait.ge [sflag:s4], $0x0  }
0x19: {  	s7 =	sld [smem:$0x3F73]  }
0x1a: {  	s8 =	sadd.s32 $0xFFFFE003, lr  }
0x1b: {  	s9 =	sadd.s32 $0xFFFFFEF7, lr;
	s5 =	simm.s32 $0xFFFFFFFF;
	p2 =	slt.u32 s8, $0xFFFFF086  }
0x1c: {  	p1 =	slt.u32 s9, $0xF7A;
	s5 =	simm.s32 @!p2 $0x0  }
0x1d: {  	s5 =	simm.s32 @p1 $0x1;
	p0 =	seq.s32 s7, s2  }
0x1e: {  	s7 =	smul.u32 @!p0 $0xF7A, s2;
	p2 =	seq.s32 @!p0 s5, $0x0  }
0x1f: {  	s9 =	smul.u32 $0xF7A, s1;
	s8 =	simm.s32 @!p0 $0x1BF5;
	p2 =	por !p2, p0  }
0x20: {  	[sflag:s8] =	ssyncset.s32 @!p0 $0xFFFFF086;
	s6 =	sadd.s32 @!p0 s3, s7;
	s7 =	simm.s32 @!p0 $0x108  }
0x21: {  	s3 =	sadd.s32 s3, s9;
	s6 =	sadd.s32 @!p0 $0x88, s6;
	s7 =	simm.s32 @p2 $0x1082  }
0x22: {  	[simem:s7], [sflag:s8] =	dma.local @!p0 [hbm:s6], $0xF7A  }
0x23: {  	s9 =	sor.u32 $0xD0000000, s2;
	s6 =	simm.s32 $0x108;
	_ =	swait.ge @!p0 [sflag:s8], $0x0  }
0x24: {  	s3 =	sadd.s32 $0x88, s3;
	s6 =	simm.s32 @!p1 $0x1082;
	[sflag:s4] =	ssyncset.s32 $0xFFFFF086  }
0x25: {  	[simem:s6], [sflag:s4] =	dma.local [hbm:s3], $0xF7A  }
0x26: {  	[smem:$0x3F73] =	sst s1;
	(tag) =	ssettag s2;
	_ =	strace s9  }
0x27: {  	s1 =	sld [smem:$0x3F83]  }
0x28: {  	s2 =	sld [smem:$0x3F84]  }
0x29: {  	s4 =	sld [smem:$0x3F86]  }
0x2a: {  	p0 =	seq.s32 s5, $0x0;
	s5 =	sld [smem:$0x3F87]  }
0x2b: {  	s6 =	sld [smem:$0x3F88]  }
0x2c: {  	s7 =	sld [smem:$0x3F89]  }
0x2d: {  	s3 =	simm.s32 $0x108;
	s8 =	sld [smem:$0x3F8A]  }
0x2e: {  	s3 =	simm.s32 @!p0 $0x1082;
	s9 =	sld [smem:$0x3F8B]  }
0x2f: {  	lr =	sadd.s32 s0, s3;
	s0 =	sld [smem:$0x3F82]  }
0x30: {  	s3 =	sld [smem:$0x3F85]  }
0x31: {  	[smem:$0x3F8E] =	sst s10  }
0x32: {  	s10 =	sld [smem:$0x3F8C];
	_ =	sdelay $0x3  }
0x33: {  	p0 =	seq.s32 s10, $0x1;
	s10 =	sld [smem:$0x3F8E];
	_ =	sdelay $0x3  }
0x34: {  	[smem:$0x3F8E] =	sst s10  }
0x35: {  	s10 =	sld [smem:$0x3F8D];
	_ =	sdelay $0x3  }
0x36: {  	p1 =	seq.s32 s10, $0x1;
	s10 =	sld [smem:$0x3F8E];
	_ =	sdelay $0x3  }
0x37: {  	[smem:$0x3F8E] =	sst s10  }
0x38: {  	s10 =	sld [smem:$0x3F8F]  }
0x39: {  	_ = 	snop;
	(pc) =	sbr.ind lr, $3  }
0x3a: {  	_ = 	snop  }
0x3b: {  	_ = 	snop  }
0x3c: {  	p2 =	seq.s32 s10, $0x1;
	s10 =	sld [smem:$0x3F8E]  }
0x3d: {  	_ =	shalt  }
0x3e: {  	_ =	shalt  }
0x3f: {  	_ =	shalt  }
0x40: {  	_ =	shalt  }
0x41: {  	_ =	shalt  }
0x42: {  	_ =	shalt  }
0x43: {  	_ =	shalt  }
0x44: {  	_ =	shalt  }
0x45: {  	_ =	shalt  }
0x46: {  	_ =	shalt  }
0x47: {  	_ =	shalt  }
0x48: {  	_ =	shalt  }
0x49: {  	_ =	shalt  }
0x4a: {  	_ =	shalt  }
0x4b: {  	_ =	shalt  }
0x4c: {  	_ =	shalt  }
0x4d: {  	_ =	shalt  }
0x4e: {  	_ =	shalt  }
0x4f: {  	_ =	shalt  }
0x50: {  	_ =	shalt  }
0x51: {  	_ =	shalt  }
0x52: {  	_ =	shalt  }
0x53: {  	_ =	shalt  }
0x54: {  	_ =	shalt  }
0x55: {  	_ =	shalt  }
0x56: {  	_ =	shalt  }
0x57: {  	_ =	shalt  }
0x58: {  	_ =	shalt  }
0x59: {  	_ =	shalt  }
0x5a: {  	_ =	shalt  }
0x5b: {  	_ =	shalt  }
0x5c: {  	_ =	shalt  }
0x5d: {  	_ =	shalt  }
0x5e: {  	_ =	shalt  }
0x5f: {  	_ =	shalt  }
0x60: {  	_ =	shalt  }
0x61: {  	_ =	shalt  }
0x62: {  	_ =	shalt  }
0x63: {  	_ =	shalt  }
0x64: {  	_ =	shalt  }
0x65: {  	_ =	shalt  }
0x66: {  	_ =	shalt  }
0x67: {  	_ =	shalt  }
0x68: {  	_ =	shalt  }
0x69: {  	_ =	shalt  }
0x6a: {  	_ =	shalt  }
0x6b: {  	_ =	shalt  }
0x6c: {  	_ =	shalt  }
0x6d: {  	_ =	shalt  }
0x6e: {  	_ =	shalt  }
0x6f: {  	_ =	shalt  }
0x70: {  	_ =	shalt  }
0x71: {  	_ =	shalt  }
0x72: {  	_ =	shalt  }
0x73: {  	_ =	shalt  }
0x74: {  	_ =	shalt  }
0x75: {  	_ =	shalt  }
0x76: {  	_ =	shalt  }
0x77: {  	_ =	shalt  }
0x78: {  	_ =	shalt  }
0x79: {  	_ =	shalt  }
0x7a: {  	_ =	shalt  }
0x7b: {  	_ =	shalt  }
0x7c: {  	_ =	shalt  }
0x7d: {  	_ =	shalt  }
0x7e: {  	_ =	shalt  }
0x7f: {  	_ =	shalt  }
0x80: {  	_ =	shalt  }
0x81: {  	_ =	shalt  }
0x82: {  	_ =	shalt  }
0x83: {  	_ =	shalt  }
0x84: {  	_ =	shalt  }
0x85: {  	_ =	shalt  }
0x86: {  	_ =	shalt  }
0x87: {  	_ =	shalt  }
.Lfunc_end0:
.L_simem_size_0:
called_computation.2_lowered:
.L_overlay_start_0:
0x88: {  	s2 =	sld [smem:$0x3FD9]  }
0x89: {  	s3 =	sld [smem:$0x3FFE];
	_ =	sdelay $0x1  }
0x8a: {  	s1 =	srdreg.scid  }
0x8b: {  	s0 =	sand.u32 $0x1, s1  }
0x8c: {  	s16 =	sshll.u32 s0, $0xA;
	s2 =	sadd.s32 s3, s2  }
0x8d: {  	s2 =	sadd.s32 s2, s16  }
0x8e: {  	[smem:$0x3F9A] =	sst s2  }
0x8f: {  	_ = 	snop  }
0x90: {  	(tm) =	ssettm $0x1  }
0x91: {  	s17 =	sld [smem:$0x3FFB];
	_ =	sdelay $0x3  }
0x92: {  	_ =	strace s17  }
0x93: {  	s2 =	sld [smem:$0x3FFC];
	_ =	sdelay $0x3  }
0x94: {  	_ =	strace s2  }
0x95: {  	s2 =	sld [smem:$0x3FFD];
	_ =	sdelay $0x3  }
0x96: {  	_ =	strace s2  }
0x97: {  	_ =	strace $0x8FFFFFFF  }
0x98: {  	s18 =	sld [smem:$0x3FDB];
	_ =	sdelay $0x1  }
0x99: {  	s19 =	simm.s32 $_scs_section_size  }
0x9a: {  	s4 =	simm.s32 $_size__tile_overlayer_lowered;
	s5 =	simm.s32 $_tile_overlayer_lowered  }
0x9b: {  	s22 =	simm.s32 $0x1BFF;
	s21 =	sshll.u32 s5, $0x1;
	s2 =	sadd.s32 s19, s18  }
0x9c: {  	s6 =	simm.s32 $0x0;
	s20 =	sshll.u32 s4, $0x1;
	s4 =	sadd.s32 s21, s2  }
0x9d: {  	[timem:s6], [sflag:s22] =	dma.local [hbm:s4], s20  }
0x9e: {  	_ =	swait.ge [sflag:s22], s20  }
0x9f: {  	s3 =	ssub.s32 $0x0, s20;
	[sflag:s22] =	ssyncset.done $0x0  }
0xa0: {  	[sflag:s22] =	ssyncadd.s32 s3;
	_ =	sdelay $0x1  }
0xa1: {  	s23 =	simm.s32 $0x1B8B  }
0xa2: {  	_ =	swait.ge [sflag:s23], $0x1  }
0xa3: {  	[sflag:s23] =	ssyncset.done $0x0  }
0xa4: {  	s25 =	simm.s32 $0x1B8E;
	s24 =	sld [smem:$0x3FFE];
	[sflag:s23] =	ssyncadd.s32 $0xFFFFFFFF  }
0xa5: {  	s26 =	simm.s32 $execute0_lowered;
	[smem:$0x3FD2] =	sst s25  }
0xa6: {  	s4 =	sshll.u32 s26, $0x1;
	_ =	strace $0x8000004C;
	[dreg:$0x1] =	wrdreg $0xFFFFFFFF  }
0xa7: {  	s28 =	simm.s32 $_size_execute0_lowered;
	s2 =	sadd.s32 s2, s4;
	[dreg:$0x0] =	wrdreg $0x0  }
0xa8: {  	s4 =	sshll.u32 s28, $0x1;
	[dreg:$0x2] =	wrdreg s2  }
0xa9: {  	[dreg:$0x3] =	wrdreg s4  }
0xaa: {  	[dreg:$0x4] =	wrdreg $0xC0  }
0xab: {  	_ =	task [dreg:s6], $0x5FFFF  }
0xac: {  	[dreg:$0x1] =	wrdreg $0xFFFFFFFF  }
0xad: {  	[dreg:$0x0] =	wrdreg $0x60  }
0xae: {  	[dreg:$0x2] =	wrdreg s24  }
0xaf: {  	[dreg:$0x3] =	wrdreg $0x9  }
0xb0: {  	_ =	task.clear_ibuf [dreg:s6], $0x4FFFF;
	_ =	strace $0x9000004C  }
0xb1: {  	s29 =	simm.s32 $0x9;
	_ =	strace $0x8000004E  }
0xb2: {  	_ =	swait.ge [sflag:s29], $0x1  }
0xb3: {  	[sflag:s29] =	ssyncadd.s32 $0xFFFFFFFF  }
0xb4: {  	_ =	strace $0x9000004E  }
0xb5: {  	_ =	sfence  }
0xb6: {  	s30 =	sld [smem:$0x0];
	_ =	sdelay $0x2  }
0xb7: {  	s31 =	sshll.u32 s1, $0xD;
	s1 =	sshrl.u32 s1, $0x2  }
0xb8: {  	s3 =	sand.u32 $0x4000, s31;
	s1 =	sadd.s32 s1, s30  }
0xb9: {  	s0 =	sor.u32 s3, s0;
	s1 =	sshll.u32 s1, $0x11  }
0xba: {  	s0 =	sor.u32 s1, s0  }
0xbb: {  	s0 =	sadd.s32 $0x8F2B, s0  }
0xbc: {  	[sflag:s0] =	ssyncadd.remote.s32 $0x1  }
0xbd: {  	_ =	sfence.sel $0xFFFF  }
0xbe: {  	[dreg:$0x0] =	wrdreg $0xFFFFFFFF;
	(pc) =	sbr.abs _section_cstart, $3  }
0xbf: {  	[dreg:$0x1] =	wrdreg $0xFFFFFFFF  }
0xc0: {  	_ =	task.clear_ibuf [dreg:s6], $0x2FFFF;
	_ =	strace $0x9FFFFFFF  }
0xc1: {  	(tm) =	ssettm $0x7FFFFFFF  }
tec
execute0_lowered:
.L_overlay_start_1:
0x0: {  	(tag) =	ssettag $0x1  }
0x1: {  	s1 =	srdreg.scid  }
0x2: {  	s0 =	stileid.u32;
	s4 =	rddreg [dreg:$0x0];
	s2 =	simm.s32 $0x0  }
0x3: {  	s12 =	simm.s32 $0x80;
	s13 =	simm.s32 $0x6800;
	s14 =	simm.s32 $0x1  }
0x4: {  	s15 =	simm.s32 $0x3;
	s16 =	simm.s32 $0x2;
	s17 =	simm.s32 $0x4  }
0x5: {  	s18 =	simm.s32 $0x0;
	s5 =	sand.u32 $0x1, s1;
	s1 =	rddreg [dreg:$0x1]  }
0x6: {  	s3 =	sshll.u32 s0, $0x1;
	[smem:$0x7FF] =	sst s2;
	s29 =	smul.u32 $0x4F800, s0  }
0x7: {  	s10 =	sadd.s32 $0x1AAE00, s4;
	s6 =	sor.u32 s5, s3;
	s11 =	smul.u32 $0x27C00, s5  }
0x8: {  	_ =	strace $0x8000004D;
	s8 =	ssub.s32 $0x2, s5;
	s7 =	smul.u32 $0x700, s6  }
0x9: {  	s3 =	sadd.s32 $0x14DE00, s4;
	s9 =	sshrl.u32 s8, $0x1;
	s6 =	smul.u32 $0x27C00, s6  }
0xa: {  	s31 =	sadd.s32 s29, s10;
	s8 =	ssub.s32 s8, s9;
	s9 =	simm.s32 $0x5  }
0xb: {  	s7 =	sadd.s32 s7, s4;
	s30 =	sadd.s32 s10, s6;
	s5 =	smax.u32 s8, $0x1  }
0xc: {  	s8 =	sadd.s32 s11, s31;
	s10 =	simm.s32 $0x60;
	s11 =	simm.s32 $0x3800  }
0xd: {  	s4 =	sadd.s32 $0x19CE00, s7;
	s6 =	sadd.s32 $0x27000, s30;
	s7 =	sadd.s32 $0x27600, s30  }
.LBB2_1:
0xe: {  	[tilespmem:s2], [sflag:$0x5] =	stream.linear.gather [hbm4b:s4+s2], $0x3500, $0x38;
	[tilespmem:$0x9800] =	vst v63  }
0xf: {  	_ =	swait.ge [sflag:s9], $0x3500  }
0x10: {  	[sflag:s9] =	ssyncset.done $0x0  }
0x11: {  	[sflag:s9] =	ssyncadd.s32 $0xFFFFCB00  }
0x12: {  	[tilespmem:s11], [sflag:$0x1] =	stream.indirect.gather [hbm4b:s3+s10], $0x80, s2, s10, $0xb8;
	[tilespmem:$0x9800] =	vst v63  }
0x13: {  	_ = 	snop  }
0x14: {  	[tilespmem:s13], [sflag:$0x2] =	stream.indirect.gather [hbm4b:s3+s10], $0x80, s12, s10, $0xb8;
	[tilespmem:$0x9800] =	vst v63  }
0x15: {  	_ =	swait.ge [sflag:s14], $0x3000  }
0x16: {  	[sflag:s14] =	ssyncset.done $0x0  }
0x17: {  	s19 =	sadd.s32 $0x0, s8;
	[sflag:s14] =	ssyncadd.s32 $0xFFFFD000  }
0x18: {  	[hbm4b:s19+s2] =	stream.linear.scatter [tilespmem:s11], [sflag:$0x3], $0x3000, $0x38;
	[tilespmem:$0x9800] =	vst v63  }
0x19: {  	_ =	swait.ge [sflag:s15], $0x3000  }
0x1a: {  	[sflag:s15] =	ssyncset.done $0x0  }
0x1b: {  	s20 =	simm.s32 $0x100;
	[sflag:s15] =	ssyncadd.s32 $0xFFFFD000  }
0x1c: {  	[tilespmem:s11], [sflag:$0x1] =	stream.indirect.gather [hbm4b:s3+s10], $0x80, s20, s10, $0xb8;
	[tilespmem:$0x9800] =	vst v63  }
0x1d: {  	_ =	swait.ge [sflag:s16], $0x3000  }
0x1e: {  	[sflag:s16] =	ssyncset.done $0x0  }
0x1f: {  	s19 =	sadd.s32 $0x600, s19;
	[sflag:s16] =	ssyncadd.s32 $0xFFFFD000  }
0x20: {  	[hbm4b:s19+s2] =	stream.linear.scatter [tilespmem:s13], [sflag:$0x4], $0x3000, $0x38;
	[tilespmem:$0x9800] =	vst v63  }
0x21: {  	_ =	swait.ge [sflag:s17], $0x3000  }
0x22: {  	s21 =	simm.s32 $0x280;
	[sflag:s17] =	ssyncset.done $0x0  }
0x23: {  	s20 =	simm.s32 $0xC00;
	s19 =	simm.s32 $0x180;
	[sflag:s17] =	ssyncadd.s32 $0xFFFFD000  }
.LBB2_2:
0x24: {  	[tilespmem:s13], [sflag:$0x2] =	stream.indirect.gather [hbm4b:s3+s10], $0x80, s19, s10, $0xb8;
	[tilespmem:$0x9800] =	vst v63  }
0x25: {  	s22 =	smov.u32 s20;
	s19 =	smov.u32 s21  }
0x26: {  	p0 =	sne.s32 s20, $0x26400;
	s20 =	sadd.s32 $0xC00, s20;
	_ =	swait.ge [sflag:s14], $0x3000  }
0x27: {  	[sflag:s14] =	ssyncset.done $0x0  }
0x28: {  	s22 =	sadd.s32 s22, s8;
	[sflag:s14] =	ssyncadd.s32 $0xFFFFD000  }
0x29: {  	[hbm4b:s22+s2] =	stream.linear.scatter [tilespmem:s11], [sflag:$0x3], $0x3000, $0x38;
	[tilespmem:$0x9800] =	vst v63  }
0x2a: {  	_ =	swait.ge [sflag:s15], $0x3000  }
0x2b: {  	[sflag:s15] =	ssyncset.done $0x0  }
0x2c: {  	s23 =	sadd.s32 $0xFFFFFF80, s21;
	[sflag:s15] =	ssyncadd.s32 $0xFFFFD000  }
0x2d: {  	[tilespmem:s11], [sflag:$0x1] =	stream.indirect.gather [hbm4b:s3+s10], $0x80, s23, s10, $0xb8;
	[tilespmem:$0x9800] =	vst v63  }
0x2e: {  	_ =	swait.ge [sflag:s16], $0x3000  }
0x2f: {  	[sflag:s16] =	ssyncset.done $0x0  }
.Ltmp0:
0x30: {  	s22 =	sadd.s32 $0x600, s22;
	[sflag:s16] =	ssyncadd.s32 $0xFFFFD000;
	(pc) =	sbr.rel @p0 .LBB2_2-.Ltmp0, $4  }
0x31: {  	[hbm4b:s22+s2] =	stream.linear.scatter [tilespmem:s13], [sflag:$0x4], $0x3000, $0x38;
	[tilespmem:$0x9800] =	vst v63  }
0x32: {  	_ =	swait.ge [sflag:s17], $0x3000  }
0x33: {  	[sflag:s17] =	ssyncset.done $0x0  }
0x34: {  	s21 =	sadd.s32 $0x100, s21;
	[sflag:s17] =	ssyncadd.s32 $0xFFFFD000  }
0x35: {  	[tilespmem:s13], [sflag:$0x2] =	stream.indirect.gather [hbm4b:s3+s10], $0x80, s19, s10, $0xb8;
	[tilespmem:$0x9800] =	vst v63  }
0x36: {  	_ =	swait.ge [sflag:s14], $0x3000  }
0x37: {  	[sflag:s14] =	ssyncset.done $0x0  }
0x38: {  	[sflag:s14] =	ssyncadd.s32 $0xFFFFD000  }
0x39: {  	[hbm4b:s6+s2] =	stream.linear.scatter [tilespmem:s11], [sflag:$0x3], $0x3000, $0x38;
	[tilespmem:$0x9800] =	vst v63  }
0x3a: {  	_ =	swait.ge [sflag:s16], $0x3000  }
0x3b: {  	[sflag:s16] =	ssyncset.done $0x0  }
0x3c: {  	s18 =	sadd.s32 $0x1, s18;
	[sflag:s16] =	ssyncadd.s32 $0xFFFFD000  }
0x3d: {  	[hbm4b:s7+s2] =	stream.linear.scatter [tilespmem:s13], [sflag:$0x4], $0x3000, $0x38;
	[tilespmem:$0x9800] =	vst v63  }
0x3e: {  	p0 =	sne.s32 s18, s5;
	_ =	swait.ge [sflag:s15], $0x3000  }
.Ltmp1:
0x3f: {  	[sflag:s15] =	ssyncset.done $0x0;
	(pc) =	sbr.rel @p0 .LBB2_1-.Ltmp1, $4  }
0x40: {  	[sflag:s15] =	ssyncadd.s32 $0xFFFFD000  }
0x41: {  	_ =	swait.ge [sflag:s17], $0x3000  }
0x42: {  	[sflag:s17] =	ssyncset.done $0x0  }
0x43: {  	[sflag:s17] =	ssyncadd.s32 $0xFFFFD000  }
0x44: {  	_ =	sfence.sel $0x180000  }
0x45: {  	[bflag:$0x0] =	sbarrier.arrive $0xFFFF  }
0x46: {  	p0 =	sne.s32 s0, $0x0;
	_ =	strace $0x9000004D  }
0x47: {  	s0 =	sadd.s32 @!p0 $0x100000, s1;
	[bflag:$0x2] =	sbarrier.arrive $0xFFFF  }
0x48: {  	[sflag:s0] =	ssyncadd.tile.s32 @!p0 $0x1;
	_ =	shalt  }
.Lfunc_end2:
_tile_overlayer_lowered:
.L_overlay_start_2:
0x49: {  	(tag) =	ssettag $0x2  }
0x4a: {  	s0 =	rddreg [dreg:$0x0];
	s2 =	stileid.u32  }
0x4b: {  	s1 =	rddreg [dreg:$0x1];
	p0 =	sne.s32 s2, $0x0  }
0x4c: {  	s3 =	rddreg [dreg:$0x2];
	[bflag:$0x3] =	sbarrier.arrive $0xFFFF;
	s2 =	simm.s32 @!p0 $0x1C05  }
0x4d: {  	[timem:s3], [sflag:s2] =	dma.local @!p0 [hbm:s0], s1  }
0x4e: {  	s0 =	simm.s32 @!p0 $0x5  }
0x4f: {  	_ =	swait.ge @!p0 [sflag:s0], s1  }
0x50: {  	s1 =	ssub.s32 @!p0 $0x0, s1;
	[sflag:s0] =	ssyncset.done @!p0 $0x0  }
0x51: {  	[sflag:s0] =	ssyncadd.s32 @!p0 s1  }
0x52: {  	[bflag:$0x3] =	sbarrier.arrive $0xFFFF  }
0x53: {  	_ =	shalt  }

// kernel: kernel.31.cloned.1.call-start
scs
__scs_entry_jumppad:
0x0: {  	(pc) =	sbr.rel $0x88, $3  }
0x1: {  	(tag) =	ssettag $0x0;
	lr =	simm.s32 $0x1  }
0x2: {  	[smem:$0x3F73] =	sst lr;
	_ =	strace $0xD0000000  }
0x3: {  	_ = 	snop  }
0x4: {  	_ = 	snop  }
0x5: {  	_ = 	snop  }
0x6: {  	_ = 	snop  }
0x7: {  	_ = 	snop  }
__scs_overlays_trampoline_lowered:
0x8: {  	[smem:$0x3F82] =	sst s0  }
0x9: {  	[smem:$0x3F83] =	sst s1  }
0xa: {  	[smem:$0x3F84] =	sst s2  }
0xb: {  	[smem:$0x3F85] =	sst s3  }
0xc: {  	[smem:$0x3F86] =	sst s4  }
0xd: {  	[smem:$0x3F87] =	sst s5  }
0xe: {  	[smem:$0x3F88] =	sst s6  }
0xf: {  	[smem:$0x3F89] =	sst s7  }
0x10: {  	[smem:$0x3F8A] =	sst s8  }
0x11: {  	[smem:$0x3F8B] =	sst s9;
	s0 =	simm.s32 @!p0 $0x0  }
0x12: {  	s1 =	sld [smem:$0x3F71];
	s0 =	simm.s32 @p0 $0x1  }
0x13: {  	[smem:$0x3F8C] =	sst s0;
	s0 =	simm.s32 @!p1 $0x0  }
0x14: {  	s2 =	sld [smem:$0x3F70];
	s0 =	simm.s32 @p1 $0x1  }
0x15: {  	[smem:$0x3F8D] =	sst s0;
	s0 =	simm.s32 @!p2 $0x0  }
0x16: {  	s3 =	sld [smem:$0x3FDB];
	s0 =	simm.s32 @p2 $0x1  }
0x17: {  	s4 =	simm.s32 $0x1BF5;
	[smem:$0x3F8F] =	sst s0  }
0x18: {  	s0 =	sld [smem:$0x3F72];
	_ =	swait.ge [sflag:s4], $0x0  }
0x19: {  	s7 =	sld [smem:$0x3F73]  }
0x1a: {  	s8 =	sadd.s32 $0xFFFFE003, lr  }
0x1b: {  	s9 =	sadd.s32 $0xFFFFFEF7, lr;
	s5 =	simm.s32 $0xFFFFFFFF;
	p2 =	slt.u32 s8, $0xFFFFF086  }
0x1c: {  	p1 =	slt.u32 s9, $0xF7A;
	s5 =	simm.s32 @!p2 $0x0  }
0x1d: {  	s5 =	simm.s32 @p1 $0x1;
	p0 =	seq.s32 s7, s2  }
0x1e: {  	s7 =	smul.u32 @!p0 $0xF7A, s2;
	p2 =	seq.s32 @!p0 s5, $0x0  }
0x1f: {  	s9 =	smul.u32 $0xF7A, s1;
	s8 =	simm.s32 @!p0 $0x1BF5;
	p2 =	por !p2, p0  }
0x20: {  	[sflag:s8] =	ssyncset.s32 @!p0 $0xFFFFF086;
	s6 =	sadd.s32 @!p0 s3, s7;
	s7 =	simm.s32 @!p0 $0x108  }
0x21: {  	s3 =	sadd.s32 s3, s9;
	s6 =	sadd.s32 @!p0 $0x88, s6;
	s7 =	simm.s32 @p2 $0x1082  }
0x22: {  	[simem:s7], [sflag:s8] =	dma.local @!p0 [hbm:s6], $0xF7A  }
0x23: {  	s9 =	sor.u32 $0xD0000000, s2;
	s6 =	simm.s32 $0x108;
	_ =	swait.ge @!p0 [sflag:s8], $0x0  }
0x24: {  	s3 =	sadd.s32 $0x88, s3;
	s6 =	simm.s32 @!p1 $0x1082;
	[sflag:s4] =	ssyncset.s32 $0xFFFFF086  }
0x25: {  	[simem:s6], [sflag:s4] =	dma.local [hbm:s3], $0xF7A  }
0x26: {  	[smem:$0x3F73] =	sst s1;
	(tag) =	ssettag s2;
	_ =	strace s9  }
0x27: {  	s1 =	sld [smem:$0x3F83]  }
0x28: {  	s2 =	sld [smem:$0x3F84]  }
0x29: {  	s4 =	sld [smem:$0x3F86]  }
0x2a: {  	p0 =	seq.s32 s5, $0x0;
	s5 =	sld [smem:$0x3F87]  }
0x2b: {  	s6 =	sld [smem:$0x3F88]  }
0x2c: {  	s7 =	sld [smem:$0x3F89]  }
0x2d: {  	s3 =	simm.s32 $0x108;
	s8 =	sld [smem:$0x3F8A]  }
0x2e: {  	s3 =	simm.s32 @!p0 $0x1082;
	s9 =	sld [smem:$0x3F8B]  }
0x2f: {  	lr =	sadd.s32 s0, s3;
	s0 =	sld [smem:$0x3F82]  }
0x30: {  	s3 =	sld [smem:$0x3F85]  }
0x31: {  	[smem:$0x3F8E] =	sst s10  }
0x32: {  	s10 =	sld [smem:$0x3F8C];
	_ =	sdelay $0x3  }
0x33: {  	p0 =	seq.s32 s10, $0x1;
	s10 =	sld [smem:$0x3F8E];
	_ =	sdelay $0x3  }
0x34: {  	[smem:$0x3F8E] =	sst s10  }
0x35: {  	s10 =	sld [smem:$0x3F8D];
	_ =	sdelay $0x3  }
0x36: {  	p1 =	seq.s32 s10, $0x1;
	s10 =	sld [smem:$0x3F8E];
	_ =	sdelay $0x3  }
0x37: {  	[smem:$0x3F8E] =	sst s10  }
0x38: {  	s10 =	sld [smem:$0x3F8F]  }
0x39: {  	_ = 	snop;
	(pc) =	sbr.ind lr, $3  }
0x3a: {  	_ = 	snop  }
0x3b: {  	_ = 	snop  }
0x3c: {  	p2 =	seq.s32 s10, $0x1;
	s10 =	sld [smem:$0x3F8E]  }
0x3d: {  	_ =	shalt  }
0x3e: {  	_ =	shalt  }
0x3f: {  	_ =	shalt  }
0x40: {  	_ =	shalt  }
0x41: {  	_ =	shalt  }
0x42: {  	_ =	shalt  }
0x43: {  	_ =	shalt  }
0x44: {  	_ =	shalt  }
0x45: {  	_ =	shalt  }
0x46: {  	_ =	shalt  }
0x47: {  	_ =	shalt  }
0x48: {  	_ =	shalt  }
0x49: {  	_ =	shalt  }
0x4a: {  	_ =	shalt  }
0x4b: {  	_ =	shalt  }
0x4c: {  	_ =	shalt  }
0x4d: {  	_ =	shalt  }
0x4e: {  	_ =	shalt  }
0x4f: {  	_ =	shalt  }
0x50: {  	_ =	shalt  }
0x51: {  	_ =	shalt  }
0x52: {  	_ =	shalt  }
0x53: {  	_ =	shalt  }
0x54: {  	_ =	shalt  }
0x55: {  	_ =	shalt  }
0x56: {  	_ =	shalt  }
0x57: {  	_ =	shalt  }
0x58: {  	_ =	shalt  }
0x59: {  	_ =	shalt  }
0x5a: {  	_ =	shalt  }
0x5b: {  	_ =	shalt  }
0x5c: {  	_ =	shalt  }
0x5d: {  	_ =	shalt  }
0x5e: {  	_ =	shalt  }
0x5f: {  	_ =	shalt  }
0x60: {  	_ =	shalt  }
0x61: {  	_ =	shalt  }
0x62: {  	_ =	shalt  }
0x63: {  	_ =	shalt  }
0x64: {  	_ =	shalt  }
0x65: {  	_ =	shalt  }
0x66: {  	_ =	shalt  }
0x67: {  	_ =	shalt  }
0x68: {  	_ =	shalt  }
0x69: {  	_ =	shalt  }
0x6a: {  	_ =	shalt  }
0x6b: {  	_ =	shalt  }
0x6c: {  	_ =	shalt  }
0x6d: {  	_ =	shalt  }
0x6e: {  	_ =	shalt  }
0x6f: {  	_ =	shalt  }
0x70: {  	_ =	shalt  }
0x71: {  	_ =	shalt  }
0x72: {  	_ =	shalt  }
0x73: {  	_ =	shalt  }
0x74: {  	_ =	shalt  }
0x75: {  	_ =	shalt  }
0x76: {  	_ =	shalt  }
0x77: {  	_ =	shalt  }
0x78: {  	_ =	shalt  }
0x79: {  	_ =	shalt  }
0x7a: {  	_ =	shalt  }
0x7b: {  	_ =	shalt  }
0x7c: {  	_ =	shalt  }
0x7d: {  	_ =	shalt  }
0x7e: {  	_ =	shalt  }
0x7f: {  	_ =	shalt  }
0x80: {  	_ =	shalt  }
0x81: {  	_ =	shalt  }
0x82: {  	_ =	shalt  }
0x83: {  	_ =	shalt  }
0x84: {  	_ =	shalt  }
0x85: {  	_ =	shalt  }
0x86: {  	_ =	shalt  }
0x87: {  	_ =	shalt  }
.Lfunc_end0:
.L_simem_size_0:
called_computation.3_lowered:
.L_overlay_start_0:
0x88: {  	s2 =	sld [smem:$0x3FD9]  }
0x89: {  	s3 =	sld [smem:$0x3FFE];
	_ =	sdelay $0x1  }
0x8a: {  	s1 =	srdreg.scid  }
0x8b: {  	s0 =	sand.u32 $0x1, s1  }
0x8c: {  	s16 =	sshll.u32 s0, $0xA;
	s2 =	sadd.s32 s3, s2  }
0x8d: {  	s2 =	sadd.s32 s2, s16  }
0x8e: {  	[smem:$0x3F9A] =	sst s2  }
0x8f: {  	_ = 	snop  }
0x90: {  	(tm) =	ssettm $0x1  }
0x91: {  	s17 =	sld [smem:$0x3FFB];
	_ =	sdelay $0x3  }
0x92: {  	_ =	strace s17  }
0x93: {  	s2 =	sld [smem:$0x3FFC];
	_ =	sdelay $0x3  }
0x94: {  	_ =	strace s2  }
0x95: {  	s2 =	sld [smem:$0x3FFD];
	_ =	sdelay $0x3  }
0x96: {  	_ =	strace s2  }
0x97: {  	_ =	strace $0x8FFFFFFF  }
0x98: {  	s18 =	sld [smem:$0x3FDB];
	_ =	sdelay $0x1  }
0x99: {  	s19 =	simm.s32 $_scs_section_size  }
0x9a: {  	s4 =	simm.s32 $_size__tile_overlayer_lowered;
	s5 =	simm.s32 $_tile_overlayer_lowered  }
0x9b: {  	s22 =	simm.s32 $0x1BFF;
	s21 =	sshll.u32 s5, $0x1;
	s2 =	sadd.s32 s19, s18  }
0x9c: {  	s6 =	simm.s32 $0x0;
	s20 =	sshll.u32 s4, $0x1;
	s4 =	sadd.s32 s21, s2  }
0x9d: {  	[timem:s6], [sflag:s22] =	dma.local [hbm:s4], s20  }
0x9e: {  	_ =	swait.ge [sflag:s22], s20  }
0x9f: {  	s3 =	ssub.s32 $0x0, s20;
	[sflag:s22] =	ssyncset.done $0x0  }
0xa0: {  	[sflag:s22] =	ssyncadd.s32 s3;
	_ =	sdelay $0x1  }
0xa1: {  	s23 =	simm.s32 $0x1B8B  }
0xa2: {  	_ =	swait.ge [sflag:s23], $0x1  }
0xa3: {  	[sflag:s23] =	ssyncset.done $0x0  }
0xa4: {  	s25 =	simm.s32 $0x1B8E;
	s24 =	sld [smem:$0x3FFE];
	[sflag:s23] =	ssyncadd.s32 $0xFFFFFFFF  }
0xa5: {  	s26 =	simm.s32 $execute0_lowered;
	[smem:$0x3FD2] =	sst s25  }
0xa6: {  	s4 =	sshll.u32 s26, $0x1;
	_ =	strace $0x8000004F;
	[dreg:$0x1] =	wrdreg $0xFFFFFFFF  }
0xa7: {  	s28 =	simm.s32 $_size_execute0_lowered;
	s2 =	sadd.s32 s2, s4;
	[dreg:$0x0] =	wrdreg $0x0  }
0xa8: {  	s4 =	sshll.u32 s28, $0x1;
	[dreg:$0x2] =	wrdreg s2  }
0xa9: {  	[dreg:$0x3] =	wrdreg s4  }
0xaa: {  	[dreg:$0x4] =	wrdreg $0xC0  }
0xab: {  	_ =	task [dreg:s6], $0x5FFFF  }
0xac: {  	[dreg:$0x1] =	wrdreg $0xFFFFFFFF  }
0xad: {  	[dreg:$0x0] =	wrdreg $0x60  }
0xae: {  	[dreg:$0x2] =	wrdreg s24  }
0xaf: {  	[dreg:$0x3] =	wrdreg $0x30800  }
0xb0: {  	[dreg:$0x4] =	wrdreg $0x9  }
0xb1: {  	_ =	task.clear_ibuf [dreg:s6], $0x5FFFF;
	_ =	strace $0x9000004F  }
0xb2: {  	s29 =	simm.s32 $0x9;
	_ =	strace $0x80000051  }
0xb3: {  	_ =	swait.ge [sflag:s29], $0x1  }
0xb4: {  	[sflag:s29] =	ssyncadd.s32 $0xFFFFFFFF  }
0xb5: {  	_ =	strace $0x90000051  }
0xb6: {  	_ =	sfence  }
0xb7: {  	s30 =	sld [smem:$0x0];
	_ =	sdelay $0x2  }
0xb8: {  	s31 =	sshll.u32 s1, $0xD;
	s1 =	sshrl.u32 s1, $0x2  }
0xb9: {  	s3 =	sand.u32 $0x4000, s31;
	s1 =	sadd.s32 s1, s30  }
0xba: {  	s0 =	sor.u32 s3, s0;
	s1 =	sshll.u32 s1, $0x11  }
0xbb: {  	s0 =	sor.u32 s1, s0  }
0xbc: {  	s0 =	sadd.s32 $0x8F2B, s0  }
0xbd: {  	[sflag:s0] =	ssyncadd.remote.s32 $0x1  }
0xbe: {  	_ =	sfence.sel $0xFFFF  }
0xbf: {  	[dreg:$0x0] =	wrdreg $0xFFFFFFFF;
	(pc) =	sbr.abs _section_cstart, $3  }
0xc0: {  	[dreg:$0x1] =	wrdreg $0xFFFFFFFF  }
0xc1: {  	_ =	task.clear_ibuf [dreg:s6], $0x2FFFF;
	_ =	strace $0x9FFFFFFF  }
0xc2: {  	(tm) =	ssettm $0x7FFFFFFF  }
0xc3: {  	_ =	shalt  }
tec
execute0_lowered:
.L_overlay_start_1:
0x0: {  	(tag) =	ssettag $0x1  }
0x1: {  	s4 =	rddreg [dreg:$0x0];
	s1 =	stileid.u32  }
0x2: {  	s2 =	rddreg [dreg:$0x1];
	s5 =	smul.u32 $0x28800, s1  }
0x3: {  	s0 =	rddreg [dreg:$0x2];
	s6 =	smul.u32 $0x6C0, s1  }
0x4: {  	s7 =	srdreg.scid;
	s13 =	smul.u32 $0x2780, s1  }
0x5: {  	s3 =	simm.s32 $0x0;
	s25 =	sand.u32 $0x1, s7;
	s12 =	smul.u32 $0x4F000, s1  }
0x6: {  	[smem:$0x7FF] =	sst s3;
	s7 =	smul.u32 $0x27800, s25  }
0x7: {  	s29 =	sshll.u32 s1, $0x6;
	_ =	strace $0x80000050;
	s26 =	smul.u32 $0x14400, s25  }
0x8: {  	s9 =	ssub.s32 $0x2, s25;
	s14 =	smul.u32 $0x360, s25;
	s8 =	sadd.s32 s5, s4  }
0x9: {  	s6 =	sadd.s32 s6, s4;
	s10 =	sadd.s32 s13, s4;
	s11 =	sshrl.u32 s9, $0x1  }
0xa: {  	s28 =	sshrl.u32 s12, $0x2;
	s5 =	sor.u32 $0x1C01, s29;
	s12 =	simm.s32 $0x60  }
0xb: {  	s7 =	sadd.s32 s7, s4;
	s9 =	ssub.s32 s9, s11;
	s15 =	sadd.s32 s28, s2  }
0xc: {  	s4 =	sadd.s32 $0x126600, s10;
	s30 =	sadd.s32 s26, s8;
	s31 =	sadd.s32 s14, s6  }
0xd: {  	s10 =	simm.s32 $0x1;
	s11 =	simm.s32 $0x80;
	s14 =	simm.s32 $0x0  }
0xe: {  	s16 =	sadd.s32 $0xCC00, s7;
	s6 =	smax.u32 s9, $0x1;
	s7 =	sadd.s32 $0x913E00, s30  }
0xf: {  	s8 =	sadd.s32 $0x175000, s31;
	s9 =	sshrl.u32 s15, $0x3;
	s13 =	sadd.s32 s13, s16  }
.LBB2_1:
0x10: {  	[spmem:s9], [sflag:s5] =	dma.local [hbm:s4], $0x2780  }
0x11: {  	_ =	swait.ge [sflag:s10], $0x2780  }
0x12: {  	[sflag:s10] =	ssyncset.done $0x0  }
0x13: {  	[sflag:s10] =	ssyncadd.s32 $0xFFFFD880  }
0x14: {  	s15 =	sadd.s32 $0x0, s8;
	[bflag:$0x0] =	sbarrier.arrive $0xFFFF  }
0x15: {  	[tilespmem:s3], [sflag:$0x1] =	stream.linear.gather [hbm4b:s15+s3], $0x80, $0x38;
	[tilespmem:$0x16C80] =	vst v63  }
0x16: {  	_ =	swait.ge [sflag:s10], $0x80  }
0x17: {  	[sflag:s10] =	ssyncset.done $0x0  }
0x18: {  	[sflag:s10] =	ssyncadd.s32 $0xFFFFFF80  }
0x19: {  	[tilespmem:s11], [sflag:$0x1] =	stream.linear.gather [hbm4b:s7+s3], $0x3000, $0x38;
	[tilespmem:$0x16C80] =	vst v63  }
0x1a: {  	_ =	swait.ge [sflag:s10], $0x3000  }
0x1b: {  	[sflag:s10] =	ssyncset.done $0x0  }
0x1c: {  	[sflag:s10] =	ssyncadd.s32 $0xFFFFD000  }
0x1d: {  	[spmem:s2] =	stream.indirect.scatter.add.f32 [tilespmem:s11], [sflag:$0x1], $0x80, s3, s12, $0xb8;
	[tilespmem:$0x16C80] =	vst v63  }
0x1e: {  	s16 =	simm.s32 $0x10;
	_ =	swait.ge [sflag:s10], $0x3000  }
0x1f: {  	s17 =	simm.s32 $0x20;
	s15 =	sadd.s32 $0x600, s7;
	[sflag:s10] =	ssyncset.done $0x0  }
.LBB2_2:
0x20: {  	s18 =	sadd.s32 s16, s8  }
0x21: {  	[sflag:s10] =	ssyncadd.s32 $0xFFFFD000;
	s16 =	smov.u32 s17;
	s19 =	sadd.s32 $0x10, s17  }
0x22: {  	[tilespmem:s3], [sflag:$0x1] =	stream.linear.gather [hbm4b:s18+s3], $0x80, $0x38;
	[tilespmem:$0x16C80] =	vst v63  }
0x23: {  	p0 =	sne.s32 s17, $0x350;
	_ =	swait.ge [sflag:s10], $0x80  }
0x24: {  	[sflag:s10] =	ssyncset.done $0x0  }
0x25: {  	[sflag:s10] =	ssyncadd.s32 $0xFFFFFF80  }
0x26: {  	[tilespmem:s11], [sflag:$0x1] =	stream.linear.gather [hbm4b:s15+s3], $0x3000, $0x38;
	[tilespmem:$0x16C80] =	vst v63  }
0x27: {  	_ =	swait.ge [sflag:s10], $0x3000  }
.Ltmp0:
0x28: {  	[sflag:s10] =	ssyncset.done $0x0;
	(pc) =	sbr.rel @p0 .LBB2_2-.Ltmp0, $4  }
0x29: {  	[sflag:s10] =	ssyncadd.s32 $0xFFFFD000  }
0x2a: {  	[spmem:s2] =	stream.indirect.scatter.add.f32 [tilespmem:s11], [sflag:$0x1], $0x80, s3, s12, $0xb8;
	[tilespmem:$0x16C80] =	vst v63  }
0x2b: {  	_ =	swait.ge [sflag:s10], $0x3000  }
0x2c: {  	s17 =	smov.u32 s19;
	s15 =	sadd.s32 $0x600, s15;
	[sflag:s10] =	ssyncset.done $0x0  }
0x2d: {  	s16 =	sadd.s32 s16, s8;
	[sflag:s10] =	ssyncadd.s32 $0xFFFFD000  }
0x2e: {  	[tilespmem:s3], [sflag:$0x1] =	stream.linear.gather [hbm4b:s16+s3], $0x80, $0x38;
	[tilespmem:$0x16C80] =	vst v63  }
0x2f: {  	_ =	swait.ge [sflag:s10], $0x80  }
0x30: {  	[sflag:s10] =	ssyncset.done $0x0  }
0x31: {  	[sflag:s10] =	ssyncadd.s32 $0xFFFFFF80  }
0x32: {  	[tilespmem:s11], [sflag:$0x1] =	stream.linear.gather [hbm4b:s15+s3], $0x3000, $0x38;
	[tilespmem:$0x16C80] =	vst v63  }
0x33: {  	_ =	swait.ge [sflag:s10], $0x3000  }
0x34: {  	[sflag:s10] =	ssyncset.done $0x0  }
0x35: {  	[sflag:s10] =	ssyncadd.s32 $0xFFFFD000  }
0x36: {  	[spmem:s2] =	stream.indirect.scatter.add.f32 [tilespmem:s11], [sflag:$0x1], $0x80, s3, s12, $0xb8;
	[tilespmem:$0x16C80] =	vst v63  }
0x37: {  	_ =	swait.ge [sflag:s10], $0x3000  }
0x38: {  	s14 =	sadd.s32 $0x1, s14;
	[sflag:s10] =	ssyncset.done $0x0  }
0x39: {  	p0 =	sne.s32 s14, s6;
	[sflag:s10] =	ssyncadd.s32 $0xFFFFD000  }
.Ltmp1:
0x3a: {  	[bflag:$0x0] =	sbarrier.arrive $0xFFFF;
	(pc) =	sbr.rel @p0 .LBB2_1-.Ltmp1, $4  }
0x3b: {  	[hbm:s13], [sflag:s5] =	dma.local [spmem:s9], $0x2780  }
0x3c: {  	_ =	swait.ge [sflag:s10], $0x2780  }
0x3d: {  	[sflag:s10] =	ssyncset.done $0x0  }
0x3e: {  	[sflag:s10] =	ssyncadd.s32 $0xFFFFD880  }
0x3f: {  	_ =	sfence.sel $0x180000  }
0x40: {  	[bflag:$0x0] =	sbarrier.arrive $0xFFFF  }
0x41: {  	p0 =	sne.s32 s1, $0x0;
	_ =	strace $0x90000050  }
0x42: {  	s0 =	sadd.s32 @!p0 $0x100000, s0;
	[bflag:$0x2] =	sbarrier.arrive $0xFFFF  }
0x43: {  	[sflag:s0] =	ssyncadd.tile.s32 @!p0 $0x1;
	_ =	shalt  }
.Lfunc_end2:
_tile_overlayer_lowered:
.L_overlay_start_2:
0x44: {  	(tag) =	ssettag $0x2  }
0x45: {  	s0 =	rddreg [dreg:$0x0];
	s2 =	stileid.u32  }
0x46: {  	s1 =	rddreg [dreg:$0x1];
	p0 =	sne.s32 s2, $0x0  }
0x47: {  	s3 =	rddreg [dreg:$0x2];
	[bflag:$0x3] =	sbarrier.arrive $0xFFFF;
	s2 =	simm.s32 @!p0 $0x1C01  }
0x48: {  	[timem:s3], [sflag:s2] =	dma.local @!p0 [hbm:s0], s1  }
0x49: {  	s0 =	simm.s32 @!p0 $0x1  }
0x4a: {  	_ =	swait.ge @!p0 [sflag:s0], s1  }
0x4b: {  	s1 =	ssub.s32 @!p0 $0x0, s1;
	[sflag:s0] =	ssyncset.done @!p0 $0x0  }
0x4c: {  	[sflag:s0] =	ssyncadd.s32 @!p0 s1  }
0x4d: {  	[bflag:$0x3] =	sbarrier.arrive $0xFFFF  }
0x4e: {  	_ =	shalt  }

// kernel: kernel.34.cloned.1.call-start
scs
__scs_entry_jumppad:
0x0: {  	(pc) =	sbr.rel $0x88, $3  }
0x1: {  	(tag) =	ssettag $0x0;
	lr =	simm.s32 $0x1  }
0x2: {  	[smem:$0x3F73] =	sst lr;
	_ =	strace $0xD0000000  }
0x3: {  	_ = 	snop  }
0x4: {  	_ = 	snop  }
0x5: {  	_ = 	snop  }
0x6: {  	_ = 	snop  }
0x7: {  	_ = 	snop  }
__scs_overlays_trampoline_lowered:
0x8: {  	[smem:$0x3F82] =	sst s0  }
0x9: {  	[smem:$0x3F83] =	sst s1  }
0xa: {  	[smem:$0x3F84] =	sst s2  }
0xb: {  	[smem:$0x3F85] =	sst s3  }
0xc: {  	[smem:$0x3F86] =	sst s4  }
0xd: {  	[smem:$0x3F87] =	sst s5  }
0xe: {  	[smem:$0x3F88] =	sst s6  }
0xf: {  	[smem:$0x3F89] =	sst s7  }
0x10: {  	[smem:$0x3F8A] =	sst s8  }
0x11: {  	[smem:$0x3F8B] =	sst s9;
	s0 =	simm.s32 @!p0 $0x0  }
0x12: {  	s1 =	sld [smem:$0x3F71];
	s0 =	simm.s32 @p0 $0x1  }
0x13: {  	[smem:$0x3F8C] =	sst s0;
	s0 =	simm.s32 @!p1 $0x0  }
0x14: {  	s2 =	sld [smem:$0x3F70];
	s0 =	simm.s32 @p1 $0x1  }
0x15: {  	[smem:$0x3F8D] =	sst s0;
	s0 =	simm.s32 @!p2 $0x0  }
0x16: {  	s3 =	sld [smem:$0x3FDB];
	s0 =	simm.s32 @p2 $0x1  }
0x17: {  	s4 =	simm.s32 $0x1BF5;
	[smem:$0x3F8F] =	sst s0  }
0x18: {  	s0 =	sld [smem:$0x3F72];
	_ =	swait.ge [sflag:s4], $0x0  }
0x19: {  	s7 =	sld [smem:$0x3F73]  }
0x1a: {  	s8 =	sadd.s32 $0xFFFFE003, lr  }
0x1b: {  	s9 =	sadd.s32 $0xFFFFFEF7, lr;
	s5 =	simm.s32 $0xFFFFFFFF;
	p2 =	slt.u32 s8, $0xFFFFF086  }
0x1c: {  	p1 =	slt.u32 s9, $0xF7A;
	s5 =	simm.s32 @!p2 $0x0  }
0x1d: {  	s5 =	simm.s32 @p1 $0x1;
	p0 =	seq.s32 s7, s2  }
0x1e: {  	s7 =	smul.u32 @!p0 $0xF7A, s2;
	p2 =	seq.s32 @!p0 s5, $0x0  }
0x1f: {  	s9 =	smul.u32 $0xF7A, s1;
	s8 =	simm.s32 @!p0 $0x1BF5;
	p2 =	por !p2, p0  }
0x20: {  	[sflag:s8] =	ssyncset.s32 @!p0 $0xFFFFF086;
	s6 =	sadd.s32 @!p0 s3, s7;
	s7 =	simm.s32 @!p0 $0x108  }
0x21: {  	s3 =	sadd.s32 s3, s9;
	s6 =	sadd.s32 @!p0 $0x88, s6;
	s7 =	simm.s32 @p2 $0x1082  }
0x22: {  	[simem:s7], [sflag:s8] =	dma.local @!p0 [hbm:s6], $0xF7A  }
0x23: {  	s9 =	sor.u32 $0xD0000000, s2;
	s6 =	simm.s32 $0x108;
	_ =	swait.ge @!p0 [sflag:s8], $0x0  }
0x24: {  	s3 =	sadd.s32 $0x88, s3;
	s6 =	simm.s32 @!p1 $0x1082;
	[sflag:s4] =	ssyncset.s32 $0xFFFFF086  }
0x25: {  	[simem:s6], [sflag:s4] =	dma.local [hbm:s3], $0xF7A  }
0x26: {  	[smem:$0x3F73] =	sst s1;
	(tag) =	ssettag s2;
	_ =	strace s9  }
0x27: {  	s1 =	sld [smem:$0x3F83]  }
0x28: {  	s2 =	sld [smem:$0x3F84]  }
0x29: {  	s4 =	sld [smem:$0x3F86]  }
0x2a: {  	p0 =	seq.s32 s5, $0x0;
	s5 =	sld [smem:$0x3F87]  }
0x2b: {  	s6 =	sld [smem:$0x3F88]  }
0x2c: {  	s7 =	sld [smem:$0x3F89]  }
0x2d: {  	s3 =	simm.s32 $0x108;
	s8 =	sld [smem:$0x3F8A]  }
0x2e: {  	s3 =	simm.s32 @!p0 $0x1082;
	s9 =	sld [smem:$0x3F8B]  }
0x2f: {  	lr =	sadd.s32 s0, s3;
	s0 =	sld [smem:$0x3F82]  }
0x30: {  	s3 =	sld [smem:$0x3F85]  }
0x31: {  	[smem:$0x3F8E] =	sst s10  }
0x32: {  	s10 =	sld [smem:$0x3F8C];
	_ =	sdelay $0x3  }
0x33: {  	p0 =	seq.s32 s10, $0x1;
	s10 =	sld [smem:$0x3F8E];
	_ =	sdelay $0x3  }
0x34: {  	[smem:$0x3F8E] =	sst s10  }
0x35: {  	s10 =	sld [smem:$0x3F8D];
	_ =	sdelay $0x3  }
0x36: {  	p1 =	seq.s32 s10, $0x1;
	s10 =	sld [smem:$0x3F8E];
	_ =	sdelay $0x3  }
0x37: {  	[smem:$0x3F8E] =	sst s10  }
0x38: {  	s10 =	sld [smem:$0x3F8F]  }
0x39: {  	_ = 	snop;
	(pc) =	sbr.ind lr, $3  }
0x3a: {  	_ = 	snop  }
0x3b: {  	_ = 	snop  }
0x3c: {  	p2 =	seq.s32 s10, $0x1;
	s10 =	sld [smem:$0x3F8E]  }
0x3d: {  	_ =	shalt  }
0x3e: {  	_ =	shalt  }
0x3f: {  	_ =	shalt  }
0x40: {  	_ =	shalt  }
0x41: {  	_ =	shalt  }
0x42: {  	_ =	shalt  }
0x43: {  	_ =	shalt  }
0x44: {  	_ =	shalt  }
0x45: {  	_ =	shalt  }
0x46: {  	_ =	shalt  }
0x47: {  	_ =	shalt  }
0x48: {  	_ =	shalt  }
0x49: {  	_ =	shalt  }
0x4a: {  	_ =	shalt  }
0x4b: {  	_ =	shalt  }
0x4c: {  	_ =	shalt  }
0x4d: {  	_ =	shalt  }
0x4e: {  	_ =	shalt  }
0x4f: {  	_ =	shalt  }
0x50: {  	_ =	shalt  }
0x51: {  	_ =	shalt  }
0x52: {  	_ =	shalt  }
0x53: {  	_ =	shalt  }
0x54: {  	_ =	shalt  }
0x55: {  	_ =	shalt  }
0x56: {  	_ =	shalt  }
0x57: {  	_ =	shalt  }
0x58: {  	_ =	shalt  }
0x59: {  	_ =	shalt  }
0x5a: {  	_ =	shalt  }
0x5b: {  	_ =	shalt  }
0x5c: {  	_ =	shalt  }
0x5d: {  	_ =	shalt  }
0x5e: {  	_ =	shalt  }
0x5f: {  	_ =	shalt  }
0x60: {  	_ =	shalt  }
0x61: {  	_ =	shalt  }
0x62: {  	_ =	shalt  }
0x63: {  	_ =	shalt  }
0x64: {  	_ =	shalt  }
0x65: {  	_ =	shalt  }
0x66: {  	_ =	shalt  }
0x67: {  	_ =	shalt  }
0x68: {  	_ =	shalt  }
0x69: {  	_ =	shalt  }
0x6a: {  	_ =	shalt  }
0x6b: {  	_ =	shalt  }
0x6c: {  	_ =	shalt  }
0x6d: {  	_ =	shalt  }
0x6e: {  	_ =	shalt  }
0x6f: {  	_ =	shalt  }
0x70: {  	_ =	shalt  }
0x71: {  	_ =	shalt  }
0x72: {  	_ =	shalt  }
0x73: {  	_ =	shalt  }
0x74: {  	_ =	shalt  }
0x75: {  	_ =	shalt  }
0x76: {  	_ =	shalt  }
0x77: {  	_ =	shalt  }
0x78: {  	_ =	shalt  }
0x79: {  	_ =	shalt  }
0x7a: {  	_ =	shalt  }
0x7b: {  	_ =	shalt  }
0x7c: {  	_ =	shalt  }
0x7d: {  	_ =	shalt  }
0x7e: {  	_ =	shalt  }
0x7f: {  	_ =	shalt  }
0x80: {  	_ =	shalt  }
0x81: {  	_ =	shalt  }
0x82: {  	_ =	shalt  }
0x83: {  	_ =	shalt  }
0x84: {  	_ =	shalt  }
0x85: {  	_ =	shalt  }
0x86: {  	_ =	shalt  }
0x87: {  	_ =	shalt  }
.Lfunc_end0:
.L_simem_size_0:
called_computation.4_lowered:
.L_overlay_start_0:
0x88: {  	s2 =	sld [smem:$0x3FD9]  }
0x89: {  	s3 =	sld [smem:$0x3FFE];
	_ =	sdelay $0x1  }
0x8a: {  	s1 =	srdreg.scid  }
0x8b: {  	s0 =	sand.u32 $0x1, s1  }
0x8c: {  	s16 =	sshll.u32 s0, $0xA;
	s2 =	sadd.s32 s3, s2  }
0x8d: {  	s2 =	sadd.s32 s2, s16  }
0x8e: {  	[smem:$0x3F9A] =	sst s2  }
0x8f: {  	_ = 	snop  }
0x90: {  	(tm) =	ssettm $0x1  }
0x91: {  	s17 =	sld [smem:$0x3FFB];
	_ =	sdelay $0x3  }
0x92: {  	_ =	strace s17  }
0x93: {  	s2 =	sld [smem:$0x3FFC];
	_ =	sdelay $0x3  }
0x94: {  	_ =	strace s2  }
0x95: {  	s2 =	sld [smem:$0x3FFD];
	_ =	sdelay $0x3  }
0x96: {  	_ =	strace s2  }
0x97: {  	_ =	strace $0x8FFFFFFF  }
0x98: {  	s18 =	sld [smem:$0x3FDB];
	_ =	sdelay $0x1  }
0x99: {  	s19 =	simm.s32 $_scs_section_size  }
0x9a: {  	s4 =	simm.s32 $_size__tile_overlayer_lowered;
	s5 =	simm.s32 $_tile_overlayer_lowered  }
0x9b: {  	s22 =	simm.s32 $0x1BFF;
	s21 =	sshll.u32 s5, $0x1;
	s2 =	sadd.s32 s19, s18  }
0x9c: {  	s6 =	simm.s32 $0x0;
	s20 =	sshll.u32 s4, $0x1;
	s4 =	sadd.s32 s21, s2  }
0x9d: {  	[timem:s6], [sflag:s22] =	dma.local [hbm:s4], s20  }
0x9e: {  	_ =	swait.ge [sflag:s22], s20  }
0x9f: {  	s3 =	ssub.s32 $0x0, s20;
	[sflag:s22] =	ssyncset.done $0x0  }
0xa0: {  	[sflag:s22] =	ssyncadd.s32 s3;
	_ =	sdelay $0x1  }
0xa1: {  	s23 =	simm.s32 $0x1B8B  }
0xa2: {  	_ =	swait.ge [sflag:s23], $0x1  }
0xa3: {  	[sflag:s23] =	ssyncset.done $0x0  }
0xa4: {  	s25 =	simm.s32 $0x1B8E;
	s24 =	sld [smem:$0x3FFE];
	[sflag:s23] =	ssyncadd.s32 $0xFFFFFFFF  }
0xa5: {  	s26 =	simm.s32 $execute0_lowered;
	[smem:$0x3FD2] =	sst s25  }
0xa6: {  	s4 =	sshll.u32 s26, $0x1;
	_ =	strace $0x80000052;
	[dreg:$0x1] =	wrdreg $0xFFFFFFFF  }
0xa7: {  	s28 =	simm.s32 $_size_execute0_lowered;
	s2 =	sadd.s32 s2, s4;
	[dreg:$0x0] =	wrdreg $0x0  }
0xa8: {  	s4 =	sshll.u32 s28, $0x1;
	[dreg:$0x2] =	wrdreg s2  }
0xa9: {  	[dreg:$0x3] =	wrdreg s4  }
0xaa: {  	[dreg:$0x4] =	wrdreg $0xC0  }
0xab: {  	_ =	task [dreg:s6], $0x5FFFF  }
0xac: {  	[dreg:$0x1] =	wrdreg $0xFFFFFFFF  }
0xad: {  	[dreg:$0x0] =	wrdreg $0x60  }
0xae: {  	[dreg:$0x2] =	wrdreg s24  }
0xaf: {  	[dreg:$0x3] =	wrdreg $0x9  }
0xb0: {  	_ =	task.clear_ibuf [dreg:s6], $0x4FFFF;
	_ =	strace $0x90000052  }
0xb1: {  	s29 =	simm.s32 $0x9;
	_ =	strace $0x80000054  }
0xb2: {  	_ =	swait.ge [sflag:s29], $0x1  }
0xb3: {  	[sflag:s29] =	ssyncadd.s32 $0xFFFFFFFF  }
0xb4: {  	_ =	strace $0x90000054  }
0xb5: {  	_ =	sfence  }
0xb6: {  	s30 =	sld [smem:$0x0];
	_ =	sdelay $0x2  }
0xb7: {  	s31 =	sshll.u32 s1, $0xD;
	s1 =	sshrl.u32 s1, $0x2  }
0xb8: {  	s3 =	sand.u32 $0x4000, s31;
	s1 =	sadd.s32 s1, s30  }
0xb9: {  	s0 =	sor.u32 s3, s0;
	s1 =	sshll.u32 s1, $0x11  }
0xba: {  	s0 =	sor.u32 s1, s0  }
0xbb: {  	s0 =	sadd.s32 $0x8F2B, s0  }
0xbc: {  	[sflag:s0] =	ssyncadd.remote.s32 $0x1  }
0xbd: {  	_ =	sfence.sel $0xFFFF  }
0xbe: {  	[dreg:$0x0] =	wrdreg $0xFFFFFFFF;
	(pc) =	sbr.abs _section_cstart, $3  }
0xbf: {  	[dreg:$0x1] =	wrdreg $0xFFFFFFFF  }
0xc0: {  	_ =	task.clear_ibuf [dreg:s6], $0x2FFFF;
	_ =	strace $0x9FFFFFFF  }
0xc1: {  	(tm) =	ssettm $0x7FFFFFFF  }
tec
execute0_lowered:
.L_overlay_start_1:
0x0: {  	(tag) =	ssettag $0x1  }
0x1: {  	s1 =	srdreg.scid  }
0x2: {  	s0 =	stileid.u32;
	s4 =	rddreg [dreg:$0x0];
	s2 =	simm.s32 $0x0  }
0x3: {  	s12 =	simm.s32 $0x80;
	s13 =	simm.s32 $0x6800;
	s14 =	simm.s32 $0x1  }
0x4: {  	s15 =	simm.s32 $0x3;
	s16 =	simm.s32 $0x2;
	s17 =	simm.s32 $0x4  }
0x5: {  	s18 =	simm.s32 $0x0;
	s5 =	sand.u32 $0x1, s1;
	s1 =	rddreg [dreg:$0x1]  }
0x6: {  	s3 =	sshll.u32 s0, $0x1;
	[smem:$0x7FF] =	sst s2;
	s29 =	smul.u32 $0x4F800, s0  }
0x7: {  	s10 =	sadd.s32 $0x1AAE00, s4;
	s6 =	sor.u32 s5, s3;
	s11 =	smul.u32 $0x27C00, s5  }
0x8: {  	_ =	strace $0x80000053;
	s8 =	ssub.s32 $0x2, s5;
	s7 =	smul.u32 $0x700, s6  }
0x9: {  	s3 =	sadd.s32 $0x14DE00, s4;
	s9 =	sshrl.u32 s8, $0x1;
	s6 =	smul.u32 $0x27C00, s6  }
0xa: {  	s31 =	sadd.s32 s29, s10;
	s8 =	ssub.s32 s8, s9;
	s9 =	simm.s32 $0x5  }
0xb: {  	s7 =	sadd.s32 s7, s4;
	s30 =	sadd.s32 s10, s6;
	s5 =	smax.u32 s8, $0x1  }
0xc: {  	s8 =	sadd.s32 s11, s31;
	s10 =	simm.s32 $0x60;
	s11 =	simm.s32 $0x3800  }
0xd: {  	s4 =	sadd.s32 $0x19CE00, s7;
	s6 =	sadd.s32 $0x27000, s30;
	s7 =	sadd.s32 $0x27600, s30  }
.LBB2_1:
0xe: {  	[tilespmem:s2], [sflag:$0x5] =	stream.linear.gather [hbm4b:s4+s2], $0x3500, $0x38;
	[tilespmem:$0x9800] =	vst v63  }
0xf: {  	_ =	swait.ge [sflag:s9], $0x3500  }
0x10: {  	[sflag:s9] =	ssyncset.done $0x0  }
0x11: {  	[sflag:s9] =	ssyncadd.s32 $0xFFFFCB00  }
0x12: {  	[tilespmem:s11], [sflag:$0x1] =	stream.indirect.gather [hbm4b:s3+s10], $0x80, s2, s10, $0xb8;
	[tilespmem:$0x9800] =	vst v63  }
0x13: {  	_ = 	snop  }
0x14: {  	[tilespmem:s13], [sflag:$0x2] =	stream.indirect.gather [hbm4b:s3+s10], $0x80, s12, s10, $0xb8;
	[tilespmem:$0x9800] =	vst v63  }
0x15: {  	_ =	swait.ge [sflag:s14], $0x3000  }
0x16: {  	[sflag:s14] =	ssyncset.done $0x0  }
0x17: {  	s19 =	sadd.s32 $0x0, s8;
	[sflag:s14] =	ssyncadd.s32 $0xFFFFD000  }
0x18: {  	[hbm4b:s19+s2] =	stream.linear.scatter [tilespmem:s11], [sflag:$0x3], $0x3000, $0x38;
	[tilespmem:$0x9800] =	vst v63  }
0x19: {  	_ =	swait.ge [sflag:s15], $0x3000  }
0x1a: {  	[sflag:s15] =	ssyncset.done $0x0  }
0x1b: {  	s20 =	simm.s32 $0x100;
	[sflag:s15] =	ssyncadd.s32 $0xFFFFD000  }
0x1c: {  	[tilespmem:s11], [sflag:$0x1] =	stream.indirect.gather [hbm4b:s3+s10], $0x80, s20, s10, $0xb8;
	[tilespmem:$0x9800] =	vst v63  }
0x1d: {  	_ =	swait.ge [sflag:s16], $0x3000  }
0x1e: {  	[sflag:s16] =	ssyncset.done $0x0  }
0x1f: {  	s19 =	sadd.s32 $0x600, s19;
	[sflag:s16] =	ssyncadd.s32 $0xFFFFD000  }
0x20: {  	[hbm4b:s19+s2] =	stream.linear.scatter [tilespmem:s13], [sflag:$0x4], $0x3000, $0x38;
	[tilespmem:$0x9800] =	vst v63  }
0x21: {  	_ =	swait.ge [sflag:s17], $0x3000  }
0x22: {  	s21 =	simm.s32 $0x280;
	[sflag:s17] =	ssyncset.done $0x0  }
0x23: {  	s20 =	simm.s32 $0xC00;
	s19 =	simm.s32 $0x180;
	[sflag:s17] =	ssyncadd.s32 $0xFFFFD000  }
.LBB2_2:
0x24: {  	[tilespmem:s13], [sflag:$0x2] =	stream.indirect.gather [hbm4b:s3+s10], $0x80, s19, s10, $0xb8;
	[tilespmem:$0x9800] =	vst v63  }
0x25: {  	s22 =	smov.u32 s20;
	s19 =	smov.u32 s21  }
0x26: {  	p0 =	sne.s32 s20, $0x26400;
	s20 =	sadd.s32 $0xC00, s20;
	_ =	swait.ge [sflag:s14], $0x3000  }
0x27: {  	[sflag:s14] =	ssyncset.done $0x0  }
0x28: {  	s22 =	sadd.s32 s22, s8;
	[sflag:s14] =	ssyncadd.s32 $0xFFFFD000  }
0x29: {  	[hbm4b:s22+s2] =	stream.linear.scatter [tilespmem:s11], [sflag:$0x3], $0x3000, $0x38;
	[tilespmem:$0x9800] =	vst v63  }
0x2a: {  	_ =	swait.ge [sflag:s15], $0x3000  }
0x2b: {  	[sflag:s15] =	ssyncset.done $0x0  }
0x2c: {  	s23 =	sadd.s32 $0xFFFFFF80, s21;
	[sflag:s15] =	ssyncadd.s32 $0xFFFFD000  }
0x2d: {  	[tilespmem:s11], [sflag:$0x1] =	stream.indirect.gather [hbm4b:s3+s10], $0x80, s23, s10, $0xb8;
	[tilespmem:$0x9800] =	vst v63  }
0x2e: {  	_ =	swait.ge [sflag:s16], $0x3000  }
0x2f: {  	[sflag:s16] =	ssyncset.done $0x0  }
.Ltmp0:
0x30: {  	s22 =	sadd.s32 $0x600, s22;
	[sflag:s16] =	ssyncadd.s32 $0xFFFFD000;
	(pc) =	sbr.rel @p0 .LBB2_2-.Ltmp0, $4  }
0x31: {  	[hbm4b:s22+s2] =	stream.linear.scatter [tilespmem:s13], [sflag:$0x4], $0x3000, $0x38;
	[tilespmem:$0x9800] =	vst v63  }
0x32: {  	_ =	swait.ge [sflag:s17], $0x3000  }
0x33: {  	[sflag:s17] =	ssyncset.done $0x0  }
0x34: {  	s21 =	sadd.s32 $0x100, s21;
	[sflag:s17] =	ssyncadd.s32 $0xFFFFD000  }
0x35: {  	[tilespmem:s13], [sflag:$0x2] =	stream.indirect.gather [hbm4b:s3+s10], $0x80, s19, s10, $0xb8;
	[tilespmem:$0x9800] =	vst v63  }
0x36: {  	_ =	swait.ge [sflag:s14], $0x3000  }
0x37: {  	[sflag:s14] =	ssyncset.done $0x0  }
0x38: {  	[sflag:s14] =	ssyncadd.s32 $0xFFFFD000  }
0x39: {  	[hbm4b:s6+s2] =	stream.linear.scatter [tilespmem:s11], [sflag:$0x3], $0x3000, $0x38;
	[tilespmem:$0x9800] =	vst v63  }
0x3a: {  	_ =	swait.ge [sflag:s16], $0x3000  }
0x3b: {  	[sflag:s16] =	ssyncset.done $0x0  }
0x3c: {  	s18 =	sadd.s32 $0x1, s18;
	[sflag:s16] =	ssyncadd.s32 $0xFFFFD000  }
0x3d: {  	[hbm4b:s7+s2] =	stream.linear.scatter [tilespmem:s13], [sflag:$0x4], $0x3000, $0x38;
	[tilespmem:$0x9800] =	vst v63  }
0x3e: {  	p0 =	sne.s32 s18, s5;
	_ =	swait.ge [sflag:s15], $0x3000  }
.Ltmp1:
0x3f: {  	[sflag:s15] =	ssyncset.done $0x0;
	(pc) =	sbr.rel @p0 .LBB2_1-.Ltmp1, $4  }
0x40: {  	[sflag:s15] =	ssyncadd.s32 $0xFFFFD000  }
0x41: {  	_ =	swait.ge [sflag:s17], $0x3000  }
0x42: {  	[sflag:s17] =	ssyncset.done $0x0  }
0x43: {  	[sflag:s17] =	ssyncadd.s32 $0xFFFFD000  }
0x44: {  	_ =	sfence.sel $0x180000  }
0x45: {  	[bflag:$0x0] =	sbarrier.arrive $0xFFFF  }
0x46: {  	p0 =	sne.s32 s0, $0x0;
	_ =	strace $0x90000053  }
0x47: {  	s0 =	sadd.s32 @!p0 $0x100000, s1;
	[bflag:$0x2] =	sbarrier.arrive $0xFFFF  }
0x48: {  	[sflag:s0] =	ssyncadd.tile.s32 @!p0 $0x1;
	_ =	shalt  }
.Lfunc_end2:
_tile_overlayer_lowered:
.L_overlay_start_2:
0x49: {  	(tag) =	ssettag $0x2  }
0x4a: {  	s0 =	rddreg [dreg:$0x0];
	s2 =	stileid.u32  }
0x4b: {  	s1 =	rddreg [dreg:$0x1];
	p0 =	sne.s32 s2, $0x0  }
0x4c: {  	s3 =	rddreg [dreg:$0x2];
	[bflag:$0x3] =	sbarrier.arrive $0xFFFF;
	s2 =	simm.s32 @!p0 $0x1C05  }
0x4d: {  	[timem:s3], [sflag:s2] =	dma.local @!p0 [hbm:s0], s1  }
0x4e: {  	s0 =	simm.s32 @!p0 $0x5  }
0x4f: {  	_ =	swait.ge @!p0 [sflag:s0], s1  }
0x50: {  	s1 =	ssub.s32 @!p0 $0x0, s1;
	[sflag:s0] =	ssyncset.done @!p0 $0x0  }
0x51: {  	[sflag:s0] =	ssyncadd.s32 @!p0 s1  }
0x52: {  	[bflag:$0x3] =	sbarrier.arrive $0xFFFF  }
0x53: {  	_ =	shalt  }

// kernel: kernel.37.cloned.1.call-start
scs
__scs_entry_jumppad:
0x0: {  	(pc) =	sbr.rel $0x88, $3  }
0x1: {  	(tag) =	ssettag $0x0;
	lr =	simm.s32 $0x1  }
0x2: {  	[smem:$0x3F73] =	sst lr;
	_ =	strace $0xD0000000  }
0x3: {  	_ = 	snop  }
0x4: {  	_ = 	snop  }
0x5: {  	_ = 	snop  }
0x6: {  	_ = 	snop  }
0x7: {  	_ = 	snop  }
__scs_overlays_trampoline_lowered:
0x8: {  	[smem:$0x3F82] =	sst s0  }
0x9: {  	[smem:$0x3F83] =	sst s1  }
0xa: {  	[smem:$0x3F84] =	sst s2  }
0xb: {  	[smem:$0x3F85] =	sst s3  }
0xc: {  	[smem:$0x3F86] =	sst s4  }
0xd: {  	[smem:$0x3F87] =	sst s5  }
0xe: {  	[smem:$0x3F88] =	sst s6  }
0xf: {  	[smem:$0x3F89] =	sst s7  }
0x10: {  	[smem:$0x3F8A] =	sst s8  }
0x11: {  	[smem:$0x3F8B] =	sst s9;
	s0 =	simm.s32 @!p0 $0x0  }
0x12: {  	s1 =	sld [smem:$0x3F71];
	s0 =	simm.s32 @p0 $0x1  }
0x13: {  	[smem:$0x3F8C] =	sst s0;
	s0 =	simm.s32 @!p1 $0x0  }
0x14: {  	s2 =	sld [smem:$0x3F70];
	s0 =	simm.s32 @p1 $0x1  }
0x15: {  	[smem:$0x3F8D] =	sst s0;
	s0 =	simm.s32 @!p2 $0x0  }
0x16: {  	s3 =	sld [smem:$0x3FDB];
	s0 =	simm.s32 @p2 $0x1  }
0x17: {  	s4 =	simm.s32 $0x1BF5;
	[smem:$0x3F8F] =	sst s0  }
0x18: {  	s0 =	sld [smem:$0x3F72];
	_ =	swait.ge [sflag:s4], $0x0  }
0x19: {  	s7 =	sld [smem:$0x3F73]  }
0x1a: {  	s8 =	sadd.s32 $0xFFFFE003, lr  }
0x1b: {  	s9 =	sadd.s32 $0xFFFFFEF7, lr;
	s5 =	simm.s32 $0xFFFFFFFF;
	p2 =	slt.u32 s8, $0xFFFFF086  }
0x1c: {  	p1 =	slt.u32 s9, $0xF7A;
	s5 =	simm.s32 @!p2 $0x0  }
0x1d: {  	s5 =	simm.s32 @p1 $0x1;
	p0 =	seq.s32 s7, s2  }
0x1e: {  	s7 =	smul.u32 @!p0 $0xF7A, s2;
	p2 =	seq.s32 @!p0 s5, $0x0  }
0x1f: {  	s9 =	smul.u32 $0xF7A, s1;
	s8 =	simm.s32 @!p0 $0x1BF5;
	p2 =	por !p2, p0  }
0x20: {  	[sflag:s8] =	ssyncset.s32 @!p0 $0xFFFFF086;
	s6 =	sadd.s32 @!p0 s3, s7;
	s7 =	simm.s32 @!p0 $0x108  }
0x21: {  	s3 =	sadd.s32 s3, s9;
	s6 =	sadd.s32 @!p0 $0x88, s6;
	s7 =	simm.s32 @p2 $0x1082  }
0x22: {  	[simem:s7], [sflag:s8] =	dma.local @!p0 [hbm:s6], $0xF7A  }
0x23: {  	s9 =	sor.u32 $0xD0000000, s2;
	s6 =	simm.s32 $0x108;
	_ =	swait.ge @!p0 [sflag:s8], $0x0  }
0x24: {  	s3 =	sadd.s32 $0x88, s3;
	s6 =	simm.s32 @!p1 $0x1082;
	[sflag:s4] =	ssyncset.s32 $0xFFFFF086  }
0x25: {  	[simem:s6], [sflag:s4] =	dma.local [hbm:s3], $0xF7A  }
0x26: {  	[smem:$0x3F73] =	sst s1;
	(tag) =	ssettag s2;
	_ =	strace s9  }
0x27: {  	s1 =	sld [smem:$0x3F83]  }
0x28: {  	s2 =	sld [smem:$0x3F84]  }
0x29: {  	s4 =	sld [smem:$0x3F86]  }
0x2a: {  	p0 =	seq.s32 s5, $0x0;
	s5 =	sld [smem:$0x3F87]  }
0x2b: {  	s6 =	sld [smem:$0x3F88]  }
0x2c: {  	s7 =	sld [smem:$0x3F89]  }
0x2d: {  	s3 =	simm.s32 $0x108;
	s8 =	sld [smem:$0x3F8A]  }
0x2e: {  	s3 =	simm.s32 @!p0 $0x1082;
	s9 =	sld [smem:$0x3F8B]  }
0x2f: {  	lr =	sadd.s32 s0, s3;
	s0 =	sld [smem:$0x3F82]  }
0x30: {  	s3 =	sld [smem:$0x3F85]  }
0x31: {  	[smem:$0x3F8E] =	sst s10  }
0x32: {  	s10 =	sld [smem:$0x3F8C];
	_ =	sdelay $0x3  }
0x33: {  	p0 =	seq.s32 s10, $0x1;
	s10 =	sld [smem:$0x3F8E];
	_ =	sdelay $0x3  }
0x34: {  	[smem:$0x3F8E] =	sst s10  }
0x35: {  	s10 =	sld [smem:$0x3F8D];
	_ =	sdelay $0x3  }
0x36: {  	p1 =	seq.s32 s10, $0x1;
	s10 =	sld [smem:$0x3F8E];
	_ =	sdelay $0x3  }
0x37: {  	[smem:$0x3F8E] =	sst s10  }
0x38: {  	s10 =	sld [smem:$0x3F8F]  }
0x39: {  	_ = 	snop;
	(pc) =	sbr.ind lr, $3  }
0x3a: {  	_ = 	snop  }
0x3b: {  	_ = 	snop  }
0x3c: {  	p2 =	seq.s32 s10, $0x1;
	s10 =	sld [smem:$0x3F8E]  }
0x3d: {  	_ =	shalt  }
0x3e: {  	_ =	shalt  }
0x3f: {  	_ =	shalt  }
0x40: {  	_ =	shalt  }
0x41: {  	_ =	shalt  }
0x42: {  	_ =	shalt  }
0x43: {  	_ =	shalt  }
0x44: {  	_ =	shalt  }
0x45: {  	_ =	shalt  }
0x46: {  	_ =	shalt  }
0x47: {  	_ =	shalt  }
0x48: {  	_ =	shalt  }
0x49: {  	_ =	shalt  }
0x4a: {  	_ =	shalt  }
0x4b: {  	_ =	shalt  }
0x4c: {  	_ =	shalt  }
0x4d: {  	_ =	shalt  }
0x4e: {  	_ =	shalt  }
0x4f: {  	_ =	shalt  }
0x50: {  	_ =	shalt  }
0x51: {  	_ =	shalt  }
0x52: {  	_ =	shalt  }
0x53: {  	_ =	shalt  }
0x54: {  	_ =	shalt  }
0x55: {  	_ =	shalt  }
0x56: {  	_ =	shalt  }
0x57: {  	_ =	shalt  }
0x58: {  	_ =	shalt  }
0x59: {  	_ =	shalt  }
0x5a: {  	_ =	shalt  }
0x5b: {  	_ =	shalt  }
0x5c: {  	_ =	shalt  }
0x5d: {  	_ =	shalt  }
0x5e: {  	_ =	shalt  }
0x5f: {  	_ =	shalt  }
0x60: {  	_ =	shalt  }
0x61: {  	_ =	shalt  }
0x62: {  	_ =	shalt  }
0x63: {  	_ =	shalt  }
0x64: {  	_ =	shalt  }
0x65: {  	_ =	shalt  }
0x66: {  	_ =	shalt  }
0x67: {  	_ =	shalt  }
0x68: {  	_ =	shalt  }
0x69: {  	_ =	shalt  }
0x6a: {  	_ =	shalt  }
0x6b: {  	_ =	shalt  }
0x6c: {  	_ =	shalt  }
0x6d: {  	_ =	shalt  }
0x6e: {  	_ =	shalt  }
0x6f: {  	_ =	shalt  }
0x70: {  	_ =	shalt  }
0x71: {  	_ =	shalt  }
0x72: {  	_ =	shalt  }
0x73: {  	_ =	shalt  }
0x74: {  	_ =	shalt  }
0x75: {  	_ =	shalt  }
0x76: {  	_ =	shalt  }
0x77: {  	_ =	shalt  }
0x78: {  	_ =	shalt  }
0x79: {  	_ =	shalt  }
0x7a: {  	_ =	shalt  }
0x7b: {  	_ =	shalt  }
0x7c: {  	_ =	shalt  }
0x7d: {  	_ =	shalt  }
0x7e: {  	_ =	shalt  }
0x7f: {  	_ =	shalt  }
0x80: {  	_ =	shalt  }
0x81: {  	_ =	shalt  }
0x82: {  	_ =	shalt  }
0x83: {  	_ =	shalt  }
0x84: {  	_ =	shalt  }
0x85: {  	_ =	shalt  }
0x86: {  	_ =	shalt  }
0x87: {  	_ =	shalt  }
.Lfunc_end0:
.L_simem_size_0:
called_computation.5_lowered:
.L_overlay_start_0:
0x88: {  	s2 =	sld [smem:$0x3FD9]  }
0x89: {  	s3 =	sld [smem:$0x3FFE];
	_ =	sdelay $0x1  }
0x8a: {  	s1 =	srdreg.scid  }
0x8b: {  	s0 =	sand.u32 $0x1, s1  }
0x8c: {  	s16 =	sshll.u32 s0, $0xA;
	s2 =	sadd.s32 s3, s2  }
0x8d: {  	s2 =	sadd.s32 s2, s16  }
0x8e: {  	[smem:$0x3F9A] =	sst s2  }
0x8f: {  	_ = 	snop  }
0x90: {  	(tm) =	ssettm $0x1  }
0x91: {  	s17 =	sld [smem:$0x3FFB];
	_ =	sdelay $0x3  }
0x92: {  	_ =	strace s17  }
0x93: {  	s2 =	sld [smem:$0x3FFC];
	_ =	sdelay $0x3  }
0x94: {  	_ =	strace s2  }
0x95: {  	s2 =	sld [smem:$0x3FFD];
	_ =	sdelay $0x3  }
0x96: {  	_ =	strace s2  }
0x97: {  	_ =	strace $0x8FFFFFFF  }
0x98: {  	s18 =	sld [smem:$0x3FDB];
	_ =	sdelay $0x1  }
0x99: {  	s19 =	simm.s32 $_scs_section_size  }
0x9a: {  	s4 =	simm.s32 $_size__tile_overlayer_lowered;
	s5 =	simm.s32 $_tile_overlayer_lowered  }
0x9b: {  	s22 =	simm.s32 $0x1BFF;
	s21 =	sshll.u32 s5, $0x1;
	s2 =	sadd.s32 s19, s18  }
0x9c: {  	s6 =	simm.s32 $0x0;
	s20 =	sshll.u32 s4, $0x1;
	s4 =	sadd.s32 s21, s2  }
0x9d: {  	[timem:s6], [sflag:s22] =	dma.local [hbm:s4], s20  }
0x9e: {  	_ =	swait.ge [sflag:s22], s20  }
0x9f: {  	s3 =	ssub.s32 $0x0, s20;
	[sflag:s22] =	ssyncset.done $0x0  }
0xa0: {  	[sflag:s22] =	ssyncadd.s32 s3;
	_ =	sdelay $0x1  }
0xa1: {  	s23 =	simm.s32 $0x1B8B  }
0xa2: {  	_ =	swait.ge [sflag:s23], $0x1  }
0xa3: {  	[sflag:s23] =	ssyncset.done $0x0  }
0xa4: {  	s25 =	simm.s32 $0x1B8E;
	s24 =	sld [smem:$0x3FFE];
	[sflag:s23] =	ssyncadd.s32 $0xFFFFFFFF  }
0xa5: {  	s26 =	simm.s32 $execute0_lowered;
	[smem:$0x3FD2] =	sst s25  }
0xa6: {  	s4 =	sshll.u32 s26, $0x1;
	_ =	strace $0x80000055;
	[dreg:$0x1] =	wrdreg $0xFFFFFFFF  }
0xa7: {  	s28 =	simm.s32 $_size_execute0_lowered;
	s2 =	sadd.s32 s2, s4;
	[dreg:$0x0] =	wrdreg $0x0  }
0xa8: {  	s4 =	sshll.u32 s28, $0x1;
	[dreg:$0x2] =	wrdreg s2  }
0xa9: {  	[dreg:$0x3] =	wrdreg s4  }
0xaa: {  	[dreg:$0x4] =	wrdreg $0xC0  }
0xab: {  	_ =	task [dreg:s6], $0x5FFFF  }
0xac: {  	[dreg:$0x1] =	wrdreg $0xFFFFFFFF  }
0xad: {  	[dreg:$0x0] =	wrdreg $0x60  }
0xae: {  	[dreg:$0x2] =	wrdreg s24  }
0xaf: {  	[dreg:$0x3] =	wrdreg $0x30800  }
0xb0: {  	[dreg:$0x4] =	wrdreg $0x9  }
0xb1: {  	_ =	task.clear_ibuf [dreg:s6], $0x5FFFF;
	_ =	strace $0x90000055  }
0xb2: {  	s29 =	simm.s32 $0x9;
	_ =	strace $0x80000057  }
0xb3: {  	_ =	swait.ge [sflag:s29], $0x1  }
0xb4: {  	[sflag:s29] =	ssyncadd.s32 $0xFFFFFFFF  }
0xb5: {  	_ =	strace $0x90000057  }
0xb6: {  	_ =	sfence  }
0xb7: {  	s30 =	sld [smem:$0x0];
	_ =	sdelay $0x2  }
0xb8: {  	s31 =	sshll.u32 s1, $0xD;
	s1 =	sshrl.u32 s1, $0x2  }
0xb9: {  	s3 =	sand.u32 $0x4000, s31;
	s1 =	sadd.s32 s1, s30  }
0xba: {  	s0 =	sor.u32 s3, s0;
	s1 =	sshll.u32 s1, $0x11  }
0xbb: {  	s0 =	sor.u32 s1, s0  }
0xbc: {  	s0 =	sadd.s32 $0x8F2B, s0  }
0xbd: {  	[sflag:s0] =	ssyncadd.remote.s32 $0x1  }
0xbe: {  	_ =	sfence.sel $0xFFFF  }
0xbf: {  	[dreg:$0x0] =	wrdreg $0xFFFFFFFF;
	(pc) =	sbr.abs _section_cstart, $3  }
0xc0: {  	[dreg:$0x1] =	wrdreg $0xFFFFFFFF  }
0xc1: {  	_ =	task.clear_ibuf [dreg:s6], $0x2FFFF;
	_ =	strace $0x9FFFFFFF  }
0xc2: {  	(tm) =	ssettm $0x7FFFFFFF  }
0xc3: {  	_ =	shalt  }
tec
execute0_lowered:
.L_overlay_start_1:
0x0: {  	(tag) =	ssettag $0x1  }
0x1: {  	s4 =	rddreg [dreg:$0x0];
	s1 =	stileid.u32  }
0x2: {  	s2 =	rddreg [dreg:$0x1];
	s5 =	smul.u32 $0x28800, s1  }
0x3: {  	s0 =	rddreg [dreg:$0x2];
	s6 =	smul.u32 $0x6C0, s1  }
0x4: {  	s7 =	srdreg.scid;
	s13 =	smul.u32 $0x2780, s1  }
0x5: {  	s3 =	simm.s32 $0x0;
	s25 =	sand.u32 $0x1, s7;
	s12 =	smul.u32 $0x4F000, s1  }
0x6: {  	[smem:$0x7FF] =	sst s3;
	s7 =	smul.u32 $0x27800, s25  }
0x7: {  	s29 =	sshll.u32 s1, $0x6;
	_ =	strace $0x80000056;
	s26 =	smul.u32 $0x14400, s25  }
0x8: {  	s9 =	ssub.s32 $0x2, s25;
	s14 =	smul.u32 $0x360, s25;
	s8 =	sadd.s32 s5, s4  }
0x9: {  	s6 =	sadd.s32 s6, s4;
	s10 =	sadd.s32 s13, s4;
	s11 =	sshrl.u32 s9, $0x1  }
0xa: {  	s28 =	sshrl.u32 s12, $0x2;
	s5 =	sor.u32 $0x1C01, s29;
	s12 =	simm.s32 $0x60  }
0xb: {  	s7 =	sadd.s32 s7, s4;
	s9 =	ssub.s32 s9, s11;
	s15 =	sadd.s32 s28, s2  }
0xc: {  	s4 =	sadd.s32 $0x126600, s10;
	s30 =	sadd.s32 s26, s8;
	s31 =	sadd.s32 s14, s6  }
0xd: {  	s10 =	simm.s32 $0x1;
	s11 =	simm.s32 $0x80;
	s14 =	simm.s32 $0x0  }
0xe: {  	s16 =	sadd.s32 $0x33E00, s7;
	s6 =	smax.u32 s9, $0x1;
	s7 =	sadd.s32 $0x913E00, s30  }
0xf: {  	s8 =	sadd.s32 $0x175000, s31;
	s9 =	sshrl.u32 s15, $0x3;
	s13 =	sadd.s32 s13, s16  }
.LBB2_1:
0x10: {  	[spmem:s9], [sflag:s5] =	dma.local [hbm:s4], $0x2780  }
0x11: {  	_ =	swait.ge [sflag:s10], $0x2780  }
0x12: {  	[sflag:s10] =	ssyncset.done $0x0  }
0x13: {  	[sflag:s10] =	ssyncadd.s32 $0xFFFFD880  }
0x14: {  	s15 =	sadd.s32 $0x0, s8;
	[bflag:$0x0] =	sbarrier.arrive $0xFFFF  }
0x15: {  	[tilespmem:s3], [sflag:$0x1] =	stream.linear.gather [hbm4b:s15+s3], $0x80, $0x38;
	[tilespmem:$0x16C80] =	vst v63  }
0x16: {  	_ =	swait.ge [sflag:s10], $0x80  }
0x17: {  	[sflag:s10] =	ssyncset.done $0x0  }
0x18: {  	[sflag:s10] =	ssyncadd.s32 $0xFFFFFF80  }
0x19: {  	[tilespmem:s11], [sflag:$0x1] =	stream.linear.gather [hbm4b:s7+s3], $0x3000, $0x38;
	[tilespmem:$0x16C80] =	vst v63  }
0x1a: {  	_ =	swait.ge [sflag:s10], $0x3000  }
0x1b: {  	[sflag:s10] =	ssyncset.done $0x0  }
0x1c: {  	[sflag:s10] =	ssyncadd.s32 $0xFFFFD000  }
0x1d: {  	[spmem:s2] =	stream.indirect.scatter.add.f32 [tilespmem:s11], [sflag:$0x1], $0x80, s3, s12, $0xb8;
	[tilespmem:$0x16C80] =	vst v63  }
0x1e: {  	s16 =	simm.s32 $0x10;
	_ =	swait.ge [sflag:s10], $0x3000  }
0x1f: {  	s17 =	simm.s32 $0x20;
	s15 =	sadd.s32 $0x600, s7;
	[sflag:s10] =	ssyncset.done $0x0  }
.LBB2_2:
0x20: {  	s18 =	sadd.s32 s16, s8  }
0x21: {  	[sflag:s10] =	ssyncadd.s32 $0xFFFFD000;
	s16 =	smov.u32 s17;
	s19 =	sadd.s32 $0x10, s17  }
0x22: {  	[tilespmem:s3], [sflag:$0x1] =	stream.linear.gather [hbm4b:s18+s3], $0x80, $0x38;
	[tilespmem:$0x16C80] =	vst v63  }
0x23: {  	p0 =	sne.s32 s17, $0x350;
	_ =	swait.ge [sflag:s10], $0x80  }
0x24: {  	[sflag:s10] =	ssyncset.done $0x0  }
0x25: {  	[sflag:s10] =	ssyncadd.s32 $0xFFFFFF80  }
0x26: {  	[tilespmem:s11], [sflag:$0x1] =	stream.linear.gather [hbm4b:s15+s3], $0x3000, $0x38;
	[tilespmem:$0x16C80] =	vst v63  }
0x27: {  	_ =	swait.ge [sflag:s10], $0x3000  }
.Ltmp0:
0x28: {  	[sflag:s10] =	ssyncset.done $0x0;
	(pc) =	sbr.rel @p0 .LBB2_2-.Ltmp0, $4  }
0x29: {  	[sflag:s10] =	ssyncadd.s32 $0xFFFFD000  }
0x2a: {  	[spmem:s2] =	stream.indirect.scatter.add.f32 [tilespmem:s11], [sflag:$0x1], $0x80, s3, s12, $0xb8;
	[tilespmem:$0x16C80] =	vst v63  }
0x2b: {  	_ =	swait.ge [sflag:s10], $0x3000  }
0x2c: {  	s17 =	smov.u32 s19;
	s15 =	sadd.s32 $0x600, s15;
	[sflag:s10] =	ssyncset.done $0x0  }
0x2d: {  	s16 =	sadd.s32 s16, s8;
	[sflag:s10] =	ssyncadd.s32 $0xFFFFD000  }
0x2e: {  	[tilespmem:s3], [sflag:$0x1] =	stream.linear.gather [hbm4b:s16+s3], $0x80, $0x38;
	[tilespmem:$0x16C80] =	vst v63  }
0x2f: {  	_ =	swait.ge [sflag:s10], $0x80  }
0x30: {  	[sflag:s10] =	ssyncset.done $0x0  }
0x31: {  	[sflag:s10] =	ssyncadd.s32 $0xFFFFFF80  }
0x32: {  	[tilespmem:s11], [sflag:$0x1] =	stream.linear.gather [hbm4b:s15+s3], $0x3000, $0x38;
	[tilespmem:$0x16C80] =	vst v63  }
0x33: {  	_ =	swait.ge [sflag:s10], $0x3000  }
0x34: {  	[sflag:s10] =	ssyncset.done $0x0  }
0x35: {  	[sflag:s10] =	ssyncadd.s32 $0xFFFFD000  }
0x36: {  	[spmem:s2] =	stream.indirect.scatter.add.f32 [tilespmem:s11], [sflag:$0x1], $0x80, s3, s12, $0xb8;
	[tilespmem:$0x16C80] =	vst v63  }
0x37: {  	_ =	swait.ge [sflag:s10], $0x3000  }
0x38: {  	s14 =	sadd.s32 $0x1, s14;
	[sflag:s10] =	ssyncset.done $0x0  }
0x39: {  	p0 =	sne.s32 s14, s6;
	[sflag:s10] =	ssyncadd.s32 $0xFFFFD000  }
.Ltmp1:
0x3a: {  	[bflag:$0x0] =	sbarrier.arrive $0xFFFF;
	(pc) =	sbr.rel @p0 .LBB2_1-.Ltmp1, $4  }
0x3b: {  	[hbm:s13], [sflag:s5] =	dma.local [spmem:s9], $0x2780  }
0x3c: {  	_ =	swait.ge [sflag:s10], $0x2780  }
0x3d: {  	[sflag:s10] =	ssyncset.done $0x0  }
0x3e: {  	[sflag:s10] =	ssyncadd.s32 $0xFFFFD880  }
0x3f: {  	_ =	sfence.sel $0x180000  }
0x40: {  	[bflag:$0x0] =	sbarrier.arrive $0xFFFF  }
0x41: {  	p0 =	sne.s32 s1, $0x0;
	_ =	strace $0x90000056  }
0x42: {  	s0 =	sadd.s32 @!p0 $0x100000, s0;
	[bflag:$0x2] =	sbarrier.arrive $0xFFFF  }
0x43: {  	[sflag:s0] =	ssyncadd.tile.s32 @!p0 $0x1;
	_ =	shalt  }
.Lfunc_end2:
_tile_overlayer_lowered:
.L_overlay_start_2:
0x44: {  	(tag) =	ssettag $0x2  }
0x45: {  	s0 =	rddreg [dreg:$0x0];
	s2 =	stileid.u32  }
0x46: {  	s1 =	rddreg [dreg:$0x1];
	p0 =	sne.s32 s2, $0x0  }
0x47: {  	s3 =	rddreg [dreg:$0x2];
	[bflag:$0x3] =	sbarrier.arrive $0xFFFF;
	s2 =	simm.s32 @!p0 $0x1C01  }
0x48: {  	[timem:s3], [sflag:s2] =	dma.local @!p0 [hbm:s0], s1  }
0x49: {  	s0 =	simm.s32 @!p0 $0x1  }
0x4a: {  	_ =	swait.ge @!p0 [sflag:s0], s1  }
0x4b: {  	s1 =	ssub.s32 @!p0 $0x0, s1;
	[sflag:s0] =	ssyncset.done @!p0 $0x0  }
0x4c: {  	[sflag:s0] =	ssyncadd.s32 @!p0 s1  }
0x4d: {  	[bflag:$0x3] =	sbarrier.arrive $0xFFFF  }
0x4e: {  	_ =	shalt  }

// kernel: kernel.40.cloned.1.call-start
scs
__scs_entry_jumppad:
0x0: {  	(pc) =	sbr.rel $0x88, $3  }
0x1: {  	(tag) =	ssettag $0x0;
	lr =	simm.s32 $0x1  }
0x2: {  	[smem:$0x3F73] =	sst lr;
	_ =	strace $0xD0000000  }
0x3: {  	_ = 	snop  }
0x4: {  	_ = 	snop  }
0x5: {  	_ = 	snop  }
0x6: {  	_ = 	snop  }
0x7: {  	_ = 	snop  }
__scs_overlays_trampoline_lowered:
0x8: {  	[smem:$0x3F82] =	sst s0  }
0x9: {  	[smem:$0x3F83] =	sst s1  }
0xa: {  	[smem:$0x3F84] =	sst s2  }
0xb: {  	[smem:$0x3F85] =	sst s3  }
0xc: {  	[smem:$0x3F86] =	sst s4  }
0xd: {  	[smem:$0x3F87] =	sst s5  }
0xe: {  	[smem:$0x3F88] =	sst s6  }
0xf: {  	[smem:$0x3F89] =	sst s7  }
0x10: {  	[smem:$0x3F8A] =	sst s8  }
0x11: {  	[smem:$0x3F8B] =	sst s9;
	s0 =	simm.s32 @!p0 $0x0  }
0x12: {  	s1 =	sld [smem:$0x3F71];
	s0 =	simm.s32 @p0 $0x1  }
0x13: {  	[smem:$0x3F8C] =	sst s0;
	s0 =	simm.s32 @!p1 $0x0  }
0x14: {  	s2 =	sld [smem:$0x3F70];
	s0 =	simm.s32 @p1 $0x1  }
0x15: {  	[smem:$0x3F8D] =	sst s0;
	s0 =	simm.s32 @!p2 $0x0  }
0x16: {  	s3 =	sld [smem:$0x3FDB];
	s0 =	simm.s32 @p2 $0x1  }
0x17: {  	s4 =	simm.s32 $0x1BF5;
	[smem:$0x3F8F] =	sst s0  }
0x18: {  	s0 =	sld [smem:$0x3F72];
	_ =	swait.ge [sflag:s4], $0x0  }
0x19: {  	s7 =	sld [smem:$0x3F73]  }
0x1a: {  	s8 =	sadd.s32 $0xFFFFE003, lr  }
0x1b: {  	s9 =	sadd.s32 $0xFFFFFEF7, lr;
	s5 =	simm.s32 $0xFFFFFFFF;
	p2 =	slt.u32 s8, $0xFFFFF086  }
0x1c: {  	p1 =	slt.u32 s9, $0xF7A;
	s5 =	simm.s32 @!p2 $0x0  }
0x1d: {  	s5 =	simm.s32 @p1 $0x1;
	p0 =	seq.s32 s7, s2  }
0x1e: {  	s7 =	smul.u32 @!p0 $0xF7A, s2;
	p2 =	seq.s32 @!p0 s5, $0x0  }
0x1f: {  	s9 =	smul.u32 $0xF7A, s1;
	s8 =	simm.s32 @!p0 $0x1BF5;
	p2 =	por !p2, p0  }
0x20: {  	[sflag:s8] =	ssyncset.s32 @!p0 $0xFFFFF086;
	s6 =	sadd.s32 @!p0 s3, s7;
	s7 =	simm.s32 @!p0 $0x108  }
0x21: {  	s3 =	sadd.s32 s3, s9;
	s6 =	sadd.s32 @!p0 $0x88, s6;
	s7 =	simm.s32 @p2 $0x1082  }
0x22: {  	[simem:s7], [sflag:s8] =	dma.local @!p0 [hbm:s6], $0xF7A  }
0x23: {  	s9 =	sor.u32 $0xD0000000, s2;
	s6 =	simm.s32 $0x108;
	_ =	swait.ge @!p0 [sflag:s8], $0x0  }
0x24: {  	s3 =	sadd.s32 $0x88, s3;
	s6 =	simm.s32 @!p1 $0x1082;
	[sflag:s4] =	ssyncset.s32 $0xFFFFF086  }
0x25: {  	[simem:s6], [sflag:s4] =	dma.local [hbm:s3], $0xF7A  }
0x26: {  	[smem:$0x3F73] =	sst s1;
	(tag) =	ssettag s2;
	_ =	strace s9  }
0x27: {  	s1 =	sld [smem:$0x3F83]  }
0x28: {  	s2 =	sld [smem:$0x3F84]  }
0x29: {  	s4 =	sld [smem:$0x3F86]  }
0x2a: {  	p0 =	seq.s32 s5, $0x0;
	s5 =	sld [smem:$0x3F87]  }
0x2b: {  	s6 =	sld [smem:$0x3F88]  }
0x2c: {  	s7 =	sld [smem:$0x3F89]  }
0x2d: {  	s3 =	simm.s32 $0x108;
	s8 =	sld [smem:$0x3F8A]  }
0x2e: {  	s3 =	simm.s32 @!p0 $0x1082;
	s9 =	sld [smem:$0x3F8B]  }
0x2f: {  	lr =	sadd.s32 s0, s3;
	s0 =	sld [smem:$0x3F82]  }
0x30: {  	s3 =	sld [smem:$0x3F85]  }
0x31: {  	[smem:$0x3F8E] =	sst s10  }
0x32: {  	s10 =	sld [smem:$0x3F8C];
	_ =	sdelay $0x3  }
0x33: {  	p0 =	seq.s32 s10, $0x1;
	s10 =	sld [smem:$0x3F8E];
	_ =	sdelay $0x3  }
0x34: {  	[smem:$0x3F8E] =	sst s10  }
0x35: {  	s10 =	sld [smem:$0x3F8D];
	_ =	sdelay $0x3  }
0x36: {  	p1 =	seq.s32 s10, $0x1;
	s10 =	sld [smem:$0x3F8E];
	_ =	sdelay $0x3  }
0x37: {  	[smem:$0x3F8E] =	sst s10  }
0x38: {  	s10 =	sld [smem:$0x3F8F]  }
0x39: {  	_ = 	snop;
	(pc) =	sbr.ind lr, $3  }
0x3a: {  	_ = 	snop  }
0x3b: {  	_ = 	snop  }
0x3c: {  	p2 =	seq.s32 s10, $0x1;
	s10 =	sld [smem:$0x3F8E]  }
0x3d: {  	_ =	shalt  }
0x3e: {  	_ =	shalt  }
0x3f: {  	_ =	shalt  }
0x40: {  	_ =	shalt  }
0x41: {  	_ =	shalt  }
0x42: {  	_ =	shalt  }
0x43: {  	_ =	shalt  }
0x44: {  	_ =	shalt  }
0x45: {  	_ =	shalt  }
0x46: {  	_ =	shalt  }
0x47: {  	_ =	shalt  }
0x48: {  	_ =	shalt  }
0x49: {  	_ =	shalt  }
0x4a: {  	_ =	shalt  }
0x4b: {  	_ =	shalt  }
0x4c: {  	_ =	shalt  }
0x4d: {  	_ =	shalt  }
0x4e: {  	_ =	shalt  }
0x4f: {  	_ =	shalt  }
0x50: {  	_ =	shalt  }
0x51: {  	_ =	shalt  }
0x52: {  	_ =	shalt  }
0x53: {  	_ =	shalt  }
0x54: {  	_ =	shalt  }
0x55: {  	_ =	shalt  }
0x56: {  	_ =	shalt  }
0x57: {  	_ =	shalt  }
0x58: {  	_ =	shalt  }
0x59: {  	_ =	shalt  }
0x5a: {  	_ =	shalt  }
0x5b: {  	_ =	shalt  }
0x5c: {  	_ =	shalt  }
0x5d: {  	_ =	shalt  }
0x5e: {  	_ =	shalt  }
0x5f: {  	_ =	shalt  }
0x60: {  	_ =	shalt  }
0x61: {  	_ =	shalt  }
0x62: {  	_ =	shalt  }
0x63: {  	_ =	shalt  }
0x64: {  	_ =	shalt  }
0x65: {  	_ =	shalt  }
0x66: {  	_ =	shalt  }
0x67: {  	_ =	shalt  }
0x68: {  	_ =	shalt  }
0x69: {  	_ =	shalt  }
0x6a: {  	_ =	shalt  }
0x6b: {  	_ =	shalt  }
0x6c: {  	_ =	shalt  }
0x6d: {  	_ =	shalt  }
0x6e: {  	_ =	shalt  }
0x6f: {  	_ =	shalt  }
0x70: {  	_ =	shalt  }
0x71: {  	_ =	shalt  }
0x72: {  	_ =	shalt  }
0x73: {  	_ =	shalt  }
0x74: {  	_ =	shalt  }
0x75: {  	_ =	shalt  }
0x76: {  	_ =	shalt  }
0x77: {  	_ =	shalt  }
0x78: {  	_ =	shalt  }
0x79: {  	_ =	shalt  }
0x7a: {  	_ =	shalt  }
0x7b: {  	_ =	shalt  }
0x7c: {  	_ =	shalt  }
0x7d: {  	_ =	shalt  }
0x7e: {  	_ =	shalt  }
0x7f: {  	_ =	shalt  }
0x80: {  	_ =	shalt  }
0x81: {  	_ =	shalt  }
0x82: {  	_ =	shalt  }
0x83: {  	_ =	shalt  }
0x84: {  	_ =	shalt  }
0x85: {  	_ =	shalt  }
0x86: {  	_ =	shalt  }
0x87: {  	_ =	shalt  }
.Lfunc_end0:
.L_simem_size_0:
called_computation.6_lowered:
.L_overlay_start_0:
0x88: {  	s2 =	sld [smem:$0x3FD9]  }
0x89: {  	s3 =	sld [smem:$0x3FFE];
	_ =	sdelay $0x1  }
0x8a: {  	s1 =	srdreg.scid  }
0x8b: {  	s0 =	sand.u32 $0x1, s1  }
0x8c: {  	s16 =	sshll.u32 s0, $0xA;
	s2 =	sadd.s32 s3, s2  }
0x8d: {  	s2 =	sadd.s32 s2, s16  }
0x8e: {  	[smem:$0x3F9A] =	sst s2  }
0x8f: {  	_ = 	snop  }
0x90: {  	(tm) =	ssettm $0x1  }
0x91: {  	s17 =	sld [smem:$0x3FFB];
	_ =	sdelay $0x3  }
0x92: {  	_ =	strace s17  }
0x93: {  	s2 =	sld [smem:$0x3FFC];
	_ =	sdelay $0x3  }
0x94: {  	_ =	strace s2  }
0x95: {  	s2 =	sld [smem:$0x3FFD];
	_ =	sdelay $0x3  }
0x96: {  	_ =	strace s2  }
0x97: {  	_ =	strace $0x8FFFFFFF  }
0x98: {  	s18 =	sld [smem:$0x3FDB];
	_ =	sdelay $0x1  }
0x99: {  	s19 =	simm.s32 $_scs_section_size  }
0x9a: {  	s4 =	simm.s32 $_size__tile_overlayer_lowered;
	s5 =	simm.s32 $_tile_overlayer_lowered  }
0x9b: {  	s22 =	simm.s32 $0x1BFF;
	s21 =	sshll.u32 s5, $0x1;
	s2 =	sadd.s32 s19, s18  }
0x9c: {  	s6 =	simm.s32 $0x0;
	s20 =	sshll.u32 s4, $0x1;
	s4 =	sadd.s32 s21, s2  }
0x9d: {  	[timem:s6], [sflag:s22] =	dma.local [hbm:s4], s20  }
0x9e: {  	_ =	swait.ge [sflag:s22], s20  }
0x9f: {  	s3 =	ssub.s32 $0x0, s20;
	[sflag:s22] =	ssyncset.done $0x0  }
0xa0: {  	[sflag:s22] =	ssyncadd.s32 s3;
	_ =	sdelay $0x1  }
0xa1: {  	s23 =	simm.s32 $0x1B8B  }
0xa2: {  	_ =	swait.ge [sflag:s23], $0x1  }
0xa3: {  	[sflag:s23] =	ssyncset.done $0x0  }
0xa4: {  	s25 =	simm.s32 $0x1B8E;
	s24 =	sld [smem:$0x3FFE];
	[sflag:s23] =	ssyncadd.s32 $0xFFFFFFFF  }
0xa5: {  	s26 =	simm.s32 $execute0_lowered;
	[smem:$0x3FD2] =	sst s25  }
0xa6: {  	s4 =	sshll.u32 s26, $0x1;
	_ =	strace $0x80000058;
	[dreg:$0x1] =	wrdreg $0xFFFFFFFF  }
0xa7: {  	s28 =	simm.s32 $_size_execute0_lowered;
	s2 =	sadd.s32 s2, s4;
	[dreg:$0x0] =	wrdreg $0x0  }
0xa8: {  	s4 =	sshll.u32 s28, $0x1;
	[dreg:$0x2] =	wrdreg s2  }
0xa9: {  	[dreg:$0x3] =	wrdreg s4  }
0xaa: {  	[dreg:$0x4] =	wrdreg $0xC0  }
0xab: {  	_ =	task [dreg:s6], $0x5FFFF  }
0xac: {  	[dreg:$0x1] =	wrdreg $0xFFFFFFFF  }
0xad: {  	[dreg:$0x0] =	wrdreg $0x60  }
0xae: {  	[dreg:$0x2] =	wrdreg s24  }
0xaf: {  	[dreg:$0x3] =	wrdreg $0x9  }
0xb0: {  	_ =	task.clear_ibuf [dreg:s6], $0x4FFFF;
	_ =	strace $0x90000058  }
0xb1: {  	s29 =	simm.s32 $0x9;
	_ =	strace $0x8000005A  }
0xb2: {  	_ =	swait.ge [sflag:s29], $0x1  }
0xb3: {  	[sflag:s29] =	ssyncadd.s32 $0xFFFFFFFF  }
0xb4: {  	_ =	strace $0x9000005A  }
0xb5: {  	_ =	sfence  }
0xb6: {  	s30 =	sld [smem:$0x0];
	_ =	sdelay $0x2  }
0xb7: {  	s31 =	sshll.u32 s1, $0xD;
	s1 =	sshrl.u32 s1, $0x2  }
0xb8: {  	s3 =	sand.u32 $0x4000, s31;
	s1 =	sadd.s32 s1, s30  }
0xb9: {  	s0 =	sor.u32 s3, s0;
	s1 =	sshll.u32 s1, $0x11  }
0xba: {  	s0 =	sor.u32 s1, s0  }
0xbb: {  	s0 =	sadd.s32 $0x8F2B, s0  }
0xbc: {  	[sflag:s0] =	ssyncadd.remote.s32 $0x1  }
0xbd: {  	_ =	sfence.sel $0xFFFF  }
0xbe: {  	[dreg:$0x0] =	wrdreg $0xFFFFFFFF;
	(pc) =	sbr.abs _section_cstart, $3  }
0xbf: {  	[dreg:$0x1] =	wrdreg $0xFFFFFFFF  }
0xc0: {  	_ =	task.clear_ibuf [dreg:s6], $0x2FFFF;
	_ =	strace $0x9FFFFFFF  }
0xc1: {  	(tm) =	ssettm $0x7FFFFFFF  }
tec
execute0_lowered:
.L_overlay_start_1:
0x0: {  	(tag) =	ssettag $0x1  }
0x1: {  	s0 =	srdreg.scid  }
0x2: {  	s7 =	stileid.u32;
	s1 =	rddreg [dreg:$0x0]  }
0x3: {  	s2 =	simm.s32 $0x0;
	s31 =	simm.s32 $0x3800;
	s11 =	simm.s32 $0x4000  }
0x4: {  	s12 =	simm.s32 $0x4800;
	s10 =	simm.s32 $0x5000;
	s13 =	simm.s32 $0x5800  }
0x5: {  	s14 =	simm.s32 $0x6000;
	s15 =	simm.s32 $0x6800;
	s16 =	simm.s32 $0x7000  }
0x6: {  	s17 =	simm.s32 $0x7800;
	s18 =	simm.s32 $0x8000;
	s19 =	simm.s32 $0x8800  }
0x7: {  	s20 =	simm.s32 $0x9000;
	s21 =	simm.s32 $0x9800;
	s22 =	simm.s32 $0xA000  }
0x8: {  	s23 =	simm.s32 $0xA800;
	s28 =	simm.s32 $0xC800;
	s29 =	simm.s32 $0xD000  }
0x9: {  	s0 =	sand.u32 $0x1, s0;
	s3 =	sshll.u32 s7, $0x1;
	s7 =	smul.u32 $0x9F000, s7  }
0xa: {  	s3 =	sor.u32 s0, s3;
	s6 =	ssub.s32 $0x2, s0;
	s0 =	smul.u32 $0x4F800, s0  }
0xb: {  	[smem:$0x7FF] =	sst s2;
	s8 =	sadd.s32 $0x913E00, s1;
	s4 =	smul.u32 $0x700, s3  }
0xc: {  	s30 =	simm.s32 $0xD800;
	_ =	strace $0x80000059;
	s5 =	smul.u32 $0x4F800, s3  }
0xd: {  	s3 =	sadd.s32 $0xCC00, s1;
	s9 =	sshrl.u32 s6, $0x1;
	s25 =	sadd.s32 s7, s8  }
0xe: {  	s7 =	simm.s32 $0x2;
	s24 =	ssub.s32 s6, s9;
	s0 =	sadd.s32 s0, s25  }
0xf: {  	s25 =	simm.s32 $0xB800;
	s9 =	simm.s32 $0xF000;
	s6 =	simm.s32 $0x3  }
0x10: {  	s1 =	sadd.s32 s4, s1;
	s4 =	smax.u32 s24, $0x1;
	[dreg:$0x2] =	wrdreg s0  }
0x11: {  	s26 =	sadd.s32 s8, s5;
	s24 =	simm.s32 $0xB000;
	[dreg:$0x5] =	wrdreg s4  }
0x12: {  	s0 =	simm.s32 $0xE800;
	s8 =	simm.s32 $0x0;
	[dreg:$0x4] =	wrdreg s26  }
0x13: {  	v2 =	vlaneseq.u32;
	s5 =	simm.s32 $0x4;
	s1 =	sadd.s32 $0x19CE00, s1;
	[dreg:$0x7] =	wrdreg s8  }
0x14: {  	vm0 =	vmmov $0xffff;
	v1 =	vshrl.u32 v2, $0x3;
	s4 =	simm.s32 $0x1;
	[dreg:$0x3] =	wrdreg s1;
	s1 =	sadd.s32 $0x4EC00, s26  }
0x15: {  	v0 =	vand.u32 $0x7, v2;
	v2 =	vor.u32 $0x8, v2;
	v1 =	vmul.u32 $0x8, v1;
	s26 =	simm.s32 $0xC000;
	[dreg:$0x6] =	wrdreg s1;
	s1 =	simm.s32 $0xE000  }
.LBB2_1:
0x16: {  	s8 =	rddreg [dreg:$0x3]  }
0x17: {  	[tilespmem:s2], [sflag:$0x5] =	stream.linear.gather [hbm4b:s8+s2], $0x3500, $0x38;
	[tilespmem:$0xF800] =	vst v63  }
0x18: {  	s8 =	simm.s32 $0x5  }
0x19: {  	_ =	swait.ge [sflag:s8], $0x3500  }
0x1a: {  	[sflag:s8] =	ssyncset.done $0x0  }
0x1b: {  	[sflag:s8] =	ssyncadd.s32 $0xFFFFCB00  }
0x1c: {  	v3 =	vld [tilespmem:$0x0];
	_ =	sdelay $0x4  }
0x1d: {  	v4 =	vshll.u32 v3, $0x1  }
0x1e: {  	v3 =	vand.u32 $0x7, v3;
	v4 =	vand.u32 $0xFFFFFFF0, v4  }
0x1f: {  	v3 =	vor.u32 v3, v4  }
0x20: {  	v4 =	vperm.xlane v3, v0;
	_ =	sdelay $0x1  }
0x21: {  	v3 =	vperm.xlane v3, v2;
	v4 =	vadd.s32 v1, v4;
	_ =	sdelay $0x1  }
0x22: {  	v3 =	vadd.s32 v1, v3;
	_ =	sdelay $0x2  }
0x23: {  	[tilespmem:s31], [sflag:$0x1] =	stream.indirect_vreg.gather [hbm4b:s3+s2], $0x80, v4, vm0, $0xb8;
	[tilespmem:$0xF800] =	vst v63  }
0x24: {  	_ = 	snop  }
0x25: {  	[tilespmem:s11], [sflag:$0x1] =	stream.indirect_vreg.gather [hbm4b:s3+s2], $0x80, v3, vm0, $0xb8;
	[tilespmem:$0xF800] =	vst v63  }
0x26: {  	v3 =	vld [tilespmem:$0x10];
	_ =	sdelay $0x4  }
0x27: {  	v53 =	vshll.u32 v3, $0x1  }
0x28: {  	v3 =	vand.u32 $0x7, v3;
	v4 =	vand.u32 $0xFFFFFFF0, v53  }
0x29: {  	v3 =	vor.u32 v3, v4  }
0x2a: {  	v4 =	vperm.xlane v3, v0;
	_ =	sdelay $0x1  }
0x2b: {  	v3 =	vperm.xlane v3, v2;
	v4 =	vadd.s32 v1, v4;
	_ =	sdelay $0x1  }
0x2c: {  	v3 =	vadd.s32 v1, v3;
	_ =	sdelay $0x2  }
0x2d: {  	[tilespmem:s12], [sflag:$0x1] =	stream.indirect_vreg.gather [hbm4b:s3+s2], $0x80, v4, vm0, $0xb8;
	[tilespmem:$0xF800] =	vst v63  }
0x2e: {  	_ = 	snop  }
0x2f: {  	[tilespmem:s10], [sflag:$0x1] =	stream.indirect_vreg.gather [hbm4b:s3+s2], $0x80, v3, vm0, $0xb8;
	[tilespmem:$0xF800] =	vst v63  }
0x30: {  	v3 =	vld [tilespmem:$0x20];
	_ =	sdelay $0x4  }
0x31: {  	v54 =	vshll.u32 v3, $0x1  }
0x32: {  	v3 =	vand.u32 $0x7, v3;
	v4 =	vand.u32 $0xFFFFFFF0, v54  }
0x33: {  	v3 =	vor.u32 v3, v4  }
0x34: {  	v4 =	vperm.xlane v3, v0;
	_ =	sdelay $0x1  }
0x35: {  	v3 =	vperm.xlane v3, v2;
	v4 =	vadd.s32 v1, v4;
	_ =	sdelay $0x1  }
0x36: {  	v3 =	vadd.s32 v1, v3;
	_ =	sdelay $0x2  }
0x37: {  	[tilespmem:s13], [sflag:$0x1] =	stream.indirect_vreg.gather [hbm4b:s3+s2], $0x80, v4, vm0, $0xb8;
	[tilespmem:$0xF800] =	vst v63  }
0x38: {  	_ = 	snop  }
0x39: {  	[tilespmem:s14], [sflag:$0x1] =	stream.indirect_vreg.gather [hbm4b:s3+s2], $0x80, v3, vm0, $0xb8;
	[tilespmem:$0xF800] =	vst v63  }
0x3a: {  	v3 =	vld [tilespmem:$0x30];
	_ =	sdelay $0x4  }
0x3b: {  	v55 =	vshll.u32 v3, $0x1  }
0x3c: {  	v3 =	vand.u32 $0x7, v3;
	v4 =	vand.u32 $0xFFFFFFF0, v55  }
0x3d: {  	v3 =	vor.u32 v3, v4  }
0x3e: {  	v4 =	vperm.xlane v3, v0;
	_ =	sdelay $0x1  }
0x3f: {  	v3 =	vperm.xlane v3, v2;
	v4 =	vadd.s32 v1, v4;
	_ =	sdelay $0x1  }
0x40: {  	v3 =	vadd.s32 v1, v3;
	_ =	sdelay $0x2  }
0x41: {  	[tilespmem:s15], [sflag:$0x1] =	stream.indirect_vreg.gather [hbm4b:s3+s2], $0x80, v4, vm0, $0xb8;
	[tilespmem:$0xF800] =	vst v63  }
0x42: {  	_ = 	snop  }
0x43: {  	[tilespmem:s16], [sflag:$0x1] =	stream.indirect_vreg.gather [hbm4b:s3+s2], $0x80, v3, vm0, $0xb8;
	[tilespmem:$0xF800] =	vst v63  }
0x44: {  	v3 =	vld [tilespmem:$0x40];
	_ =	sdelay $0x4  }
0x45: {  	v56 =	vshll.u32 v3, $0x1  }
0x46: {  	v3 =	vand.u32 $0x7, v3;
	v4 =	vand.u32 $0xFFFFFFF0, v56  }
0x47: {  	v3 =	vor.u32 v3, v4  }
0x48: {  	v4 =	vperm.xlane v3, v0;
	_ =	sdelay $0x1  }
0x49: {  	v3 =	vperm.xlane v3, v2;
	v4 =	vadd.s32 v1, v4;
	_ =	sdelay $0x1  }
0x4a: {  	v3 =	vadd.s32 v1, v3;
	_ =	sdelay $0x2  }
0x4b: {  	[tilespmem:s17], [sflag:$0x1] =	stream.indirect_vreg.gather [hbm4b:s3+s2], $0x80, v4, vm0, $0xb8;
	[tilespmem:$0xF800] =	vst v63  }
0x4c: {  	_ = 	snop  }
0x4d: {  	[tilespmem:s18], [sflag:$0x1] =	stream.indirect_vreg.gather [hbm4b:s3+s2], $0x80, v3, vm0, $0xb8;
	[tilespmem:$0xF800] =	vst v63  }
0x4e: {  	v3 =	vld [tilespmem:$0x50];
	_ =	sdelay $0x4  }
0x4f: {  	v57 =	vshll.u32 v3, $0x1  }
0x50: {  	v3 =	vand.u32 $0x7, v3;
	v4 =	vand.u32 $0xFFFFFFF0, v57  }
0x51: {  	v3 =	vor.u32 v3, v4  }
0x52: {  	v4 =	vperm.xlane v3, v0;
	_ =	sdelay $0x1  }
0x53: {  	v3 =	vperm.xlane v3, v2;
	v4 =	vadd.s32 v1, v4;
	_ =	sdelay $0x1  }
0x54: {  	v3 =	vadd.s32 v1, v3;
	_ =	sdelay $0x2  }
0x55: {  	[tilespmem:s19], [sflag:$0x1] =	stream.indirect_vreg.gather [hbm4b:s3+s2], $0x80, v4, vm0, $0xb8;
	[tilespmem:$0xF800] =	vst v63  }
0x56: {  	_ = 	snop  }
0x57: {  	[tilespmem:s20], [sflag:$0x1] =	stream.indirect_vreg.gather [hbm4b:s3+s2], $0x80, v3, vm0, $0xb8;
	[tilespmem:$0xF800] =	vst v63  }
0x58: {  	v3 =	vld [tilespmem:$0x80];
	_ =	sdelay $0x4  }
0x59: {  	v58 =	vshll.u32 v3, $0x1  }
0x5a: {  	v3 =	vand.u32 $0x7, v3;
	v4 =	vand.u32 $0xFFFFFFF0, v58  }
0x5b: {  	v3 =	vor.u32 v3, v4  }
0x5c: {  	v4 =	vperm.xlane v3, v0;
	_ =	sdelay $0x1  }
0x5d: {  	v3 =	vperm.xlane v3, v2;
	v4 =	vadd.s32 v1, v4;
	_ =	sdelay $0x1  }
0x5e: {  	v3 =	vadd.s32 v1, v3;
	_ =	sdelay $0x2  }
0x5f: {  	[tilespmem:s21], [sflag:$0x2] =	stream.indirect_vreg.gather [hbm4b:s3+s2], $0x80, v4, vm0, $0xb8;
	[tilespmem:$0xF800] =	vst v63  }
0x60: {  	_ = 	snop  }
0x61: {  	[tilespmem:s22], [sflag:$0x2] =	stream.indirect_vreg.gather [hbm4b:s3+s2], $0x80, v3, vm0, $0xb8;
	[tilespmem:$0xF800] =	vst v63  }
0x62: {  	v3 =	vld [tilespmem:$0x90];
	_ =	sdelay $0x4  }
0x63: {  	v59 =	vshll.u32 v3, $0x1  }
0x64: {  	v3 =	vand.u32 $0x7, v3;
	v4 =	vand.u32 $0xFFFFFFF0, v59  }
0x65: {  	v3 =	vor.u32 v3, v4  }
0x66: {  	v4 =	vperm.xlane v3, v0;
	_ =	sdelay $0x1  }
0x67: {  	v3 =	vperm.xlane v3, v2;
	v4 =	vadd.s32 v1, v4;
	_ =	sdelay $0x1  }
0x68: {  	v3 =	vadd.s32 v1, v3;
	_ =	sdelay $0x2  }
0x69: {  	[tilespmem:s23], [sflag:$0x2] =	stream.indirect_vreg.gather [hbm4b:s3+s2], $0x80, v4, vm0, $0xb8;
	[tilespmem:$0xF800] =	vst v63  }
0x6a: {  	_ = 	snop  }
0x6b: {  	[tilespmem:s24], [sflag:$0x2] =	stream.indirect_vreg.gather [hbm4b:s3+s2], $0x80, v3, vm0, $0xb8;
	[tilespmem:$0xF800] =	vst v63  }
0x6c: {  	v3 =	vld [tilespmem:$0xA0];
	_ =	sdelay $0x4  }
0x6d: {  	v60 =	vshll.u32 v3, $0x1  }
0x6e: {  	v3 =	vand.u32 $0x7, v3;
	v4 =	vand.u32 $0xFFFFFFF0, v60  }
0x6f: {  	v3 =	vor.u32 v3, v4  }
0x70: {  	v4 =	vperm.xlane v3, v0;
	_ =	sdelay $0x1  }
0x71: {  	v3 =	vperm.xlane v3, v2;
	v4 =	vadd.s32 v1, v4;
	_ =	sdelay $0x1  }
0x72: {  	v3 =	vadd.s32 v1, v3;
	_ =	sdelay $0x2  }
0x73: {  	[tilespmem:s25], [sflag:$0x2] =	stream.indirect_vreg.gather [hbm4b:s3+s2], $0x80, v4, vm0, $0xb8;
	[tilespmem:$0xF800] =	vst v63  }
0x74: {  	_ = 	snop  }
0x75: {  	[tilespmem:s26], [sflag:$0x2] =	stream.indirect_vreg.gather [hbm4b:s3+s2], $0x80, v3, vm0, $0xb8;
	[tilespmem:$0xF800] =	vst v63  }
0x76: {  	v3 =	vld [tilespmem:$0xB0];
	_ =	sdelay $0x4  }
0x77: {  	v61 =	vshll.u32 v3, $0x1  }
0x78: {  	v3 =	vand.u32 $0x7, v3;
	v4 =	vand.u32 $0xFFFFFFF0, v61  }
0x79: {  	v3 =	vor.u32 v3, v4  }
0x7a: {  	v4 =	vperm.xlane v3, v0;
	_ =	sdelay $0x1  }
0x7b: {  	v3 =	vperm.xlane v3, v2;
	v4 =	vadd.s32 v1, v4;
	_ =	sdelay $0x1  }
0x7c: {  	v3 =	vadd.s32 v1, v3;
	_ =	sdelay $0x2  }
0x7d: {  	[tilespmem:s28], [sflag:$0x2] =	stream.indirect_vreg.gather [hbm4b:s3+s2], $0x80, v4, vm0, $0xb8;
	[tilespmem:$0xF800] =	vst v63  }
0x7e: {  	_ = 	snop  }
0x7f: {  	[tilespmem:s29], [sflag:$0x2] =	stream.indirect_vreg.gather [hbm4b:s3+s2], $0x80, v3, vm0, $0xb8;
	[tilespmem:$0xF800] =	vst v63  }
0x80: {  	v3 =	vld [tilespmem:$0xC0];
	_ =	sdelay $0x4  }
0x81: {  	v62 =	vshll.u32 v3, $0x1  }
0x82: {  	v3 =	vand.u32 $0x7, v3;
	v4 =	vand.u32 $0xFFFFFFF0, v62  }
0x83: {  	v3 =	vor.u32 v3, v4  }
0x84: {  	v4 =	vperm.xlane v3, v0;
	_ =	sdelay $0x1  }
0x85: {  	v3 =	vperm.xlane v3, v2;
	v4 =	vadd.s32 v1, v4;
	_ =	sdelay $0x1  }
0x86: {  	v3 =	vadd.s32 v1, v3;
	_ =	sdelay $0x2  }
0x87: {  	[tilespmem:s30], [sflag:$0x2] =	stream.indirect_vreg.gather [hbm4b:s3+s2], $0x80, v4, vm0, $0xb8;
	[tilespmem:$0xF800] =	vst v63  }
0x88: {  	_ = 	snop  }
0x89: {  	[tilespmem:s1], [sflag:$0x2] =	stream.indirect_vreg.gather [hbm4b:s3+s2], $0x80, v3, vm0, $0xb8;
	[tilespmem:$0xF800] =	vst v63  }
0x8a: {  	v3 =	vld [tilespmem:$0xD0];
	_ =	sdelay $0x4  }
0x8b: {  	v63 =	vshll.u32 v3, $0x1  }
0x8c: {  	v3 =	vand.u32 $0x7, v3;
	v4 =	vand.u32 $0xFFFFFFF0, v63  }
0x8d: {  	v3 =	vor.u32 v3, v4  }
0x8e: {  	v4 =	vperm.xlane v3, v0;
	_ =	sdelay $0x1  }
0x8f: {  	v3 =	vperm.xlane v3, v2;
	v4 =	vadd.s32 v1, v4  }
0x90: {  	s8 =	simm.s32 $0xFFFB2000  }
0x91: {  	s10 =	simm.s32 $0x1D0;
	s13 =	simm.s32 $0x5000;
	s15 =	simm.s32 $0x6000;
	v3 =	vadd.s32 v1, v3  }
0x92: {  	s16 =	simm.s32 $0x6800;
	s17 =	simm.s32 $0x7000;
	s18 =	simm.s32 $0x7800  }
0x93: {  	s19 =	simm.s32 $0x8000;
	s20 =	simm.s32 $0x8800;
	s22 =	simm.s32 $0x9000  }
0x94: {  	[tilespmem:s0], [sflag:$0x2] =	stream.indirect_vreg.gather [hbm4b:s3+s2], $0x80, v4, vm0, $0xb8;
	[tilespmem:$0xF800] =	vst v63  }
0x95: {  	s23 =	simm.s32 $0xA000;
	s24 =	simm.s32 $0xA800;
	s25 =	simm.s32 $0xB000  }
0x96: {  	[tilespmem:s9], [sflag:$0x2] =	stream.indirect_vreg.gather [hbm4b:s3+s2], $0x80, v3, vm0, $0xb8;
	[tilespmem:$0xF800] =	vst v63  }
0x97: {  	s28 =	simm.s32 $0xC000;
	s29 =	simm.s32 $0xC800;
	_ =	swait.ge [sflag:s4], $0x6000  }
0x98: {  	s30 =	simm.s32 $0xD000;
	s1 =	simm.s32 $0x3800;
	[sflag:s4] =	ssyncset.done $0x0  }
0x99: {  	s0 =	simm.s32 $0xE800;
	s26 =	rddreg [dreg:$0x4];
	[sflag:s4] =	ssyncadd.s32 $0xFFFFA000  }
0x9a: {  	[hbm4b:s26+s2] =	stream.linear.scatter [tilespmem:s31], [sflag:$0x3], $0x6000, $0x38;
	[tilespmem:$0xF800] =	vst v63  }
0x9b: {  	s9 =	simm.s32 $0xF000;
	s31 =	simm.s32 $0xD800;
	s26 =	simm.s32 $0xB800  }
.LBB2_2:
0x9c: {  	_ =	swait.ge [sflag:s6], $0x6000  }
0x9d: {  	[sflag:s6] =	ssyncset.done $0x0  }
0x9e: {  	[sflag:s6] =	ssyncadd.s32 $0xFFFFA000  }
0x9f: {  	v3 =	vld [tilespmem:s10+$0xFFFFFF30];
	_ =	sdelay $0x4  }
0xa0: {  	v4 =	vshll.u32 v3, $0x1  }
0xa1: {  	v3 =	vand.u32 $0x7, v3;
	v4 =	vand.u32 $0xFFFFFFF0, v4  }
0xa2: {  	v3 =	vor.u32 v3, v4  }
0xa3: {  	v4 =	vperm.xlane v3, v0;
	_ =	sdelay $0x1  }
0xa4: {  	v3 =	vperm.xlane v3, v2;
	v4 =	vadd.s32 v1, v4;
	_ =	sdelay $0x1  }
0xa5: {  	v3 =	vadd.s32 v1, v3;
	_ =	sdelay $0x2  }
0xa6: {  	[tilespmem:s1], [sflag:$0x1] =	stream.indirect_vreg.gather [hbm4b:s3+s2], $0x80, v4, vm0, $0xb8;
	[tilespmem:$0xF800] =	vst v63  }
0xa7: {  	_ = 	snop  }
0xa8: {  	[tilespmem:s11], [sflag:$0x1] =	stream.indirect_vreg.gather [hbm4b:s3+s2], $0x80, v3, vm0, $0xb8;
	[tilespmem:$0xF800] =	vst v63  }
0xa9: {  	v3 =	vld [tilespmem:s10+$0xFFFFFF40];
	_ =	sdelay $0x4  }
0xaa: {  	v53 =	vshll.u32 v3, $0x1  }
0xab: {  	v3 =	vand.u32 $0x7, v3;
	v4 =	vand.u32 $0xFFFFFFF0, v53  }
0xac: {  	v3 =	vor.u32 v3, v4  }
0xad: {  	v4 =	vperm.xlane v3, v0;
	_ =	sdelay $0x1  }
0xae: {  	v3 =	vperm.xlane v3, v2;
	v4 =	vadd.s32 v1, v4;
	_ =	sdelay $0x1  }
0xaf: {  	v3 =	vadd.s32 v1, v3;
	_ =	sdelay $0x2  }
0xb0: {  	[tilespmem:s12], [sflag:$0x1] =	stream.indirect_vreg.gather [hbm4b:s3+s2], $0x80, v4, vm0, $0xb8;
	[tilespmem:$0xF800] =	vst v63  }
0xb1: {  	_ = 	snop  }
0xb2: {  	[tilespmem:s13], [sflag:$0x1] =	stream.indirect_vreg.gather [hbm4b:s3+s2], $0x80, v3, vm0, $0xb8;
	[tilespmem:$0xF800] =	vst v63  }
0xb3: {  	v3 =	vld [tilespmem:s10+$0xFFFFFF50];
	_ =	sdelay $0x4  }
0xb4: {  	v54 =	vshll.u32 v3, $0x1  }
0xb5: {  	v3 =	vand.u32 $0x7, v3;
	v4 =	vand.u32 $0xFFFFFFF0, v54  }
0xb6: {  	v3 =	vor.u32 v3, v4  }
0xb7: {  	v4 =	vperm.xlane v3, v0;
	_ =	sdelay $0x1  }
0xb8: {  	v3 =	vperm.xlane v3, v2;
	v4 =	vadd.s32 v1, v4;
	_ =	sdelay $0x1  }
0xb9: {  	v3 =	vadd.s32 v1, v3;
	_ =	sdelay $0x1  }
0xba: {  	s14 =	simm.s32 $0x5800  }
0xbb: {  	[tilespmem:s14], [sflag:$0x1] =	stream.indirect_vreg.gather [hbm4b:s3+s2], $0x80, v4, vm0, $0xb8;
	[tilespmem:$0xF800] =	vst v63  }
0xbc: {  	_ = 	snop  }
0xbd: {  	[tilespmem:s15], [sflag:$0x1] =	stream.indirect_vreg.gather [hbm4b:s3+s2], $0x80, v3, vm0, $0xb8;
	[tilespmem:$0xF800] =	vst v63  }
0xbe: {  	v3 =	vld [tilespmem:s10+$0xFFFFFF60];
	_ =	sdelay $0x4  }
0xbf: {  	v55 =	vshll.u32 v3, $0x1  }
0xc0: {  	v3 =	vand.u32 $0x7, v3;
	v4 =	vand.u32 $0xFFFFFFF0, v55  }
0xc1: {  	v3 =	vor.u32 v3, v4  }
0xc2: {  	v4 =	vperm.xlane v3, v0;
	_ =	sdelay $0x1  }
0xc3: {  	v3 =	vperm.xlane v3, v2;
	v4 =	vadd.s32 v1, v4;
	_ =	sdelay $0x1  }
0xc4: {  	v3 =	vadd.s32 v1, v3;
	_ =	sdelay $0x2  }
0xc5: {  	[tilespmem:s16], [sflag:$0x1] =	stream.indirect_vreg.gather [hbm4b:s3+s2], $0x80, v4, vm0, $0xb8;
	[tilespmem:$0xF800] =	vst v63  }
0xc6: {  	_ = 	snop  }
0xc7: {  	[tilespmem:s17], [sflag:$0x1] =	stream.indirect_vreg.gather [hbm4b:s3+s2], $0x80, v3, vm0, $0xb8;
	[tilespmem:$0xF800] =	vst v63  }
0xc8: {  	v3 =	vld [tilespmem:s10+$0xFFFFFF70];
	_ =	sdelay $0x4  }
0xc9: {  	v56 =	vshll.u32 v3, $0x1  }
0xca: {  	v3 =	vand.u32 $0x7, v3;
	v4 =	vand.u32 $0xFFFFFFF0, v56  }
0xcb: {  	v3 =	vor.u32 v3, v4  }
0xcc: {  	v4 =	vperm.xlane v3, v0;
	_ =	sdelay $0x1  }
0xcd: {  	v3 =	vperm.xlane v3, v2;
	v4 =	vadd.s32 v1, v4;
	_ =	sdelay $0x1  }
0xce: {  	v3 =	vadd.s32 v1, v3;
	_ =	sdelay $0x2  }
0xcf: {  	[tilespmem:s18], [sflag:$0x1] =	stream.indirect_vreg.gather [hbm4b:s3+s2], $0x80, v4, vm0, $0xb8;
	[tilespmem:$0xF800] =	vst v63  }
0xd0: {  	_ = 	snop  }
0xd1: {  	[tilespmem:s19], [sflag:$0x1] =	stream.indirect_vreg.gather [hbm4b:s3+s2], $0x80, v3, vm0, $0xb8;
	[tilespmem:$0xF800] =	vst v63  }
0xd2: {  	v3 =	vld [tilespmem:s10+$0xFFFFFF80];
	_ =	sdelay $0x4  }
0xd3: {  	v57 =	vshll.u32 v3, $0x1  }
0xd4: {  	v3 =	vand.u32 $0x7, v3;
	v4 =	vand.u32 $0xFFFFFFF0, v57  }
0xd5: {  	v3 =	vor.u32 v3, v4  }
0xd6: {  	v4 =	vperm.xlane v3, v0;
	_ =	sdelay $0x1  }
0xd7: {  	v3 =	vperm.xlane v3, v2;
	v4 =	vadd.s32 v1, v4;
	_ =	sdelay $0x1  }
0xd8: {  	v3 =	vadd.s32 v1, v3;
	_ =	sdelay $0x2  }
0xd9: {  	[tilespmem:s20], [sflag:$0x1] =	stream.indirect_vreg.gather [hbm4b:s3+s2], $0x80, v4, vm0, $0xb8;
	[tilespmem:$0xF800] =	vst v63  }
0xda: {  	_ = 	snop  }
0xdb: {  	[tilespmem:s22], [sflag:$0x1] =	stream.indirect_vreg.gather [hbm4b:s3+s2], $0x80, v3, vm0, $0xb8;
	[tilespmem:$0xF800] =	vst v63  }
0xdc: {  	_ =	swait.ge [sflag:s7], $0x6000  }
0xdd: {  	s12 =	rddreg [dreg:$0x2]  }
0xde: {  	[sflag:s7] =	ssyncset.done $0x0;
	s11 =	sadd.s32 s8, s12  }
0xdf: {  	[sflag:s7] =	ssyncadd.s32 $0xFFFFA000;
	s14 =	sadd.s32 $0x4EC00, s11  }
0xe0: {  	[hbm4b:s14+s2] =	stream.linear.scatter [tilespmem:s21], [sflag:$0x4], $0x6000, $0x38;
	[tilespmem:$0xF800] =	vst v63  }
0xe1: {  	_ =	swait.ge [sflag:s5], $0x6000  }
0xe2: {  	[sflag:s5] =	ssyncset.done $0x0  }
0xe3: {  	[sflag:s5] =	ssyncadd.s32 $0xFFFFA000  }
0xe4: {  	v3 =	vld [tilespmem:s10+$0xFFFFFFB0];
	_ =	sdelay $0x4  }
0xe5: {  	v58 =	vshll.u32 v3, $0x1  }
0xe6: {  	v3 =	vand.u32 $0x7, v3;
	v4 =	vand.u32 $0xFFFFFFF0, v58  }
0xe7: {  	v3 =	vor.u32 v3, v4  }
0xe8: {  	v4 =	vperm.xlane v3, v0;
	_ =	sdelay $0x1  }
0xe9: {  	v3 =	vperm.xlane v3, v2;
	v4 =	vadd.s32 v1, v4;
	_ =	sdelay $0x1  }
0xea: {  	v3 =	vadd.s32 v1, v3;
	_ =	sdelay $0x2  }
0xeb: {  	[tilespmem:s21], [sflag:$0x2] =	stream.indirect_vreg.gather [hbm4b:s3+s2], $0x80, v4, vm0, $0xb8;
	[tilespmem:$0xF800] =	vst v63  }
0xec: {  	_ = 	snop  }
0xed: {  	[tilespmem:s23], [sflag:$0x2] =	stream.indirect_vreg.gather [hbm4b:s3+s2], $0x80, v3, vm0, $0xb8;
	[tilespmem:$0xF800] =	vst v63  }
0xee: {  	v3 =	vld [tilespmem:s10+$0xFFFFFFC0];
	_ =	sdelay $0x4  }
0xef: {  	v59 =	vshll.u32 v3, $0x1  }
0xf0: {  	v3 =	vand.u32 $0x7, v3;
	v4 =	vand.u32 $0xFFFFFFF0, v59  }
0xf1: {  	v3 =	vor.u32 v3, v4  }
0xf2: {  	v4 =	vperm.xlane v3, v0;
	_ =	sdelay $0x1  }
0xf3: {  	v3 =	vperm.xlane v3, v2;
	v4 =	vadd.s32 v1, v4;
	_ =	sdelay $0x1  }
0xf4: {  	v3 =	vadd.s32 v1, v3;
	_ =	sdelay $0x2  }
0xf5: {  	[tilespmem:s24], [sflag:$0x2] =	stream.indirect_vreg.gather [hbm4b:s3+s2], $0x80, v4, vm0, $0xb8;
	[tilespmem:$0xF800] =	vst v63  }
0xf6: {  	_ = 	snop  }
0xf7: {  	[tilespmem:s25], [sflag:$0x2] =	stream.indirect_vreg.gather [hbm4b:s3+s2], $0x80, v3, vm0, $0xb8;
	[tilespmem:$0xF800] =	vst v63  }
0xf8: {  	v3 =	vld [tilespmem:s10+$0xFFFFFFD0];
	_ =	sdelay $0x4  }
0xf9: {  	v60 =	vshll.u32 v3, $0x1  }
0xfa: {  	v3 =	vand.u32 $0x7, v3;
	v4 =	vand.u32 $0xFFFFFFF0, v60  }
0xfb: {  	v3 =	vor.u32 v3, v4  }
0xfc: {  	v4 =	vperm.xlane v3, v0;
	_ =	sdelay $0x1  }
0xfd: {  	v3 =	vperm.xlane v3, v2;
	v4 =	vadd.s32 v1, v4;
	_ =	sdelay $0x1  }
0xfe: {  	v3 =	vadd.s32 v1, v3;
	_ =	sdelay $0x2  }
0xff: {  	[tilespmem:s26], [sflag:$0x2] =	stream.indirect_vreg.gather [hbm4b:s3+s2], $0x80, v4, vm0, $0xb8;
	[tilespmem:$0xF800] =	vst v63  }
0x100: {  	_ = 	snop  }
0x101: {  	[tilespmem:s28], [sflag:$0x2] =	stream.indirect_vreg.gather [hbm4b:s3+s2], $0x80, v3, vm0, $0xb8;
	[tilespmem:$0xF800] =	vst v63  }
0x102: {  	v3 =	vld [tilespmem:s10+$0xFFFFFFE0];
	_ =	sdelay $0x4  }
0x103: {  	v61 =	vshll.u32 v3, $0x1  }
0x104: {  	v3 =	vand.u32 $0x7, v3;
	v4 =	vand.u32 $0xFFFFFFF0, v61  }
0x105: {  	v3 =	vor.u32 v3, v4  }
0x106: {  	v4 =	vperm.xlane v3, v0;
	_ =	sdelay $0x1  }
0x107: {  	v3 =	vperm.xlane v3, v2;
	v4 =	vadd.s32 v1, v4;
	_ =	sdelay $0x1  }
0x108: {  	v3 =	vadd.s32 v1, v3;
	_ =	sdelay $0x2  }
0x109: {  	[tilespmem:s29], [sflag:$0x2] =	stream.indirect_vreg.gather [hbm4b:s3+s2], $0x80, v4, vm0, $0xb8;
	[tilespmem:$0xF800] =	vst v63  }
0x10a: {  	_ = 	snop  }
0x10b: {  	[tilespmem:s30], [sflag:$0x2] =	stream.indirect_vreg.gather [hbm4b:s3+s2], $0x80, v3, vm0, $0xb8;
	[tilespmem:$0xF800] =	vst v63  }
0x10c: {  	v3 =	vld [tilespmem:s10+$0xFFFFFFF0];
	_ =	sdelay $0x4  }
0x10d: {  	v62 =	vshll.u32 v3, $0x1  }
0x10e: {  	v3 =	vand.u32 $0x7, v3;
	v4 =	vand.u32 $0xFFFFFFF0, v62  }
0x10f: {  	v3 =	vor.u32 v3, v4  }
0x110: {  	v4 =	vperm.xlane v3, v0;
	_ =	sdelay $0x1  }
0x111: {  	v3 =	vperm.xlane v3, v2;
	v4 =	vadd.s32 v1, v4;
	_ =	sdelay $0x1  }
0x112: {  	v3 =	vadd.s32 v1, v3;
	_ =	sdelay $0x2  }
0x113: {  	[tilespmem:s31], [sflag:$0x2] =	stream.indirect_vreg.gather [hbm4b:s3+s2], $0x80, v4, vm0, $0xb8;
	[tilespmem:$0xF800] =	vst v63  }
0x114: {  	s14 =	simm.s32 $0xE000  }
0x115: {  	[tilespmem:s14], [sflag:$0x2] =	stream.indirect_vreg.gather [hbm4b:s3+s2], $0x80, v3, vm0, $0xb8;
	[tilespmem:$0xF800] =	vst v63  }
0x116: {  	v3 =	vld [tilespmem:s10+$0x0];
	_ =	sdelay $0x4  }
0x117: {  	v63 =	vshll.u32 v3, $0x1  }
0x118: {  	v3 =	vand.u32 $0x7, v3;
	v4 =	vand.u32 $0xFFFFFFF0, v63  }
0x119: {  	v3 =	vor.u32 v3, v4  }
0x11a: {  	v4 =	vperm.xlane v3, v0;
	_ =	sdelay $0x1  }
0x11b: {  	v3 =	vperm.xlane v3, v2;
	v4 =	vadd.s32 v1, v4;
	_ =	sdelay $0x1  }
0x11c: {  	v3 =	vadd.s32 v1, v3;
	_ =	sdelay $0x2  }
0x11d: {  	[tilespmem:s0], [sflag:$0x2] =	stream.indirect_vreg.gather [hbm4b:s3+s2], $0x80, v4, vm0, $0xb8;
	[tilespmem:$0xF800] =	vst v63  }
0x11e: {  	p0 =	sne.s32 s8, $0xFFFFE800  }
0x11f: {  	[tilespmem:s9], [sflag:$0x2] =	stream.indirect_vreg.gather [hbm4b:s3+s2], $0x80, v3, vm0, $0xb8;
	[tilespmem:$0xF800] =	vst v63  }
.Ltmp0:
0x120: {  	_ =	swait.ge [sflag:s4], $0x6000;
	(pc) =	sbr.rel @p0 .LBB2_2-.Ltmp0, $4  }
0x121: {  	[sflag:s4] =	ssyncset.done $0x0  }
0x122: {  	s12 =	simm.s32 $0x4800;
	s11 =	sadd.s32 $0x4F800, s11;
	[sflag:s4] =	ssyncadd.s32 $0xFFFFA000  }
0x123: {  	[hbm4b:s11+s2] =	stream.linear.scatter [tilespmem:s1], [sflag:$0x3], $0x6000, $0x38;
	[tilespmem:$0xF800] =	vst v63  }
0x124: {  	s8 =	sadd.s32 $0x1800, s8;
	s10 =	sadd.s32 $0x100, s10;
	s11 =	simm.s32 $0x4000  }
0x125: {  	_ =	swait.ge [sflag:s7], $0x6000  }
0x126: {  	[sflag:s7] =	ssyncset.done $0x0  }
0x127: {  	s8 =	rddreg [dreg:$0x6];
	[sflag:s7] =	ssyncadd.s32 $0xFFFFA000  }
0x128: {  	[hbm4b:s8+s2] =	stream.linear.scatter [tilespmem:s21], [sflag:$0x4], $0x6000, $0x38;
	[tilespmem:$0xF800] =	vst v63  }
0x129: {  	_ =	swait.ge [sflag:s6], $0x6000  }
0x12a: {  	s10 =	simm.s32 $0x5000;
	[sflag:s6] =	ssyncset.done $0x0  }
0x12b: {  	s13 =	simm.s32 $0x5800;
	s14 =	simm.s32 $0x6000;
	[sflag:s6] =	ssyncadd.s32 $0xFFFFA000  }
0x12c: {  	s15 =	simm.s32 $0x6800;
	s16 =	simm.s32 $0x7000;
	_ =	swait.ge [sflag:s5], $0x6000  }
0x12d: {  	s17 =	simm.s32 $0x7800;
	s18 =	simm.s32 $0x8000;
	s0 =	rddreg [dreg:$0x7]  }
0x12e: {  	s19 =	simm.s32 $0x8800;
	s26 =	rddreg [dreg:$0x5];
	s0 =	sadd.s32 $0x1, s0  }
0x12f: {  	s20 =	simm.s32 $0x9000;
	s22 =	simm.s32 $0xA000;
	p0 =	sne.s32 s0, s26  }
.Ltmp1:
0x130: {  	s23 =	simm.s32 $0xA800;
	s24 =	simm.s32 $0xB000;
	(pc) =	sbr.rel @p0 .LBB2_1-.Ltmp1, $4  }
0x131: {  	s25 =	simm.s32 $0xB800;
	s28 =	simm.s32 $0xC800;
	s29 =	simm.s32 $0xD000  }
0x132: {  	s30 =	simm.s32 $0xD800;
	s1 =	simm.s32 $0xE000;
	[sflag:s5] =	ssyncset.done $0x0  }
0x133: {  	s9 =	simm.s32 $0xF000;
	s31 =	simm.s32 $0x3800;
	[sflag:s5] =	ssyncadd.s32 $0xFFFFA000  }
0x134: {  	[dreg:$0x7] =	wrdreg s0;
	s26 =	simm.s32 $0xC000;
	s0 =	simm.s32 $0xE800  }
0x135: {  	_ =	sfence.sel $0x180000  }
0x136: {  	[bflag:$0x0] =	sbarrier.arrive $0xFFFF  }
0x137: {  	_ =	strace $0x90000059  }
0x138: {  	s0 =	stileid.u32;
	[bflag:$0x2] =	sbarrier.arrive $0xFFFF  }
0x139: {  	p0 =	sne.s32 s0, $0x0;
	s0 =	rddreg [dreg:$0x1]  }
0x13a: {  	s0 =	sadd.s32 @!p0 $0x100000, s0  }
0x13b: {  	[sflag:s0] =	ssyncadd.tile.s32 @!p0 $0x1;
	_ =	shalt  }
.Lfunc_end2:
_tile_overlayer_lowered:
.L_overlay_start_2:
0x13c: {  	(tag) =	ssettag $0x2  }
0x13d: {  	s0 =	rddreg [dreg:$0x0];
	s2 =	stileid.u32  }
0x13e: {  	s1 =	rddreg [dreg:$0x1];
	p0 =	sne.s32 s2, $0x0  }
0x13f: {  	s3 =	rddreg [dreg:$0x2];
	[bflag:$0x3] =	sbarrier.arrive $0xFFFF;
	s2 =	simm.s32 @!p0 $0x1C05  }
0x140: {  	[timem:s3], [sflag:s2] =	dma.local @!p0 [hbm:s0], s1  }
0x141: {  	s0 =	simm.s32 @!p0 $0x5  }
0x142: {  	_ =	swait.ge @!p0 [sflag:s0], s1  }
0x143: {  	s1 =	ssub.s32 @!p0 $0x0, s1;
	[sflag:s0] =	ssyncset.done @!p0 $0x0  }
0x144: {  	[sflag:s0] =	ssyncadd.s32 @!p0 s1  }
0x145: {  	[bflag:$0x3] =	sbarrier.arrive $0xFFFF  }
0x146: {  	_ =	shalt  }

// kernel: kernel.43.cloned.1.call-start
scs
__scs_entry_jumppad:
0x0: {  	(pc) =	sbr.rel $0x88, $3  }
0x1: {  	(tag) =	ssettag $0x0;
	lr =	simm.s32 $0x1  }
0x2: {  	[smem:$0x3F73] =	sst lr;
	_ =	strace $0xD0000000  }
0x3: {  	_ = 	snop  }
0x4: {  	_ = 	snop  }
0x5: {  	_ = 	snop  }
0x6: {  	_ = 	snop  }
0x7: {  	_ = 	snop  }
__scs_overlays_trampoline_lowered:
0x8: {  	[smem:$0x3F82] =	sst s0  }
0x9: {  	[smem:$0x3F83] =	sst s1  }
0xa: {  	[smem:$0x3F84] =	sst s2  }
0xb: {  	[smem:$0x3F85] =	sst s3  }
0xc: {  	[smem:$0x3F86] =	sst s4  }
0xd: {  	[smem:$0x3F87] =	sst s5  }
0xe: {  	[smem:$0x3F88] =	sst s6  }
0xf: {  	[smem:$0x3F89] =	sst s7  }
0x10: {  	[smem:$0x3F8A] =	sst s8  }
0x11: {  	[smem:$0x3F8B] =	sst s9;
	s0 =	simm.s32 @!p0 $0x0  }
0x12: {  	s1 =	sld [smem:$0x3F71];
	s0 =	simm.s32 @p0 $0x1  }
0x13: {  	[smem:$0x3F8C] =	sst s0;
	s0 =	simm.s32 @!p1 $0x0  }
0x14: {  	s2 =	sld [smem:$0x3F70];
	s0 =	simm.s32 @p1 $0x1  }
0x15: {  	[smem:$0x3F8D] =	sst s0;
	s0 =	simm.s32 @!p2 $0x0  }
0x16: {  	s3 =	sld [smem:$0x3FDB];
	s0 =	simm.s32 @p2 $0x1  }
0x17: {  	s4 =	simm.s32 $0x1BF5;
	[smem:$0x3F8F] =	sst s0  }
0x18: {  	s0 =	sld [smem:$0x3F72];
	_ =	swait.ge [sflag:s4], $0x0  }
0x19: {  	s7 =	sld [smem:$0x3F73]  }
0x1a: {  	s8 =	sadd.s32 $0xFFFFE003, lr  }
0x1b: {  	s9 =	sadd.s32 $0xFFFFFEF7, lr;
	s5 =	simm.s32 $0xFFFFFFFF;
	p2 =	slt.u32 s8, $0xFFFFF086  }
0x1c: {  	p1 =	slt.u32 s9, $0xF7A;
	s5 =	simm.s32 @!p2 $0x0  }
0x1d: {  	s5 =	simm.s32 @p1 $0x1;
	p0 =	seq.s32 s7, s2  }
0x1e: {  	s7 =	smul.u32 @!p0 $0xF7A, s2;
	p2 =	seq.s32 @!p0 s5, $0x0  }
0x1f: {  	s9 =	smul.u32 $0xF7A, s1;
	s8 =	simm.s32 @!p0 $0x1BF5;
	p2 =	por !p2, p0  }
0x20: {  	[sflag:s8] =	ssyncset.s32 @!p0 $0xFFFFF086;
	s6 =	sadd.s32 @!p0 s3, s7;
	s7 =	simm.s32 @!p0 $0x108  }
0x21: {  	s3 =	sadd.s32 s3, s9;
	s6 =	sadd.s32 @!p0 $0x88, s6;
	s7 =	simm.s32 @p2 $0x1082  }
0x22: {  	[simem:s7], [sflag:s8] =	dma.local @!p0 [hbm:s6], $0xF7A  }
0x23: {  	s9 =	sor.u32 $0xD0000000, s2;
	s6 =	simm.s32 $0x108;
	_ =	swait.ge @!p0 [sflag:s8], $0x0  }
0x24: {  	s3 =	sadd.s32 $0x88, s3;
	s6 =	simm.s32 @!p1 $0x1082;
	[sflag:s4] =	ssyncset.s32 $0xFFFFF086  }
0x25: {  	[simem:s6], [sflag:s4] =	dma.local [hbm:s3], $0xF7A  }
0x26: {  	[smem:$0x3F73] =	sst s1;
	(tag) =	ssettag s2;
	_ =	strace s9  }
0x27: {  	s1 =	sld [smem:$0x3F83]  }
0x28: {  	s2 =	sld [smem:$0x3F84]  }
0x29: {  	s4 =	sld [smem:$0x3F86]  }
0x2a: {  	p0 =	seq.s32 s5, $0x0;
	s5 =	sld [smem:$0x3F87]  }
0x2b: {  	s6 =	sld [smem:$0x3F88]  }
0x2c: {  	s7 =	sld [smem:$0x3F89]  }
0x2d: {  	s3 =	simm.s32 $0x108;
	s8 =	sld [smem:$0x3F8A]  }
0x2e: {  	s3 =	simm.s32 @!p0 $0x1082;
	s9 =	sld [smem:$0x3F8B]  }
0x2f: {  	lr =	sadd.s32 s0, s3;
	s0 =	sld [smem:$0x3F82]  }
0x30: {  	s3 =	sld [smem:$0x3F85]  }
0x31: {  	[smem:$0x3F8E] =	sst s10  }
0x32: {  	s10 =	sld [smem:$0x3F8C];
	_ =	sdelay $0x3  }
0x33: {  	p0 =	seq.s32 s10, $0x1;
	s10 =	sld [smem:$0x3F8E];
	_ =	sdelay $0x3  }
0x34: {  	[smem:$0x3F8E] =	sst s10  }
0x35: {  	s10 =	sld [smem:$0x3F8D];
	_ =	sdelay $0x3  }
0x36: {  	p1 =	seq.s32 s10, $0x1;
	s10 =	sld [smem:$0x3F8E];
	_ =	sdelay $0x3  }
0x37: {  	[smem:$0x3F8E] =	sst s10  }
0x38: {  	s10 =	sld [smem:$0x3F8F]  }
0x39: {  	_ = 	snop;
	(pc) =	sbr.ind lr, $3  }
0x3a: {  	_ = 	snop  }
0x3b: {  	_ = 	snop  }
0x3c: {  	p2 =	seq.s32 s10, $0x1;
	s10 =	sld [smem:$0x3F8E]  }
0x3d: {  	_ =	shalt  }
0x3e: {  	_ =	shalt  }
0x3f: {  	_ =	shalt  }
0x40: {  	_ =	shalt  }
0x41: {  	_ =	shalt  }
0x42: {  	_ =	shalt  }
0x43: {  	_ =	shalt  }
0x44: {  	_ =	shalt  }
0x45: {  	_ =	shalt  }
0x46: {  	_ =	shalt  }
0x47: {  	_ =	shalt  }
0x48: {  	_ =	shalt  }
0x49: {  	_ =	shalt  }
0x4a: {  	_ =	shalt  }
0x4b: {  	_ =	shalt  }
0x4c: {  	_ =	shalt  }
0x4d: {  	_ =	shalt  }
0x4e: {  	_ =	shalt  }
0x4f: {  	_ =	shalt  }
0x50: {  	_ =	shalt  }
0x51: {  	_ =	shalt  }
0x52: {  	_ =	shalt  }
0x53: {  	_ =	shalt  }
0x54: {  	_ =	shalt  }
0x55: {  	_ =	shalt  }
0x56: {  	_ =	shalt  }
0x57: {  	_ =	shalt  }
0x58: {  	_ =	shalt  }
0x59: {  	_ =	shalt  }
0x5a: {  	_ =	shalt  }
0x5b: {  	_ =	shalt  }
0x5c: {  	_ =	shalt  }
0x5d: {  	_ =	shalt  }
0x5e: {  	_ =	shalt  }
0x5f: {  	_ =	shalt  }
0x60: {  	_ =	shalt  }
0x61: {  	_ =	shalt  }
0x62: {  	_ =	shalt  }
0x63: {  	_ =	shalt  }
0x64: {  	_ =	shalt  }
0x65: {  	_ =	shalt  }
0x66: {  	_ =	shalt  }
0x67: {  	_ =	shalt  }
0x68: {  	_ =	shalt  }
0x69: {  	_ =	shalt  }
0x6a: {  	_ =	shalt  }
0x6b: {  	_ =	shalt  }
0x6c: {  	_ =	shalt  }
0x6d: {  	_ =	shalt  }
0x6e: {  	_ =	shalt  }
0x6f: {  	_ =	shalt  }
0x70: {  	_ =	shalt  }
0x71: {  	_ =	shalt  }
0x72: {  	_ =	shalt  }
0x73: {  	_ =	shalt  }
0x74: {  	_ =	shalt  }
0x75: {  	_ =	shalt  }
0x76: {  	_ =	shalt  }
0x77: {  	_ =	shalt  }
0x78: {  	_ =	shalt  }
0x79: {  	_ =	shalt  }
0x7a: {  	_ =	shalt  }
0x7b: {  	_ =	shalt  }
0x7c: {  	_ =	shalt  }
0x7d: {  	_ =	shalt  }
0x7e: {  	_ =	shalt  }
0x7f: {  	_ =	shalt  }
0x80: {  	_ =	shalt  }
0x81: {  	_ =	shalt  }
0x82: {  	_ =	shalt  }
0x83: {  	_ =	shalt  }
0x84: {  	_ =	shalt  }
0x85: {  	_ =	shalt  }
0x86: {  	_ =	shalt  }
0x87: {  	_ =	shalt  }
.Lfunc_end0:
.L_simem_size_0:
called_computation.7_lowered:
.L_overlay_start_0:
0x88: {  	s2 =	sld [smem:$0x3FD9]  }
0x89: {  	s3 =	sld [smem:$0x3FFE];
	_ =	sdelay $0x1  }
0x8a: {  	s1 =	srdreg.scid  }
0x8b: {  	s0 =	sand.u32 $0x1, s1  }
0x8c: {  	s16 =	sshll.u32 s0, $0xA;
	s2 =	sadd.s32 s3, s2  }
0x8d: {  	s2 =	sadd.s32 s2, s16  }
0x8e: {  	[smem:$0x3F9A] =	sst s2  }
0x8f: {  	_ = 	snop  }
0x90: {  	(tm) =	ssettm $0x1  }
0x91: {  	s17 =	sld [smem:$0x3FFB];
	_ =	sdelay $0x3  }
0x92: {  	_ =	strace s17  }
0x93: {  	s2 =	sld [smem:$0x3FFC];
	_ =	sdelay $0x3  }
0x94: {  	_ =	strace s2  }
0x95: {  	s2 =	sld [smem:$0x3FFD];
	_ =	sdelay $0x3  }
0x96: {  	_ =	strace s2  }
0x97: {  	_ =	strace $0x8FFFFFFF  }
0x98: {  	s18 =	sld [smem:$0x3FDB];
	_ =	sdelay $0x1  }
0x99: {  	s19 =	simm.s32 $_scs_section_size  }
0x9a: {  	s4 =	simm.s32 $_size__tile_overlayer_lowered;
	s5 =	simm.s32 $_tile_overlayer_lowered  }
0x9b: {  	s22 =	simm.s32 $0x1BFF;
	s21 =	sshll.u32 s5, $0x1;
	s2 =	sadd.s32 s19, s18  }
0x9c: {  	s6 =	simm.s32 $0x0;
	s20 =	sshll.u32 s4, $0x1;
	s4 =	sadd.s32 s21, s2  }
0x9d: {  	[timem:s6], [sflag:s22] =	dma.local [hbm:s4], s20  }
0x9e: {  	_ =	swait.ge [sflag:s22], s20  }
0x9f: {  	s3 =	ssub.s32 $0x0, s20;
	[sflag:s22] =	ssyncset.done $0x0  }
0xa0: {  	[sflag:s22] =	ssyncadd.s32 s3;
	_ =	sdelay $0x1  }
0xa1: {  	s23 =	simm.s32 $0x1B8B  }
0xa2: {  	_ =	swait.ge [sflag:s23], $0x1  }
0xa3: {  	[sflag:s23] =	ssyncset.done $0x0  }
0xa4: {  	s25 =	simm.s32 $0x1B8E;
	s24 =	sld [smem:$0x3FFE];
	[sflag:s23] =	ssyncadd.s32 $0xFFFFFFFF  }
0xa5: {  	s26 =	simm.s32 $execute0_lowered;
	[smem:$0x3FD2] =	sst s25  }
0xa6: {  	s4 =	sshll.u32 s26, $0x1;
	_ =	strace $0x8000005B;
	[dreg:$0x1] =	wrdreg $0xFFFFFFFF  }
0xa7: {  	s28 =	simm.s32 $_size_execute0_lowered;
	s2 =	sadd.s32 s2, s4;
	[dreg:$0x0] =	wrdreg $0x0  }
0xa8: {  	s4 =	sshll.u32 s28, $0x1;
	[dreg:$0x2] =	wrdreg s2  }
0xa9: {  	[dreg:$0x3] =	wrdreg s4  }
0xaa: {  	[dreg:$0x4] =	wrdreg $0xC0  }
0xab: {  	_ =	task [dreg:s6], $0x5FFFF  }
0xac: {  	[dreg:$0x1] =	wrdreg $0xFFFFFFFF  }
0xad: {  	[dreg:$0x0] =	wrdreg $0x60  }
0xae: {  	[dreg:$0x2] =	wrdreg s24  }
0xaf: {  	[dreg:$0x3] =	wrdreg $0x30800  }
0xb0: {  	[dreg:$0x4] =	wrdreg $0x9  }
0xb1: {  	_ =	task.clear_ibuf [dreg:s6], $0x5FFFF;
	_ =	strace $0x9000005B  }
0xb2: {  	s29 =	simm.s32 $0x9;
	_ =	strace $0x8000005D  }
0xb3: {  	_ =	swait.ge [sflag:s29], $0x1  }
0xb4: {  	[sflag:s29] =	ssyncadd.s32 $0xFFFFFFFF  }
0xb5: {  	_ =	strace $0x9000005D  }
0xb6: {  	_ =	sfence  }
0xb7: {  	s30 =	sld [smem:$0x0];
	_ =	sdelay $0x2  }
0xb8: {  	s31 =	sshll.u32 s1, $0xD;
	s1 =	sshrl.u32 s1, $0x2  }
0xb9: {  	s3 =	sand.u32 $0x4000, s31;
	s1 =	sadd.s32 s1, s30  }
0xba: {  	s0 =	sor.u32 s3, s0;
	s1 =	sshll.u32 s1, $0x11  }
0xbb: {  	s0 =	sor.u32 s1, s0  }
0xbc: {  	s0 =	sadd.s32 $0x8F2B, s0  }
0xbd: {  	[sflag:s0] =	ssyncadd.remote.s32 $0x1  }
0xbe: {  	_ =	sfence.sel $0xFFFF  }
0xbf: {  	[dreg:$0x0] =	wrdreg $0xFFFFFFFF;
	(pc) =	sbr.abs _section_cstart, $3  }
0xc0: {  	[dreg:$0x1] =	wrdreg $0xFFFFFFFF  }
0xc1: {  	_ =	task.clear_ibuf [dreg:s6], $0x2FFFF;
	_ =	strace $0x9FFFFFFF  }
0xc2: {  	(tm) =	ssettm $0x7FFFFFFF  }
0xc3: {  	_ =	shalt  }
tec
execute0_lowered:
.L_overlay_start_1:
0x0: {  	(tag) =	ssettag $0x1  }
0x1: {  	s4 =	rddreg [dreg:$0x0];
	s1 =	stileid.u32  }
0x2: {  	s2 =	rddreg [dreg:$0x1];
	s5 =	smul.u32 $0x28800, s1  }
0x3: {  	s0 =	rddreg [dreg:$0x2];
	s6 =	smul.u32 $0x6C0, s1  }
0x4: {  	s7 =	srdreg.scid;
	s13 =	smul.u32 $0x2780, s1  }
0x5: {  	s3 =	simm.s32 $0x0;
	s25 =	sand.u32 $0x1, s7;
	s12 =	smul.u32 $0x4F000, s1  }
0x6: {  	[smem:$0x7FF] =	sst s3;
	s7 =	smul.u32 $0x27800, s25  }
0x7: {  	s29 =	sshll.u32 s1, $0x6;
	_ =	strace $0x8000005C;
	s26 =	smul.u32 $0x14400, s25  }
0x8: {  	s9 =	ssub.s32 $0x2, s25;
	s14 =	smul.u32 $0x360, s25;
	s8 =	sadd.s32 s5, s4  }
0x9: {  	s6 =	sadd.s32 s6, s4;
	s10 =	sadd.s32 s13, s4;
	s11 =	sshrl.u32 s9, $0x1  }
0xa: {  	s28 =	sshrl.u32 s12, $0x2;
	s5 =	sor.u32 $0x1C01, s29;
	s12 =	simm.s32 $0x60  }
0xb: {  	s7 =	sadd.s32 s7, s4;
	s9 =	ssub.s32 s9, s11;
	s15 =	sadd.s32 s28, s2  }
0xc: {  	s4 =	sadd.s32 $0x126600, s10;
	s30 =	sadd.s32 s26, s8;
	s31 =	sadd.s32 s14, s6  }
0xd: {  	s10 =	simm.s32 $0x1;
	s11 =	simm.s32 $0x80;
	s14 =	simm.s32 $0x0  }
0xe: {  	s16 =	sadd.s32 $0x5AE00, s7;
	s6 =	smax.u32 s9, $0x1;
	s7 =	sadd.s32 $0x17BC00, s30  }
0xf: {  	s8 =	sadd.s32 $0x175000, s31;
	s9 =	sshrl.u32 s15, $0x3;
	s13 =	sadd.s32 s13, s16  }
.LBB2_1:
0x10: {  	[spmem:s9], [sflag:s5] =	dma.local [hbm:s4], $0x2780  }
0x11: {  	_ =	swait.ge [sflag:s10], $0x2780  }
0x12: {  	[sflag:s10] =	ssyncset.done $0x0  }
0x13: {  	[sflag:s10] =	ssyncadd.s32 $0xFFFFD880  }
0x14: {  	s15 =	sadd.s32 $0x0, s8;
	[bflag:$0x0] =	sbarrier.arrive $0xFFFF  }
0x15: {  	[tilespmem:s3], [sflag:$0x1] =	stream.linear.gather [hbm4b:s15+s3], $0x80, $0x38;
	[tilespmem:$0x16C80] =	vst v63  }
0x16: {  	_ =	swait.ge [sflag:s10], $0x80  }
0x17: {  	[sflag:s10] =	ssyncset.done $0x0  }
0x18: {  	[sflag:s10] =	ssyncadd.s32 $0xFFFFFF80  }
0x19: {  	[tilespmem:s11], [sflag:$0x1] =	stream.linear.gather [hbm4b:s7+s3], $0x3000, $0x38;
	[tilespmem:$0x16C80] =	vst v63  }
0x1a: {  	_ =	swait.ge [sflag:s10], $0x3000  }
0x1b: {  	[sflag:s10] =	ssyncset.done $0x0  }
0x1c: {  	[sflag:s10] =	ssyncadd.s32 $0xFFFFD000  }
0x1d: {  	[spmem:s2] =	stream.indirect.scatter.add.f32 [tilespmem:s11], [sflag:$0x1], $0x80, s3, s12, $0xb8;
	[tilespmem:$0x16C80] =	vst v63  }
0x1e: {  	s16 =	simm.s32 $0x10;
	_ =	swait.ge [sflag:s10], $0x3000  }
0x1f: {  	s17 =	simm.s32 $0x20;
	s15 =	sadd.s32 $0x600, s7;
	[sflag:s10] =	ssyncset.done $0x0  }
.LBB2_2:
0x20: {  	s18 =	sadd.s32 s16, s8  }
0x21: {  	[sflag:s10] =	ssyncadd.s32 $0xFFFFD000;
	s16 =	smov.u32 s17;
	s19 =	sadd.s32 $0x10, s17  }
0x22: {  	[tilespmem:s3], [sflag:$0x1] =	stream.linear.gather [hbm4b:s18+s3], $0x80, $0x38;
	[tilespmem:$0x16C80] =	vst v63  }
0x23: {  	p0 =	sne.s32 s17, $0x350;
	_ =	swait.ge [sflag:s10], $0x80  }
0x24: {  	[sflag:s10] =	ssyncset.done $0x0  }
0x25: {  	[sflag:s10] =	ssyncadd.s32 $0xFFFFFF80  }
0x26: {  	[tilespmem:s11], [sflag:$0x1] =	stream.linear.gather [hbm4b:s15+s3], $0x3000, $0x38;
	[tilespmem:$0x16C80] =	vst v63  }
0x27: {  	_ =	swait.ge [sflag:s10], $0x3000  }
.Ltmp0:
0x28: {  	[sflag:s10] =	ssyncset.done $0x0;
	(pc) =	sbr.rel @p0 .LBB2_2-.Ltmp0, $4  }
0x29: {  	[sflag:s10] =	ssyncadd.s32 $0xFFFFD000  }
0x2a: {  	[spmem:s2] =	stream.indirect.scatter.add.f32 [tilespmem:s11], [sflag:$0x1], $0x80, s3, s12, $0xb8;
	[tilespmem:$0x16C80] =	vst v63  }
0x2b: {  	_ =	swait.ge [sflag:s10], $0x3000  }
0x2c: {  	s17 =	smov.u32 s19;
	s15 =	sadd.s32 $0x600, s15;
	[sflag:s10] =	ssyncset.done $0x0  }
0x2d: {  	s16 =	sadd.s32 s16, s8;
	[sflag:s10] =	ssyncadd.s32 $0xFFFFD000  }
0x2e: {  	[tilespmem:s3], [sflag:$0x1] =	stream.linear.gather [hbm4b:s16+s3], $0x80, $0x38;
	[tilespmem:$0x16C80] =	vst v63  }
0x2f: {  	_ =	swait.ge [sflag:s10], $0x80  }
0x30: {  	[sflag:s10] =	ssyncset.done $0x0  }
0x31: {  	[sflag:s10] =	ssyncadd.s32 $0xFFFFFF80  }
0x32: {  	[tilespmem:s11], [sflag:$0x1] =	stream.linear.gather [hbm4b:s15+s3], $0x3000, $0x38;
	[tilespmem:$0x16C80] =	vst v63  }
0x33: {  	_ =	swait.ge [sflag:s10], $0x3000  }
0x34: {  	[sflag:s10] =	ssyncset.done $0x0  }
0x35: {  	[sflag:s10] =	ssyncadd.s32 $0xFFFFD000  }
0x36: {  	[spmem:s2] =	stream.indirect.scatter.add.f32 [tilespmem:s11], [sflag:$0x1], $0x80, s3, s12, $0xb8;
	[tilespmem:$0x16C80] =	vst v63  }
0x37: {  	_ =	swait.ge [sflag:s10], $0x3000  }
0x38: {  	s14 =	sadd.s32 $0x1, s14;
	[sflag:s10] =	ssyncset.done $0x0  }
0x39: {  	p0 =	sne.s32 s14, s6;
	[sflag:s10] =	ssyncadd.s32 $0xFFFFD000  }
.Ltmp1:
0x3a: {  	[bflag:$0x0] =	sbarrier.arrive $0xFFFF;
	(pc) =	sbr.rel @p0 .LBB2_1-.Ltmp1, $4  }
0x3b: {  	[hbm:s13], [sflag:s5] =	dma.local [spmem:s9], $0x2780  }
0x3c: {  	_ =	swait.ge [sflag:s10], $0x2780  }
0x3d: {  	[sflag:s10] =	ssyncset.done $0x0  }
0x3e: {  	[sflag:s10] =	ssyncadd.s32 $0xFFFFD880  }
0x3f: {  	_ =	sfence.sel $0x180000  }
0x40: {  	[bflag:$0x0] =	sbarrier.arrive $0xFFFF  }
0x41: {  	p0 =	sne.s32 s1, $0x0;
	_ =	strace $0x9000005C  }
0x42: {  	s0 =	sadd.s32 @!p0 $0x100000, s0;
	[bflag:$0x2] =	sbarrier.arrive $0xFFFF  }
0x43: {  	[sflag:s0] =	ssyncadd.tile.s32 @!p0 $0x1;
	_ =	shalt  }
.Lfunc_end2:
_tile_overlayer_lowered:
.L_overlay_start_2:
0x44: {  	(tag) =	ssettag $0x2  }
0x45: {  	s0 =	rddreg [dreg:$0x0];
	s2 =	stileid.u32  }
0x46: {  	s1 =	rddreg [dreg:$0x1];
	p0 =	sne.s32 s2, $0x0  }
0x47: {  	s3 =	rddreg [dreg:$0x2];
	[bflag:$0x3] =	sbarrier.arrive $0xFFFF;
	s2 =	simm.s32 @!p0 $0x1C01  }
0x48: {  	[timem:s3], [sflag:s2] =	dma.local @!p0 [hbm:s0], s1  }
0x49: {  	s0 =	simm.s32 @!p0 $0x1  }
0x4a: {  	_ =	swait.ge @!p0 [sflag:s0], s1  }
0x4b: {  	s1 =	ssub.s32 @!p0 $0x0, s1;
	[sflag:s0] =	ssyncset.done @!p0 $0x0  }
0x4c: {  	[sflag:s0] =	ssyncadd.s32 @!p0 s1  }
0x4d: {  	[bflag:$0x3] =	sbarrier.arrive $0xFFFF  }
0x4e: {  	_ =	shalt  }

// kernel: kernel.46.cloned.1.call-start
scs
__scs_entry_jumppad:
0x0: {  	(pc) =	sbr.rel $0x88, $3  }
0x1: {  	(tag) =	ssettag $0x0;
	lr =	simm.s32 $0x1  }
0x2: {  	[smem:$0x3F73] =	sst lr;
	_ =	strace $0xD0000000  }
0x3: {  	_ = 	snop  }
0x4: {  	_ = 	snop  }
0x5: {  	_ = 	snop  }
0x6: {  	_ = 	snop  }
0x7: {  	_ = 	snop  }
__scs_overlays_trampoline_lowered:
0x8: {  	[smem:$0x3F82] =	sst s0  }
0x9: {  	[smem:$0x3F83] =	sst s1  }
0xa: {  	[smem:$0x3F84] =	sst s2  }
0xb: {  	[smem:$0x3F85] =	sst s3  }
0xc: {  	[smem:$0x3F86] =	sst s4  }
0xd: {  	[smem:$0x3F87] =	sst s5  }
0xe: {  	[smem:$0x3F88] =	sst s6  }
0xf: {  	[smem:$0x3F89] =	sst s7  }
0x10: {  	[smem:$0x3F8A] =	sst s8  }
0x11: {  	[smem:$0x3F8B] =	sst s9;
	s0 =	simm.s32 @!p0 $0x0  }
0x12: {  	s1 =	sld [smem:$0x3F71];
	s0 =	simm.s32 @p0 $0x1  }
0x13: {  	[smem:$0x3F8C] =	sst s0;
	s0 =	simm.s32 @!p1 $0x0  }
0x14: {  	s2 =	sld [smem:$0x3F70];
	s0 =	simm.s32 @p1 $0x1  }
0x15: {  	[smem:$0x3F8D] =	sst s0;
	s0 =	simm.s32 @!p2 $0x0  }
0x16: {  	s3 =	sld [smem:$0x3FDB];
	s0 =	simm.s32 @p2 $0x1  }
0x17: {  	s4 =	simm.s32 $0x1BF5;
	[smem:$0x3F8F] =	sst s0  }
0x18: {  	s0 =	sld [smem:$0x3F72];
	_ =	swait.ge [sflag:s4], $0x0  }
0x19: {  	s7 =	sld [smem:$0x3F73]  }
0x1a: {  	s8 =	sadd.s32 $0xFFFFE003, lr  }
0x1b: {  	s9 =	sadd.s32 $0xFFFFFEF7, lr;
	s5 =	simm.s32 $0xFFFFFFFF;
	p2 =	slt.u32 s8, $0xFFFFF086  }
0x1c: {  	p1 =	slt.u32 s9, $0xF7A;
	s5 =	simm.s32 @!p2 $0x0  }
0x1d: {  	s5 =	simm.s32 @p1 $0x1;
	p0 =	seq.s32 s7, s2  }
0x1e: {  	s7 =	smul.u32 @!p0 $0xF7A, s2;
	p2 =	seq.s32 @!p0 s5, $0x0  }
0x1f: {  	s9 =	smul.u32 $0xF7A, s1;
	s8 =	simm.s32 @!p0 $0x1BF5;
	p2 =	por !p2, p0  }
0x20: {  	[sflag:s8] =	ssyncset.s32 @!p0 $0xFFFFF086;
	s6 =	sadd.s32 @!p0 s3, s7;
	s7 =	simm.s32 @!p0 $0x108  }
0x21: {  	s3 =	sadd.s32 s3, s9;
	s6 =	sadd.s32 @!p0 $0x88, s6;
	s7 =	simm.s32 @p2 $0x1082  }
0x22: {  	[simem:s7], [sflag:s8] =	dma.local @!p0 [hbm:s6], $0xF7A  }
0x23: {  	s9 =	sor.u32 $0xD0000000, s2;
	s6 =	simm.s32 $0x108;
	_ =	swait.ge @!p0 [sflag:s8], $0x0  }
0x24: {  	s3 =	sadd.s32 $0x88, s3;
	s6 =	simm.s32 @!p1 $0x1082;
	[sflag:s4] =	ssyncset.s32 $0xFFFFF086  }
0x25: {  	[simem:s6], [sflag:s4] =	dma.local [hbm:s3], $0xF7A  }
0x26: {  	[smem:$0x3F73] =	sst s1;
	(tag) =	ssettag s2;
	_ =	strace s9  }
0x27: {  	s1 =	sld [smem:$0x3F83]  }
0x28: {  	s2 =	sld [smem:$0x3F84]  }
0x29: {  	s4 =	sld [smem:$0x3F86]  }
0x2a: {  	p0 =	seq.s32 s5, $0x0;
	s5 =	sld [smem:$0x3F87]  }
0x2b: {  	s6 =	sld [smem:$0x3F88]  }
0x2c: {  	s7 =	sld [smem:$0x3F89]  }
0x2d: {  	s3 =	simm.s32 $0x108;
	s8 =	sld [smem:$0x3F8A]  }
0x2e: {  	s3 =	simm.s32 @!p0 $0x1082;
	s9 =	sld [smem:$0x3F8B]  }
0x2f: {  	lr =	sadd.s32 s0, s3;
	s0 =	sld [smem:$0x3F82]  }
0x30: {  	s3 =	sld [smem:$0x3F85]  }
0x31: {  	[smem:$0x3F8E] =	sst s10  }
0x32: {  	s10 =	sld [smem:$0x3F8C];
	_ =	sdelay $0x3  }
0x33: {  	p0 =	seq.s32 s10, $0x1;
	s10 =	sld [smem:$0x3F8E];
	_ =	sdelay $0x3  }
0x34: {  	[smem:$0x3F8E] =	sst s10  }
0x35: {  	s10 =	sld [smem:$0x3F8D];
	_ =	sdelay $0x3  }
0x36: {  	p1 =	seq.s32 s10, $0x1;
	s10 =	sld [smem:$0x3F8E];
	_ =	sdelay $0x3  }
0x37: {  	[smem:$0x3F8E] =	sst s10  }
0x38: {  	s10 =	sld [smem:$0x3F8F]  }
0x39: {  	_ = 	snop;
	(pc) =	sbr.ind lr, $3  }
0x3a: {  	_ = 	snop  }
0x3b: {  	_ = 	snop  }
0x3c: {  	p2 =	seq.s32 s10, $0x1;
	s10 =	sld [smem:$0x3F8E]  }
0x3d: {  	_ =	shalt  }
0x3e: {  	_ =	shalt  }
0x3f: {  	_ =	shalt  }
0x40: {  	_ =	shalt  }
0x41: {  	_ =	shalt  }
0x42: {  	_ =	shalt  }
0x43: {  	_ =	shalt  }
0x44: {  	_ =	shalt  }
0x45: {  	_ =	shalt  }
0x46: {  	_ =	shalt  }
0x47: {  	_ =	shalt  }
0x48: {  	_ =	shalt  }
0x49: {  	_ =	shalt  }
0x4a: {  	_ =	shalt  }
0x4b: {  	_ =	shalt  }
0x4c: {  	_ =	shalt  }
0x4d: {  	_ =	shalt  }
0x4e: {  	_ =	shalt  }
0x4f: {  	_ =	shalt  }
0x50: {  	_ =	shalt  }
0x51: {  	_ =	shalt  }
0x52: {  	_ =	shalt  }
0x53: {  	_ =	shalt  }
0x54: {  	_ =	shalt  }
0x55: {  	_ =	shalt  }
0x56: {  	_ =	shalt  }
0x57: {  	_ =	shalt  }
0x58: {  	_ =	shalt  }
0x59: {  	_ =	shalt  }
0x5a: {  	_ =	shalt  }
0x5b: {  	_ =	shalt  }
0x5c: {  	_ =	shalt  }
0x5d: {  	_ =	shalt  }
0x5e: {  	_ =	shalt  }
0x5f: {  	_ =	shalt  }
0x60: {  	_ =	shalt  }
0x61: {  	_ =	shalt  }
0x62: {  	_ =	shalt  }
0x63: {  	_ =	shalt  }
0x64: {  	_ =	shalt  }
0x65: {  	_ =	shalt  }
0x66: {  	_ =	shalt  }
0x67: {  	_ =	shalt  }
0x68: {  	_ =	shalt  }
0x69: {  	_ =	shalt  }
0x6a: {  	_ =	shalt  }
0x6b: {  	_ =	shalt  }
0x6c: {  	_ =	shalt  }
0x6d: {  	_ =	shalt  }
0x6e: {  	_ =	shalt  }
0x6f: {  	_ =	shalt  }
0x70: {  	_ =	shalt  }
0x71: {  	_ =	shalt  }
0x72: {  	_ =	shalt  }
0x73: {  	_ =	shalt  }
0x74: {  	_ =	shalt  }
0x75: {  	_ =	shalt  }
0x76: {  	_ =	shalt  }
0x77: {  	_ =	shalt  }
0x78: {  	_ =	shalt  }
0x79: {  	_ =	shalt  }
0x7a: {  	_ =	shalt  }
0x7b: {  	_ =	shalt  }
0x7c: {  	_ =	shalt  }
0x7d: {  	_ =	shalt  }
0x7e: {  	_ =	shalt  }
0x7f: {  	_ =	shalt  }
0x80: {  	_ =	shalt  }
0x81: {  	_ =	shalt  }
0x82: {  	_ =	shalt  }
0x83: {  	_ =	shalt  }
0x84: {  	_ =	shalt  }
0x85: {  	_ =	shalt  }
0x86: {  	_ =	shalt  }
0x87: {  	_ =	shalt  }
.Lfunc_end0:
.L_simem_size_0:
called_computation.8_lowered:
.L_overlay_start_0:
0x88: {  	s2 =	sld [smem:$0x3FD9]  }
0x89: {  	s3 =	sld [smem:$0x3FFE];
	_ =	sdelay $0x1  }
0x8a: {  	s1 =	srdreg.scid  }
0x8b: {  	s0 =	sand.u32 $0x1, s1  }
0x8c: {  	s16 =	sshll.u32 s0, $0xA;
	s2 =	sadd.s32 s3, s2  }
0x8d: {  	s2 =	sadd.s32 s2, s16  }
0x8e: {  	[smem:$0x3F9A] =	sst s2  }
0x8f: {  	_ = 	snop  }
0x90: {  	(tm) =	ssettm $0x1  }
0x91: {  	s17 =	sld [smem:$0x3FFB];
	_ =	sdelay $0x3  }
0x92: {  	_ =	strace s17  }
0x93: {  	s2 =	sld [smem:$0x3FFC];
	_ =	sdelay $0x3  }
0x94: {  	_ =	strace s2  }
0x95: {  	s2 =	sld [smem:$0x3FFD];
	_ =	sdelay $0x3  }
0x96: {  	_ =	strace s2  }
0x97: {  	_ =	strace $0x8FFFFFFF  }
0x98: {  	s18 =	sld [smem:$0x3FDB];
	_ =	sdelay $0x1  }
0x99: {  	s19 =	simm.s32 $_scs_section_size  }
0x9a: {  	s4 =	simm.s32 $_size__tile_overlayer_lowered;
	s5 =	simm.s32 $_tile_overlayer_lowered  }
0x9b: {  	s22 =	simm.s32 $0x1BFF;
	s21 =	sshll.u32 s5, $0x1;
	s2 =	sadd.s32 s19, s18  }
0x9c: {  	s6 =	simm.s32 $0x0;
	s20 =	sshll.u32 s4, $0x1;
	s4 =	sadd.s32 s21, s2  }
0x9d: {  	[timem:s6], [sflag:s22] =	dma.local [hbm:s4], s20  }
0x9e: {  	_ =	swait.ge [sflag:s22], s20  }
0x9f: {  	s3 =	ssub.s32 $0x0, s20;
	[sflag:s22] =	ssyncset.done $0x0  }
0xa0: {  	[sflag:s22] =	ssyncadd.s32 s3;
	_ =	sdelay $0x1  }
0xa1: {  	s23 =	simm.s32 $0x1B8B  }
0xa2: {  	_ =	swait.ge [sflag:s23], $0x1  }
0xa3: {  	[sflag:s23] =	ssyncset.done $0x0  }
0xa4: {  	s25 =	simm.s32 $0x1B8E;
	s24 =	sld [smem:$0x3FFE];
	[sflag:s23] =	ssyncadd.s32 $0xFFFFFFFF  }
0xa5: {  	s26 =	simm.s32 $execute0_lowered;
	[smem:$0x3FD2] =	sst s25  }
0xa6: {  	s4 =	sshll.u32 s26, $0x1;
	_ =	strace $0x8000005E;
	[dreg:$0x1] =	wrdreg $0xFFFFFFFF  }
0xa7: {  	s28 =	simm.s32 $_size_execute0_lowered;
	s2 =	sadd.s32 s2, s4;
	[dreg:$0x0] =	wrdreg $0x0  }
0xa8: {  	s4 =	sshll.u32 s28, $0x1;
	[dreg:$0x2] =	wrdreg s2  }
0xa9: {  	[dreg:$0x3] =	wrdreg s4  }
0xaa: {  	[dreg:$0x4] =	wrdreg $0xC0  }
0xab: {  	_ =	task [dreg:s6], $0x5FFFF  }
0xac: {  	[dreg:$0x1] =	wrdreg $0xFFFFFFFF  }
0xad: {  	[dreg:$0x0] =	wrdreg $0x60  }
0xae: {  	[dreg:$0x2] =	wrdreg s24  }
0xaf: {  	[dreg:$0x3] =	wrdreg $0x9  }
0xb0: {  	_ =	task.clear_ibuf [dreg:s6], $0x4FFFF;
	_ =	strace $0x9000005E  }
0xb1: {  	s29 =	simm.s32 $0x9;
	_ =	strace $0x80000060  }
0xb2: {  	_ =	swait.ge [sflag:s29], $0x1  }
0xb3: {  	[sflag:s29] =	ssyncadd.s32 $0xFFFFFFFF  }
0xb4: {  	_ =	strace $0x90000060  }
0xb5: {  	_ =	sfence  }
0xb6: {  	s30 =	sld [smem:$0x0];
	_ =	sdelay $0x2  }
0xb7: {  	s31 =	sshll.u32 s1, $0xD;
	s1 =	sshrl.u32 s1, $0x2  }
0xb8: {  	s3 =	sand.u32 $0x4000, s31;
	s1 =	sadd.s32 s1, s30  }
0xb9: {  	s0 =	sor.u32 s3, s0;
	s1 =	sshll.u32 s1, $0x11  }
0xba: {  	s0 =	sor.u32 s1, s0  }
0xbb: {  	s0 =	sadd.s32 $0x8F2B, s0  }
0xbc: {  	[sflag:s0] =	ssyncadd.remote.s32 $0x1  }
0xbd: {  	_ =	sfence.sel $0xFFFF  }
0xbe: {  	[dreg:$0x0] =	wrdreg $0xFFFFFFFF;
	(pc) =	sbr.abs _section_cstart, $3  }
0xbf: {  	[dreg:$0x1] =	wrdreg $0xFFFFFFFF  }
0xc0: {  	_ =	task.clear_ibuf [dreg:s6], $0x2FFFF;
	_ =	strace $0x9FFFFFFF  }
0xc1: {  	(tm) =	ssettm $0x7FFFFFFF  }
tec
execute0_lowered:
.L_overlay_start_1:
0x0: {  	(tag) =	ssettag $0x1  }
0x1: {  	s0 =	srdreg.scid  }
0x2: {  	s7 =	stileid.u32;
	s1 =	rddreg [dreg:$0x0]  }
0x3: {  	s2 =	simm.s32 $0x0;
	s31 =	simm.s32 $0xC00;
	s11 =	simm.s32 $0x1400  }
0x4: {  	s12 =	simm.s32 $0x1C00;
	s10 =	simm.s32 $0x2400;
	s13 =	simm.s32 $0x2C00  }
0x5: {  	s14 =	simm.s32 $0x3400;
	s15 =	simm.s32 $0x3C00;
	s16 =	simm.s32 $0x4400  }
0x6: {  	s17 =	simm.s32 $0x4C00;
	s18 =	simm.s32 $0x5400;
	s19 =	simm.s32 $0x5C00  }
0x7: {  	s20 =	simm.s32 $0x6400;
	s21 =	simm.s32 $0x6C00;
	s22 =	simm.s32 $0x7400  }
0x8: {  	s23 =	simm.s32 $0x7C00;
	s28 =	simm.s32 $0x9C00;
	s29 =	simm.s32 $0xA400  }
0x9: {  	s0 =	sand.u32 $0x1, s0;
	s3 =	sshll.u32 s7, $0x1;
	s7 =	smul.u32 $0x1E000, s7  }
0xa: {  	s3 =	sor.u32 s0, s3;
	s6 =	ssub.s32 $0x2, s0;
	s0 =	smul.u32 $0xF000, s0  }
0xb: {  	s30 =	simm.s32 $0xAC00;
	[smem:$0x7FF] =	sst s2;
	s4 =	smul.u32 $0x180, s3  }
0xc: {  	s8 =	sadd.s32 $0x5AE00, s1;
	_ =	strace $0x8000005F;
	s5 =	smul.u32 $0xF000, s3  }
0xd: {  	s3 =	sadd.s32 $0xCC00, s1;
	s9 =	sshrl.u32 s6, $0x1;
	s25 =	sadd.s32 s7, s8  }
0xe: {  	s7 =	simm.s32 $0x2;
	s24 =	ssub.s32 s6, s9;
	s0 =	sadd.s32 s0, s25  }
0xf: {  	s25 =	simm.s32 $0x8C00;
	s9 =	simm.s32 $0xC400;
	s6 =	simm.s32 $0x3  }
0x10: {  	s1 =	sadd.s32 s4, s1;
	s4 =	smax.u32 s24, $0x1;
	[dreg:$0x2] =	wrdreg s0  }
0x11: {  	s26 =	sadd.s32 s8, s5;
	s24 =	simm.s32 $0x8400;
	[dreg:$0x5] =	wrdreg s4  }
0x12: {  	s0 =	simm.s32 $0xBC00;
	s8 =	simm.s32 $0x0;
	[dreg:$0x4] =	wrdreg s26  }
0x13: {  	v2 =	vlaneseq.u32;
	s5 =	simm.s32 $0x4;
	s1 =	sadd.s32 $0x9C00, s1;
	[dreg:$0x7] =	wrdreg s8  }
0x14: {  	vm0 =	vmmov $0xffff;
	v1 =	vshrl.u32 v2, $0x3;
	s4 =	simm.s32 $0x1;
	[dreg:$0x3] =	wrdreg s1;
	s1 =	sadd.s32 $0xE400, s26  }
0x15: {  	v0 =	vand.u32 $0x7, v2;
	v2 =	vor.u32 $0x8, v2;
	v1 =	vmul.u32 $0x8, v1;
	s26 =	simm.s32 $0x9400;
	[dreg:$0x6] =	wrdreg s1;
	s1 =	simm.s32 $0xB400  }
.LBB2_1:
0x16: {  	s8 =	rddreg [dreg:$0x3]  }
0x17: {  	[tilespmem:s2], [sflag:$0x5] =	stream.linear.gather [hbm4b:s8+s2], $0xA00, $0x38;
	[tilespmem:$0xCC00] =	vst v63  }
0x18: {  	s8 =	simm.s32 $0x5  }
0x19: {  	_ =	swait.ge [sflag:s8], $0xA00  }
0x1a: {  	[sflag:s8] =	ssyncset.done $0x0  }
0x1b: {  	[sflag:s8] =	ssyncadd.s32 $0xFFFFF600  }
0x1c: {  	v3 =	vld [tilespmem:$0x0];
	_ =	sdelay $0x4  }
0x1d: {  	v4 =	vshll.u32 v3, $0x1  }
0x1e: {  	v3 =	vand.u32 $0x7, v3;
	v4 =	vand.u32 $0xFFFFFFF0, v4  }
0x1f: {  	v3 =	vor.u32 v3, v4  }
0x20: {  	v4 =	vperm.xlane v3, v0;
	_ =	sdelay $0x1  }
0x21: {  	v3 =	vperm.xlane v3, v2;
	v4 =	vadd.s32 v1, v4;
	_ =	sdelay $0x1  }
0x22: {  	v3 =	vadd.s32 v1, v3;
	_ =	sdelay $0x2  }
0x23: {  	[tilespmem:s31], [sflag:$0x1] =	stream.indirect_vreg.gather [hbm4b:s3+s2], $0x80, v4, vm0, $0xb8;
	[tilespmem:$0xCC00] =	vst v63  }
0x24: {  	_ = 	snop  }
0x25: {  	[tilespmem:s11], [sflag:$0x1] =	stream.indirect_vreg.gather [hbm4b:s3+s2], $0x80, v3, vm0, $0xb8;
	[tilespmem:$0xCC00] =	vst v63  }
0x26: {  	v3 =	vld [tilespmem:$0x10];
	_ =	sdelay $0x4  }
0x27: {  	v53 =	vshll.u32 v3, $0x1  }
0x28: {  	v3 =	vand.u32 $0x7, v3;
	v4 =	vand.u32 $0xFFFFFFF0, v53  }
0x29: {  	v3 =	vor.u32 v3, v4  }
0x2a: {  	v4 =	vperm.xlane v3, v0;
	_ =	sdelay $0x1  }
0x2b: {  	v3 =	vperm.xlane v3, v2;
	v4 =	vadd.s32 v1, v4;
	_ =	sdelay $0x1  }
0x2c: {  	v3 =	vadd.s32 v1, v3;
	_ =	sdelay $0x2  }
0x2d: {  	[tilespmem:s12], [sflag:$0x1] =	stream.indirect_vreg.gather [hbm4b:s3+s2], $0x80, v4, vm0, $0xb8;
	[tilespmem:$0xCC00] =	vst v63  }
0x2e: {  	_ = 	snop  }
0x2f: {  	[tilespmem:s10], [sflag:$0x1] =	stream.indirect_vreg.gather [hbm4b:s3+s2], $0x80, v3, vm0, $0xb8;
	[tilespmem:$0xCC00] =	vst v63  }
0x30: {  	v3 =	vld [tilespmem:$0x20];
	_ =	sdelay $0x4  }
0x31: {  	v54 =	vshll.u32 v3, $0x1  }
0x32: {  	v3 =	vand.u32 $0x7, v3;
	v4 =	vand.u32 $0xFFFFFFF0, v54  }
0x33: {  	v3 =	vor.u32 v3, v4  }
0x34: {  	v4 =	vperm.xlane v3, v0;
	_ =	sdelay $0x1  }
0x35: {  	v3 =	vperm.xlane v3, v2;
	v4 =	vadd.s32 v1, v4;
	_ =	sdelay $0x1  }
0x36: {  	v3 =	vadd.s32 v1, v3;
	_ =	sdelay $0x2  }
0x37: {  	[tilespmem:s13], [sflag:$0x1] =	stream.indirect_vreg.gather [hbm4b:s3+s2], $0x80, v4, vm0, $0xb8;
	[tilespmem:$0xCC00] =	vst v63  }
0x38: {  	_ = 	snop  }
0x39: {  	[tilespmem:s14], [sflag:$0x1] =	stream.indirect_vreg.gather [hbm4b:s3+s2], $0x80, v3, vm0, $0xb8;
	[tilespmem:$0xCC00] =	vst v63  }
0x3a: {  	v3 =	vld [tilespmem:$0x30];
	_ =	sdelay $0x4  }
0x3b: {  	v55 =	vshll.u32 v3, $0x1  }
0x3c: {  	v3 =	vand.u32 $0x7, v3;
	v4 =	vand.u32 $0xFFFFFFF0, v55  }
0x3d: {  	v3 =	vor.u32 v3, v4  }
0x3e: {  	v4 =	vperm.xlane v3, v0;
	_ =	sdelay $0x1  }
0x3f: {  	v3 =	vperm.xlane v3, v2;
	v4 =	vadd.s32 v1, v4;
	_ =	sdelay $0x1  }
0x40: {  	v3 =	vadd.s32 v1, v3;
	_ =	sdelay $0x2  }
0x41: {  	[tilespmem:s15], [sflag:$0x1] =	stream.indirect_vreg.gather [hbm4b:s3+s2], $0x80, v4, vm0, $0xb8;
	[tilespmem:$0xCC00] =	vst v63  }
0x42: {  	_ = 	snop  }
0x43: {  	[tilespmem:s16], [sflag:$0x1] =	stream.indirect_vreg.gather [hbm4b:s3+s2], $0x80, v3, vm0, $0xb8;
	[tilespmem:$0xCC00] =	vst v63  }
0x44: {  	v3 =	vld [tilespmem:$0x40];
	_ =	sdelay $0x4  }
0x45: {  	v56 =	vshll.u32 v3, $0x1  }
0x46: {  	v3 =	vand.u32 $0x7, v3;
	v4 =	vand.u32 $0xFFFFFFF0, v56  }
0x47: {  	v3 =	vor.u32 v3, v4  }
0x48: {  	v4 =	vperm.xlane v3, v0;
	_ =	sdelay $0x1  }
0x49: {  	v3 =	vperm.xlane v3, v2;
	v4 =	vadd.s32 v1, v4;
	_ =	sdelay $0x1  }
0x4a: {  	v3 =	vadd.s32 v1, v3;
	_ =	sdelay $0x2  }
0x4b: {  	[tilespmem:s17], [sflag:$0x1] =	stream.indirect_vreg.gather [hbm4b:s3+s2], $0x80, v4, vm0, $0xb8;
	[tilespmem:$0xCC00] =	vst v63  }
0x4c: {  	_ = 	snop  }
0x4d: {  	[tilespmem:s18], [sflag:$0x1] =	stream.indirect_vreg.gather [hbm4b:s3+s2], $0x80, v3, vm0, $0xb8;
	[tilespmem:$0xCC00] =	vst v63  }
0x4e: {  	v3 =	vld [tilespmem:$0x50];
	_ =	sdelay $0x4  }
0x4f: {  	v57 =	vshll.u32 v3, $0x1  }
0x50: {  	v3 =	vand.u32 $0x7, v3;
	v4 =	vand.u32 $0xFFFFFFF0, v57  }
0x51: {  	v3 =	vor.u32 v3, v4  }
0x52: {  	v4 =	vperm.xlane v3, v0;
	_ =	sdelay $0x1  }
0x53: {  	v3 =	vperm.xlane v3, v2;
	v4 =	vadd.s32 v1, v4;
	_ =	sdelay $0x1  }
0x54: {  	v3 =	vadd.s32 v1, v3;
	_ =	sdelay $0x2  }
0x55: {  	[tilespmem:s19], [sflag:$0x1] =	stream.indirect_vreg.gather [hbm4b:s3+s2], $0x80, v4, vm0, $0xb8;
	[tilespmem:$0xCC00] =	vst v63  }
0x56: {  	_ = 	snop  }
0x57: {  	[tilespmem:s20], [sflag:$0x1] =	stream.indirect_vreg.gather [hbm4b:s3+s2], $0x80, v3, vm0, $0xb8;
	[tilespmem:$0xCC00] =	vst v63  }
0x58: {  	v3 =	vld [tilespmem:$0x80];
	_ =	sdelay $0x4  }
0x59: {  	v58 =	vshll.u32 v3, $0x1  }
0x5a: {  	v3 =	vand.u32 $0x7, v3;
	v4 =	vand.u32 $0xFFFFFFF0, v58  }
0x5b: {  	v3 =	vor.u32 v3, v4  }
0x5c: {  	v4 =	vperm.xlane v3, v0;
	_ =	sdelay $0x1  }
0x5d: {  	v3 =	vperm.xlane v3, v2;
	v4 =	vadd.s32 v1, v4;
	_ =	sdelay $0x1  }
0x5e: {  	v3 =	vadd.s32 v1, v3;
	_ =	sdelay $0x2  }
0x5f: {  	[tilespmem:s21], [sflag:$0x2] =	stream.indirect_vreg.gather [hbm4b:s3+s2], $0x80, v4, vm0, $0xb8;
	[tilespmem:$0xCC00] =	vst v63  }
0x60: {  	_ = 	snop  }
0x61: {  	[tilespmem:s22], [sflag:$0x2] =	stream.indirect_vreg.gather [hbm4b:s3+s2], $0x80, v3, vm0, $0xb8;
	[tilespmem:$0xCC00] =	vst v63  }
0x62: {  	v3 =	vld [tilespmem:$0x90];
	_ =	sdelay $0x4  }
0x63: {  	v59 =	vshll.u32 v3, $0x1  }
0x64: {  	v3 =	vand.u32 $0x7, v3;
	v4 =	vand.u32 $0xFFFFFFF0, v59  }
0x65: {  	v3 =	vor.u32 v3, v4  }
0x66: {  	v4 =	vperm.xlane v3, v0;
	_ =	sdelay $0x1  }
0x67: {  	v3 =	vperm.xlane v3, v2;
	v4 =	vadd.s32 v1, v4;
	_ =	sdelay $0x1  }
0x68: {  	v3 =	vadd.s32 v1, v3;
	_ =	sdelay $0x2  }
0x69: {  	[tilespmem:s23], [sflag:$0x2] =	stream.indirect_vreg.gather [hbm4b:s3+s2], $0x80, v4, vm0, $0xb8;
	[tilespmem:$0xCC00] =	vst v63  }
0x6a: {  	_ = 	snop  }
0x6b: {  	[tilespmem:s24], [sflag:$0x2] =	stream.indirect_vreg.gather [hbm4b:s3+s2], $0x80, v3, vm0, $0xb8;
	[tilespmem:$0xCC00] =	vst v63  }
0x6c: {  	v3 =	vld [tilespmem:$0xA0];
	_ =	sdelay $0x4  }
0x6d: {  	v60 =	vshll.u32 v3, $0x1  }
0x6e: {  	v3 =	vand.u32 $0x7, v3;
	v4 =	vand.u32 $0xFFFFFFF0, v60  }
0x6f: {  	v3 =	vor.u32 v3, v4  }
0x70: {  	v4 =	vperm.xlane v3, v0;
	_ =	sdelay $0x1  }
0x71: {  	v3 =	vperm.xlane v3, v2;
	v4 =	vadd.s32 v1, v4;
	_ =	sdelay $0x1  }
0x72: {  	v3 =	vadd.s32 v1, v3;
	_ =	sdelay $0x2  }
0x73: {  	[tilespmem:s25], [sflag:$0x2] =	stream.indirect_vreg.gather [hbm4b:s3+s2], $0x80, v4, vm0, $0xb8;
	[tilespmem:$0xCC00] =	vst v63  }
0x74: {  	_ = 	snop  }
0x75: {  	[tilespmem:s26], [sflag:$0x2] =	stream.indirect_vreg.gather [hbm4b:s3+s2], $0x80, v3, vm0, $0xb8;
	[tilespmem:$0xCC00] =	vst v63  }
0x76: {  	v3 =	vld [tilespmem:$0xB0];
	_ =	sdelay $0x4  }
0x77: {  	v61 =	vshll.u32 v3, $0x1  }
0x78: {  	v3 =	vand.u32 $0x7, v3;
	v4 =	vand.u32 $0xFFFFFFF0, v61  }
0x79: {  	v3 =	vor.u32 v3, v4  }
0x7a: {  	v4 =	vperm.xlane v3, v0;
	_ =	sdelay $0x1  }
0x7b: {  	v3 =	vperm.xlane v3, v2;
	v4 =	vadd.s32 v1, v4;
	_ =	sdelay $0x1  }
0x7c: {  	v3 =	vadd.s32 v1, v3;
	_ =	sdelay $0x2  }
0x7d: {  	[tilespmem:s28], [sflag:$0x2] =	stream.indirect_vreg.gather [hbm4b:s3+s2], $0x80, v4, vm0, $0xb8;
	[tilespmem:$0xCC00] =	vst v63  }
0x7e: {  	_ = 	snop  }
0x7f: {  	[tilespmem:s29], [sflag:$0x2] =	stream.indirect_vreg.gather [hbm4b:s3+s2], $0x80, v3, vm0, $0xb8;
	[tilespmem:$0xCC00] =	vst v63  }
0x80: {  	v3 =	vld [tilespmem:$0xC0];
	_ =	sdelay $0x4  }
0x81: {  	v62 =	vshll.u32 v3, $0x1  }
0x82: {  	v3 =	vand.u32 $0x7, v3;
	v4 =	vand.u32 $0xFFFFFFF0, v62  }
0x83: {  	v3 =	vor.u32 v3, v4  }
0x84: {  	v4 =	vperm.xlane v3, v0;
	_ =	sdelay $0x1  }
0x85: {  	v3 =	vperm.xlane v3, v2;
	v4 =	vadd.s32 v1, v4;
	_ =	sdelay $0x1  }
0x86: {  	v3 =	vadd.s32 v1, v3;
	_ =	sdelay $0x2  }
0x87: {  	[tilespmem:s30], [sflag:$0x2] =	stream.indirect_vreg.gather [hbm4b:s3+s2], $0x80, v4, vm0, $0xb8;
	[tilespmem:$0xCC00] =	vst v63  }
0x88: {  	_ = 	snop  }
0x89: {  	[tilespmem:s1], [sflag:$0x2] =	stream.indirect_vreg.gather [hbm4b:s3+s2], $0x80, v3, vm0, $0xb8;
	[tilespmem:$0xCC00] =	vst v63  }
0x8a: {  	v3 =	vld [tilespmem:$0xD0];
	_ =	sdelay $0x4  }
0x8b: {  	v63 =	vshll.u32 v3, $0x1  }
0x8c: {  	v3 =	vand.u32 $0x7, v3;
	v4 =	vand.u32 $0xFFFFFFF0, v63  }
0x8d: {  	v3 =	vor.u32 v3, v4  }
0x8e: {  	v4 =	vperm.xlane v3, v0;
	_ =	sdelay $0x1  }
0x8f: {  	v3 =	vperm.xlane v3, v2;
	v4 =	vadd.s32 v1, v4  }
0x90: {  	s8 =	simm.s32 $0xFFFF2800  }
0x91: {  	s10 =	simm.s32 $0x1D0;
	s13 =	simm.s32 $0x2400;
	s15 =	simm.s32 $0x3400;
	v3 =	vadd.s32 v1, v3  }
0x92: {  	s16 =	simm.s32 $0x3C00;
	s17 =	simm.s32 $0x4400;
	s18 =	simm.s32 $0x4C00  }
0x93: {  	s19 =	simm.s32 $0x5400;
	s20 =	simm.s32 $0x5C00;
	s22 =	simm.s32 $0x6400  }
0x94: {  	[tilespmem:s0], [sflag:$0x2] =	stream.indirect_vreg.gather [hbm4b:s3+s2], $0x80, v4, vm0, $0xb8;
	[tilespmem:$0xCC00] =	vst v63  }
0x95: {  	s23 =	simm.s32 $0x7400;
	s24 =	simm.s32 $0x7C00;
	s25 =	simm.s32 $0x8400  }
0x96: {  	[tilespmem:s9], [sflag:$0x2] =	stream.indirect_vreg.gather [hbm4b:s3+s2], $0x80, v3, vm0, $0xb8;
	[tilespmem:$0xCC00] =	vst v63  }
0x97: {  	s28 =	simm.s32 $0x9400;
	s29 =	simm.s32 $0x9C00;
	_ =	swait.ge [sflag:s4], $0x6000  }
0x98: {  	s30 =	simm.s32 $0xA400;
	s1 =	simm.s32 $0xC00;
	[sflag:s4] =	ssyncset.done $0x0  }
0x99: {  	s0 =	simm.s32 $0xBC00;
	s26 =	rddreg [dreg:$0x4];
	[sflag:s4] =	ssyncadd.s32 $0xFFFFA000  }
0x9a: {  	[hbm4b:s26+s2] =	stream.linear.scatter [tilespmem:s31], [sflag:$0x3], $0x6000, $0x38;
	[tilespmem:$0xCC00] =	vst v63  }
0x9b: {  	s9 =	simm.s32 $0xC400;
	s31 =	simm.s32 $0xAC00;
	s26 =	simm.s32 $0x8C00  }
.LBB2_2:
0x9c: {  	_ =	swait.ge [sflag:s6], $0x6000  }
0x9d: {  	[sflag:s6] =	ssyncset.done $0x0  }
0x9e: {  	[sflag:s6] =	ssyncadd.s32 $0xFFFFA000  }
0x9f: {  	v3 =	vld [tilespmem:s10+$0xFFFFFF30];
	_ =	sdelay $0x4  }
0xa0: {  	v4 =	vshll.u32 v3, $0x1  }
0xa1: {  	v3 =	vand.u32 $0x7, v3;
	v4 =	vand.u32 $0xFFFFFFF0, v4  }
0xa2: {  	v3 =	vor.u32 v3, v4  }
0xa3: {  	v4 =	vperm.xlane v3, v0;
	_ =	sdelay $0x1  }
0xa4: {  	v3 =	vperm.xlane v3, v2;
	v4 =	vadd.s32 v1, v4;
	_ =	sdelay $0x1  }
0xa5: {  	v3 =	vadd.s32 v1, v3;
	_ =	sdelay $0x2  }
0xa6: {  	[tilespmem:s1], [sflag:$0x1] =	stream.indirect_vreg.gather [hbm4b:s3+s2], $0x80, v4, vm0, $0xb8;
	[tilespmem:$0xCC00] =	vst v63  }
0xa7: {  	_ = 	snop  }
0xa8: {  	[tilespmem:s11], [sflag:$0x1] =	stream.indirect_vreg.gather [hbm4b:s3+s2], $0x80, v3, vm0, $0xb8;
	[tilespmem:$0xCC00] =	vst v63  }
0xa9: {  	v3 =	vld [tilespmem:s10+$0xFFFFFF40];
	_ =	sdelay $0x4  }
0xaa: {  	v53 =	vshll.u32 v3, $0x1  }
0xab: {  	v3 =	vand.u32 $0x7, v3;
	v4 =	vand.u32 $0xFFFFFFF0, v53  }
0xac: {  	v3 =	vor.u32 v3, v4  }
0xad: {  	v4 =	vperm.xlane v3, v0;
	_ =	sdelay $0x1  }
0xae: {  	v3 =	vperm.xlane v3, v2;
	v4 =	vadd.s32 v1, v4;
	_ =	sdelay $0x1  }
0xaf: {  	v3 =	vadd.s32 v1, v3;
	_ =	sdelay $0x2  }
0xb0: {  	[tilespmem:s12], [sflag:$0x1] =	stream.indirect_vreg.gather [hbm4b:s3+s2], $0x80, v4, vm0, $0xb8;
	[tilespmem:$0xCC00] =	vst v63  }
0xb1: {  	_ = 	snop  }
0xb2: {  	[tilespmem:s13], [sflag:$0x1] =	stream.indirect_vreg.gather [hbm4b:s3+s2], $0x80, v3, vm0, $0xb8;
	[tilespmem:$0xCC00] =	vst v63  }
0xb3: {  	v3 =	vld [tilespmem:s10+$0xFFFFFF50];
	_ =	sdelay $0x4  }
0xb4: {  	v54 =	vshll.u32 v3, $0x1  }
0xb5: {  	v3 =	vand.u32 $0x7, v3;
	v4 =	vand.u32 $0xFFFFFFF0, v54  }
0xb6: {  	v3 =	vor.u32 v3, v4  }
0xb7: {  	v4 =	vperm.xlane v3, v0;
	_ =	sdelay $0x1  }
0xb8: {  	v3 =	vperm.xlane v3, v2;
	v4 =	vadd.s32 v1, v4;
	_ =	sdelay $0x1  }
0xb9: {  	v3 =	vadd.s32 v1, v3;
	_ =	sdelay $0x1  }
0xba: {  	s14 =	simm.s32 $0x2C00  }
0xbb: {  	[tilespmem:s14], [sflag:$0x1] =	stream.indirect_vreg.gather [hbm4b:s3+s2], $0x80, v4, vm0, $0xb8;
	[tilespmem:$0xCC00] =	vst v63  }
0xbc: {  	_ = 	snop  }
0xbd: {  	[tilespmem:s15], [sflag:$0x1] =	stream.indirect_vreg.gather [hbm4b:s3+s2], $0x80, v3, vm0, $0xb8;
	[tilespmem:$0xCC00] =	vst v63  }
0xbe: {  	v3 =	vld [tilespmem:s10+$0xFFFFFF60];
	_ =	sdelay $0x4  }
0xbf: {  	v55 =	vshll.u32 v3, $0x1  }
0xc0: {  	v3 =	vand.u32 $0x7, v3;
	v4 =	vand.u32 $0xFFFFFFF0, v55  }
0xc1: {  	v3 =	vor.u32 v3, v4  }
0xc2: {  	v4 =	vperm.xlane v3, v0;
	_ =	sdelay $0x1  }
0xc3: {  	v3 =	vperm.xlane v3, v2;
	v4 =	vadd.s32 v1, v4;
	_ =	sdelay $0x1  }
0xc4: {  	v3 =	vadd.s32 v1, v3;
	_ =	sdelay $0x2  }
0xc5: {  	[tilespmem:s16], [sflag:$0x1] =	stream.indirect_vreg.gather [hbm4b:s3+s2], $0x80, v4, vm0, $0xb8;
	[tilespmem:$0xCC00] =	vst v63  }
0xc6: {  	_ = 	snop  }
0xc7: {  	[tilespmem:s17], [sflag:$0x1] =	stream.indirect_vreg.gather [hbm4b:s3+s2], $0x80, v3, vm0, $0xb8;
	[tilespmem:$0xCC00] =	vst v63  }
0xc8: {  	v3 =	vld [tilespmem:s10+$0xFFFFFF70];
	_ =	sdelay $0x4  }
0xc9: {  	v56 =	vshll.u32 v3, $0x1  }
0xca: {  	v3 =	vand.u32 $0x7, v3;
	v4 =	vand.u32 $0xFFFFFFF0, v56  }
0xcb: {  	v3 =	vor.u32 v3, v4  }
0xcc: {  	v4 =	vperm.xlane v3, v0;
	_ =	sdelay $0x1  }
0xcd: {  	v3 =	vperm.xlane v3, v2;
	v4 =	vadd.s32 v1, v4;
	_ =	sdelay $0x1  }
0xce: {  	v3 =	vadd.s32 v1, v3;
	_ =	sdelay $0x2  }
0xcf: {  	[tilespmem:s18], [sflag:$0x1] =	stream.indirect_vreg.gather [hbm4b:s3+s2], $0x80, v4, vm0, $0xb8;
	[tilespmem:$0xCC00] =	vst v63  }
0xd0: {  	_ = 	snop  }
0xd1: {  	[tilespmem:s19], [sflag:$0x1] =	stream.indirect_vreg.gather [hbm4b:s3+s2], $0x80, v3, vm0, $0xb8;
	[tilespmem:$0xCC00] =	vst v63  }
0xd2: {  	v3 =	vld [tilespmem:s10+$0xFFFFFF80];
	_ =	sdelay $0x4  }
0xd3: {  	v57 =	vshll.u32 v3, $0x1  }
0xd4: {  	v3 =	vand.u32 $0x7, v3;
	v4 =	vand.u32 $0xFFFFFFF0, v57  }
0xd5: {  	v3 =	vor.u32 v3, v4  }
0xd6: {  	v4 =	vperm.xlane v3, v0;
	_ =	sdelay $0x1  }
0xd7: {  	v3 =	vperm.xlane v3, v2;
	v4 =	vadd.s32 v1, v4;
	_ =	sdelay $0x1  }
0xd8: {  	v3 =	vadd.s32 v1, v3;
	_ =	sdelay $0x2  }
0xd9: {  	[tilespmem:s20], [sflag:$0x1] =	stream.indirect_vreg.gather [hbm4b:s3+s2], $0x80, v4, vm0, $0xb8;
	[tilespmem:$0xCC00] =	vst v63  }
0xda: {  	_ = 	snop  }
0xdb: {  	[tilespmem:s22], [sflag:$0x1] =	stream.indirect_vreg.gather [hbm4b:s3+s2], $0x80, v3, vm0, $0xb8;
	[tilespmem:$0xCC00] =	vst v63  }
0xdc: {  	_ =	swait.ge [sflag:s7], $0x6000  }
0xdd: {  	s12 =	rddreg [dreg:$0x2]  }
0xde: {  	[sflag:s7] =	ssyncset.done $0x0;
	s11 =	sadd.s32 s8, s12  }
0xdf: {  	[sflag:s7] =	ssyncadd.s32 $0xFFFFA000;
	s14 =	sadd.s32 $0xE400, s11  }
0xe0: {  	[hbm4b:s14+s2] =	stream.linear.scatter [tilespmem:s21], [sflag:$0x4], $0x6000, $0x38;
	[tilespmem:$0xCC00] =	vst v63  }
0xe1: {  	_ =	swait.ge [sflag:s5], $0x6000  }
0xe2: {  	[sflag:s5] =	ssyncset.done $0x0  }
0xe3: {  	[sflag:s5] =	ssyncadd.s32 $0xFFFFA000  }
0xe4: {  	v3 =	vld [tilespmem:s10+$0xFFFFFFB0];
	_ =	sdelay $0x4  }
0xe5: {  	v58 =	vshll.u32 v3, $0x1  }
0xe6: {  	v3 =	vand.u32 $0x7, v3;
	v4 =	vand.u32 $0xFFFFFFF0, v58  }
0xe7: {  	v3 =	vor.u32 v3, v4  }
0xe8: {  	v4 =	vperm.xlane v3, v0;
	_ =	sdelay $0x1  }
0xe9: {  	v3 =	vperm.xlane v3, v2;
	v4 =	vadd.s32 v1, v4;
	_ =	sdelay $0x1  }
0xea: {  	v3 =	vadd.s32 v1, v3;
	_ =	sdelay $0x2  }
0xeb: {  	[tilespmem:s21], [sflag:$0x2] =	stream.indirect_vreg.gather [hbm4b:s3+s2], $0x80, v4, vm0, $0xb8;
	[tilespmem:$0xCC00] =	vst v63  }
0xec: {  	_ = 	snop  }
0xed: {  	[tilespmem:s23], [sflag:$0x2] =	stream.indirect_vreg.gather [hbm4b:s3+s2], $0x80, v3, vm0, $0xb8;
	[tilespmem:$0xCC00] =	vst v63  }
0xee: {  	v3 =	vld [tilespmem:s10+$0xFFFFFFC0];
	_ =	sdelay $0x4  }
0xef: {  	v59 =	vshll.u32 v3, $0x1  }
0xf0: {  	v3 =	vand.u32 $0x7, v3;
	v4 =	vand.u32 $0xFFFFFFF0, v59  }
0xf1: {  	v3 =	vor.u32 v3, v4  }
0xf2: {  	v4 =	vperm.xlane v3, v0;
	_ =	sdelay $0x1  }
0xf3: {  	v3 =	vperm.xlane v3, v2;
	v4 =	vadd.s32 v1, v4;
	_ =	sdelay $0x1  }
0xf4: {  	v3 =	vadd.s32 v1, v3;
	_ =	sdelay $0x2  }
0xf5: {  	[tilespmem:s24], [sflag:$0x2] =	stream.indirect_vreg.gather [hbm4b:s3+s2], $0x80, v4, vm0, $0xb8;
	[tilespmem:$0xCC00] =	vst v63  }
0xf6: {  	_ = 	snop  }
0xf7: {  	[tilespmem:s25], [sflag:$0x2] =	stream.indirect_vreg.gather [hbm4b:s3+s2], $0x80, v3, vm0, $0xb8;
	[tilespmem:$0xCC00] =	vst v63  }
0xf8: {  	v3 =	vld [tilespmem:s10+$0xFFFFFFD0];
	_ =	sdelay $0x4  }
0xf9: {  	v60 =	vshll.u32 v3, $0x1  }
0xfa: {  	v3 =	vand.u32 $0x7, v3;
	v4 =	vand.u32 $0xFFFFFFF0, v60  }
0xfb: {  	v3 =	vor.u32 v3, v4  }
0xfc: {  	v4 =	vperm.xlane v3, v0;
	_ =	sdelay $0x1  }
0xfd: {  	v3 =	vperm.xlane v3, v2;
	v4 =	vadd.s32 v1, v4;
	_ =	sdelay $0x1  }
0xfe: {  	v3 =	vadd.s32 v1, v3;
	_ =	sdelay $0x2  }
0xff: {  	[tilespmem:s26], [sflag:$0x2] =	stream.indirect_vreg.gather [hbm4b:s3+s2], $0x80, v4, vm0, $0xb8;
	[tilespmem:$0xCC00] =	vst v63  }
0x100: {  	_ = 	snop  }
0x101: {  	[tilespmem:s28], [sflag:$0x2] =	stream.indirect_vreg.gather [hbm4b:s3+s2], $0x80, v3, vm0, $0xb8;
	[tilespmem:$0xCC00] =	vst v63  }
0x102: {  	v3 =	vld [tilespmem:s10+$0xFFFFFFE0];
	_ =	sdelay $0x4  }
0x103: {  	v61 =	vshll.u32 v3, $0x1  }
0x104: {  	v3 =	vand.u32 $0x7, v3;
	v4 =	vand.u32 $0xFFFFFFF0, v61  }
0x105: {  	v3 =	vor.u32 v3, v4  }
0x106: {  	v4 =	vperm.xlane v3, v0;
	_ =	sdelay $0x1  }
0x107: {  	v3 =	vperm.xlane v3, v2;
	v4 =	vadd.s32 v1, v4;
	_ =	sdelay $0x1  }
0x108: {  	v3 =	vadd.s32 v1, v3;
	_ =	sdelay $0x2  }
0x109: {  	[tilespmem:s29], [sflag:$0x2] =	stream.indirect_vreg.gather [hbm4b:s3+s2], $0x80, v4, vm0, $0xb8;
	[tilespmem:$0xCC00] =	vst v63  }
0x10a: {  	_ = 	snop  }
0x10b: {  	[tilespmem:s30], [sflag:$0x2] =	stream.indirect_vreg.gather [hbm4b:s3+s2], $0x80, v3, vm0, $0xb8;
	[tilespmem:$0xCC00] =	vst v63  }
0x10c: {  	v3 =	vld [tilespmem:s10+$0xFFFFFFF0];
	_ =	sdelay $0x4  }
0x10d: {  	v62 =	vshll.u32 v3, $0x1  }
0x10e: {  	v3 =	vand.u32 $0x7, v3;
	v4 =	vand.u32 $0xFFFFFFF0, v62  }
0x10f: {  	v3 =	vor.u32 v3, v4  }
0x110: {  	v4 =	vperm.xlane v3, v0;
	_ =	sdelay $0x1  }
0x111: {  	v3 =	vperm.xlane v3, v2;
	v4 =	vadd.s32 v1, v4;
	_ =	sdelay $0x1  }
0x112: {  	v3 =	vadd.s32 v1, v3;
	_ =	sdelay $0x2  }
0x113: {  	[tilespmem:s31], [sflag:$0x2] =	stream.indirect_vreg.gather [hbm4b:s3+s2], $0x80, v4, vm0, $0xb8;
	[tilespmem:$0xCC00] =	vst v63  }
0x114: {  	s14 =	simm.s32 $0xB400  }
0x115: {  	[tilespmem:s14], [sflag:$0x2] =	stream.indirect_vreg.gather [hbm4b:s3+s2], $0x80, v3, vm0, $0xb8;
	[tilespmem:$0xCC00] =	vst v63  }
0x116: {  	v3 =	vld [tilespmem:s10+$0x0];
	_ =	sdelay $0x4  }
0x117: {  	v63 =	vshll.u32 v3, $0x1  }
0x118: {  	v3 =	vand.u32 $0x7, v3;
	v4 =	vand.u32 $0xFFFFFFF0, v63  }
0x119: {  	v3 =	vor.u32 v3, v4  }
0x11a: {  	v4 =	vperm.xlane v3, v0;
	_ =	sdelay $0x1  }
0x11b: {  	v3 =	vperm.xlane v3, v2;
	v4 =	vadd.s32 v1, v4;
	_ =	sdelay $0x1  }
0x11c: {  	v3 =	vadd.s32 v1, v3;
	_ =	sdelay $0x2  }
0x11d: {  	[tilespmem:s0], [sflag:$0x2] =	stream.indirect_vreg.gather [hbm4b:s3+s2], $0x80, v4, vm0, $0xb8;
	[tilespmem:$0xCC00] =	vst v63  }
0x11e: {  	p0 =	sne.s32 s8, $0xFFFFE800  }
0x11f: {  	[tilespmem:s9], [sflag:$0x2] =	stream.indirect_vreg.gather [hbm4b:s3+s2], $0x80, v3, vm0, $0xb8;
	[tilespmem:$0xCC00] =	vst v63  }
.Ltmp0:
0x120: {  	_ =	swait.ge [sflag:s4], $0x6000;
	(pc) =	sbr.rel @p0 .LBB2_2-.Ltmp0, $4  }
0x121: {  	[sflag:s4] =	ssyncset.done $0x0  }
0x122: {  	s12 =	simm.s32 $0x1C00;
	s11 =	sadd.s32 $0xF000, s11;
	[sflag:s4] =	ssyncadd.s32 $0xFFFFA000  }
0x123: {  	[hbm4b:s11+s2] =	stream.linear.scatter [tilespmem:s1], [sflag:$0x3], $0x6000, $0x38;
	[tilespmem:$0xCC00] =	vst v63  }
0x124: {  	s8 =	sadd.s32 $0x1800, s8;
	s10 =	sadd.s32 $0x100, s10;
	s11 =	simm.s32 $0x1400  }
0x125: {  	_ =	swait.ge [sflag:s7], $0x6000  }
0x126: {  	[sflag:s7] =	ssyncset.done $0x0  }
0x127: {  	s8 =	rddreg [dreg:$0x6];
	[sflag:s7] =	ssyncadd.s32 $0xFFFFA000  }
0x128: {  	[hbm4b:s8+s2] =	stream.linear.scatter [tilespmem:s21], [sflag:$0x4], $0x6000, $0x38;
	[tilespmem:$0xCC00] =	vst v63  }
0x129: {  	_ =	swait.ge [sflag:s6], $0x6000  }
0x12a: {  	s10 =	simm.s32 $0x2400;
	[sflag:s6] =	ssyncset.done $0x0  }
0x12b: {  	s13 =	simm.s32 $0x2C00;
	s14 =	simm.s32 $0x3400;
	[sflag:s6] =	ssyncadd.s32 $0xFFFFA000  }
0x12c: {  	s15 =	simm.s32 $0x3C00;
	s16 =	simm.s32 $0x4400;
	_ =	swait.ge [sflag:s5], $0x6000  }
0x12d: {  	s17 =	simm.s32 $0x4C00;
	s18 =	simm.s32 $0x5400;
	s0 =	rddreg [dreg:$0x7]  }
0x12e: {  	s19 =	simm.s32 $0x5C00;
	s26 =	rddreg [dreg:$0x5];
	s0 =	sadd.s32 $0x1, s0  }
0x12f: {  	s20 =	simm.s32 $0x6400;
	s22 =	simm.s32 $0x7400;
	p0 =	sne.s32 s0, s26  }
.Ltmp1:
0x130: {  	s23 =	simm.s32 $0x7C00;
	s24 =	simm.s32 $0x8400;
	(pc) =	sbr.rel @p0 .LBB2_1-.Ltmp1, $4  }
0x131: {  	s25 =	simm.s32 $0x8C00;
	s28 =	simm.s32 $0x9C00;
	s29 =	simm.s32 $0xA400  }
0x132: {  	s30 =	simm.s32 $0xAC00;
	s1 =	simm.s32 $0xB400;
	[sflag:s5] =	ssyncset.done $0x0  }
0x133: {  	s9 =	simm.s32 $0xC400;
	s31 =	simm.s32 $0xC00;
	[sflag:s5] =	ssyncadd.s32 $0xFFFFA000  }
0x134: {  	[dreg:$0x7] =	wrdreg s0;
	s26 =	simm.s32 $0x9400;
	s0 =	simm.s32 $0xBC00  }
0x135: {  	_ =	sfence.sel $0x180000  }
0x136: {  	[bflag:$0x0] =	sbarrier.arrive $0xFFFF  }
0x137: {  	_ =	strace $0x9000005F  }
0x138: {  	s0 =	stileid.u32;
	[bflag:$0x2] =	sbarrier.arrive $0xFFFF  }
0x139: {  	p0 =	sne.s32 s0, $0x0;
	s0 =	rddreg [dreg:$0x1]  }
0x13a: {  	s0 =	sadd.s32 @!p0 $0x100000, s0  }
0x13b: {  	[sflag:s0] =	ssyncadd.tile.s32 @!p0 $0x1;
	_ =	shalt  }
.Lfunc_end2:
_tile_overlayer_lowered:
.L_overlay_start_2:
0x13c: {  	(tag) =	ssettag $0x2  }
0x13d: {  	s0 =	rddreg [dreg:$0x0];
	s2 =	stileid.u32  }
0x13e: {  	s1 =	rddreg [dreg:$0x1];
	p0 =	sne.s32 s2, $0x0  }
0x13f: {  	s3 =	rddreg [dreg:$0x2];
	[bflag:$0x3] =	sbarrier.arrive $0xFFFF;
	s2 =	simm.s32 @!p0 $0x1C05  }
0x140: {  	[timem:s3], [sflag:s2] =	dma.local @!p0 [hbm:s0], s1  }
0x141: {  	s0 =	simm.s32 @!p0 $0x5  }
0x142: {  	_ =	swait.ge @!p0 [sflag:s0], s1  }
0x143: {  	s1 =	ssub.s32 @!p0 $0x0, s1;
	[sflag:s0] =	ssyncset.done @!p0 $0x0  }
0x144: {  	[sflag:s0] =	ssyncadd.s32 @!p0 s1  }
0x145: {  	[bflag:$0x3] =	sbarrier.arrive $0xFFFF  }
0x146: {  	_ =	shalt  }

</sc_bundles>
